<compile_context>
chip_gen: v7x
topology: tpu7x:2x2x1
jax: 0.10.2.dev20260603
libtpu: 0.0.44.dev20260713+nightly
codegen_flags: <defaults>
</compile_context>

<pallas_src>
import jax
import jax.numpy as jnp
from jax import lax
from jax.experimental import pallas as pl
from jax.experimental.pallas import tpu as pltpu
from jax.experimental.pallas import tpu_sc as plsc

_NUM_BUCKETS = 1000000
_EMBED_DIM = 64
_BATCH = 16384

_info = plsc.get_sparse_core_info()
_NC, _NS, _L = _info.num_cores, _info.num_subcores, _info.num_lanes
_NW = _NC * _NS
_B_PER_W = _BATCH // _NW
_QS = 4
_NQ = _B_PER_W // _QS
_IDX_PAD = _B_PER_W + _L


def _embed_body(x_hbm, tableT_hbm, outT_hbm, idx_v, blocks, stage, sem0, sem1):
    sems = (sem0, sem1)
    wid = lax.axis_index("s") * _NC + lax.axis_index("c")
    base = wid * _B_PER_W

    pltpu.sync_copy(x_hbm.at[pl.ds(base, _B_PER_W)], idx_v.at[pl.ds(0, _B_PER_W)])
    for i in range(_B_PER_W // _L):
        sl = pl.ds(i * _L, _L)
        idx_v[sl] = lax.rem(idx_v[sl], _NUM_BUCKETS)

    def fire(q, slot):
        chunk = idx_v[pl.ds(q * _QS, _L)]
        for k in range(_QS):
            b = chunk[k]
            col = pl.multiple_of((b >> 7) << 7, 128)
            pltpu.async_copy(
                tableT_hbm.at[:, pl.ds(col, 128)], blocks.at[slot, k], sems[slot]
            )

    def wait_quad(slot):
        for k in range(_QS):
            pltpu.make_async_copy(
                tableT_hbm.at[:, pl.ds(0, 128)], blocks.at[slot, k], sems[slot]
            ).wait()

    def extract(q, slot):
        chunk = idx_v[pl.ds(q * _QS, _L)]
        for k in range(_QS):
            b = chunk[k]
            lanes = jnp.full((_L,), b & 127, jnp.int32)
            cols = jnp.full((_L,), q * _QS + k, jnp.int32)
            for r in range(_EMBED_DIM // _L):
                rows = lax.iota(jnp.int32, _L) + r * _L
                vals = plsc.load_gather(blocks.at[slot, k], [rows, lanes])
                plsc.store_scatter(stage, [rows, cols], vals)

    fire(0, 0)
    fire(1, 1)

    def step(q2, carry):
        q0 = q2 * 2
        wait_quad(0)
        extract(q0, 0)

        @pl.when(q0 + 2 < _NQ)
        def _():
            fire(q0 + 2, 0)

        wait_quad(1)
        extract(q0 + 1, 1)

        @pl.when(q0 + 3 < _NQ)
        def _():
            fire(q0 + 3, 1)

        return carry

    lax.fori_loop(0, _NQ // 2, step, 0)

    pltpu.sync_copy(stage, outT_hbm.at[:, pl.ds(base, _B_PER_W)])


@jax.jit
def kernel(x, table):
    fn = pl.kernel(
        _embed_body,
        out_type=jax.ShapeDtypeStruct((_EMBED_DIM, _BATCH), jnp.float32),
        mesh=plsc.VectorSubcoreMesh(core_axis_name="c", subcore_axis_name="s"),
        scratch_types=[
            pltpu.VMEM((_IDX_PAD,), jnp.int32),
            pltpu.VMEM((2, _QS, _EMBED_DIM, 128), jnp.float32),
            pltpu.VMEM((_EMBED_DIM, _B_PER_W), jnp.float32),
            pltpu.SemaphoreType.DMA,
            pltpu.SemaphoreType.DMA,
        ],
        compiler_params=pltpu.CompilerParams(needs_layout_passes=False),
    )
    outT = fn(x, table.T)
    return outT.T

# --- scband reference (transcript-rebuilt; emitter-appended) ---
"""Pipeline reference for scband-user-id-embedder-31817117729157 (READ-ONLY COPY).

The authoritative reference and input builder live on the scoring server;
editing this copy changes nothing except your own understanding.
"""

import jax, jax.numpy as jnp
import numpy as np

NUM_BUCKETS = 1000000
EMBED_DIM = 64
BATCH = 16384


def setup_inputs(seed: int = 0) -> dict:
    key = jax.random.key(seed)
    k1, k2 = jax.random.split(key)
    x = jax.random.randint(k1, (BATCH,), 0, 1000000000, dtype=jnp.int64) if jax.config.jax_enable_x64 else jax.random.randint(k1, (BATCH,), 0, 1000000000, dtype=jnp.int32)
    table = jax.random.normal(k2, (NUM_BUCKETS, EMBED_DIM), dtype=jnp.float32)
    return {"x": x, "table": table}


def reference(x, table):
    # torch: hashed_indices = [hash(token) % num_buckets for token in x]; emb(hashed_indices)
    # Python hash(int) == int for values < 2**61-1, so this is a modulo bucketing.
    hashed_indices = jnp.mod(x, NUM_BUCKETS)
    return jnp.take(table, hashed_indices, axis=0)

if __name__ == "__main__":
    import jax
    _d = setup_inputs()
    print(jax.jit(kernel)(*tuple(_d.values())))

</pallas_src>

<mosaic_0001>
#map = affine_map<(d0, d1) -> (0)>
#map1 = affine_map<(d0, d1) -> (0, 0)>
module attributes {stable_mosaic.version = 14 : i64} {
  func.func @_embed_body(%arg0: i32, %arg1: i32, %arg2: memref<16384xi32, #tpu.memory_space<hbm>>, %arg3: memref<64x1000000xf32, #tpu.memory_space<hbm>>, %arg4: memref<64x16384xf32, #tpu.memory_space<hbm>>, %arg5: memref<528xi32, #tpu.memory_space<vmem>>, %arg6: memref<2x4x64x128xf32, #tpu.memory_space<vmem>>, %arg7: memref<64x512xf32, #tpu.memory_space<vmem>>, %arg8: memref<!tpu.dma_semaphore, #tpu.memory_space<semaphore_mem>>, %arg9: memref<!tpu.dma_semaphore, #tpu.memory_space<semaphore_mem>>) attributes {dimension_semantics = [#tpu.dimension_semantics<core_parallel>, #tpu.dimension_semantics<subcore_parallel>], iteration_bounds = array<i64: 2, 16>, scalar_prefetch = 0 : i64, scratch_operands = 5 : i64, tpu.core_type = #tpu.core_type<sc_vector_subcore>, window_params = [{transform_indices = #map}, {transform_indices = #map1}, {transform_indices = #map1}]} {
    %mul3A = arith.constant 2 : i32
    %mul3A_0 = arith.muli %arg1, %mul3A : i32
    %add3A = arith.addi %mul3A_0, %arg0 : i32
    %mul3A_1 = arith.constant 512 : i32
    %mul3A_2 = arith.muli %add3A, %mul3A_1 : i32
    "tpu.region"() ({
      %run_scoped3A = tpu.sem_alloc : memref<!tpu.dma_semaphore, #tpu.memory_space<semaphore_mem>>
      %dma_start3A_395 = arith.constant 0 : i32
      %dma_start3A_396 = tpu.memref_slice %arg5[%dma_start3A_395] : memref<528xi32, #tpu.memory_space<vmem>> -> memref<512xi32, #tpu.memory_space<vmem>>
      %dma_start3A_397 = tpu.memref_slice %arg2[%mul3A_2] : memref<16384xi32, #tpu.memory_space<hbm>> -> memref<512xi32, #tpu.memory_space<hbm>>
      %dma_start3A_398 = arith.constant 0 : i32
      %dma_start3A_399 = tpu.memref_slice %arg5[%dma_start3A_398] : memref<528xi32, #tpu.memory_space<vmem>> -> memref<512xi32, #tpu.memory_space<vmem>>
      %dma_start3A_400 = tpu.memref_slice %arg2[%mul3A_2] : memref<16384xi32, #tpu.memory_space<hbm>> -> memref<512xi32, #tpu.memory_space<hbm>>
      tpu.enqueue_dma source(%dma_start3A_400 : memref<512xi32, #tpu.memory_space<hbm>>) target(%dma_start3A_399 : memref<512xi32, #tpu.memory_space<vmem>>) target_semaphore(%run_scoped3A : memref<!tpu.dma_semaphore, #tpu.memory_space<semaphore_mem>>)
      %dma_wait3A = arith.constant 0 : i32
      %dma_wait3A_401 = tpu.memref_slice %arg5[%dma_wait3A] : memref<528xi32, #tpu.memory_space<vmem>> -> memref<512xi32, #tpu.memory_space<vmem>>
      %dma_wait3A_402 = tpu.memref_slice %arg2[%mul3A_2] : memref<16384xi32, #tpu.memory_space<hbm>> -> memref<512xi32, #tpu.memory_space<hbm>>
      %dma_wait3A_403 = arith.constant 0 : i32
      %dma_wait3A_404 = tpu.memref_slice %arg5[%dma_wait3A_403] : memref<528xi32, #tpu.memory_space<vmem>> -> memref<512xi32, #tpu.memory_space<vmem>>
      %dma_wait3A_405 = tpu.memref_slice %arg2[%mul3A_2] : memref<16384xi32, #tpu.memory_space<hbm>> -> memref<512xi32, #tpu.memory_space<hbm>>
      tpu.wait_dma2 semaphore(%run_scoped3A : memref<!tpu.dma_semaphore, #tpu.memory_space<semaphore_mem>>) src(%dma_wait3A_405 : memref<512xi32, #tpu.memory_space<hbm>>) dst(%dma_wait3A_404 : memref<512xi32, #tpu.memory_space<vmem>>)
      tpu.yield
    }) : () -> ()
    %get3A = arith.constant 0 : index
    %get3A_3 = tpu.vector_load %arg5[%get3A] {strides = array<i32>} : memref<528xi32, #tpu.memory_space<vmem>>, vector<16xi32>,
    %rem3A = arith.constant 1000000 : i32
    %rem3A_4 = vector.broadcast %rem3A : i32 to vector<16xi32>
    %rem3A_5 = arith.remsi %get3A_3, %rem3A_4 : vector<16xi32>
    %swap3A = arith.constant 0 : index
    %swap3A_6 = tpu.vector_load %arg5[%swap3A] {strides = array<i32>} : memref<528xi32, #tpu.memory_space<vmem>>, vector<16xi32>,
    tpu.vector_store %arg5[%swap3A], %rem3A_5 {strides = array<i32>} : memref<528xi32, #tpu.memory_space<vmem>>, vector<16xi32>,
    %get3A_7 = arith.constant 16 : index
    %get3A_8 = tpu.vector_load %arg5[%get3A_7] {strides = array<i32>} : memref<528xi32, #tpu.memory_space<vmem>>, vector<16xi32>,
    %rem3A_9 = arith.constant 1000000 : i32
    %rem3A_10 = vector.broadcast %rem3A_9 : i32 to vector<16xi32>
    %rem3A_11 = arith.remsi %get3A_8, %rem3A_10 : vector<16xi32>
    %swap3A_12 = arith.constant 16 : index
    %swap3A_13 = tpu.vector_load %arg5[%swap3A_12] {strides = array<i32>} : memref<528xi32, #tpu.memory_space<vmem>>, vector<16xi32>,
    tpu.vector_store %arg5[%swap3A_12], %rem3A_11 {strides = array<i32>} : memref<528xi32, #tpu.memory_space<vmem>>, vector<16xi32>,
    %get3A_14 = arith.constant 32 : index
    %get3A_15 = tpu.vector_load %arg5[%get3A_14] {strides = array<i32>} : memref<528xi32, #tpu.memory_space<vmem>>, vector<16xi32>,
    %rem3A_16 = arith.constant 1000000 : i32
    %rem3A_17 = vector.broadcast %rem3A_16 : i32 to vector<16xi32>
    %rem3A_18 = arith.remsi %get3A_15, %rem3A_17 : vector<16xi32>
    %swap3A_19 = arith.constant 32 : index
    %swap3A_20 = tpu.vector_load %arg5[%swap3A_19] {strides = array<i32>} : memref<528xi32, #tpu.memory_space<vmem>>, vector<16xi32>,
    tpu.vector_store %arg5[%swap3A_19], %rem3A_18 {strides = array<i32>} : memref<528xi32, #tpu.memory_space<vmem>>, vector<16xi32>,
    %get3A_21 = arith.constant 48 : index
    %get3A_22 = tpu.vector_load %arg5[%get3A_21] {strides = array<i32>} : memref<528xi32, #tpu.memory_space<vmem>>, vector<16xi32>,
    %rem3A_23 = arith.constant 1000000 : i32
    %rem3A_24 = vector.broadcast %rem3A_23 : i32 to vector<16xi32>
    %rem3A_25 = arith.remsi %get3A_22, %rem3A_24 : vector<16xi32>
    %swap3A_26 = arith.constant 48 : index
    %swap3A_27 = tpu.vector_load %arg5[%swap3A_26] {strides = array<i32>} : memref<528xi32, #tpu.memory_space<vmem>>, vector<16xi32>,
    tpu.vector_store %arg5[%swap3A_26], %rem3A_25 {strides = array<i32>} : memref<528xi32, #tpu.memory_space<vmem>>, vector<16xi32>,
    %get3A_28 = arith.constant 64 : index
    %get3A_29 = tpu.vector_load %arg5[%get3A_28] {strides = array<i32>} : memref<528xi32, #tpu.memory_space<vmem>>, vector<16xi32>,
    %rem3A_30 = arith.constant 1000000 : i32
    %rem3A_31 = vector.broadcast %rem3A_30 : i32 to vector<16xi32>
    %rem3A_32 = arith.remsi %get3A_29, %rem3A_31 : vector<16xi32>
    %swap3A_33 = arith.constant 64 : index
    %swap3A_34 = tpu.vector_load %arg5[%swap3A_33] {strides = array<i32>} : memref<528xi32, #tpu.memory_space<vmem>>, vector<16xi32>,
    tpu.vector_store %arg5[%swap3A_33], %rem3A_32 {strides = array<i32>} : memref<528xi32, #tpu.memory_space<vmem>>, vector<16xi32>,
    %get3A_35 = arith.constant 80 : index
    %get3A_36 = tpu.vector_load %arg5[%get3A_35] {strides = array<i32>} : memref<528xi32, #tpu.memory_space<vmem>>, vector<16xi32>,
    %rem3A_37 = arith.constant 1000000 : i32
    %rem3A_38 = vector.broadcast %rem3A_37 : i32 to vector<16xi32>
    %rem3A_39 = arith.remsi %get3A_36, %rem3A_38 : vector<16xi32>
    %swap3A_40 = arith.constant 80 : index
    %swap3A_41 = tpu.vector_load %arg5[%swap3A_40] {strides = array<i32>} : memref<528xi32, #tpu.memory_space<vmem>>, vector<16xi32>,
    tpu.vector_store %arg5[%swap3A_40], %rem3A_39 {strides = array<i32>} : memref<528xi32, #tpu.memory_space<vmem>>, vector<16xi32>,
    %get3A_42 = arith.constant 96 : index
    %get3A_43 = tpu.vector_load %arg5[%get3A_42] {strides = array<i32>} : memref<528xi32, #tpu.memory_space<vmem>>, vector<16xi32>,
    %rem3A_44 = arith.constant 1000000 : i32
    %rem3A_45 = vector.broadcast %rem3A_44 : i32 to vector<16xi32>
    %rem3A_46 = arith.remsi %get3A_43, %rem3A_45 : vector<16xi32>
    %swap3A_47 = arith.constant 96 : index
    %swap3A_48 = tpu.vector_load %arg5[%swap3A_47] {strides = array<i32>} : memref<528xi32, #tpu.memory_space<vmem>>, vector<16xi32>,
    tpu.vector_store %arg5[%swap3A_47], %rem3A_46 {strides = array<i32>} : memref<528xi32, #tpu.memory_space<vmem>>, vector<16xi32>,
    %get3A_49 = arith.constant 112 : index
    %get3A_50 = tpu.vector_load %arg5[%get3A_49] {strides = array<i32>} : memref<528xi32, #tpu.memory_space<vmem>>, vector<16xi32>,
    %rem3A_51 = arith.constant 1000000 : i32
    %rem3A_52 = vector.broadcast %rem3A_51 : i32 to vector<16xi32>
    %rem3A_53 = arith.remsi %get3A_50, %rem3A_52 : vector<16xi32>
    %swap3A_54 = arith.constant 112 : index
    %swap3A_55 = tpu.vector_load %arg5[%swap3A_54] {strides = array<i32>} : memref<528xi32, #tpu.memory_space<vmem>>, vector<16xi32>,
    tpu.vector_store %arg5[%swap3A_54], %rem3A_53 {strides = array<i32>} : memref<528xi32, #tpu.memory_space<vmem>>, vector<16xi32>,
    %get3A_56 = arith.constant 128 : index
    %get3A_57 = tpu.vector_load %arg5[%get3A_56] {strides = array<i32>} : memref<528xi32, #tpu.memory_space<vmem>>, vector<16xi32>,
    %rem3A_58 = arith.constant 1000000 : i32
    %rem3A_59 = vector.broadcast %rem3A_58 : i32 to vector<16xi32>
    %rem3A_60 = arith.remsi %get3A_57, %rem3A_59 : vector<16xi32>
    %swap3A_61 = arith.constant 128 : index
    %swap3A_62 = tpu.vector_load %arg5[%swap3A_61] {strides = array<i32>} : memref<528xi32, #tpu.memory_space<vmem>>, vector<16xi32>,
    tpu.vector_store %arg5[%swap3A_61], %rem3A_60 {strides = array<i32>} : memref<528xi32, #tpu.memory_space<vmem>>, vector<16xi32>,
    %get3A_63 = arith.constant 144 : index
    %get3A_64 = tpu.vector_load %arg5[%get3A_63] {strides = array<i32>} : memref<528xi32, #tpu.memory_space<vmem>>, vector<16xi32>,
    %rem3A_65 = arith.constant 1000000 : i32
    %rem3A_66 = vector.broadcast %rem3A_65 : i32 to vector<16xi32>
    %rem3A_67 = arith.remsi %get3A_64, %rem3A_66 : vector<16xi32>
    %swap3A_68 = arith.constant 144 : index
    %swap3A_69 = tpu.vector_load %arg5[%swap3A_68] {strides = array<i32>} : memref<528xi32, #tpu.memory_space<vmem>>, vector<16xi32>,
    tpu.vector_store %arg5[%swap3A_68], %rem3A_67 {strides = array<i32>} : memref<528xi32, #tpu.memory_space<vmem>>, vector<16xi32>,
    %get3A_70 = arith.constant 160 : index
    %get3A_71 = tpu.vector_load %arg5[%get3A_70] {strides = array<i32>} : memref<528xi32, #tpu.memory_space<vmem>>, vector<16xi32>,
    %rem3A_72 = arith.constant 1000000 : i32
    %rem3A_73 = vector.broadcast %rem3A_72 : i32 to vector<16xi32>
    %rem3A_74 = arith.remsi %get3A_71, %rem3A_73 : vector<16xi32>
    %swap3A_75 = arith.constant 160 : index
    %swap3A_76 = tpu.vector_load %arg5[%swap3A_75] {strides = array<i32>} : memref<528xi32, #tpu.memory_space<vmem>>, vector<16xi32>,
    tpu.vector_store %arg5[%swap3A_75], %rem3A_74 {strides = array<i32>} : memref<528xi32, #tpu.memory_space<vmem>>, vector<16xi32>,
    %get3A_77 = arith.constant 176 : index
    %get3A_78 = tpu.vector_load %arg5[%get3A_77] {strides = array<i32>} : memref<528xi32, #tpu.memory_space<vmem>>, vector<16xi32>,
    %rem3A_79 = arith.constant 1000000 : i32
    %rem3A_80 = vector.broadcast %rem3A_79 : i32 to vector<16xi32>
    %rem3A_81 = arith.remsi %get3A_78, %rem3A_80 : vector<16xi32>
    %swap3A_82 = arith.constant 176 : index
    %swap3A_83 = tpu.vector_load %arg5[%swap3A_82] {strides = array<i32>} : memref<528xi32, #tpu.memory_space<vmem>>, vector<16xi32>,
    tpu.vector_store %arg5[%swap3A_82], %rem3A_81 {strides = array<i32>} : memref<528xi32, #tpu.memory_space<vmem>>, vector<16xi32>,
    %get3A_84 = arith.constant 192 : index
    %get3A_85 = tpu.vector_load %arg5[%get3A_84] {strides = array<i32>} : memref<528xi32, #tpu.memory_space<vmem>>, vector<16xi32>,
    %rem3A_86 = arith.constant 1000000 : i32
    %rem3A_87 = vector.broadcast %rem3A_86 : i32 to vector<16xi32>
    %rem3A_88 = arith.remsi %get3A_85, %rem3A_87 : vector<16xi32>
    %swap3A_89 = arith.constant 192 : index
    %swap3A_90 = tpu.vector_load %arg5[%swap3A_89] {strides = array<i32>} : memref<528xi32, #tpu.memory_space<vmem>>, vector<16xi32>,
    tpu.vector_store %arg5[%swap3A_89], %rem3A_88 {strides = array<i32>} : memref<528xi32, #tpu.memory_space<vmem>>, vector<16xi32>,
    %get3A_91 = arith.constant 208 : index
    %get3A_92 = tpu.vector_load %arg5[%get3A_91] {strides = array<i32>} : memref<528xi32, #tpu.memory_space<vmem>>, vector<16xi32>,
    %rem3A_93 = arith.constant 1000000 : i32
    %rem3A_94 = vector.broadcast %rem3A_93 : i32 to vector<16xi32>
    %rem3A_95 = arith.remsi %get3A_92, %rem3A_94 : vector<16xi32>
    %swap3A_96 = arith.constant 208 : index
    %swap3A_97 = tpu.vector_load %arg5[%swap3A_96] {strides = array<i32>} : memref<528xi32, #tpu.memory_space<vmem>>, vector<16xi32>,
    tpu.vector_store %arg5[%swap3A_96], %rem3A_95 {strides = array<i32>} : memref<528xi32, #tpu.memory_space<vmem>>, vector<16xi32>,
    %get3A_98 = arith.constant 224 : index
    %get3A_99 = tpu.vector_load %arg5[%get3A_98] {strides = array<i32>} : memref<528xi32, #tpu.memory_space<vmem>>, vector<16xi32>,
    %rem3A_100 = arith.constant 1000000 : i32
    %rem3A_101 = vector.broadcast %rem3A_100 : i32 to vector<16xi32>
    %rem3A_102 = arith.remsi %get3A_99, %rem3A_101 : vector<16xi32>
    %swap3A_103 = arith.constant 224 : index
    %swap3A_104 = tpu.vector_load %arg5[%swap3A_103] {strides = array<i32>} : memref<528xi32, #tpu.memory_space<vmem>>, vector<16xi32>,
    tpu.vector_store %arg5[%swap3A_103], %rem3A_102 {strides = array<i32>} : memref<528xi32, #tpu.memory_space<vmem>>, vector<16xi32>,
    %get3A_105 = arith.constant 240 : index
    %get3A_106 = tpu.vector_load %arg5[%get3A_105] {strides = array<i32>} : memref<528xi32, #tpu.memory_space<vmem>>, vector<16xi32>,
    %rem3A_107 = arith.constant 1000000 : i32
    %rem3A_108 = vector.broadcast %rem3A_107 : i32 to vector<16xi32>
    %rem3A_109 = arith.remsi %get3A_106, %rem3A_108 : vector<16xi32>
    %swap3A_110 = arith.constant 240 : index
    %swap3A_111 = tpu.vector_load %arg5[%swap3A_110] {strides = array<i32>} : memref<528xi32, #tpu.memory_space<vmem>>, vector<16xi32>,
    tpu.vector_store %arg5[%swap3A_110], %rem3A_109 {strides = array<i32>} : memref<528xi32, #tpu.memory_space<vmem>>, vector<16xi32>,
    %get3A_112 = arith.constant 256 : index
    %get3A_113 = tpu.vector_load %arg5[%get3A_112] {strides = array<i32>} : memref<528xi32, #tpu.memory_space<vmem>>, vector<16xi32>,
    %rem3A_114 = arith.constant 1000000 : i32
    %rem3A_115 = vector.broadcast %rem3A_114 : i32 to vector<16xi32>
    %rem3A_116 = arith.remsi %get3A_113, %rem3A_115 : vector<16xi32>
    %swap3A_117 = arith.constant 256 : index
    %swap3A_118 = tpu.vector_load %arg5[%swap3A_117] {strides = array<i32>} : memref<528xi32, #tpu.memory_space<vmem>>, vector<16xi32>,
    tpu.vector_store %arg5[%swap3A_117], %rem3A_116 {strides = array<i32>} : memref<528xi32, #tpu.memory_space<vmem>>, vector<16xi32>,
    %get3A_119 = arith.constant 272 : index
    %get3A_120 = tpu.vector_load %arg5[%get3A_119] {strides = array<i32>} : memref<528xi32, #tpu.memory_space<vmem>>, vector<16xi32>,
    %rem3A_121 = arith.constant 1000000 : i32
    %rem3A_122 = vector.broadcast %rem3A_121 : i32 to vector<16xi32>
    %rem3A_123 = arith.remsi %get3A_120, %rem3A_122 : vector<16xi32>
    %swap3A_124 = arith.constant 272 : index
    %swap3A_125 = tpu.vector_load %arg5[%swap3A_124] {strides = array<i32>} : memref<528xi32, #tpu.memory_space<vmem>>, vector<16xi32>,
    tpu.vector_store %arg5[%swap3A_124], %rem3A_123 {strides = array<i32>} : memref<528xi32, #tpu.memory_space<vmem>>, vector<16xi32>,
    %get3A_126 = arith.constant 288 : index
    %get3A_127 = tpu.vector_load %arg5[%get3A_126] {strides = array<i32>} : memref<528xi32, #tpu.memory_space<vmem>>, vector<16xi32>,
    %rem3A_128 = arith.constant 1000000 : i32
    %rem3A_129 = vector.broadcast %rem3A_128 : i32 to vector<16xi32>
    %rem3A_130 = arith.remsi %get3A_127, %rem3A_129 : vector<16xi32>
    %swap3A_131 = arith.constant 288 : index
    %swap3A_132 = tpu.vector_load %arg5[%swap3A_131] {strides = array<i32>} : memref<528xi32, #tpu.memory_space<vmem>>, vector<16xi32>,
    tpu.vector_store %arg5[%swap3A_131], %rem3A_130 {strides = array<i32>} : memref<528xi32, #tpu.memory_space<vmem>>, vector<16xi32>,
    %get3A_133 = arith.constant 304 : index
    %get3A_134 = tpu.vector_load %arg5[%get3A_133] {strides = array<i32>} : memref<528xi32, #tpu.memory_space<vmem>>, vector<16xi32>,
    %rem3A_135 = arith.constant 1000000 : i32
    %rem3A_136 = vector.broadcast %rem3A_135 : i32 to vector<16xi32>
    %rem3A_137 = arith.remsi %get3A_134, %rem3A_136 : vector<16xi32>
    %swap3A_138 = arith.constant 304 : index
    %swap3A_139 = tpu.vector_load %arg5[%swap3A_138] {strides = array<i32>} : memref<528xi32, #tpu.memory_space<vmem>>, vector<16xi32>,
    tpu.vector_store %arg5[%swap3A_138], %rem3A_137 {strides = array<i32>} : memref<528xi32, #tpu.memory_space<vmem>>, vector<16xi32>,
    %get3A_140 = arith.constant 320 : index
    %get3A_141 = tpu.vector_load %arg5[%get3A_140] {strides = array<i32>} : memref<528xi32, #tpu.memory_space<vmem>>, vector<16xi32>,
    %rem3A_142 = arith.constant 1000000 : i32
    %rem3A_143 = vector.broadcast %rem3A_142 : i32 to vector<16xi32>
    %rem3A_144 = arith.remsi %get3A_141, %rem3A_143 : vector<16xi32>
    %swap3A_145 = arith.constant 320 : index
    %swap3A_146 = tpu.vector_load %arg5[%swap3A_145] {strides = array<i32>} : memref<528xi32, #tpu.memory_space<vmem>>, vector<16xi32>,
    tpu.vector_store %arg5[%swap3A_145], %rem3A_144 {strides = array<i32>} : memref<528xi32, #tpu.memory_space<vmem>>, vector<16xi32>,
    %get3A_147 = arith.constant 336 : index
    %get3A_148 = tpu.vector_load %arg5[%get3A_147] {strides = array<i32>} : memref<528xi32, #tpu.memory_space<vmem>>, vector<16xi32>,
    %rem3A_149 = arith.constant 1000000 : i32
    %rem3A_150 = vector.broadcast %rem3A_149 : i32 to vector<16xi32>
    %rem3A_151 = arith.remsi %get3A_148, %rem3A_150 : vector<16xi32>
    %swap3A_152 = arith.constant 336 : index
    %swap3A_153 = tpu.vector_load %arg5[%swap3A_152] {strides = array<i32>} : memref<528xi32, #tpu.memory_space<vmem>>, vector<16xi32>,
    tpu.vector_store %arg5[%swap3A_152], %rem3A_151 {strides = array<i32>} : memref<528xi32, #tpu.memory_space<vmem>>, vector<16xi32>,
    %get3A_154 = arith.constant 352 : index
    %get3A_155 = tpu.vector_load %arg5[%get3A_154] {strides = array<i32>} : memref<528xi32, #tpu.memory_space<vmem>>, vector<16xi32>,
    %rem3A_156 = arith.constant 1000000 : i32
    %rem3A_157 = vector.broadcast %rem3A_156 : i32 to vector<16xi32>
    %rem3A_158 = arith.remsi %get3A_155, %rem3A_157 : vector<16xi32>
    %swap3A_159 = arith.constant 352 : index
    %swap3A_160 = tpu.vector_load %arg5[%swap3A_159] {strides = array<i32>} : memref<528xi32, #tpu.memory_space<vmem>>, vector<16xi32>,
    tpu.vector_store %arg5[%swap3A_159], %rem3A_158 {strides = array<i32>} : memref<528xi32, #tpu.memory_space<vmem>>, vector<16xi32>,
    %get3A_161 = arith.constant 368 : index
    %get3A_162 = tpu.vector_load %arg5[%get3A_161] {strides = array<i32>} : memref<528xi32, #tpu.memory_space<vmem>>, vector<16xi32>,
    %rem3A_163 = arith.constant 1000000 : i32
    %rem3A_164 = vector.broadcast %rem3A_163 : i32 to vector<16xi32>
    %rem3A_165 = arith.remsi %get3A_162, %rem3A_164 : vector<16xi32>
    %swap3A_166 = arith.constant 368 : index
    %swap3A_167 = tpu.vector_load %arg5[%swap3A_166] {strides = array<i32>} : memref<528xi32, #tpu.memory_space<vmem>>, vector<16xi32>,
    tpu.vector_store %arg5[%swap3A_166], %rem3A_165 {strides = array<i32>} : memref<528xi32, #tpu.memory_space<vmem>>, vector<16xi32>,
    %get3A_168 = arith.constant 384 : index
    %get3A_169 = tpu.vector_load %arg5[%get3A_168] {strides = array<i32>} : memref<528xi32, #tpu.memory_space<vmem>>, vector<16xi32>,
    %rem3A_170 = arith.constant 1000000 : i32
    %rem3A_171 = vector.broadcast %rem3A_170 : i32 to vector<16xi32>
    %rem3A_172 = arith.remsi %get3A_169, %rem3A_171 : vector<16xi32>
    %swap3A_173 = arith.constant 384 : index
    %swap3A_174 = tpu.vector_load %arg5[%swap3A_173] {strides = array<i32>} : memref<528xi32, #tpu.memory_space<vmem>>, vector<16xi32>,
    tpu.vector_store %arg5[%swap3A_173], %rem3A_172 {strides = array<i32>} : memref<528xi32, #tpu.memory_space<vmem>>, vector<16xi32>,
    %get3A_175 = arith.constant 400 : index
    %get3A_176 = tpu.vector_load %arg5[%get3A_175] {strides = array<i32>} : memref<528xi32, #tpu.memory_space<vmem>>, vector<16xi32>,
    %rem3A_177 = arith.constant 1000000 : i32
    %rem3A_178 = vector.broadcast %rem3A_177 : i32 to vector<16xi32>
    %rem3A_179 = arith.remsi %get3A_176, %rem3A_178 : vector<16xi32>
    %swap3A_180 = arith.constant 400 : index
    %swap3A_181 = tpu.vector_load %arg5[%swap3A_180] {strides = array<i32>} : memref<528xi32, #tpu.memory_space<vmem>>, vector<16xi32>,
    tpu.vector_store %arg5[%swap3A_180], %rem3A_179 {strides = array<i32>} : memref<528xi32, #tpu.memory_space<vmem>>, vector<16xi32>,
    %get3A_182 = arith.constant 416 : index
    %get3A_183 = tpu.vector_load %arg5[%get3A_182] {strides = array<i32>} : memref<528xi32, #tpu.memory_space<vmem>>, vector<16xi32>,
    %rem3A_184 = arith.constant 1000000 : i32
    %rem3A_185 = vector.broadcast %rem3A_184 : i32 to vector<16xi32>
    %rem3A_186 = arith.remsi %get3A_183, %rem3A_185 : vector<16xi32>
    %swap3A_187 = arith.constant 416 : index
    %swap3A_188 = tpu.vector_load %arg5[%swap3A_187] {strides = array<i32>} : memref<528xi32, #tpu.memory_space<vmem>>, vector<16xi32>,
    tpu.vector_store %arg5[%swap3A_187], %rem3A_186 {strides = array<i32>} : memref<528xi32, #tpu.memory_space<vmem>>, vector<16xi32>,
    %get3A_189 = arith.constant 432 : index
    %get3A_190 = tpu.vector_load %arg5[%get3A_189] {strides = array<i32>} : memref<528xi32, #tpu.memory_space<vmem>>, vector<16xi32>,
    %rem3A_191 = arith.constant 1000000 : i32
    %rem3A_192 = vector.broadcast %rem3A_191 : i32 to vector<16xi32>
    %rem3A_193 = arith.remsi %get3A_190, %rem3A_192 : vector<16xi32>
    %swap3A_194 = arith.constant 432 : index
    %swap3A_195 = tpu.vector_load %arg5[%swap3A_194] {strides = array<i32>} : memref<528xi32, #tpu.memory_space<vmem>>, vector<16xi32>,
    tpu.vector_store %arg5[%swap3A_194], %rem3A_193 {strides = array<i32>} : memref<528xi32, #tpu.memory_space<vmem>>, vector<16xi32>,
    %get3A_196 = arith.constant 448 : index
    %get3A_197 = tpu.vector_load %arg5[%get3A_196] {strides = array<i32>} : memref<528xi32, #tpu.memory_space<vmem>>, vector<16xi32>,
    %rem3A_198 = arith.constant 1000000 : i32
    %rem3A_199 = vector.broadcast %rem3A_198 : i32 to vector<16xi32>
    %rem3A_200 = arith.remsi %get3A_197, %rem3A_199 : vector<16xi32>
    %swap3A_201 = arith.constant 448 : index
    %swap3A_202 = tpu.vector_load %arg5[%swap3A_201] {strides = array<i32>} : memref<528xi32, #tpu.memory_space<vmem>>, vector<16xi32>,
    tpu.vector_store %arg5[%swap3A_201], %rem3A_200 {strides = array<i32>} : memref<528xi32, #tpu.memory_space<vmem>>, vector<16xi32>,
    %get3A_203 = arith.constant 464 : index
    %get3A_204 = tpu.vector_load %arg5[%get3A_203] {strides = array<i32>} : memref<528xi32, #tpu.memory_space<vmem>>, vector<16xi32>,
    %rem3A_205 = arith.constant 1000000 : i32
    %rem3A_206 = vector.broadcast %rem3A_205 : i32 to vector<16xi32>
    %rem3A_207 = arith.remsi %get3A_204, %rem3A_206 : vector<16xi32>
    %swap3A_208 = arith.constant 464 : index
    %swap3A_209 = tpu.vector_load %arg5[%swap3A_208] {strides = array<i32>} : memref<528xi32, #tpu.memory_space<vmem>>, vector<16xi32>,
    tpu.vector_store %arg5[%swap3A_208], %rem3A_207 {strides = array<i32>} : memref<528xi32, #tpu.memory_space<vmem>>, vector<16xi32>,
    %get3A_210 = arith.constant 480 : index
    %get3A_211 = tpu.vector_load %arg5[%get3A_210] {strides = array<i32>} : memref<528xi32, #tpu.memory_space<vmem>>, vector<16xi32>,
    %rem3A_212 = arith.constant 1000000 : i32
    %rem3A_213 = vector.broadcast %rem3A_212 : i32 to vector<16xi32>
    %rem3A_214 = arith.remsi %get3A_211, %rem3A_213 : vector<16xi32>
    %swap3A_215 = arith.constant 480 : index
    %swap3A_216 = tpu.vector_load %arg5[%swap3A_215] {strides = array<i32>} : memref<528xi32, #tpu.memory_space<vmem>>, vector<16xi32>,
    tpu.vector_store %arg5[%swap3A_215], %rem3A_214 {strides = array<i32>} : memref<528xi32, #tpu.memory_space<vmem>>, vector<16xi32>,
    %get3A_217 = arith.constant 496 : index
    %get3A_218 = tpu.vector_load %arg5[%get3A_217] {strides = array<i32>} : memref<528xi32, #tpu.memory_space<vmem>>, vector<16xi32>,
    %rem3A_219 = arith.constant 1000000 : i32
    %rem3A_220 = vector.broadcast %rem3A_219 : i32 to vector<16xi32>
    %rem3A_221 = arith.remsi %get3A_218, %rem3A_220 : vector<16xi32>
    %swap3A_222 = arith.constant 496 : index
    %swap3A_223 = tpu.vector_load %arg5[%swap3A_222] {strides = array<i32>} : memref<528xi32, #tpu.memory_space<vmem>>, vector<16xi32>,
    tpu.vector_store %arg5[%swap3A_222], %rem3A_221 {strides = array<i32>} : memref<528xi32, #tpu.memory_space<vmem>>, vector<16xi32>,
    %get3A_224 = arith.constant 0 : index
    %get3A_225 = tpu.vector_load %arg5[%get3A_224] {strides = array<i32>} : memref<528xi32, #tpu.memory_space<vmem>>, vector<16xi32>,
    %slice3A = vector.extract_strided_slice %get3A_225 {offsets = [0], sizes = [1], strides = [1]} : vector<16xi32> to vector<1xi32>
    %squeeze3A = vector.extract %slice3A[0] : i32 from vector<1xi32>
    %shift_right_arithmetic3A = arith.constant 7 : i32
    %shift_right_arithmetic3A_226 = arith.shrsi %squeeze3A, %shift_right_arithmetic3A : i32
    %shift_left3A = arith.constant 7 : i32
    %shift_left3A_227 = arith.shli %shift_right_arithmetic3A_226, %shift_left3A : i32
    %multiple_of3A = tpu.assume_multiple %shift_left3A_227, 128 : i32
    %dma_start3A = arith.constant 0 : i32
    %dma_start3A_228 = arith.constant 0 : i32
    %dma_start3A_229 = arith.constant 0 : i32
    %dma_start3A_230 = arith.constant 0 : i32
    %dma_start3A_231 = tpu.memref_slice %arg6[%dma_start3A, %dma_start3A_228, %dma_start3A_229, %dma_start3A_230] : memref<2x4x64x128xf32, #tpu.memory_space<vmem>> -> memref<1x1x64x128xf32, #tpu.memory_space<vmem>>
    %dma_start3A_232 = tpu.memref_squeeze %dma_start3A_231 : memref<1x1x64x128xf32, #tpu.memory_space<vmem>> -> memref<64x128xf32, #tpu.memory_space<vmem>>
    %dma_start3A_233 = arith.constant 0 : i32
    %dma_start3A_234 = tpu.memref_slice %arg3[%dma_start3A_233, %multiple_of3A] : memref<64x1000000xf32, #tpu.memory_space<hbm>> -> memref<64x128xf32, #tpu.memory_space<hbm>>
    %dma_start3A_235 = arith.constant 0 : i32
    %dma_start3A_236 = arith.constant 0 : i32
    %dma_start3A_237 = tpu.memref_slice %arg6[%dma_start3A, %dma_start3A_228, %dma_start3A_235, %dma_start3A_236] : memref<2x4x64x128xf32, #tpu.memory_space<vmem>> -> memref<1x1x64x128xf32, #tpu.memory_space<vmem>>
    %dma_start3A_238 = tpu.memref_squeeze %dma_start3A_237 : memref<1x1x64x128xf32, #tpu.memory_space<vmem>> -> memref<64x128xf32, #tpu.memory_space<vmem>>
    %dma_start3A_239 = arith.constant 0 : i32
    %dma_start3A_240 = tpu.memref_slice %arg3[%dma_start3A_239, %multiple_of3A] : memref<64x1000000xf32, #tpu.memory_space<hbm>> -> memref<64x128xf32, #tpu.memory_space<hbm>>
    tpu.enqueue_dma source(%dma_start3A_240 : memref<64x128xf32, #tpu.memory_space<hbm>>) target(%dma_start3A_238 : memref<64x128xf32, #tpu.memory_space<vmem>>) target_semaphore(%arg8 : memref<!tpu.dma_semaphore, #tpu.memory_space<semaphore_mem>>)
    %slice3A_241 = vector.extract_strided_slice %get3A_225 {offsets = [1], sizes = [1], strides = [1]} : vector<16xi32> to vector<1xi32>
    %squeeze3A_242 = vector.extract %slice3A_241[0] : i32 from vector<1xi32>
    %shift_right_arithmetic3A_243 = arith.constant 7 : i32
    %shift_right_arithmetic3A_244 = arith.shrsi %squeeze3A_242, %shift_right_arithmetic3A_243 : i32
    %shift_left3A_245 = arith.constant 7 : i32
    %shift_left3A_246 = arith.shli %shift_right_arithmetic3A_244, %shift_left3A_245 : i32
    %multiple_of3A_247 = tpu.assume_multiple %shift_left3A_246, 128 : i32
    %dma_start3A_248 = arith.constant 0 : i32
    %dma_start3A_249 = arith.constant 1 : i32
    %dma_start3A_250 = arith.constant 0 : i32
    %dma_start3A_251 = arith.constant 0 : i32
    %dma_start3A_252 = tpu.memref_slice %arg6[%dma_start3A_248, %dma_start3A_249, %dma_start3A_250, %dma_start3A_251] : memref<2x4x64x128xf32, #tpu.memory_space<vmem>> -> memref<1x1x64x128xf32, #tpu.memory_space<vmem>>
    %dma_start3A_253 = tpu.memref_squeeze %dma_start3A_252 : memref<1x1x64x128xf32, #tpu.memory_space<vmem>> -> memref<64x128xf32, #tpu.memory_space<vmem>>
    %dma_start3A_254 = arith.constant 0 : i32
    %dma_start3A_255 = tpu.memref_slice %arg3[%dma_start3A_254, %multiple_of3A_247] : memref<64x1000000xf32, #tpu.memory_space<hbm>> -> memref<64x128xf32, #tpu.memory_space<hbm>>
    %dma_start3A_256 = arith.constant 0 : i32
    %dma_start3A_257 = arith.constant 0 : i32
    %dma_start3A_258 = tpu.memref_slice %arg6[%dma_start3A_248, %dma_start3A_249, %dma_start3A_256, %dma_start3A_257] : memref<2x4x64x128xf32, #tpu.memory_space<vmem>> -> memref<1x1x64x128xf32, #tpu.memory_space<vmem>>
    %dma_start3A_259 = tpu.memref_squeeze %dma_start3A_258 : memref<1x1x64x128xf32, #tpu.memory_space<vmem>> -> memref<64x128xf32, #tpu.memory_space<vmem>>
    %dma_start3A_260 = arith.constant 0 : i32
    %dma_start3A_261 = tpu.memref_slice %arg3[%dma_start3A_260, %multiple_of3A_247] : memref<64x1000000xf32, #tpu.memory_space<hbm>> -> memref<64x128xf32, #tpu.memory_space<hbm>>
    tpu.enqueue_dma source(%dma_start3A_261 : memref<64x128xf32, #tpu.memory_space<hbm>>) target(%dma_start3A_259 : memref<64x128xf32, #tpu.memory_space<vmem>>) target_semaphore(%arg8 : memref<!tpu.dma_semaphore, #tpu.memory_space<semaphore_mem>>)
    %slice3A_262 = vector.extract_strided_slice %get3A_225 {offsets = [2], sizes = [1], strides = [1]} : vector<16xi32> to vector<1xi32>
    %squeeze3A_263 = vector.extract %slice3A_262[0] : i32 from vector<1xi32>
    %shift_right_arithmetic3A_264 = arith.constant 7 : i32
    %shift_right_arithmetic3A_265 = arith.shrsi %squeeze3A_263, %shift_right_arithmetic3A_264 : i32
    %shift_left3A_266 = arith.constant 7 : i32
    %shift_left3A_267 = arith.shli %shift_right_arithmetic3A_265, %shift_left3A_266 : i32
    %multiple_of3A_268 = tpu.assume_multiple %shift_left3A_267, 128 : i32
    %dma_start3A_269 = arith.constant 0 : i32
    %dma_start3A_270 = arith.constant 2 : i32
    %dma_start3A_271 = arith.constant 0 : i32
    %dma_start3A_272 = arith.constant 0 : i32
    %dma_start3A_273 = tpu.memref_slice %arg6[%dma_start3A_269, %dma_start3A_270, %dma_start3A_271, %dma_start3A_272] : memref<2x4x64x128xf32, #tpu.memory_space<vmem>> -> memref<1x1x64x128xf32, #tpu.memory_space<vmem>>
    %dma_start3A_274 = tpu.memref_squeeze %dma_start3A_273 : memref<1x1x64x128xf32, #tpu.memory_space<vmem>> -> memref<64x128xf32, #tpu.memory_space<vmem>>
    %dma_start3A_275 = arith.constant 0 : i32
    %dma_start3A_276 = tpu.memref_slice %arg3[%dma_start3A_275, %multiple_of3A_268] : memref<64x1000000xf32, #tpu.memory_space<hbm>> -> memref<64x128xf32, #tpu.memory_space<hbm>>
    %dma_start3A_277 = arith.constant 0 : i32
    %dma_start3A_278 = arith.constant 0 : i32
    %dma_start3A_279 = tpu.memref_slice %arg6[%dma_start3A_269, %dma_start3A_270, %dma_start3A_277, %dma_start3A_278] : memref<2x4x64x128xf32, #tpu.memory_space<vmem>> -> memref<1x1x64x128xf32, #tpu.memory_space<vmem>>
    %dma_start3A_280 = tpu.memref_squeeze %dma_start3A_279 : memref<1x1x64x128xf32, #tpu.memory_space<vmem>> -> memref<64x128xf32, #tpu.memory_space<vmem>>
    %dma_start3A_281 = arith.constant 0 : i32
    %dma_start3A_282 = tpu.memref_slice %arg3[%dma_start3A_281, %multiple_of3A_268] : memref<64x1000000xf32, #tpu.memory_space<hbm>> -> memref<64x128xf32, #tpu.memory_space<hbm>>
    tpu.enqueue_dma source(%dma_start3A_282 : memref<64x128xf32, #tpu.memory_space<hbm>>) target(%dma_start3A_280 : memref<64x128xf32, #tpu.memory_space<vmem>>) target_semaphore(%arg8 : memref<!tpu.dma_semaphore, #tpu.memory_space<semaphore_mem>>)
    %slice3A_283 = vector.extract_strided_slice %get3A_225 {offsets = [3], sizes = [1], strides = [1]} : vector<16xi32> to vector<1xi32>
    %squeeze3A_284 = vector.extract %slice3A_283[0] : i32 from vector<1xi32>
    %shift_right_arithmetic3A_285 = arith.constant 7 : i32
    %shift_right_arithmetic3A_286 = arith.shrsi %squeeze3A_284, %shift_right_arithmetic3A_285 : i32
    %shift_left3A_287 = arith.constant 7 : i32
    %shift_left3A_288 = arith.shli %shift_right_arithmetic3A_286, %shift_left3A_287 : i32
    %multiple_of3A_289 = tpu.assume_multiple %shift_left3A_288, 128 : i32
    %dma_start3A_290 = arith.constant 0 : i32
    %dma_start3A_291 = arith.constant 3 : i32
    %dma_start3A_292 = arith.constant 0 : i32
    %dma_start3A_293 = arith.constant 0 : i32
    %dma_start3A_294 = tpu.memref_slice %arg6[%dma_start3A_290, %dma_start3A_291, %dma_start3A_292, %dma_start3A_293] : memref<2x4x64x128xf32, #tpu.memory_space<vmem>> -> memref<1x1x64x128xf32, #tpu.memory_space<vmem>>
    %dma_start3A_295 = tpu.memref_squeeze %dma_start3A_294 : memref<1x1x64x128xf32, #tpu.memory_space<vmem>> -> memref<64x128xf32, #tpu.memory_space<vmem>>
    %dma_start3A_296 = arith.constant 0 : i32
    %dma_start3A_297 = tpu.memref_slice %arg3[%dma_start3A_296, %multiple_of3A_289] : memref<64x1000000xf32, #tpu.memory_space<hbm>> -> memref<64x128xf32, #tpu.memory_space<hbm>>
    %dma_start3A_298 = arith.constant 0 : i32
    %dma_start3A_299 = arith.constant 0 : i32
    %dma_start3A_300 = tpu.memref_slice %arg6[%dma_start3A_290, %dma_start3A_291, %dma_start3A_298, %dma_start3A_299] : memref<2x4x64x128xf32, #tpu.memory_space<vmem>> -> memref<1x1x64x128xf32, #tpu.memory_space<vmem>>
    %dma_start3A_301 = tpu.memref_squeeze %dma_start3A_300 : memref<1x1x64x128xf32, #tpu.memory_space<vmem>> -> memref<64x128xf32, #tpu.memory_space<vmem>>
    %dma_start3A_302 = arith.constant 0 : i32
    %dma_start3A_303 = tpu.memref_slice %arg3[%dma_start3A_302, %multiple_of3A_289] : memref<64x1000000xf32, #tpu.memory_space<hbm>> -> memref<64x128xf32, #tpu.memory_space<hbm>>
    tpu.enqueue_dma source(%dma_start3A_303 : memref<64x128xf32, #tpu.memory_space<hbm>>) target(%dma_start3A_301 : memref<64x128xf32, #tpu.memory_space<vmem>>) target_semaphore(%arg8 : memref<!tpu.dma_semaphore, #tpu.memory_space<semaphore_mem>>)
    %get3A_304 = arith.constant 4 : index
    %get3A_305 = tpu.vector_load %arg5[%get3A_304] {strides = array<i32>} : memref<528xi32, #tpu.memory_space<vmem>>, vector<16xi32>,
    %slice3A_306 = vector.extract_strided_slice %get3A_305 {offsets = [0], sizes = [1], strides = [1]} : vector<16xi32> to vector<1xi32>
    %squeeze3A_307 = vector.extract %slice3A_306[0] : i32 from vector<1xi32>
    %shift_right_arithmetic3A_308 = arith.constant 7 : i32
    %shift_right_arithmetic3A_309 = arith.shrsi %squeeze3A_307, %shift_right_arithmetic3A_308 : i32
    %shift_left3A_310 = arith.constant 7 : i32
    %shift_left3A_311 = arith.shli %shift_right_arithmetic3A_309, %shift_left3A_310 : i32
    %multiple_of3A_312 = tpu.assume_multiple %shift_left3A_311, 128 : i32
    %dma_start3A_313 = arith.constant 1 : i32
    %dma_start3A_314 = arith.constant 0 : i32
    %dma_start3A_315 = arith.constant 0 : i32
    %dma_start3A_316 = arith.constant 0 : i32
    %dma_start3A_317 = tpu.memref_slice %arg6[%dma_start3A_313, %dma_start3A_314, %dma_start3A_315, %dma_start3A_316] : memref<2x4x64x128xf32, #tpu.memory_space<vmem>> -> memref<1x1x64x128xf32, #tpu.memory_space<vmem>>
    %dma_start3A_318 = tpu.memref_squeeze %dma_start3A_317 : memref<1x1x64x128xf32, #tpu.memory_space<vmem>> -> memref<64x128xf32, #tpu.memory_space<vmem>>
    %dma_start3A_319 = arith.constant 0 : i32
    %dma_start3A_320 = tpu.memref_slice %arg3[%dma_start3A_319, %multiple_of3A_312] : memref<64x1000000xf32, #tpu.memory_space<hbm>> -> memref<64x128xf32, #tpu.memory_space<hbm>>
    %dma_start3A_321 = arith.constant 0 : i32
    %dma_start3A_322 = arith.constant 0 : i32
    %dma_start3A_323 = tpu.memref_slice %arg6[%dma_start3A_313, %dma_start3A_314, %dma_start3A_321, %dma_start3A_322] : memref<2x4x64x128xf32, #tpu.memory_space<vmem>> -> memref<1x1x64x128xf32, #tpu.memory_space<vmem>>
    %dma_start3A_324 = tpu.memref_squeeze %dma_start3A_323 : memref<1x1x64x128xf32, #tpu.memory_space<vmem>> -> memref<64x128xf32, #tpu.memory_space<vmem>>
    %dma_start3A_325 = arith.constant 0 : i32
    %dma_start3A_326 = tpu.memref_slice %arg3[%dma_start3A_325, %multiple_of3A_312] : memref<64x1000000xf32, #tpu.memory_space<hbm>> -> memref<64x128xf32, #tpu.memory_space<hbm>>
    tpu.enqueue_dma source(%dma_start3A_326 : memref<64x128xf32, #tpu.memory_space<hbm>>) target(%dma_start3A_324 : memref<64x128xf32, #tpu.memory_space<vmem>>) target_semaphore(%arg9 : memref<!tpu.dma_semaphore, #tpu.memory_space<semaphore_mem>>)
    %slice3A_327 = vector.extract_strided_slice %get3A_305 {offsets = [1], sizes = [1], strides = [1]} : vector<16xi32> to vector<1xi32>
    %squeeze3A_328 = vector.extract %slice3A_327[0] : i32 from vector<1xi32>
    %shift_right_arithmetic3A_329 = arith.constant 7 : i32
    %shift_right_arithmetic3A_330 = arith.shrsi %squeeze3A_328, %shift_right_arithmetic3A_329 : i32
    %shift_left3A_331 = arith.constant 7 : i32
    %shift_left3A_332 = arith.shli %shift_right_arithmetic3A_330, %shift_left3A_331 : i32
    %multiple_of3A_333 = tpu.assume_multiple %shift_left3A_332, 128 : i32
    %dma_start3A_334 = arith.constant 1 : i32
    %dma_start3A_335 = arith.constant 1 : i32
    %dma_start3A_336 = arith.constant 0 : i32
    %dma_start3A_337 = arith.constant 0 : i32
    %dma_start3A_338 = tpu.memref_slice %arg6[%dma_start3A_334, %dma_start3A_335, %dma_start3A_336, %dma_start3A_337] : memref<2x4x64x128xf32, #tpu.memory_space<vmem>> -> memref<1x1x64x128xf32, #tpu.memory_space<vmem>>
    %dma_start3A_339 = tpu.memref_squeeze %dma_start3A_338 : memref<1x1x64x128xf32, #tpu.memory_space<vmem>> -> memref<64x128xf32, #tpu.memory_space<vmem>>
    %dma_start3A_340 = arith.constant 0 : i32
    %dma_start3A_341 = tpu.memref_slice %arg3[%dma_start3A_340, %multiple_of3A_333] : memref<64x1000000xf32, #tpu.memory_space<hbm>> -> memref<64x128xf32, #tpu.memory_space<hbm>>
    %dma_start3A_342 = arith.constant 0 : i32
    %dma_start3A_343 = arith.constant 0 : i32
    %dma_start3A_344 = tpu.memref_slice %arg6[%dma_start3A_334, %dma_start3A_335, %dma_start3A_342, %dma_start3A_343] : memref<2x4x64x128xf32, #tpu.memory_space<vmem>> -> memref<1x1x64x128xf32, #tpu.memory_space<vmem>>
    %dma_start3A_345 = tpu.memref_squeeze %dma_start3A_344 : memref<1x1x64x128xf32, #tpu.memory_space<vmem>> -> memref<64x128xf32, #tpu.memory_space<vmem>>
    %dma_start3A_346 = arith.constant 0 : i32
    %dma_start3A_347 = tpu.memref_slice %arg3[%dma_start3A_346, %multiple_of3A_333] : memref<64x1000000xf32, #tpu.memory_space<hbm>> -> memref<64x128xf32, #tpu.memory_space<hbm>>
    tpu.enqueue_dma source(%dma_start3A_347 : memref<64x128xf32, #tpu.memory_space<hbm>>) target(%dma_start3A_345 : memref<64x128xf32, #tpu.memory_space<vmem>>) target_semaphore(%arg9 : memref<!tpu.dma_semaphore, #tpu.memory_space<semaphore_mem>>)
    %slice3A_348 = vector.extract_strided_slice %get3A_305 {offsets = [2], sizes = [1], strides = [1]} : vector<16xi32> to vector<1xi32>
    %squeeze3A_349 = vector.extract %slice3A_348[0] : i32 from vector<1xi32>
    %shift_right_arithmetic3A_350 = arith.constant 7 : i32
    %shift_right_arithmetic3A_351 = arith.shrsi %squeeze3A_349, %shift_right_arithmetic3A_350 : i32
    %shift_left3A_352 = arith.constant 7 : i32
    %shift_left3A_353 = arith.shli %shift_right_arithmetic3A_351, %shift_left3A_352 : i32
    %multiple_of3A_354 = tpu.assume_multiple %shift_left3A_353, 128 : i32
    %dma_start3A_355 = arith.constant 1 : i32
    %dma_start3A_356 = arith.constant 2 : i32
    %dma_start3A_357 = arith.constant 0 : i32
    %dma_start3A_358 = arith.constant 0 : i32
    %dma_start3A_359 = tpu.memref_slice %arg6[%dma_start3A_355, %dma_start3A_356, %dma_start3A_357, %dma_start3A_358] : memref<2x4x64x128xf32, #tpu.memory_space<vmem>> -> memref<1x1x64x128xf32, #tpu.memory_space<vmem>>
    %dma_start3A_360 = tpu.memref_squeeze %dma_start3A_359 : memref<1x1x64x128xf32, #tpu.memory_space<vmem>> -> memref<64x128xf32, #tpu.memory_space<vmem>>
    %dma_start3A_361 = arith.constant 0 : i32
    %dma_start3A_362 = tpu.memref_slice %arg3[%dma_start3A_361, %multiple_of3A_354] : memref<64x1000000xf32, #tpu.memory_space<hbm>> -> memref<64x128xf32, #tpu.memory_space<hbm>>
    %dma_start3A_363 = arith.constant 0 : i32
    %dma_start3A_364 = arith.constant 0 : i32
    %dma_start3A_365 = tpu.memref_slice %arg6[%dma_start3A_355, %dma_start3A_356, %dma_start3A_363, %dma_start3A_364] : memref<2x4x64x128xf32, #tpu.memory_space<vmem>> -> memref<1x1x64x128xf32, #tpu.memory_space<vmem>>
    %dma_start3A_366 = tpu.memref_squeeze %dma_start3A_365 : memref<1x1x64x128xf32, #tpu.memory_space<vmem>> -> memref<64x128xf32, #tpu.memory_space<vmem>>
    %dma_start3A_367 = arith.constant 0 : i32
    %dma_start3A_368 = tpu.memref_slice %arg3[%dma_start3A_367, %multiple_of3A_354] : memref<64x1000000xf32, #tpu.memory_space<hbm>> -> memref<64x128xf32, #tpu.memory_space<hbm>>
    tpu.enqueue_dma source(%dma_start3A_368 : memref<64x128xf32, #tpu.memory_space<hbm>>) target(%dma_start3A_366 : memref<64x128xf32, #tpu.memory_space<vmem>>) target_semaphore(%arg9 : memref<!tpu.dma_semaphore, #tpu.memory_space<semaphore_mem>>)
    %slice3A_369 = vector.extract_strided_slice %get3A_305 {offsets = [3], sizes = [1], strides = [1]} : vector<16xi32> to vector<1xi32>
    %squeeze3A_370 = vector.extract %slice3A_369[0] : i32 from vector<1xi32>
    %shift_right_arithmetic3A_371 = arith.constant 7 : i32
    %shift_right_arithmetic3A_372 = arith.shrsi %squeeze3A_370, %shift_right_arithmetic3A_371 : i32
    %shift_left3A_373 = arith.constant 7 : i32
    %shift_left3A_374 = arith.shli %shift_right_arithmetic3A_372, %shift_left3A_373 : i32
    %multiple_of3A_375 = tpu.assume_multiple %shift_left3A_374, 128 : i32
    %dma_start3A_376 = arith.constant 1 : i32
    %dma_start3A_377 = arith.constant 3 : i32
    %dma_start3A_378 = arith.constant 0 : i32
    %dma_start3A_379 = arith.constant 0 : i32
    %dma_start3A_380 = tpu.memref_slice %arg6[%dma_start3A_376, %dma_start3A_377, %dma_start3A_378, %dma_start3A_379] : memref<2x4x64x128xf32, #tpu.memory_space<vmem>> -> memref<1x1x64x128xf32, #tpu.memory_space<vmem>>
    %dma_start3A_381 = tpu.memref_squeeze %dma_start3A_380 : memref<1x1x64x128xf32, #tpu.memory_space<vmem>> -> memref<64x128xf32, #tpu.memory_space<vmem>>
    %dma_start3A_382 = arith.constant 0 : i32
    %dma_start3A_383 = tpu.memref_slice %arg3[%dma_start3A_382, %multiple_of3A_375] : memref<64x1000000xf32, #tpu.memory_space<hbm>> -> memref<64x128xf32, #tpu.memory_space<hbm>>
    %dma_start3A_384 = arith.constant 0 : i32
    %dma_start3A_385 = arith.constant 0 : i32
    %dma_start3A_386 = tpu.memref_slice %arg6[%dma_start3A_376, %dma_start3A_377, %dma_start3A_384, %dma_start3A_385] : memref<2x4x64x128xf32, #tpu.memory_space<vmem>> -> memref<1x1x64x128xf32, #tpu.memory_space<vmem>>
    %dma_start3A_387 = tpu.memref_squeeze %dma_start3A_386 : memref<1x1x64x128xf32, #tpu.memory_space<vmem>> -> memref<64x128xf32, #tpu.memory_space<vmem>>
    %dma_start3A_388 = arith.constant 0 : i32
    %dma_start3A_389 = tpu.memref_slice %arg3[%dma_start3A_388, %multiple_of3A_375] : memref<64x1000000xf32, #tpu.memory_space<hbm>> -> memref<64x128xf32, #tpu.memory_space<hbm>>
    tpu.enqueue_dma source(%dma_start3A_389 : memref<64x128xf32, #tpu.memory_space<hbm>>) target(%dma_start3A_387 : memref<64x128xf32, #tpu.memory_space<vmem>>) target_semaphore(%arg9 : memref<!tpu.dma_semaphore, #tpu.memory_space<semaphore_mem>>)
    %scan3A = arith.constant 0 : i32
    %scan3A_390 = arith.constant 0 : i32
    %scan3A_391 = arith.constant 64 : i32
    %scan3A_392 = arith.addi %scan3A_390, %scan3A_391 : i32
    %scan3A_393 = arith.constant 1 : i32
    scf.for %scan3A_395 = %scan3A_390 to %scan3A_392 step %scan3A_393  : i32 {
      %mul3A_396 = arith.constant 2 : i32
      %mul3A_397 = arith.muli %scan3A_395, %mul3A_396 : i32
      %dma_wait3A = arith.constant 0 : i32
      %dma_wait3A_398 = arith.constant 0 : i32
      %dma_wait3A_399 = arith.constant 0 : i32
      %dma_wait3A_400 = arith.constant 0 : i32
      %dma_wait3A_401 = tpu.memref_slice %arg6[%dma_wait3A, %dma_wait3A_398, %dma_wait3A_399, %dma_wait3A_400] : memref<2x4x64x128xf32, #tpu.memory_space<vmem>> -> memref<1x1x64x128xf32, #tpu.memory_space<vmem>>
      %dma_wait3A_402 = tpu.memref_squeeze %dma_wait3A_401 : memref<1x1x64x128xf32, #tpu.memory_space<vmem>> -> memref<64x128xf32, #tpu.memory_space<vmem>>
      %dma_wait3A_403 = arith.constant 0 : i32
      %dma_wait3A_404 = arith.constant 0 : i32
      %dma_wait3A_405 = tpu.memref_slice %arg3[%dma_wait3A_403, %dma_wait3A_404] : memref<64x1000000xf32, #tpu.memory_space<hbm>> -> memref<64x128xf32, #tpu.memory_space<hbm>>
      %dma_wait3A_406 = arith.constant 0 : i32
      %dma_wait3A_407 = arith.constant 0 : i32
      %dma_wait3A_408 = tpu.memref_slice %arg6[%dma_wait3A, %dma_wait3A_398, %dma_wait3A_406, %dma_wait3A_407] : memref<2x4x64x128xf32, #tpu.memory_space<vmem>> -> memref<1x1x64x128xf32, #tpu.memory_space<vmem>>
      %dma_wait3A_409 = tpu.memref_squeeze %dma_wait3A_408 : memref<1x1x64x128xf32, #tpu.memory_space<vmem>> -> memref<64x128xf32, #tpu.memory_space<vmem>>
      %dma_wait3A_410 = arith.constant 0 : i32
      %dma_wait3A_411 = arith.constant 0 : i32
      %dma_wait3A_412 = tpu.memref_slice %arg3[%dma_wait3A_410, %dma_wait3A_411] : memref<64x1000000xf32, #tpu.memory_space<hbm>> -> memref<64x128xf32, #tpu.memory_space<hbm>>
      tpu.wait_dma2 semaphore(%arg8 : memref<!tpu.dma_semaphore, #tpu.memory_space<semaphore_mem>>) src(%dma_wait3A_412 : memref<64x128xf32, #tpu.memory_space<hbm>>) dst(%dma_wait3A_409 : memref<64x128xf32, #tpu.memory_space<vmem>>)
      %dma_wait3A_413 = arith.constant 0 : i32
      %dma_wait3A_414 = arith.constant 1 : i32
      %dma_wait3A_415 = arith.constant 0 : i32
      %dma_wait3A_416 = arith.constant 0 : i32
      %dma_wait3A_417 = tpu.memref_slice %arg6[%dma_wait3A_413, %dma_wait3A_414, %dma_wait3A_415, %dma_wait3A_416] : memref<2x4x64x128xf32, #tpu.memory_space<vmem>> -> memref<1x1x64x128xf32, #tpu.memory_space<vmem>>
      %dma_wait3A_418 = tpu.memref_squeeze %dma_wait3A_417 : memref<1x1x64x128xf32, #tpu.memory_space<vmem>> -> memref<64x128xf32, #tpu.memory_space<vmem>>
      %dma_wait3A_419 = arith.constant 0 : i32
      %dma_wait3A_420 = arith.constant 0 : i32
      %dma_wait3A_421 = tpu.memref_slice %arg3[%dma_wait3A_419, %dma_wait3A_420] : memref<64x1000000xf32, #tpu.memory_space<hbm>> -> memref<64x128xf32, #tpu.memory_space<hbm>>
      %dma_wait3A_422 = arith.constant 0 : i32
      %dma_wait3A_423 = arith.constant 0 : i32
      %dma_wait3A_424 = tpu.memref_slice %arg6[%dma_wait3A_413, %dma_wait3A_414, %dma_wait3A_422, %dma_wait3A_423] : memref<2x4x64x128xf32, #tpu.memory_space<vmem>> -> memref<1x1x64x128xf32, #tpu.memory_space<vmem>>
      %dma_wait3A_425 = tpu.memref_squeeze %dma_wait3A_424 : memref<1x1x64x128xf32, #tpu.memory_space<vmem>> -> memref<64x128xf32, #tpu.memory_space<vmem>>
      %dma_wait3A_426 = arith.constant 0 : i32
      %dma_wait3A_427 = arith.constant 0 : i32
      %dma_wait3A_428 = tpu.memref_slice %arg3[%dma_wait3A_426, %dma_wait3A_427] : memref<64x1000000xf32, #tpu.memory_space<hbm>> -> memref<64x128xf32, #tpu.memory_space<hbm>>
      tpu.wait_dma2 semaphore(%arg8 : memref<!tpu.dma_semaphore, #tpu.memory_space<semaphore_mem>>) src(%dma_wait3A_428 : memref<64x128xf32, #tpu.memory_space<hbm>>) dst(%dma_wait3A_425 : memref<64x128xf32, #tpu.memory_space<vmem>>)
      %dma_wait3A_429 = arith.constant 0 : i32
      %dma_wait3A_430 = arith.constant 2 : i32
      %dma_wait3A_431 = arith.constant 0 : i32
      %dma_wait3A_432 = arith.constant 0 : i32
      %dma_wait3A_433 = tpu.memref_slice %arg6[%dma_wait3A_429, %dma_wait3A_430, %dma_wait3A_431, %dma_wait3A_432] : memref<2x4x64x128xf32, #tpu.memory_space<vmem>> -> memref<1x1x64x128xf32, #tpu.memory_space<vmem>>
      %dma_wait3A_434 = tpu.memref_squeeze %dma_wait3A_433 : memref<1x1x64x128xf32, #tpu.memory_space<vmem>> -> memref<64x128xf32, #tpu.memory_space<vmem>>
      %dma_wait3A_435 = arith.constant 0 : i32
      %dma_wait3A_436 = arith.constant 0 : i32
      %dma_wait3A_437 = tpu.memref_slice %arg3[%dma_wait3A_435, %dma_wait3A_436] : memref<64x1000000xf32, #tpu.memory_space<hbm>> -> memref<64x128xf32, #tpu.memory_space<hbm>>
      %dma_wait3A_438 = arith.constant 0 : i32
      %dma_wait3A_439 = arith.constant 0 : i32
      %dma_wait3A_440 = tpu.memref_slice %arg6[%dma_wait3A_429, %dma_wait3A_430, %dma_wait3A_438, %dma_wait3A_439] : memref<2x4x64x128xf32, #tpu.memory_space<vmem>> -> memref<1x1x64x128xf32, #tpu.memory_space<vmem>>
      %dma_wait3A_441 = tpu.memref_squeeze %dma_wait3A_440 : memref<1x1x64x128xf32, #tpu.memory_space<vmem>> -> memref<64x128xf32, #tpu.memory_space<vmem>>
      %dma_wait3A_442 = arith.constant 0 : i32
      %dma_wait3A_443 = arith.constant 0 : i32
      %dma_wait3A_444 = tpu.memref_slice %arg3[%dma_wait3A_442, %dma_wait3A_443] : memref<64x1000000xf32, #tpu.memory_space<hbm>> -> memref<64x128xf32, #tpu.memory_space<hbm>>
      tpu.wait_dma2 semaphore(%arg8 : memref<!tpu.dma_semaphore, #tpu.memory_space<semaphore_mem>>) src(%dma_wait3A_444 : memref<64x128xf32, #tpu.memory_space<hbm>>) dst(%dma_wait3A_441 : memref<64x128xf32, #tpu.memory_space<vmem>>)
      %dma_wait3A_445 = arith.constant 0 : i32
      %dma_wait3A_446 = arith.constant 3 : i32
      %dma_wait3A_447 = arith.constant 0 : i32
      %dma_wait3A_448 = arith.constant 0 : i32
      %dma_wait3A_449 = tpu.memref_slice %arg6[%dma_wait3A_445, %dma_wait3A_446, %dma_wait3A_447, %dma_wait3A_448] : memref<2x4x64x128xf32, #tpu.memory_space<vmem>> -> memref<1x1x64x128xf32, #tpu.memory_space<vmem>>
      %dma_wait3A_450 = tpu.memref_squeeze %dma_wait3A_449 : memref<1x1x64x128xf32, #tpu.memory_space<vmem>> -> memref<64x128xf32, #tpu.memory_space<vmem>>
      %dma_wait3A_451 = arith.constant 0 : i32
      %dma_wait3A_452 = arith.constant 0 : i32
      %dma_wait3A_453 = tpu.memref_slice %arg3[%dma_wait3A_451, %dma_wait3A_452] : memref<64x1000000xf32, #tpu.memory_space<hbm>> -> memref<64x128xf32, #tpu.memory_space<hbm>>
      %dma_wait3A_454 = arith.constant 0 : i32
      %dma_wait3A_455 = arith.constant 0 : i32
      %dma_wait3A_456 = tpu.memref_slice %arg6[%dma_wait3A_445, %dma_wait3A_446, %dma_wait3A_454, %dma_wait3A_455] : memref<2x4x64x128xf32, #tpu.memory_space<vmem>> -> memref<1x1x64x128xf32, #tpu.memory_space<vmem>>
      %dma_wait3A_457 = tpu.memref_squeeze %dma_wait3A_456 : memref<1x1x64x128xf32, #tpu.memory_space<vmem>> -> memref<64x128xf32, #tpu.memory_space<vmem>>
      %dma_wait3A_458 = arith.constant 0 : i32
      %dma_wait3A_459 = arith.constant 0 : i32
      %dma_wait3A_460 = tpu.memref_slice %arg3[%dma_wait3A_458, %dma_wait3A_459] : memref<64x1000000xf32, #tpu.memory_space<hbm>> -> memref<64x128xf32, #tpu.memory_space<hbm>>
      tpu.wait_dma2 semaphore(%arg8 : memref<!tpu.dma_semaphore, #tpu.memory_space<semaphore_mem>>) src(%dma_wait3A_460 : memref<64x128xf32, #tpu.memory_space<hbm>>) dst(%dma_wait3A_457 : memref<64x128xf32, #tpu.memory_space<vmem>>)
      %mul3A_461 = arith.constant 4 : i32
      %mul3A_462 = arith.muli %mul3A_397, %mul3A_461 : i32
      %get3A_463 = arith.index_cast %mul3A_462 : i32 to index
      %get3A_464 = tpu.vector_load %arg5[%get3A_463] {strides = array<i32>} : memref<528xi32, #tpu.memory_space<vmem>>, vector<16xi32>,
      %slice3A_465 = vector.extract_strided_slice %get3A_464 {offsets = [0], sizes = [1], strides = [1]} : vector<16xi32> to vector<1xi32>
      %squeeze3A_466 = vector.extract %slice3A_465[0] : i32 from vector<1xi32>
      %and3A = arith.constant 127 : i32
      %and3A_467 = arith.andi %squeeze3A_466, %and3A : i32
      %broadcast_in_dim3A = vector.broadcast %and3A_467 : i32 to vector<16xi32>
      %mul3A_468 = arith.constant 4 : i32
      %mul3A_469 = arith.muli %mul3A_397, %mul3A_468 : i32
      %add3A_470 = arith.constant 0 : i32
      %add3A_471 = arith.addi %mul3A_469, %add3A_470 : i32
      %broadcast_in_dim3A_472 = vector.broadcast %add3A_471 : i32 to vector<16xi32>
      %iota3A = tpu.iota {dimensions = array<i32: 0>} : vector<16xi32>
      %add3A_473 = arith.constant 0 : i32
      %add3A_474 = vector.broadcast %add3A_473 : i32 to vector<16xi32>
      %add3A_475 = arith.addi %iota3A, %add3A_474 : vector<16xi32>
      %gather3A = arith.constant 0 : i32
      %gather3A_476 = arith.constant 0 : i32
      %gather3A_477 = arith.constant 0 : i32
      %gather3A_478 = arith.constant 0 : i32
      %gather3A_479 = tpu.memref_slice %arg6[%gather3A, %gather3A_476, %gather3A_477, %gather3A_478] : memref<2x4x64x128xf32, #tpu.memory_space<vmem>> -> memref<1x1x64x128xf32, #tpu.memory_space<vmem>>
      %gather3A_480 = tpu.memref_squeeze %gather3A_479 : memref<1x1x64x128xf32, #tpu.memory_space<vmem>> -> memref<64x128xf32, #tpu.memory_space<vmem>>
      %gather3A_481 = tpu.vector_load_idx %gather3A_480[%add3A_475, %broadcast_in_dim3A] : memref<64x128xf32, #tpu.memory_space<vmem>>[vector<16xi32>, vector<16xi32>], vector<16xf32>,
      tpu.vector_store_idx %arg7[%add3A_475, %broadcast_in_dim3A_472], %gather3A_481 : memref<64x512xf32, #tpu.memory_space<vmem>>[vector<16xi32>, vector<16xi32>], vector<16xf32>,
      %iota3A_482 = tpu.iota {dimensions = array<i32: 0>} : vector<16xi32>
      %add3A_483 = arith.constant 16 : i32
      %add3A_484 = vector.broadcast %add3A_483 : i32 to vector<16xi32>
      %add3A_485 = arith.addi %iota3A_482, %add3A_484 : vector<16xi32>
      %gather3A_486 = arith.constant 0 : i32
      %gather3A_487 = arith.constant 0 : i32
      %gather3A_488 = arith.constant 0 : i32
      %gather3A_489 = arith.constant 0 : i32
      %gather3A_490 = tpu.memref_slice %arg6[%gather3A_486, %gather3A_487, %gather3A_488, %gather3A_489] : memref<2x4x64x128xf32, #tpu.memory_space<vmem>> -> memref<1x1x64x128xf32, #tpu.memory_space<vmem>>
      %gather3A_491 = tpu.memref_squeeze %gather3A_490 : memref<1x1x64x128xf32, #tpu.memory_space<vmem>> -> memref<64x128xf32, #tpu.memory_space<vmem>>
      %gather3A_492 = tpu.vector_load_idx %gather3A_491[%add3A_485, %broadcast_in_dim3A] : memref<64x128xf32, #tpu.memory_space<vmem>>[vector<16xi32>, vector<16xi32>], vector<16xf32>,
      tpu.vector_store_idx %arg7[%add3A_485, %broadcast_in_dim3A_472], %gather3A_492 : memref<64x512xf32, #tpu.memory_space<vmem>>[vector<16xi32>, vector<16xi32>], vector<16xf32>,
      %iota3A_493 = tpu.iota {dimensions = array<i32: 0>} : vector<16xi32>
      %add3A_494 = arith.constant 32 : i32
      %add3A_495 = vector.broadcast %add3A_494 : i32 to vector<16xi32>
      %add3A_496 = arith.addi %iota3A_493, %add3A_495 : vector<16xi32>
      %gather3A_497 = arith.constant 0 : i32
      %gather3A_498 = arith.constant 0 : i32
      %gather3A_499 = arith.constant 0 : i32
      %gather3A_500 = arith.constant 0 : i32
      %gather3A_501 = tpu.memref_slice %arg6[%gather3A_497, %gather3A_498, %gather3A_499, %gather3A_500] : memref<2x4x64x128xf32, #tpu.memory_space<vmem>> -> memref<1x1x64x128xf32, #tpu.memory_space<vmem>>
      %gather3A_502 = tpu.memref_squeeze %gather3A_501 : memref<1x1x64x128xf32, #tpu.memory_space<vmem>> -> memref<64x128xf32, #tpu.memory_space<vmem>>
      %gather3A_503 = tpu.vector_load_idx %gather3A_502[%add3A_496, %broadcast_in_dim3A] : memref<64x128xf32, #tpu.memory_space<vmem>>[vector<16xi32>, vector<16xi32>], vector<16xf32>,
      tpu.vector_store_idx %arg7[%add3A_496, %broadcast_in_dim3A_472], %gather3A_503 : memref<64x512xf32, #tpu.memory_space<vmem>>[vector<16xi32>, vector<16xi32>], vector<16xf32>,
      %iota3A_504 = tpu.iota {dimensions = array<i32: 0>} : vector<16xi32>
      %add3A_505 = arith.constant 48 : i32
      %add3A_506 = vector.broadcast %add3A_505 : i32 to vector<16xi32>
      %add3A_507 = arith.addi %iota3A_504, %add3A_506 : vector<16xi32>
      %gather3A_508 = arith.constant 0 : i32
      %gather3A_509 = arith.constant 0 : i32
      %gather3A_510 = arith.constant 0 : i32
      %gather3A_511 = arith.constant 0 : i32
      %gather3A_512 = tpu.memref_slice %arg6[%gather3A_508, %gather3A_509, %gather3A_510, %gather3A_511] : memref<2x4x64x128xf32, #tpu.memory_space<vmem>> -> memref<1x1x64x128xf32, #tpu.memory_space<vmem>>
      %gather3A_513 = tpu.memref_squeeze %gather3A_512 : memref<1x1x64x128xf32, #tpu.memory_space<vmem>> -> memref<64x128xf32, #tpu.memory_space<vmem>>
      %gather3A_514 = tpu.vector_load_idx %gather3A_513[%add3A_507, %broadcast_in_dim3A] : memref<64x128xf32, #tpu.memory_space<vmem>>[vector<16xi32>, vector<16xi32>], vector<16xf32>,
      tpu.vector_store_idx %arg7[%add3A_507, %broadcast_in_dim3A_472], %gather3A_514 : memref<64x512xf32, #tpu.memory_space<vmem>>[vector<16xi32>, vector<16xi32>], vector<16xf32>,
      %slice3A_515 = vector.extract_strided_slice %get3A_464 {offsets = [1], sizes = [1], strides = [1]} : vector<16xi32> to vector<1xi32>
      %squeeze3A_516 = vector.extract %slice3A_515[0] : i32 from vector<1xi32>
      %and3A_517 = arith.constant 127 : i32
      %and3A_518 = arith.andi %squeeze3A_516, %and3A_517 : i32
      %broadcast_in_dim3A_519 = vector.broadcast %and3A_518 : i32 to vector<16xi32>
      %mul3A_520 = arith.constant 4 : i32
      %mul3A_521 = arith.muli %mul3A_397, %mul3A_520 : i32
      %add3A_522 = arith.constant 1 : i32
      %add3A_523 = arith.addi %mul3A_521, %add3A_522 : i32
      %broadcast_in_dim3A_524 = vector.broadcast %add3A_523 : i32 to vector<16xi32>
      %iota3A_525 = tpu.iota {dimensions = array<i32: 0>} : vector<16xi32>
      %add3A_526 = arith.constant 0 : i32
      %add3A_527 = vector.broadcast %add3A_526 : i32 to vector<16xi32>
      %add3A_528 = arith.addi %iota3A_525, %add3A_527 : vector<16xi32>
      %gather3A_529 = arith.constant 0 : i32
      %gather3A_530 = arith.constant 1 : i32
      %gather3A_531 = arith.constant 0 : i32
      %gather3A_532 = arith.constant 0 : i32
      %gather3A_533 = tpu.memref_slice %arg6[%gather3A_529, %gather3A_530, %gather3A_531, %gather3A_532] : memref<2x4x64x128xf32, #tpu.memory_space<vmem>> -> memref<1x1x64x128xf32, #tpu.memory_space<vmem>>
      %gather3A_534 = tpu.memref_squeeze %gather3A_533 : memref<1x1x64x128xf32, #tpu.memory_space<vmem>> -> memref<64x128xf32, #tpu.memory_space<vmem>>
      %gather3A_535 = tpu.vector_load_idx %gather3A_534[%add3A_528, %broadcast_in_dim3A_519] : memref<64x128xf32, #tpu.memory_space<vmem>>[vector<16xi32>, vector<16xi32>], vector<16xf32>,
      tpu.vector_store_idx %arg7[%add3A_528, %broadcast_in_dim3A_524], %gather3A_535 : memref<64x512xf32, #tpu.memory_space<vmem>>[vector<16xi32>, vector<16xi32>], vector<16xf32>,
      %iota3A_536 = tpu.iota {dimensions = array<i32: 0>} : vector<16xi32>
      %add3A_537 = arith.constant 16 : i32
      %add3A_538 = vector.broadcast %add3A_537 : i32 to vector<16xi32>
      %add3A_539 = arith.addi %iota3A_536, %add3A_538 : vector<16xi32>
      %gather3A_540 = arith.constant 0 : i32
      %gather3A_541 = arith.constant 1 : i32
      %gather3A_542 = arith.constant 0 : i32
      %gather3A_543 = arith.constant 0 : i32
      %gather3A_544 = tpu.memref_slice %arg6[%gather3A_540, %gather3A_541, %gather3A_542, %gather3A_543] : memref<2x4x64x128xf32, #tpu.memory_space<vmem>> -> memref<1x1x64x128xf32, #tpu.memory_space<vmem>>
      %gather3A_545 = tpu.memref_squeeze %gather3A_544 : memref<1x1x64x128xf32, #tpu.memory_space<vmem>> -> memref<64x128xf32, #tpu.memory_space<vmem>>
      %gather3A_546 = tpu.vector_load_idx %gather3A_545[%add3A_539, %broadcast_in_dim3A_519] : memref<64x128xf32, #tpu.memory_space<vmem>>[vector<16xi32>, vector<16xi32>], vector<16xf32>,
      tpu.vector_store_idx %arg7[%add3A_539, %broadcast_in_dim3A_524], %gather3A_546 : memref<64x512xf32, #tpu.memory_space<vmem>>[vector<16xi32>, vector<16xi32>], vector<16xf32>,
      %iota3A_547 = tpu.iota {dimensions = array<i32: 0>} : vector<16xi32>
      %add3A_548 = arith.constant 32 : i32
      %add3A_549 = vector.broadcast %add3A_548 : i32 to vector<16xi32>
      %add3A_550 = arith.addi %iota3A_547, %add3A_549 : vector<16xi32>
      %gather3A_551 = arith.constant 0 : i32
      %gather3A_552 = arith.constant 1 : i32
      %gather3A_553 = arith.constant 0 : i32
      %gather3A_554 = arith.constant 0 : i32
      %gather3A_555 = tpu.memref_slice %arg6[%gather3A_551, %gather3A_552, %gather3A_553, %gather3A_554] : memref<2x4x64x128xf32, #tpu.memory_space<vmem>> -> memref<1x1x64x128xf32, #tpu.memory_space<vmem>>
      %gather3A_556 = tpu.memref_squeeze %gather3A_555 : memref<1x1x64x128xf32, #tpu.memory_space<vmem>> -> memref<64x128xf32, #tpu.memory_space<vmem>>
      %gather3A_557 = tpu.vector_load_idx %gather3A_556[%add3A_550, %broadcast_in_dim3A_519] : memref<64x128xf32, #tpu.memory_space<vmem>>[vector<16xi32>, vector<16xi32>], vector<16xf32>,
      tpu.vector_store_idx %arg7[%add3A_550, %broadcast_in_dim3A_524], %gather3A_557 : memref<64x512xf32, #tpu.memory_space<vmem>>[vector<16xi32>, vector<16xi32>], vector<16xf32>,
      %iota3A_558 = tpu.iota {dimensions = array<i32: 0>} : vector<16xi32>
      %add3A_559 = arith.constant 48 : i32
      %add3A_560 = vector.broadcast %add3A_559 : i32 to vector<16xi32>
      %add3A_561 = arith.addi %iota3A_558, %add3A_560 : vector<16xi32>
      %gather3A_562 = arith.constant 0 : i32
      %gather3A_563 = arith.constant 1 : i32
      %gather3A_564 = arith.constant 0 : i32
      %gather3A_565 = arith.constant 0 : i32
      %gather3A_566 = tpu.memref_slice %arg6[%gather3A_562, %gather3A_563, %gather3A_564, %gather3A_565] : memref<2x4x64x128xf32, #tpu.memory_space<vmem>> -> memref<1x1x64x128xf32, #tpu.memory_space<vmem>>
      %gather3A_567 = tpu.memref_squeeze %gather3A_566 : memref<1x1x64x128xf32, #tpu.memory_space<vmem>> -> memref<64x128xf32, #tpu.memory_space<vmem>>
      %gather3A_568 = tpu.vector_load_idx %gather3A_567[%add3A_561, %broadcast_in_dim3A_519] : memref<64x128xf32, #tpu.memory_space<vmem>>[vector<16xi32>, vector<16xi32>], vector<16xf32>,
      tpu.vector_store_idx %arg7[%add3A_561, %broadcast_in_dim3A_524], %gather3A_568 : memref<64x512xf32, #tpu.memory_space<vmem>>[vector<16xi32>, vector<16xi32>], vector<16xf32>,
      %slice3A_569 = vector.extract_strided_slice %get3A_464 {offsets = [2], sizes = [1], strides = [1]} : vector<16xi32> to vector<1xi32>
      %squeeze3A_570 = vector.extract %slice3A_569[0] : i32 from vector<1xi32>
      %and3A_571 = arith.constant 127 : i32
      %and3A_572 = arith.andi %squeeze3A_570, %and3A_571 : i32
      %broadcast_in_dim3A_573 = vector.broadcast %and3A_572 : i32 to vector<16xi32>
      %mul3A_574 = arith.constant 4 : i32
      %mul3A_575 = arith.muli %mul3A_397, %mul3A_574 : i32
      %add3A_576 = arith.constant 2 : i32
      %add3A_577 = arith.addi %mul3A_575, %add3A_576 : i32
      %broadcast_in_dim3A_578 = vector.broadcast %add3A_577 : i32 to vector<16xi32>
      %iota3A_579 = tpu.iota {dimensions = array<i32: 0>} : vector<16xi32>
      %add3A_580 = arith.constant 0 : i32
      %add3A_581 = vector.broadcast %add3A_580 : i32 to vector<16xi32>
      %add3A_582 = arith.addi %iota3A_579, %add3A_581 : vector<16xi32>
      %gather3A_583 = arith.constant 0 : i32
      %gather3A_584 = arith.constant 2 : i32
      %gather3A_585 = arith.constant 0 : i32
      %gather3A_586 = arith.constant 0 : i32
      %gather3A_587 = tpu.memref_slice %arg6[%gather3A_583, %gather3A_584, %gather3A_585, %gather3A_586] : memref<2x4x64x128xf32, #tpu.memory_space<vmem>> -> memref<1x1x64x128xf32, #tpu.memory_space<vmem>>
      %gather3A_588 = tpu.memref_squeeze %gather3A_587 : memref<1x1x64x128xf32, #tpu.memory_space<vmem>> -> memref<64x128xf32, #tpu.memory_space<vmem>>
      %gather3A_589 = tpu.vector_load_idx %gather3A_588[%add3A_582, %broadcast_in_dim3A_573] : memref<64x128xf32, #tpu.memory_space<vmem>>[vector<16xi32>, vector<16xi32>], vector<16xf32>,
      tpu.vector_store_idx %arg7[%add3A_582, %broadcast_in_dim3A_578], %gather3A_589 : memref<64x512xf32, #tpu.memory_space<vmem>>[vector<16xi32>, vector<16xi32>], vector<16xf32>,
      %iota3A_590 = tpu.iota {dimensions = array<i32: 0>} : vector<16xi32>
      %add3A_591 = arith.constant 16 : i32
      %add3A_592 = vector.broadcast %add3A_591 : i32 to vector<16xi32>
      %add3A_593 = arith.addi %iota3A_590, %add3A_592 : vector<16xi32>
      %gather3A_594 = arith.constant 0 : i32
      %gather3A_595 = arith.constant 2 : i32
      %gather3A_596 = arith.constant 0 : i32
      %gather3A_597 = arith.constant 0 : i32
      %gather3A_598 = tpu.memref_slice %arg6[%gather3A_594, %gather3A_595, %gather3A_596, %gather3A_597] : memref<2x4x64x128xf32, #tpu.memory_space<vmem>> -> memref<1x1x64x128xf32, #tpu.memory_space<vmem>>
      %gather3A_599 = tpu.memref_squeeze %gather3A_598 : memref<1x1x64x128xf32, #tpu.memory_space<vmem>> -> memref<64x128xf32, #tpu.memory_space<vmem>>
      %gather3A_600 = tpu.vector_load_idx %gather3A_599[%add3A_593, %broadcast_in_dim3A_573] : memref<64x128xf32, #tpu.memory_space<vmem>>[vector<16xi32>, vector<16xi32>], vector<16xf32>,
      tpu.vector_store_idx %arg7[%add3A_593, %broadcast_in_dim3A_578], %gather3A_600 : memref<64x512xf32, #tpu.memory_space<vmem>>[vector<16xi32>, vector<16xi32>], vector<16xf32>,
      %iota3A_601 = tpu.iota {dimensions = array<i32: 0>} : vector<16xi32>
      %add3A_602 = arith.constant 32 : i32
      %add3A_603 = vector.broadcast %add3A_602 : i32 to vector<16xi32>
      %add3A_604 = arith.addi %iota3A_601, %add3A_603 : vector<16xi32>
      %gather3A_605 = arith.constant 0 : i32
      %gather3A_606 = arith.constant 2 : i32
      %gather3A_607 = arith.constant 0 : i32
      %gather3A_608 = arith.constant 0 : i32
      %gather3A_609 = tpu.memref_slice %arg6[%gather3A_605, %gather3A_606, %gather3A_607, %gather3A_608] : memref<2x4x64x128xf32, #tpu.memory_space<vmem>> -> memref<1x1x64x128xf32, #tpu.memory_space<vmem>>
      %gather3A_610 = tpu.memref_squeeze %gather3A_609 : memref<1x1x64x128xf32, #tpu.memory_space<vmem>> -> memref<64x128xf32, #tpu.memory_space<vmem>>
      %gather3A_611 = tpu.vector_load_idx %gather3A_610[%add3A_604, %broadcast_in_dim3A_573] : memref<64x128xf32, #tpu.memory_space<vmem>>[vector<16xi32>, vector<16xi32>], vector<16xf32>,
      tpu.vector_store_idx %arg7[%add3A_604, %broadcast_in_dim3A_578], %gather3A_611 : memref<64x512xf32, #tpu.memory_space<vmem>>[vector<16xi32>, vector<16xi32>], vector<16xf32>,
      %iota3A_612 = tpu.iota {dimensions = array<i32: 0>} : vector<16xi32>
      %add3A_613 = arith.constant 48 : i32
      %add3A_614 = vector.broadcast %add3A_613 : i32 to vector<16xi32>
      %add3A_615 = arith.addi %iota3A_612, %add3A_614 : vector<16xi32>
      %gather3A_616 = arith.constant 0 : i32
      %gather3A_617 = arith.constant 2 : i32
      %gather3A_618 = arith.constant 0 : i32
      %gather3A_619 = arith.constant 0 : i32
      %gather3A_620 = tpu.memref_slice %arg6[%gather3A_616, %gather3A_617, %gather3A_618, %gather3A_619] : memref<2x4x64x128xf32, #tpu.memory_space<vmem>> -> memref<1x1x64x128xf32, #tpu.memory_space<vmem>>
      %gather3A_621 = tpu.memref_squeeze %gather3A_620 : memref<1x1x64x128xf32, #tpu.memory_space<vmem>> -> memref<64x128xf32, #tpu.memory_space<vmem>>
      %gather3A_622 = tpu.vector_load_idx %gather3A_621[%add3A_615, %broadcast_in_dim3A_573] : memref<64x128xf32, #tpu.memory_space<vmem>>[vector<16xi32>, vector<16xi32>], vector<16xf32>,
      tpu.vector_store_idx %arg7[%add3A_615, %broadcast_in_dim3A_578], %gather3A_622 : memref<64x512xf32, #tpu.memory_space<vmem>>[vector<16xi32>, vector<16xi32>], vector<16xf32>,
      %slice3A_623 = vector.extract_strided_slice %get3A_464 {offsets = [3], sizes = [1], strides = [1]} : vector<16xi32> to vector<1xi32>
      %squeeze3A_624 = vector.extract %slice3A_623[0] : i32 from vector<1xi32>
      %and3A_625 = arith.constant 127 : i32
      %and3A_626 = arith.andi %squeeze3A_624, %and3A_625 : i32
      %broadcast_in_dim3A_627 = vector.broadcast %and3A_626 : i32 to vector<16xi32>
      %mul3A_628 = arith.constant 4 : i32
      %mul3A_629 = arith.muli %mul3A_397, %mul3A_628 : i32
      %add3A_630 = arith.constant 3 : i32
      %add3A_631 = arith.addi %mul3A_629, %add3A_630 : i32
      %broadcast_in_dim3A_632 = vector.broadcast %add3A_631 : i32 to vector<16xi32>
      %iota3A_633 = tpu.iota {dimensions = array<i32: 0>} : vector<16xi32>
      %add3A_634 = arith.constant 0 : i32
      %add3A_635 = vector.broadcast %add3A_634 : i32 to vector<16xi32>
      %add3A_636 = arith.addi %iota3A_633, %add3A_635 : vector<16xi32>
      %gather3A_637 = arith.constant 0 : i32
      %gather3A_638 = arith.constant 3 : i32
      %gather3A_639 = arith.constant 0 : i32
      %gather3A_640 = arith.constant 0 : i32
      %gather3A_641 = tpu.memref_slice %arg6[%gather3A_637, %gather3A_638, %gather3A_639, %gather3A_640] : memref<2x4x64x128xf32, #tpu.memory_space<vmem>> -> memref<1x1x64x128xf32, #tpu.memory_space<vmem>>
      %gather3A_642 = tpu.memref_squeeze %gather3A_641 : memref<1x1x64x128xf32, #tpu.memory_space<vmem>> -> memref<64x128xf32, #tpu.memory_space<vmem>>
      %gather3A_643 = tpu.vector_load_idx %gather3A_642[%add3A_636, %broadcast_in_dim3A_627] : memref<64x128xf32, #tpu.memory_space<vmem>>[vector<16xi32>, vector<16xi32>], vector<16xf32>,
      tpu.vector_store_idx %arg7[%add3A_636, %broadcast_in_dim3A_632], %gather3A_643 : memref<64x512xf32, #tpu.memory_space<vmem>>[vector<16xi32>, vector<16xi32>], vector<16xf32>,
      %iota3A_644 = tpu.iota {dimensions = array<i32: 0>} : vector<16xi32>
      %add3A_645 = arith.constant 16 : i32
      %add3A_646 = vector.broadcast %add3A_645 : i32 to vector<16xi32>
      %add3A_647 = arith.addi %iota3A_644, %add3A_646 : vector<16xi32>
      %gather3A_648 = arith.constant 0 : i32
      %gather3A_649 = arith.constant 3 : i32
      %gather3A_650 = arith.constant 0 : i32
      %gather3A_651 = arith.constant 0 : i32
      %gather3A_652 = tpu.memref_slice %arg6[%gather3A_648, %gather3A_649, %gather3A_650, %gather3A_651] : memref<2x4x64x128xf32, #tpu.memory_space<vmem>> -> memref<1x1x64x128xf32, #tpu.memory_space<vmem>>
      %gather3A_653 = tpu.memref_squeeze %gather3A_652 : memref<1x1x64x128xf32, #tpu.memory_space<vmem>> -> memref<64x128xf32, #tpu.memory_space<vmem>>
      %gather3A_654 = tpu.vector_load_idx %gather3A_653[%add3A_647, %broadcast_in_dim3A_627] : memref<64x128xf32, #tpu.memory_space<vmem>>[vector<16xi32>, vector<16xi32>], vector<16xf32>,
      tpu.vector_store_idx %arg7[%add3A_647, %broadcast_in_dim3A_632], %gather3A_654 : memref<64x512xf32, #tpu.memory_space<vmem>>[vector<16xi32>, vector<16xi32>], vector<16xf32>,
      %iota3A_655 = tpu.iota {dimensions = array<i32: 0>} : vector<16xi32>
      %add3A_656 = arith.constant 32 : i32
      %add3A_657 = vector.broadcast %add3A_656 : i32 to vector<16xi32>
      %add3A_658 = arith.addi %iota3A_655, %add3A_657 : vector<16xi32>
      %gather3A_659 = arith.constant 0 : i32
      %gather3A_660 = arith.constant 3 : i32
      %gather3A_661 = arith.constant 0 : i32
      %gather3A_662 = arith.constant 0 : i32
      %gather3A_663 = tpu.memref_slice %arg6[%gather3A_659, %gather3A_660, %gather3A_661, %gather3A_662] : memref<2x4x64x128xf32, #tpu.memory_space<vmem>> -> memref<1x1x64x128xf32, #tpu.memory_space<vmem>>
      %gather3A_664 = tpu.memref_squeeze %gather3A_663 : memref<1x1x64x128xf32, #tpu.memory_space<vmem>> -> memref<64x128xf32, #tpu.memory_space<vmem>>
      %gather3A_665 = tpu.vector_load_idx %gather3A_664[%add3A_658, %broadcast_in_dim3A_627] : memref<64x128xf32, #tpu.memory_space<vmem>>[vector<16xi32>, vector<16xi32>], vector<16xf32>,
      tpu.vector_store_idx %arg7[%add3A_658, %broadcast_in_dim3A_632], %gather3A_665 : memref<64x512xf32, #tpu.memory_space<vmem>>[vector<16xi32>, vector<16xi32>], vector<16xf32>,
      %iota3A_666 = tpu.iota {dimensions = array<i32: 0>} : vector<16xi32>
      %add3A_667 = arith.constant 48 : i32
      %add3A_668 = vector.broadcast %add3A_667 : i32 to vector<16xi32>
      %add3A_669 = arith.addi %iota3A_666, %add3A_668 : vector<16xi32>
      %gather3A_670 = arith.constant 0 : i32
      %gather3A_671 = arith.constant 3 : i32
      %gather3A_672 = arith.constant 0 : i32
      %gather3A_673 = arith.constant 0 : i32
      %gather3A_674 = tpu.memref_slice %arg6[%gather3A_670, %gather3A_671, %gather3A_672, %gather3A_673] : memref<2x4x64x128xf32, #tpu.memory_space<vmem>> -> memref<1x1x64x128xf32, #tpu.memory_space<vmem>>
      %gather3A_675 = tpu.memref_squeeze %gather3A_674 : memref<1x1x64x128xf32, #tpu.memory_space<vmem>> -> memref<64x128xf32, #tpu.memory_space<vmem>>
      %gather3A_676 = tpu.vector_load_idx %gather3A_675[%add3A_669, %broadcast_in_dim3A_627] : memref<64x128xf32, #tpu.memory_space<vmem>>[vector<16xi32>, vector<16xi32>], vector<16xf32>,
      tpu.vector_store_idx %arg7[%add3A_669, %broadcast_in_dim3A_632], %gather3A_676 : memref<64x512xf32, #tpu.memory_space<vmem>>[vector<16xi32>, vector<16xi32>], vector<16xf32>,
      %add3A_677 = arith.constant 2 : i32
      %add3A_678 = arith.addi %mul3A_397, %add3A_677 : i32
      %lt3A = arith.constant 128 : i32
      %lt3A_679 = arith.cmpi slt, %add3A_678, %lt3A : i32
      %convert_element_type3A = arith.extui %lt3A_679 : i1 to i32
      %cond3A = arith.constant 0 : i32
      %cond3A_680 = arith.cmpi ne, %convert_element_type3A, %cond3A : i32
      scf.if %cond3A_680 {
        %add3A_974 = arith.constant 2 : i32
        %add3A_975 = arith.addi %mul3A_397, %add3A_974 : i32
        %mul3A_976 = arith.constant 4 : i32
        %mul3A_977 = arith.muli %add3A_975, %mul3A_976 : i32
        %get3A_978 = arith.index_cast %mul3A_977 : i32 to index
        %get3A_979 = tpu.vector_load %arg5[%get3A_978] {strides = array<i32>} : memref<528xi32, #tpu.memory_space<vmem>>, vector<16xi32>,
        %slice3A_980 = vector.extract_strided_slice %get3A_979 {offsets = [0], sizes = [1], strides = [1]} : vector<16xi32> to vector<1xi32>
        %squeeze3A_981 = vector.extract %slice3A_980[0] : i32 from vector<1xi32>
        %shift_right_arithmetic3A_982 = arith.constant 7 : i32
        %shift_right_arithmetic3A_983 = arith.shrsi %squeeze3A_981, %shift_right_arithmetic3A_982 : i32
        %shift_left3A_984 = arith.constant 7 : i32
        %shift_left3A_985 = arith.shli %shift_right_arithmetic3A_983, %shift_left3A_984 : i32
        %multiple_of3A_986 = tpu.assume_multiple %shift_left3A_985, 128 : i32
        %dma_start3A_987 = arith.constant 0 : i32
        %dma_start3A_988 = arith.constant 0 : i32
        %dma_start3A_989 = arith.constant 0 : i32
        %dma_start3A_990 = arith.constant 0 : i32
        %dma_start3A_991 = tpu.memref_slice %arg6[%dma_start3A_987, %dma_start3A_988, %dma_start3A_989, %dma_start3A_990] : memref<2x4x64x128xf32, #tpu.memory_space<vmem>> -> memref<1x1x64x128xf32, #tpu.memory_space<vmem>>
        %dma_start3A_992 = tpu.memref_squeeze %dma_start3A_991 : memref<1x1x64x128xf32, #tpu.memory_space<vmem>> -> memref<64x128xf32, #tpu.memory_space<vmem>>
        %dma_start3A_993 = arith.constant 0 : i32
        %dma_start3A_994 = tpu.memref_slice %arg3[%dma_start3A_993, %multiple_of3A_986] : memref<64x1000000xf32, #tpu.memory_space<hbm>> -> memref<64x128xf32, #tpu.memory_space<hbm>>
        %dma_start3A_995 = arith.constant 0 : i32
        %dma_start3A_996 = arith.constant 0 : i32
        %dma_start3A_997 = tpu.memref_slice %arg6[%dma_start3A_987, %dma_start3A_988, %dma_start3A_995, %dma_start3A_996] : memref<2x4x64x128xf32, #tpu.memory_space<vmem>> -> memref<1x1x64x128xf32, #tpu.memory_space<vmem>>
        %dma_start3A_998 = tpu.memref_squeeze %dma_start3A_997 : memref<1x1x64x128xf32, #tpu.memory_space<vmem>> -> memref<64x128xf32, #tpu.memory_space<vmem>>
        %dma_start3A_999 = arith.constant 0 : i32
        %dma_start3A_1000 = tpu.memref_slice %arg3[%dma_start3A_999, %multiple_of3A_986] : memref<64x1000000xf32, #tpu.memory_space<hbm>> -> memref<64x128xf32, #tpu.memory_space<hbm>>
        tpu.enqueue_dma source(%dma_start3A_1000 : memref<64x128xf32, #tpu.memory_space<hbm>>) target(%dma_start3A_998 : memref<64x128xf32, #tpu.memory_space<vmem>>) target_semaphore(%arg8 : memref<!tpu.dma_semaphore, #tpu.memory_space<semaphore_mem>>)
        %slice3A_1001 = vector.extract_strided_slice %get3A_979 {offsets = [1], sizes = [1], strides = [1]} : vector<16xi32> to vector<1xi32>
        %squeeze3A_1002 = vector.extract %slice3A_1001[0] : i32 from vector<1xi32>
        %shift_right_arithmetic3A_1003 = arith.constant 7 : i32
        %shift_right_arithmetic3A_1004 = arith.shrsi %squeeze3A_1002, %shift_right_arithmetic3A_1003 : i32
        %shift_left3A_1005 = arith.constant 7 : i32
        %shift_left3A_1006 = arith.shli %shift_right_arithmetic3A_1004, %shift_left3A_1005 : i32
        %multiple_of3A_1007 = tpu.assume_multiple %shift_left3A_1006, 128 : i32
        %dma_start3A_1008 = arith.constant 0 : i32
        %dma_start3A_1009 = arith.constant 1 : i32
        %dma_start3A_1010 = arith.constant 0 : i32
        %dma_start3A_1011 = arith.constant 0 : i32
        %dma_start3A_1012 = tpu.memref_slice %arg6[%dma_start3A_1008, %dma_start3A_1009, %dma_start3A_1010, %dma_start3A_1011] : memref<2x4x64x128xf32, #tpu.memory_space<vmem>> -> memref<1x1x64x128xf32, #tpu.memory_space<vmem>>
        %dma_start3A_1013 = tpu.memref_squeeze %dma_start3A_1012 : memref<1x1x64x128xf32, #tpu.memory_space<vmem>> -> memref<64x128xf32, #tpu.memory_space<vmem>>
        %dma_start3A_1014 = arith.constant 0 : i32
        %dma_start3A_1015 = tpu.memref_slice %arg3[%dma_start3A_1014, %multiple_of3A_1007] : memref<64x1000000xf32, #tpu.memory_space<hbm>> -> memref<64x128xf32, #tpu.memory_space<hbm>>
        %dma_start3A_1016 = arith.constant 0 : i32
        %dma_start3A_1017 = arith.constant 0 : i32
        %dma_start3A_1018 = tpu.memref_slice %arg6[%dma_start3A_1008, %dma_start3A_1009, %dma_start3A_1016, %dma_start3A_1017] : memref<2x4x64x128xf32, #tpu.memory_space<vmem>> -> memref<1x1x64x128xf32, #tpu.memory_space<vmem>>
        %dma_start3A_1019 = tpu.memref_squeeze %dma_start3A_1018 : memref<1x1x64x128xf32, #tpu.memory_space<vmem>> -> memref<64x128xf32, #tpu.memory_space<vmem>>
        %dma_start3A_1020 = arith.constant 0 : i32
        %dma_start3A_1021 = tpu.memref_slice %arg3[%dma_start3A_1020, %multiple_of3A_1007] : memref<64x1000000xf32, #tpu.memory_space<hbm>> -> memref<64x128xf32, #tpu.memory_space<hbm>>
        tpu.enqueue_dma source(%dma_start3A_1021 : memref<64x128xf32, #tpu.memory_space<hbm>>) target(%dma_start3A_1019 : memref<64x128xf32, #tpu.memory_space<vmem>>) target_semaphore(%arg8 : memref<!tpu.dma_semaphore, #tpu.memory_space<semaphore_mem>>)
        %slice3A_1022 = vector.extract_strided_slice %get3A_979 {offsets = [2], sizes = [1], strides = [1]} : vector<16xi32> to vector<1xi32>
        %squeeze3A_1023 = vector.extract %slice3A_1022[0] : i32 from vector<1xi32>
        %shift_right_arithmetic3A_1024 = arith.constant 7 : i32
        %shift_right_arithmetic3A_1025 = arith.shrsi %squeeze3A_1023, %shift_right_arithmetic3A_1024 : i32
        %shift_left3A_1026 = arith.constant 7 : i32
        %shift_left3A_1027 = arith.shli %shift_right_arithmetic3A_1025, %shift_left3A_1026 : i32
        %multiple_of3A_1028 = tpu.assume_multiple %shift_left3A_1027, 128 : i32
        %dma_start3A_1029 = arith.constant 0 : i32
        %dma_start3A_1030 = arith.constant 2 : i32
        %dma_start3A_1031 = arith.constant 0 : i32
        %dma_start3A_1032 = arith.constant 0 : i32
        %dma_start3A_1033 = tpu.memref_slice %arg6[%dma_start3A_1029, %dma_start3A_1030, %dma_start3A_1031, %dma_start3A_1032] : memref<2x4x64x128xf32, #tpu.memory_space<vmem>> -> memref<1x1x64x128xf32, #tpu.memory_space<vmem>>
        %dma_start3A_1034 = tpu.memref_squeeze %dma_start3A_1033 : memref<1x1x64x128xf32, #tpu.memory_space<vmem>> -> memref<64x128xf32, #tpu.memory_space<vmem>>
        %dma_start3A_1035 = arith.constant 0 : i32
        %dma_start3A_1036 = tpu.memref_slice %arg3[%dma_start3A_1035, %multiple_of3A_1028] : memref<64x1000000xf32, #tpu.memory_space<hbm>> -> memref<64x128xf32, #tpu.memory_space<hbm>>
        %dma_start3A_1037 = arith.constant 0 : i32
        %dma_start3A_1038 = arith.constant 0 : i32
        %dma_start3A_1039 = tpu.memref_slice %arg6[%dma_start3A_1029, %dma_start3A_1030, %dma_start3A_1037, %dma_start3A_1038] : memref<2x4x64x128xf32, #tpu.memory_space<vmem>> -> memref<1x1x64x128xf32, #tpu.memory_space<vmem>>
        %dma_start3A_1040 = tpu.memref_squeeze %dma_start3A_1039 : memref<1x1x64x128xf32, #tpu.memory_space<vmem>> -> memref<64x128xf32, #tpu.memory_space<vmem>>
        %dma_start3A_1041 = arith.constant 0 : i32
        %dma_start3A_1042 = tpu.memref_slice %arg3[%dma_start3A_1041, %multiple_of3A_1028] : memref<64x1000000xf32, #tpu.memory_space<hbm>> -> memref<64x128xf32, #tpu.memory_space<hbm>>
        tpu.enqueue_dma source(%dma_start3A_1042 : memref<64x128xf32, #tpu.memory_space<hbm>>) target(%dma_start3A_1040 : memref<64x128xf32, #tpu.memory_space<vmem>>) target_semaphore(%arg8 : memref<!tpu.dma_semaphore, #tpu.memory_space<semaphore_mem>>)
        %slice3A_1043 = vector.extract_strided_slice %get3A_979 {offsets = [3], sizes = [1], strides = [1]} : vector<16xi32> to vector<1xi32>
        %squeeze3A_1044 = vector.extract %slice3A_1043[0] : i32 from vector<1xi32>
        %shift_right_arithmetic3A_1045 = arith.constant 7 : i32
        %shift_right_arithmetic3A_1046 = arith.shrsi %squeeze3A_1044, %shift_right_arithmetic3A_1045 : i32
        %shift_left3A_1047 = arith.constant 7 : i32
        %shift_left3A_1048 = arith.shli %shift_right_arithmetic3A_1046, %shift_left3A_1047 : i32
        %multiple_of3A_1049 = tpu.assume_multiple %shift_left3A_1048, 128 : i32
        %dma_start3A_1050 = arith.constant 0 : i32
        %dma_start3A_1051 = arith.constant 3 : i32
        %dma_start3A_1052 = arith.constant 0 : i32
        %dma_start3A_1053 = arith.constant 0 : i32
        %dma_start3A_1054 = tpu.memref_slice %arg6[%dma_start3A_1050, %dma_start3A_1051, %dma_start3A_1052, %dma_start3A_1053] : memref<2x4x64x128xf32, #tpu.memory_space<vmem>> -> memref<1x1x64x128xf32, #tpu.memory_space<vmem>>
        %dma_start3A_1055 = tpu.memref_squeeze %dma_start3A_1054 : memref<1x1x64x128xf32, #tpu.memory_space<vmem>> -> memref<64x128xf32, #tpu.memory_space<vmem>>
        %dma_start3A_1056 = arith.constant 0 : i32
        %dma_start3A_1057 = tpu.memref_slice %arg3[%dma_start3A_1056, %multiple_of3A_1049] : memref<64x1000000xf32, #tpu.memory_space<hbm>> -> memref<64x128xf32, #tpu.memory_space<hbm>>
        %dma_start3A_1058 = arith.constant 0 : i32
        %dma_start3A_1059 = arith.constant 0 : i32
        %dma_start3A_1060 = tpu.memref_slice %arg6[%dma_start3A_1050, %dma_start3A_1051, %dma_start3A_1058, %dma_start3A_1059] : memref<2x4x64x128xf32, #tpu.memory_space<vmem>> -> memref<1x1x64x128xf32, #tpu.memory_space<vmem>>
        %dma_start3A_1061 = tpu.memref_squeeze %dma_start3A_1060 : memref<1x1x64x128xf32, #tpu.memory_space<vmem>> -> memref<64x128xf32, #tpu.memory_space<vmem>>
        %dma_start3A_1062 = arith.constant 0 : i32
        %dma_start3A_1063 = tpu.memref_slice %arg3[%dma_start3A_1062, %multiple_of3A_1049] : memref<64x1000000xf32, #tpu.memory_space<hbm>> -> memref<64x128xf32, #tpu.memory_space<hbm>>
        tpu.enqueue_dma source(%dma_start3A_1063 : memref<64x128xf32, #tpu.memory_space<hbm>>) target(%dma_start3A_1061 : memref<64x128xf32, #tpu.memory_space<vmem>>) target_semaphore(%arg8 : memref<!tpu.dma_semaphore, #tpu.memory_space<semaphore_mem>>)
      } else {
      }
      %dma_wait3A_681 = arith.constant 1 : i32
      %dma_wait3A_682 = arith.constant 0 : i32
      %dma_wait3A_683 = arith.constant 0 : i32
      %dma_wait3A_684 = arith.constant 0 : i32
      %dma_wait3A_685 = tpu.memref_slice %arg6[%dma_wait3A_681, %dma_wait3A_682, %dma_wait3A_683, %dma_wait3A_684] : memref<2x4x64x128xf32, #tpu.memory_space<vmem>> -> memref<1x1x64x128xf32, #tpu.memory_space<vmem>>
      %dma_wait3A_686 = tpu.memref_squeeze %dma_wait3A_685 : memref<1x1x64x128xf32, #tpu.memory_space<vmem>> -> memref<64x128xf32, #tpu.memory_space<vmem>>
      %dma_wait3A_687 = arith.constant 0 : i32
      %dma_wait3A_688 = arith.constant 0 : i32
      %dma_wait3A_689 = tpu.memref_slice %arg3[%dma_wait3A_687, %dma_wait3A_688] : memref<64x1000000xf32, #tpu.memory_space<hbm>> -> memref<64x128xf32, #tpu.memory_space<hbm>>
      %dma_wait3A_690 = arith.constant 0 : i32
      %dma_wait3A_691 = arith.constant 0 : i32
      %dma_wait3A_692 = tpu.memref_slice %arg6[%dma_wait3A_681, %dma_wait3A_682, %dma_wait3A_690, %dma_wait3A_691] : memref<2x4x64x128xf32, #tpu.memory_space<vmem>> -> memref<1x1x64x128xf32, #tpu.memory_space<vmem>>
      %dma_wait3A_693 = tpu.memref_squeeze %dma_wait3A_692 : memref<1x1x64x128xf32, #tpu.memory_space<vmem>> -> memref<64x128xf32, #tpu.memory_space<vmem>>
      %dma_wait3A_694 = arith.constant 0 : i32
      %dma_wait3A_695 = arith.constant 0 : i32
      %dma_wait3A_696 = tpu.memref_slice %arg3[%dma_wait3A_694, %dma_wait3A_695] : memref<64x1000000xf32, #tpu.memory_space<hbm>> -> memref<64x128xf32, #tpu.memory_space<hbm>>
      tpu.wait_dma2 semaphore(%arg9 : memref<!tpu.dma_semaphore, #tpu.memory_space<semaphore_mem>>) src(%dma_wait3A_696 : memref<64x128xf32, #tpu.memory_space<hbm>>) dst(%dma_wait3A_693 : memref<64x128xf32, #tpu.memory_space<vmem>>)
      %dma_wait3A_697 = arith.constant 1 : i32
      %dma_wait3A_698 = arith.constant 1 : i32
      %dma_wait3A_699 = arith.constant 0 : i32
      %dma_wait3A_700 = arith.constant 0 : i32
      %dma_wait3A_701 = tpu.memref_slice %arg6[%dma_wait3A_697, %dma_wait3A_698, %dma_wait3A_699, %dma_wait3A_700] : memref<2x4x64x128xf32, #tpu.memory_space<vmem>> -> memref<1x1x64x128xf32, #tpu.memory_space<vmem>>
      %dma_wait3A_702 = tpu.memref_squeeze %dma_wait3A_701 : memref<1x1x64x128xf32, #tpu.memory_space<vmem>> -> memref<64x128xf32, #tpu.memory_space<vmem>>
      %dma_wait3A_703 = arith.constant 0 : i32
      %dma_wait3A_704 = arith.constant 0 : i32
      %dma_wait3A_705 = tpu.memref_slice %arg3[%dma_wait3A_703, %dma_wait3A_704] : memref<64x1000000xf32, #tpu.memory_space<hbm>> -> memref<64x128xf32, #tpu.memory_space<hbm>>
      %dma_wait3A_706 = arith.constant 0 : i32
      %dma_wait3A_707 = arith.constant 0 : i32
      %dma_wait3A_708 = tpu.memref_slice %arg6[%dma_wait3A_697, %dma_wait3A_698, %dma_wait3A_706, %dma_wait3A_707] : memref<2x4x64x128xf32, #tpu.memory_space<vmem>> -> memref<1x1x64x128xf32, #tpu.memory_space<vmem>>
      %dma_wait3A_709 = tpu.memref_squeeze %dma_wait3A_708 : memref<1x1x64x128xf32, #tpu.memory_space<vmem>> -> memref<64x128xf32, #tpu.memory_space<vmem>>
      %dma_wait3A_710 = arith.constant 0 : i32
      %dma_wait3A_711 = arith.constant 0 : i32
      %dma_wait3A_712 = tpu.memref_slice %arg3[%dma_wait3A_710, %dma_wait3A_711] : memref<64x1000000xf32, #tpu.memory_space<hbm>> -> memref<64x128xf32, #tpu.memory_space<hbm>>
      tpu.wait_dma2 semaphore(%arg9 : memref<!tpu.dma_semaphore, #tpu.memory_space<semaphore_mem>>) src(%dma_wait3A_712 : memref<64x128xf32, #tpu.memory_space<hbm>>) dst(%dma_wait3A_709 : memref<64x128xf32, #tpu.memory_space<vmem>>)
      %dma_wait3A_713 = arith.constant 1 : i32
      %dma_wait3A_714 = arith.constant 2 : i32
      %dma_wait3A_715 = arith.constant 0 : i32
      %dma_wait3A_716 = arith.constant 0 : i32
      %dma_wait3A_717 = tpu.memref_slice %arg6[%dma_wait3A_713, %dma_wait3A_714, %dma_wait3A_715, %dma_wait3A_716] : memref<2x4x64x128xf32, #tpu.memory_space<vmem>> -> memref<1x1x64x128xf32, #tpu.memory_space<vmem>>
      %dma_wait3A_718 = tpu.memref_squeeze %dma_wait3A_717 : memref<1x1x64x128xf32, #tpu.memory_space<vmem>> -> memref<64x128xf32, #tpu.memory_space<vmem>>
      %dma_wait3A_719 = arith.constant 0 : i32
      %dma_wait3A_720 = arith.constant 0 : i32
      %dma_wait3A_721 = tpu.memref_slice %arg3[%dma_wait3A_719, %dma_wait3A_720] : memref<64x1000000xf32, #tpu.memory_space<hbm>> -> memref<64x128xf32, #tpu.memory_space<hbm>>
      %dma_wait3A_722 = arith.constant 0 : i32
      %dma_wait3A_723 = arith.constant 0 : i32
      %dma_wait3A_724 = tpu.memref_slice %arg6[%dma_wait3A_713, %dma_wait3A_714, %dma_wait3A_722, %dma_wait3A_723] : memref<2x4x64x128xf32, #tpu.memory_space<vmem>> -> memref<1x1x64x128xf32, #tpu.memory_space<vmem>>
      %dma_wait3A_725 = tpu.memref_squeeze %dma_wait3A_724 : memref<1x1x64x128xf32, #tpu.memory_space<vmem>> -> memref<64x128xf32, #tpu.memory_space<vmem>>
      %dma_wait3A_726 = arith.constant 0 : i32
      %dma_wait3A_727 = arith.constant 0 : i32
      %dma_wait3A_728 = tpu.memref_slice %arg3[%dma_wait3A_726, %dma_wait3A_727] : memref<64x1000000xf32, #tpu.memory_space<hbm>> -> memref<64x128xf32, #tpu.memory_space<hbm>>
      tpu.wait_dma2 semaphore(%arg9 : memref<!tpu.dma_semaphore, #tpu.memory_space<semaphore_mem>>) src(%dma_wait3A_728 : memref<64x128xf32, #tpu.memory_space<hbm>>) dst(%dma_wait3A_725 : memref<64x128xf32, #tpu.memory_space<vmem>>)
      %dma_wait3A_729 = arith.constant 1 : i32
      %dma_wait3A_730 = arith.constant 3 : i32
      %dma_wait3A_731 = arith.constant 0 : i32
      %dma_wait3A_732 = arith.constant 0 : i32
      %dma_wait3A_733 = tpu.memref_slice %arg6[%dma_wait3A_729, %dma_wait3A_730, %dma_wait3A_731, %dma_wait3A_732] : memref<2x4x64x128xf32, #tpu.memory_space<vmem>> -> memref<1x1x64x128xf32, #tpu.memory_space<vmem>>
      %dma_wait3A_734 = tpu.memref_squeeze %dma_wait3A_733 : memref<1x1x64x128xf32, #tpu.memory_space<vmem>> -> memref<64x128xf32, #tpu.memory_space<vmem>>
      %dma_wait3A_735 = arith.constant 0 : i32
      %dma_wait3A_736 = arith.constant 0 : i32
      %dma_wait3A_737 = tpu.memref_slice %arg3[%dma_wait3A_735, %dma_wait3A_736] : memref<64x1000000xf32, #tpu.memory_space<hbm>> -> memref<64x128xf32, #tpu.memory_space<hbm>>
      %dma_wait3A_738 = arith.constant 0 : i32
      %dma_wait3A_739 = arith.constant 0 : i32
      %dma_wait3A_740 = tpu.memref_slice %arg6[%dma_wait3A_729, %dma_wait3A_730, %dma_wait3A_738, %dma_wait3A_739] : memref<2x4x64x128xf32, #tpu.memory_space<vmem>> -> memref<1x1x64x128xf32, #tpu.memory_space<vmem>>
      %dma_wait3A_741 = tpu.memref_squeeze %dma_wait3A_740 : memref<1x1x64x128xf32, #tpu.memory_space<vmem>> -> memref<64x128xf32, #tpu.memory_space<vmem>>
      %dma_wait3A_742 = arith.constant 0 : i32
      %dma_wait3A_743 = arith.constant 0 : i32
      %dma_wait3A_744 = tpu.memref_slice %arg3[%dma_wait3A_742, %dma_wait3A_743] : memref<64x1000000xf32, #tpu.memory_space<hbm>> -> memref<64x128xf32, #tpu.memory_space<hbm>>
      tpu.wait_dma2 semaphore(%arg9 : memref<!tpu.dma_semaphore, #tpu.memory_space<semaphore_mem>>) src(%dma_wait3A_744 : memref<64x128xf32, #tpu.memory_space<hbm>>) dst(%dma_wait3A_741 : memref<64x128xf32, #tpu.memory_space<vmem>>)
      %add3A_745 = arith.constant 1 : i32
      %add3A_746 = arith.addi %mul3A_397, %add3A_745 : i32
      %mul3A_747 = arith.constant 4 : i32
      %mul3A_748 = arith.muli %add3A_746, %mul3A_747 : i32
      %get3A_749 = arith.index_cast %mul3A_748 : i32 to index
      %get3A_750 = tpu.vector_load %arg5[%get3A_749] {strides = array<i32>} : memref<528xi32, #tpu.memory_space<vmem>>, vector<16xi32>,
      %slice3A_751 = vector.extract_strided_slice %get3A_750 {offsets = [0], sizes = [1], strides = [1]} : vector<16xi32> to vector<1xi32>
      %squeeze3A_752 = vector.extract %slice3A_751[0] : i32 from vector<1xi32>
      %and3A_753 = arith.constant 127 : i32
      %and3A_754 = arith.andi %squeeze3A_752, %and3A_753 : i32
      %broadcast_in_dim3A_755 = vector.broadcast %and3A_754 : i32 to vector<16xi32>
      %mul3A_756 = arith.constant 4 : i32
      %mul3A_757 = arith.muli %add3A_746, %mul3A_756 : i32
      %add3A_758 = arith.constant 0 : i32
      %add3A_759 = arith.addi %mul3A_757, %add3A_758 : i32
      %broadcast_in_dim3A_760 = vector.broadcast %add3A_759 : i32 to vector<16xi32>
      %iota3A_761 = tpu.iota {dimensions = array<i32: 0>} : vector<16xi32>
      %add3A_762 = arith.constant 0 : i32
      %add3A_763 = vector.broadcast %add3A_762 : i32 to vector<16xi32>
      %add3A_764 = arith.addi %iota3A_761, %add3A_763 : vector<16xi32>
      %gather3A_765 = arith.constant 1 : i32
      %gather3A_766 = arith.constant 0 : i32
      %gather3A_767 = arith.constant 0 : i32
      %gather3A_768 = arith.constant 0 : i32
      %gather3A_769 = tpu.memref_slice %arg6[%gather3A_765, %gather3A_766, %gather3A_767, %gather3A_768] : memref<2x4x64x128xf32, #tpu.memory_space<vmem>> -> memref<1x1x64x128xf32, #tpu.memory_space<vmem>>
      %gather3A_770 = tpu.memref_squeeze %gather3A_769 : memref<1x1x64x128xf32, #tpu.memory_space<vmem>> -> memref<64x128xf32, #tpu.memory_space<vmem>>
      %gather3A_771 = tpu.vector_load_idx %gather3A_770[%add3A_764, %broadcast_in_dim3A_755] : memref<64x128xf32, #tpu.memory_space<vmem>>[vector<16xi32>, vector<16xi32>], vector<16xf32>,
      tpu.vector_store_idx %arg7[%add3A_764, %broadcast_in_dim3A_760], %gather3A_771 : memref<64x512xf32, #tpu.memory_space<vmem>>[vector<16xi32>, vector<16xi32>], vector<16xf32>,
      %iota3A_772 = tpu.iota {dimensions = array<i32: 0>} : vector<16xi32>
      %add3A_773 = arith.constant 16 : i32
      %add3A_774 = vector.broadcast %add3A_773 : i32 to vector<16xi32>
      %add3A_775 = arith.addi %iota3A_772, %add3A_774 : vector<16xi32>
      %gather3A_776 = arith.constant 1 : i32
      %gather3A_777 = arith.constant 0 : i32
      %gather3A_778 = arith.constant 0 : i32
      %gather3A_779 = arith.constant 0 : i32
      %gather3A_780 = tpu.memref_slice %arg6[%gather3A_776, %gather3A_777, %gather3A_778, %gather3A_779] : memref<2x4x64x128xf32, #tpu.memory_space<vmem>> -> memref<1x1x64x128xf32, #tpu.memory_space<vmem>>
      %gather3A_781 = tpu.memref_squeeze %gather3A_780 : memref<1x1x64x128xf32, #tpu.memory_space<vmem>> -> memref<64x128xf32, #tpu.memory_space<vmem>>
      %gather3A_782 = tpu.vector_load_idx %gather3A_781[%add3A_775, %broadcast_in_dim3A_755] : memref<64x128xf32, #tpu.memory_space<vmem>>[vector<16xi32>, vector<16xi32>], vector<16xf32>,
      tpu.vector_store_idx %arg7[%add3A_775, %broadcast_in_dim3A_760], %gather3A_782 : memref<64x512xf32, #tpu.memory_space<vmem>>[vector<16xi32>, vector<16xi32>], vector<16xf32>,
      %iota3A_783 = tpu.iota {dimensions = array<i32: 0>} : vector<16xi32>
      %add3A_784 = arith.constant 32 : i32
      %add3A_785 = vector.broadcast %add3A_784 : i32 to vector<16xi32>
      %add3A_786 = arith.addi %iota3A_783, %add3A_785 : vector<16xi32>
      %gather3A_787 = arith.constant 1 : i32
      %gather3A_788 = arith.constant 0 : i32
      %gather3A_789 = arith.constant 0 : i32
      %gather3A_790 = arith.constant 0 : i32
      %gather3A_791 = tpu.memref_slice %arg6[%gather3A_787, %gather3A_788, %gather3A_789, %gather3A_790] : memref<2x4x64x128xf32, #tpu.memory_space<vmem>> -> memref<1x1x64x128xf32, #tpu.memory_space<vmem>>
      %gather3A_792 = tpu.memref_squeeze %gather3A_791 : memref<1x1x64x128xf32, #tpu.memory_space<vmem>> -> memref<64x128xf32, #tpu.memory_space<vmem>>
      %gather3A_793 = tpu.vector_load_idx %gather3A_792[%add3A_786, %broadcast_in_dim3A_755] : memref<64x128xf32, #tpu.memory_space<vmem>>[vector<16xi32>, vector<16xi32>], vector<16xf32>,
      tpu.vector_store_idx %arg7[%add3A_786, %broadcast_in_dim3A_760], %gather3A_793 : memref<64x512xf32, #tpu.memory_space<vmem>>[vector<16xi32>, vector<16xi32>], vector<16xf32>,
      %iota3A_794 = tpu.iota {dimensions = array<i32: 0>} : vector<16xi32>
      %add3A_795 = arith.constant 48 : i32
      %add3A_796 = vector.broadcast %add3A_795 : i32 to vector<16xi32>
      %add3A_797 = arith.addi %iota3A_794, %add3A_796 : vector<16xi32>
      %gather3A_798 = arith.constant 1 : i32
      %gather3A_799 = arith.constant 0 : i32
      %gather3A_800 = arith.constant 0 : i32
      %gather3A_801 = arith.constant 0 : i32
      %gather3A_802 = tpu.memref_slice %arg6[%gather3A_798, %gather3A_799, %gather3A_800, %gather3A_801] : memref<2x4x64x128xf32, #tpu.memory_space<vmem>> -> memref<1x1x64x128xf32, #tpu.memory_space<vmem>>
      %gather3A_803 = tpu.memref_squeeze %gather3A_802 : memref<1x1x64x128xf32, #tpu.memory_space<vmem>> -> memref<64x128xf32, #tpu.memory_space<vmem>>
      %gather3A_804 = tpu.vector_load_idx %gather3A_803[%add3A_797, %broadcast_in_dim3A_755] : memref<64x128xf32, #tpu.memory_space<vmem>>[vector<16xi32>, vector<16xi32>], vector<16xf32>,
      tpu.vector_store_idx %arg7[%add3A_797, %broadcast_in_dim3A_760], %gather3A_804 : memref<64x512xf32, #tpu.memory_space<vmem>>[vector<16xi32>, vector<16xi32>], vector<16xf32>,
      %slice3A_805 = vector.extract_strided_slice %get3A_750 {offsets = [1], sizes = [1], strides = [1]} : vector<16xi32> to vector<1xi32>
      %squeeze3A_806 = vector.extract %slice3A_805[0] : i32 from vector<1xi32>
      %and3A_807 = arith.constant 127 : i32
      %and3A_808 = arith.andi %squeeze3A_806, %and3A_807 : i32
      %broadcast_in_dim3A_809 = vector.broadcast %and3A_808 : i32 to vector<16xi32>
      %mul3A_810 = arith.constant 4 : i32
      %mul3A_811 = arith.muli %add3A_746, %mul3A_810 : i32
      %add3A_812 = arith.constant 1 : i32
      %add3A_813 = arith.addi %mul3A_811, %add3A_812 : i32
      %broadcast_in_dim3A_814 = vector.broadcast %add3A_813 : i32 to vector<16xi32>
      %iota3A_815 = tpu.iota {dimensions = array<i32: 0>} : vector<16xi32>
      %add3A_816 = arith.constant 0 : i32
      %add3A_817 = vector.broadcast %add3A_816 : i32 to vector<16xi32>
      %add3A_818 = arith.addi %iota3A_815, %add3A_817 : vector<16xi32>
      %gather3A_819 = arith.constant 1 : i32
      %gather3A_820 = arith.constant 1 : i32
      %gather3A_821 = arith.constant 0 : i32
      %gather3A_822 = arith.constant 0 : i32
      %gather3A_823 = tpu.memref_slice %arg6[%gather3A_819, %gather3A_820, %gather3A_821, %gather3A_822] : memref<2x4x64x128xf32, #tpu.memory_space<vmem>> -> memref<1x1x64x128xf32, #tpu.memory_space<vmem>>
      %gather3A_824 = tpu.memref_squeeze %gather3A_823 : memref<1x1x64x128xf32, #tpu.memory_space<vmem>> -> memref<64x128xf32, #tpu.memory_space<vmem>>
      %gather3A_825 = tpu.vector_load_idx %gather3A_824[%add3A_818, %broadcast_in_dim3A_809] : memref<64x128xf32, #tpu.memory_space<vmem>>[vector<16xi32>, vector<16xi32>], vector<16xf32>,
      tpu.vector_store_idx %arg7[%add3A_818, %broadcast_in_dim3A_814], %gather3A_825 : memref<64x512xf32, #tpu.memory_space<vmem>>[vector<16xi32>, vector<16xi32>], vector<16xf32>,
      %iota3A_826 = tpu.iota {dimensions = array<i32: 0>} : vector<16xi32>
      %add3A_827 = arith.constant 16 : i32
      %add3A_828 = vector.broadcast %add3A_827 : i32 to vector<16xi32>
      %add3A_829 = arith.addi %iota3A_826, %add3A_828 : vector<16xi32>
      %gather3A_830 = arith.constant 1 : i32
      %gather3A_831 = arith.constant 1 : i32
      %gather3A_832 = arith.constant 0 : i32
      %gather3A_833 = arith.constant 0 : i32
      %gather3A_834 = tpu.memref_slice %arg6[%gather3A_830, %gather3A_831, %gather3A_832, %gather3A_833] : memref<2x4x64x128xf32, #tpu.memory_space<vmem>> -> memref<1x1x64x128xf32, #tpu.memory_space<vmem>>
      %gather3A_835 = tpu.memref_squeeze %gather3A_834 : memref<1x1x64x128xf32, #tpu.memory_space<vmem>> -> memref<64x128xf32, #tpu.memory_space<vmem>>
      %gather3A_836 = tpu.vector_load_idx %gather3A_835[%add3A_829, %broadcast_in_dim3A_809] : memref<64x128xf32, #tpu.memory_space<vmem>>[vector<16xi32>, vector<16xi32>], vector<16xf32>,
      tpu.vector_store_idx %arg7[%add3A_829, %broadcast_in_dim3A_814], %gather3A_836 : memref<64x512xf32, #tpu.memory_space<vmem>>[vector<16xi32>, vector<16xi32>], vector<16xf32>,
      %iota3A_837 = tpu.iota {dimensions = array<i32: 0>} : vector<16xi32>
      %add3A_838 = arith.constant 32 : i32
      %add3A_839 = vector.broadcast %add3A_838 : i32 to vector<16xi32>
      %add3A_840 = arith.addi %iota3A_837, %add3A_839 : vector<16xi32>
      %gather3A_841 = arith.constant 1 : i32
      %gather3A_842 = arith.constant 1 : i32
      %gather3A_843 = arith.constant 0 : i32
      %gather3A_844 = arith.constant 0 : i32
      %gather3A_845 = tpu.memref_slice %arg6[%gather3A_841, %gather3A_842, %gather3A_843, %gather3A_844] : memref<2x4x64x128xf32, #tpu.memory_space<vmem>> -> memref<1x1x64x128xf32, #tpu.memory_space<vmem>>
      %gather3A_846 = tpu.memref_squeeze %gather3A_845 : memref<1x1x64x128xf32, #tpu.memory_space<vmem>> -> memref<64x128xf32, #tpu.memory_space<vmem>>
      %gather3A_847 = tpu.vector_load_idx %gather3A_846[%add3A_840, %broadcast_in_dim3A_809] : memref<64x128xf32, #tpu.memory_space<vmem>>[vector<16xi32>, vector<16xi32>], vector<16xf32>,
      tpu.vector_store_idx %arg7[%add3A_840, %broadcast_in_dim3A_814], %gather3A_847 : memref<64x512xf32, #tpu.memory_space<vmem>>[vector<16xi32>, vector<16xi32>], vector<16xf32>,
      %iota3A_848 = tpu.iota {dimensions = array<i32: 0>} : vector<16xi32>
      %add3A_849 = arith.constant 48 : i32
      %add3A_850 = vector.broadcast %add3A_849 : i32 to vector<16xi32>
      %add3A_851 = arith.addi %iota3A_848, %add3A_850 : vector<16xi32>
      %gather3A_852 = arith.constant 1 : i32
      %gather3A_853 = arith.constant 1 : i32
      %gather3A_854 = arith.constant 0 : i32
      %gather3A_855 = arith.constant 0 : i32
      %gather3A_856 = tpu.memref_slice %arg6[%gather3A_852, %gather3A_853, %gather3A_854, %gather3A_855] : memref<2x4x64x128xf32, #tpu.memory_space<vmem>> -> memref<1x1x64x128xf32, #tpu.memory_space<vmem>>
      %gather3A_857 = tpu.memref_squeeze %gather3A_856 : memref<1x1x64x128xf32, #tpu.memory_space<vmem>> -> memref<64x128xf32, #tpu.memory_space<vmem>>
      %gather3A_858 = tpu.vector_load_idx %gather3A_857[%add3A_851, %broadcast_in_dim3A_809] : memref<64x128xf32, #tpu.memory_space<vmem>>[vector<16xi32>, vector<16xi32>], vector<16xf32>,
      tpu.vector_store_idx %arg7[%add3A_851, %broadcast_in_dim3A_814], %gather3A_858 : memref<64x512xf32, #tpu.memory_space<vmem>>[vector<16xi32>, vector<16xi32>], vector<16xf32>,
      %slice3A_859 = vector.extract_strided_slice %get3A_750 {offsets = [2], sizes = [1], strides = [1]} : vector<16xi32> to vector<1xi32>
      %squeeze3A_860 = vector.extract %slice3A_859[0] : i32 from vector<1xi32>
      %and3A_861 = arith.constant 127 : i32
      %and3A_862 = arith.andi %squeeze3A_860, %and3A_861 : i32
      %broadcast_in_dim3A_863 = vector.broadcast %and3A_862 : i32 to vector<16xi32>
      %mul3A_864 = arith.constant 4 : i32
      %mul3A_865 = arith.muli %add3A_746, %mul3A_864 : i32
      %add3A_866 = arith.constant 2 : i32
      %add3A_867 = arith.addi %mul3A_865, %add3A_866 : i32
      %broadcast_in_dim3A_868 = vector.broadcast %add3A_867 : i32 to vector<16xi32>
      %iota3A_869 = tpu.iota {dimensions = array<i32: 0>} : vector<16xi32>
      %add3A_870 = arith.constant 0 : i32
      %add3A_871 = vector.broadcast %add3A_870 : i32 to vector<16xi32>
      %add3A_872 = arith.addi %iota3A_869, %add3A_871 : vector<16xi32>
      %gather3A_873 = arith.constant 1 : i32
      %gather3A_874 = arith.constant 2 : i32
      %gather3A_875 = arith.constant 0 : i32
      %gather3A_876 = arith.constant 0 : i32
      %gather3A_877 = tpu.memref_slice %arg6[%gather3A_873, %gather3A_874, %gather3A_875, %gather3A_876] : memref<2x4x64x128xf32, #tpu.memory_space<vmem>> -> memref<1x1x64x128xf32, #tpu.memory_space<vmem>>
      %gather3A_878 = tpu.memref_squeeze %gather3A_877 : memref<1x1x64x128xf32, #tpu.memory_space<vmem>> -> memref<64x128xf32, #tpu.memory_space<vmem>>
      %gather3A_879 = tpu.vector_load_idx %gather3A_878[%add3A_872, %broadcast_in_dim3A_863] : memref<64x128xf32, #tpu.memory_space<vmem>>[vector<16xi32>, vector<16xi32>], vector<16xf32>,
      tpu.vector_store_idx %arg7[%add3A_872, %broadcast_in_dim3A_868], %gather3A_879 : memref<64x512xf32, #tpu.memory_space<vmem>>[vector<16xi32>, vector<16xi32>], vector<16xf32>,
      %iota3A_880 = tpu.iota {dimensions = array<i32: 0>} : vector<16xi32>
      %add3A_881 = arith.constant 16 : i32
      %add3A_882 = vector.broadcast %add3A_881 : i32 to vector<16xi32>
      %add3A_883 = arith.addi %iota3A_880, %add3A_882 : vector<16xi32>
      %gather3A_884 = arith.constant 1 : i32
      %gather3A_885 = arith.constant 2 : i32
      %gather3A_886 = arith.constant 0 : i32
      %gather3A_887 = arith.constant 0 : i32
      %gather3A_888 = tpu.memref_slice %arg6[%gather3A_884, %gather3A_885, %gather3A_886, %gather3A_887] : memref<2x4x64x128xf32, #tpu.memory_space<vmem>> -> memref<1x1x64x128xf32, #tpu.memory_space<vmem>>
      %gather3A_889 = tpu.memref_squeeze %gather3A_888 : memref<1x1x64x128xf32, #tpu.memory_space<vmem>> -> memref<64x128xf32, #tpu.memory_space<vmem>>
      %gather3A_890 = tpu.vector_load_idx %gather3A_889[%add3A_883, %broadcast_in_dim3A_863] : memref<64x128xf32, #tpu.memory_space<vmem>>[vector<16xi32>, vector<16xi32>], vector<16xf32>,
      tpu.vector_store_idx %arg7[%add3A_883, %broadcast_in_dim3A_868], %gather3A_890 : memref<64x512xf32, #tpu.memory_space<vmem>>[vector<16xi32>, vector<16xi32>], vector<16xf32>,
      %iota3A_891 = tpu.iota {dimensions = array<i32: 0>} : vector<16xi32>
      %add3A_892 = arith.constant 32 : i32
      %add3A_893 = vector.broadcast %add3A_892 : i32 to vector<16xi32>
      %add3A_894 = arith.addi %iota3A_891, %add3A_893 : vector<16xi32>
      %gather3A_895 = arith.constant 1 : i32
      %gather3A_896 = arith.constant 2 : i32
      %gather3A_897 = arith.constant 0 : i32
      %gather3A_898 = arith.constant 0 : i32
      %gather3A_899 = tpu.memref_slice %arg6[%gather3A_895, %gather3A_896, %gather3A_897, %gather3A_898] : memref<2x4x64x128xf32, #tpu.memory_space<vmem>> -> memref<1x1x64x128xf32, #tpu.memory_space<vmem>>
      %gather3A_900 = tpu.memref_squeeze %gather3A_899 : memref<1x1x64x128xf32, #tpu.memory_space<vmem>> -> memref<64x128xf32, #tpu.memory_space<vmem>>
      %gather3A_901 = tpu.vector_load_idx %gather3A_900[%add3A_894, %broadcast_in_dim3A_863] : memref<64x128xf32, #tpu.memory_space<vmem>>[vector<16xi32>, vector<16xi32>], vector<16xf32>,
      tpu.vector_store_idx %arg7[%add3A_894, %broadcast_in_dim3A_868], %gather3A_901 : memref<64x512xf32, #tpu.memory_space<vmem>>[vector<16xi32>, vector<16xi32>], vector<16xf32>,
      %iota3A_902 = tpu.iota {dimensions = array<i32: 0>} : vector<16xi32>
      %add3A_903 = arith.constant 48 : i32
      %add3A_904 = vector.broadcast %add3A_903 : i32 to vector<16xi32>
      %add3A_905 = arith.addi %iota3A_902, %add3A_904 : vector<16xi32>
      %gather3A_906 = arith.constant 1 : i32
      %gather3A_907 = arith.constant 2 : i32
      %gather3A_908 = arith.constant 0 : i32
      %gather3A_909 = arith.constant 0 : i32
      %gather3A_910 = tpu.memref_slice %arg6[%gather3A_906, %gather3A_907, %gather3A_908, %gather3A_909] : memref<2x4x64x128xf32, #tpu.memory_space<vmem>> -> memref<1x1x64x128xf32, #tpu.memory_space<vmem>>
      %gather3A_911 = tpu.memref_squeeze %gather3A_910 : memref<1x1x64x128xf32, #tpu.memory_space<vmem>> -> memref<64x128xf32, #tpu.memory_space<vmem>>
      %gather3A_912 = tpu.vector_load_idx %gather3A_911[%add3A_905, %broadcast_in_dim3A_863] : memref<64x128xf32, #tpu.memory_space<vmem>>[vector<16xi32>, vector<16xi32>], vector<16xf32>,
      tpu.vector_store_idx %arg7[%add3A_905, %broadcast_in_dim3A_868], %gather3A_912 : memref<64x512xf32, #tpu.memory_space<vmem>>[vector<16xi32>, vector<16xi32>], vector<16xf32>,
      %slice3A_913 = vector.extract_strided_slice %get3A_750 {offsets = [3], sizes = [1], strides = [1]} : vector<16xi32> to vector<1xi32>
      %squeeze3A_914 = vector.extract %slice3A_913[0] : i32 from vector<1xi32>
      %and3A_915 = arith.constant 127 : i32
      %and3A_916 = arith.andi %squeeze3A_914, %and3A_915 : i32
      %broadcast_in_dim3A_917 = vector.broadcast %and3A_916 : i32 to vector<16xi32>
      %mul3A_918 = arith.constant 4 : i32
      %mul3A_919 = arith.muli %add3A_746, %mul3A_918 : i32
      %add3A_920 = arith.constant 3 : i32
      %add3A_921 = arith.addi %mul3A_919, %add3A_920 : i32
      %broadcast_in_dim3A_922 = vector.broadcast %add3A_921 : i32 to vector<16xi32>
      %iota3A_923 = tpu.iota {dimensions = array<i32: 0>} : vector<16xi32>
      %add3A_924 = arith.constant 0 : i32
      %add3A_925 = vector.broadcast %add3A_924 : i32 to vector<16xi32>
      %add3A_926 = arith.addi %iota3A_923, %add3A_925 : vector<16xi32>
      %gather3A_927 = arith.constant 1 : i32
      %gather3A_928 = arith.constant 3 : i32
      %gather3A_929 = arith.constant 0 : i32
      %gather3A_930 = arith.constant 0 : i32
      %gather3A_931 = tpu.memref_slice %arg6[%gather3A_927, %gather3A_928, %gather3A_929, %gather3A_930] : memref<2x4x64x128xf32, #tpu.memory_space<vmem>> -> memref<1x1x64x128xf32, #tpu.memory_space<vmem>>
      %gather3A_932 = tpu.memref_squeeze %gather3A_931 : memref<1x1x64x128xf32, #tpu.memory_space<vmem>> -> memref<64x128xf32, #tpu.memory_space<vmem>>
      %gather3A_933 = tpu.vector_load_idx %gather3A_932[%add3A_926, %broadcast_in_dim3A_917] : memref<64x128xf32, #tpu.memory_space<vmem>>[vector<16xi32>, vector<16xi32>], vector<16xf32>,
      tpu.vector_store_idx %arg7[%add3A_926, %broadcast_in_dim3A_922], %gather3A_933 : memref<64x512xf32, #tpu.memory_space<vmem>>[vector<16xi32>, vector<16xi32>], vector<16xf32>,
      %iota3A_934 = tpu.iota {dimensions = array<i32: 0>} : vector<16xi32>
      %add3A_935 = arith.constant 16 : i32
      %add3A_936 = vector.broadcast %add3A_935 : i32 to vector<16xi32>
      %add3A_937 = arith.addi %iota3A_934, %add3A_936 : vector<16xi32>
      %gather3A_938 = arith.constant 1 : i32
      %gather3A_939 = arith.constant 3 : i32
      %gather3A_940 = arith.constant 0 : i32
      %gather3A_941 = arith.constant 0 : i32
      %gather3A_942 = tpu.memref_slice %arg6[%gather3A_938, %gather3A_939, %gather3A_940, %gather3A_941] : memref<2x4x64x128xf32, #tpu.memory_space<vmem>> -> memref<1x1x64x128xf32, #tpu.memory_space<vmem>>
      %gather3A_943 = tpu.memref_squeeze %gather3A_942 : memref<1x1x64x128xf32, #tpu.memory_space<vmem>> -> memref<64x128xf32, #tpu.memory_space<vmem>>
      %gather3A_944 = tpu.vector_load_idx %gather3A_943[%add3A_937, %broadcast_in_dim3A_917] : memref<64x128xf32, #tpu.memory_space<vmem>>[vector<16xi32>, vector<16xi32>], vector<16xf32>,
      tpu.vector_store_idx %arg7[%add3A_937, %broadcast_in_dim3A_922], %gather3A_944 : memref<64x512xf32, #tpu.memory_space<vmem>>[vector<16xi32>, vector<16xi32>], vector<16xf32>,
      %iota3A_945 = tpu.iota {dimensions = array<i32: 0>} : vector<16xi32>
      %add3A_946 = arith.constant 32 : i32
      %add3A_947 = vector.broadcast %add3A_946 : i32 to vector<16xi32>
      %add3A_948 = arith.addi %iota3A_945, %add3A_947 : vector<16xi32>
      %gather3A_949 = arith.constant 1 : i32
      %gather3A_950 = arith.constant 3 : i32
      %gather3A_951 = arith.constant 0 : i32
      %gather3A_952 = arith.constant 0 : i32
      %gather3A_953 = tpu.memref_slice %arg6[%gather3A_949, %gather3A_950, %gather3A_951, %gather3A_952] : memref<2x4x64x128xf32, #tpu.memory_space<vmem>> -> memref<1x1x64x128xf32, #tpu.memory_space<vmem>>
      %gather3A_954 = tpu.memref_squeeze %gather3A_953 : memref<1x1x64x128xf32, #tpu.memory_space<vmem>> -> memref<64x128xf32, #tpu.memory_space<vmem>>
      %gather3A_955 = tpu.vector_load_idx %gather3A_954[%add3A_948, %broadcast_in_dim3A_917] : memref<64x128xf32, #tpu.memory_space<vmem>>[vector<16xi32>, vector<16xi32>], vector<16xf32>,
      tpu.vector_store_idx %arg7[%add3A_948, %broadcast_in_dim3A_922], %gather3A_955 : memref<64x512xf32, #tpu.memory_space<vmem>>[vector<16xi32>, vector<16xi32>], vector<16xf32>,
      %iota3A_956 = tpu.iota {dimensions = array<i32: 0>} : vector<16xi32>
      %add3A_957 = arith.constant 48 : i32
      %add3A_958 = vector.broadcast %add3A_957 : i32 to vector<16xi32>
      %add3A_959 = arith.addi %iota3A_956, %add3A_958 : vector<16xi32>
      %gather3A_960 = arith.constant 1 : i32
      %gather3A_961 = arith.constant 3 : i32
      %gather3A_962 = arith.constant 0 : i32
      %gather3A_963 = arith.constant 0 : i32
      %gather3A_964 = tpu.memref_slice %arg6[%gather3A_960, %gather3A_961, %gather3A_962, %gather3A_963] : memref<2x4x64x128xf32, #tpu.memory_space<vmem>> -> memref<1x1x64x128xf32, #tpu.memory_space<vmem>>
      %gather3A_965 = tpu.memref_squeeze %gather3A_964 : memref<1x1x64x128xf32, #tpu.memory_space<vmem>> -> memref<64x128xf32, #tpu.memory_space<vmem>>
      %gather3A_966 = tpu.vector_load_idx %gather3A_965[%add3A_959, %broadcast_in_dim3A_917] : memref<64x128xf32, #tpu.memory_space<vmem>>[vector<16xi32>, vector<16xi32>], vector<16xf32>,
      tpu.vector_store_idx %arg7[%add3A_959, %broadcast_in_dim3A_922], %gather3A_966 : memref<64x512xf32, #tpu.memory_space<vmem>>[vector<16xi32>, vector<16xi32>], vector<16xf32>,
      %add3A_967 = arith.constant 3 : i32
      %add3A_968 = arith.addi %mul3A_397, %add3A_967 : i32
      %lt3A_969 = arith.constant 128 : i32
      %lt3A_970 = arith.cmpi slt, %add3A_968, %lt3A_969 : i32
      %convert_element_type3A_971 = arith.extui %lt3A_970 : i1 to i32
      %cond3A_972 = arith.constant 0 : i32
      %cond3A_973 = arith.cmpi ne, %convert_element_type3A_971, %cond3A_972 : i32
      scf.if %cond3A_973 {
        %add3A_974 = arith.constant 3 : i32
        %add3A_975 = arith.addi %mul3A_397, %add3A_974 : i32
        %mul3A_976 = arith.constant 4 : i32
        %mul3A_977 = arith.muli %add3A_975, %mul3A_976 : i32
        %get3A_978 = arith.index_cast %mul3A_977 : i32 to index
        %get3A_979 = tpu.vector_load %arg5[%get3A_978] {strides = array<i32>} : memref<528xi32, #tpu.memory_space<vmem>>, vector<16xi32>,
        %slice3A_980 = vector.extract_strided_slice %get3A_979 {offsets = [0], sizes = [1], strides = [1]} : vector<16xi32> to vector<1xi32>
        %squeeze3A_981 = vector.extract %slice3A_980[0] : i32 from vector<1xi32>
        %shift_right_arithmetic3A_982 = arith.constant 7 : i32
        %shift_right_arithmetic3A_983 = arith.shrsi %squeeze3A_981, %shift_right_arithmetic3A_982 : i32
        %shift_left3A_984 = arith.constant 7 : i32
        %shift_left3A_985 = arith.shli %shift_right_arithmetic3A_983, %shift_left3A_984 : i32
        %multiple_of3A_986 = tpu.assume_multiple %shift_left3A_985, 128 : i32
        %dma_start3A_987 = arith.constant 1 : i32
        %dma_start3A_988 = arith.constant 0 : i32
        %dma_start3A_989 = arith.constant 0 : i32
        %dma_start3A_990 = arith.constant 0 : i32
        %dma_start3A_991 = tpu.memref_slice %arg6[%dma_start3A_987, %dma_start3A_988, %dma_start3A_989, %dma_start3A_990] : memref<2x4x64x128xf32, #tpu.memory_space<vmem>> -> memref<1x1x64x128xf32, #tpu.memory_space<vmem>>
        %dma_start3A_992 = tpu.memref_squeeze %dma_start3A_991 : memref<1x1x64x128xf32, #tpu.memory_space<vmem>> -> memref<64x128xf32, #tpu.memory_space<vmem>>
        %dma_start3A_993 = arith.constant 0 : i32
        %dma_start3A_994 = tpu.memref_slice %arg3[%dma_start3A_993, %multiple_of3A_986] : memref<64x1000000xf32, #tpu.memory_space<hbm>> -> memref<64x128xf32, #tpu.memory_space<hbm>>
        %dma_start3A_995 = arith.constant 0 : i32
        %dma_start3A_996 = arith.constant 0 : i32
        %dma_start3A_997 = tpu.memref_slice %arg6[%dma_start3A_987, %dma_start3A_988, %dma_start3A_995, %dma_start3A_996] : memref<2x4x64x128xf32, #tpu.memory_space<vmem>> -> memref<1x1x64x128xf32, #tpu.memory_space<vmem>>
        %dma_start3A_998 = tpu.memref_squeeze %dma_start3A_997 : memref<1x1x64x128xf32, #tpu.memory_space<vmem>> -> memref<64x128xf32, #tpu.memory_space<vmem>>
        %dma_start3A_999 = arith.constant 0 : i32
        %dma_start3A_1000 = tpu.memref_slice %arg3[%dma_start3A_999, %multiple_of3A_986] : memref<64x1000000xf32, #tpu.memory_space<hbm>> -> memref<64x128xf32, #tpu.memory_space<hbm>>
        tpu.enqueue_dma source(%dma_start3A_1000 : memref<64x128xf32, #tpu.memory_space<hbm>>) target(%dma_start3A_998 : memref<64x128xf32, #tpu.memory_space<vmem>>) target_semaphore(%arg9 : memref<!tpu.dma_semaphore, #tpu.memory_space<semaphore_mem>>)
        %slice3A_1001 = vector.extract_strided_slice %get3A_979 {offsets = [1], sizes = [1], strides = [1]} : vector<16xi32> to vector<1xi32>
        %squeeze3A_1002 = vector.extract %slice3A_1001[0] : i32 from vector<1xi32>
        %shift_right_arithmetic3A_1003 = arith.constant 7 : i32
        %shift_right_arithmetic3A_1004 = arith.shrsi %squeeze3A_1002, %shift_right_arithmetic3A_1003 : i32
        %shift_left3A_1005 = arith.constant 7 : i32
        %shift_left3A_1006 = arith.shli %shift_right_arithmetic3A_1004, %shift_left3A_1005 : i32
        %multiple_of3A_1007 = tpu.assume_multiple %shift_left3A_1006, 128 : i32
        %dma_start3A_1008 = arith.constant 1 : i32
        %dma_start3A_1009 = arith.constant 1 : i32
        %dma_start3A_1010 = arith.constant 0 : i32
        %dma_start3A_1011 = arith.constant 0 : i32
        %dma_start3A_1012 = tpu.memref_slice %arg6[%dma_start3A_1008, %dma_start3A_1009, %dma_start3A_1010, %dma_start3A_1011] : memref<2x4x64x128xf32, #tpu.memory_space<vmem>> -> memref<1x1x64x128xf32, #tpu.memory_space<vmem>>
        %dma_start3A_1013 = tpu.memref_squeeze %dma_start3A_1012 : memref<1x1x64x128xf32, #tpu.memory_space<vmem>> -> memref<64x128xf32, #tpu.memory_space<vmem>>
        %dma_start3A_1014 = arith.constant 0 : i32
        %dma_start3A_1015 = tpu.memref_slice %arg3[%dma_start3A_1014, %multiple_of3A_1007] : memref<64x1000000xf32, #tpu.memory_space<hbm>> -> memref<64x128xf32, #tpu.memory_space<hbm>>
        %dma_start3A_1016 = arith.constant 0 : i32
        %dma_start3A_1017 = arith.constant 0 : i32
        %dma_start3A_1018 = tpu.memref_slice %arg6[%dma_start3A_1008, %dma_start3A_1009, %dma_start3A_1016, %dma_start3A_1017] : memref<2x4x64x128xf32, #tpu.memory_space<vmem>> -> memref<1x1x64x128xf32, #tpu.memory_space<vmem>>
        %dma_start3A_1019 = tpu.memref_squeeze %dma_start3A_1018 : memref<1x1x64x128xf32, #tpu.memory_space<vmem>> -> memref<64x128xf32, #tpu.memory_space<vmem>>
        %dma_start3A_1020 = arith.constant 0 : i32
        %dma_start3A_1021 = tpu.memref_slice %arg3[%dma_start3A_1020, %multiple_of3A_1007] : memref<64x1000000xf32, #tpu.memory_space<hbm>> -> memref<64x128xf32, #tpu.memory_space<hbm>>
        tpu.enqueue_dma source(%dma_start3A_1021 : memref<64x128xf32, #tpu.memory_space<hbm>>) target(%dma_start3A_1019 : memref<64x128xf32, #tpu.memory_space<vmem>>) target_semaphore(%arg9 : memref<!tpu.dma_semaphore, #tpu.memory_space<semaphore_mem>>)
        %slice3A_1022 = vector.extract_strided_slice %get3A_979 {offsets = [2], sizes = [1], strides = [1]} : vector<16xi32> to vector<1xi32>
        %squeeze3A_1023 = vector.extract %slice3A_1022[0] : i32 from vector<1xi32>
        %shift_right_arithmetic3A_1024 = arith.constant 7 : i32
        %shift_right_arithmetic3A_1025 = arith.shrsi %squeeze3A_1023, %shift_right_arithmetic3A_1024 : i32
        %shift_left3A_1026 = arith.constant 7 : i32
        %shift_left3A_1027 = arith.shli %shift_right_arithmetic3A_1025, %shift_left3A_1026 : i32
        %multiple_of3A_1028 = tpu.assume_multiple %shift_left3A_1027, 128 : i32
        %dma_start3A_1029 = arith.constant 1 : i32
        %dma_start3A_1030 = arith.constant 2 : i32
        %dma_start3A_1031 = arith.constant 0 : i32
        %dma_start3A_1032 = arith.constant 0 : i32
        %dma_start3A_1033 = tpu.memref_slice %arg6[%dma_start3A_1029, %dma_start3A_1030, %dma_start3A_1031, %dma_start3A_1032] : memref<2x4x64x128xf32, #tpu.memory_space<vmem>> -> memref<1x1x64x128xf32, #tpu.memory_space<vmem>>
        %dma_start3A_1034 = tpu.memref_squeeze %dma_start3A_1033 : memref<1x1x64x128xf32, #tpu.memory_space<vmem>> -> memref<64x128xf32, #tpu.memory_space<vmem>>
        %dma_start3A_1035 = arith.constant 0 : i32
        %dma_start3A_1036 = tpu.memref_slice %arg3[%dma_start3A_1035, %multiple_of3A_1028] : memref<64x1000000xf32, #tpu.memory_space<hbm>> -> memref<64x128xf32, #tpu.memory_space<hbm>>
        %dma_start3A_1037 = arith.constant 0 : i32
        %dma_start3A_1038 = arith.constant 0 : i32
        %dma_start3A_1039 = tpu.memref_slice %arg6[%dma_start3A_1029, %dma_start3A_1030, %dma_start3A_1037, %dma_start3A_1038] : memref<2x4x64x128xf32, #tpu.memory_space<vmem>> -> memref<1x1x64x128xf32, #tpu.memory_space<vmem>>
        %dma_start3A_1040 = tpu.memref_squeeze %dma_start3A_1039 : memref<1x1x64x128xf32, #tpu.memory_space<vmem>> -> memref<64x128xf32, #tpu.memory_space<vmem>>
        %dma_start3A_1041 = arith.constant 0 : i32
        %dma_start3A_1042 = tpu.memref_slice %arg3[%dma_start3A_1041, %multiple_of3A_1028] : memref<64x1000000xf32, #tpu.memory_space<hbm>> -> memref<64x128xf32, #tpu.memory_space<hbm>>
        tpu.enqueue_dma source(%dma_start3A_1042 : memref<64x128xf32, #tpu.memory_space<hbm>>) target(%dma_start3A_1040 : memref<64x128xf32, #tpu.memory_space<vmem>>) target_semaphore(%arg9 : memref<!tpu.dma_semaphore, #tpu.memory_space<semaphore_mem>>)
        %slice3A_1043 = vector.extract_strided_slice %get3A_979 {offsets = [3], sizes = [1], strides = [1]} : vector<16xi32> to vector<1xi32>
        %squeeze3A_1044 = vector.extract %slice3A_1043[0] : i32 from vector<1xi32>
        %shift_right_arithmetic3A_1045 = arith.constant 7 : i32
        %shift_right_arithmetic3A_1046 = arith.shrsi %squeeze3A_1044, %shift_right_arithmetic3A_1045 : i32
        %shift_left3A_1047 = arith.constant 7 : i32
        %shift_left3A_1048 = arith.shli %shift_right_arithmetic3A_1046, %shift_left3A_1047 : i32
        %multiple_of3A_1049 = tpu.assume_multiple %shift_left3A_1048, 128 : i32
        %dma_start3A_1050 = arith.constant 1 : i32
        %dma_start3A_1051 = arith.constant 3 : i32
        %dma_start3A_1052 = arith.constant 0 : i32
        %dma_start3A_1053 = arith.constant 0 : i32
        %dma_start3A_1054 = tpu.memref_slice %arg6[%dma_start3A_1050, %dma_start3A_1051, %dma_start3A_1052, %dma_start3A_1053] : memref<2x4x64x128xf32, #tpu.memory_space<vmem>> -> memref<1x1x64x128xf32, #tpu.memory_space<vmem>>
        %dma_start3A_1055 = tpu.memref_squeeze %dma_start3A_1054 : memref<1x1x64x128xf32, #tpu.memory_space<vmem>> -> memref<64x128xf32, #tpu.memory_space<vmem>>
        %dma_start3A_1056 = arith.constant 0 : i32
        %dma_start3A_1057 = tpu.memref_slice %arg3[%dma_start3A_1056, %multiple_of3A_1049] : memref<64x1000000xf32, #tpu.memory_space<hbm>> -> memref<64x128xf32, #tpu.memory_space<hbm>>
        %dma_start3A_1058 = arith.constant 0 : i32
        %dma_start3A_1059 = arith.constant 0 : i32
        %dma_start3A_1060 = tpu.memref_slice %arg6[%dma_start3A_1050, %dma_start3A_1051, %dma_start3A_1058, %dma_start3A_1059] : memref<2x4x64x128xf32, #tpu.memory_space<vmem>> -> memref<1x1x64x128xf32, #tpu.memory_space<vmem>>
        %dma_start3A_1061 = tpu.memref_squeeze %dma_start3A_1060 : memref<1x1x64x128xf32, #tpu.memory_space<vmem>> -> memref<64x128xf32, #tpu.memory_space<vmem>>
        %dma_start3A_1062 = arith.constant 0 : i32
        %dma_start3A_1063 = tpu.memref_slice %arg3[%dma_start3A_1062, %multiple_of3A_1049] : memref<64x1000000xf32, #tpu.memory_space<hbm>> -> memref<64x128xf32, #tpu.memory_space<hbm>>
        tpu.enqueue_dma source(%dma_start3A_1063 : memref<64x128xf32, #tpu.memory_space<hbm>>) target(%dma_start3A_1061 : memref<64x128xf32, #tpu.memory_space<vmem>>) target_semaphore(%arg9 : memref<!tpu.dma_semaphore, #tpu.memory_space<semaphore_mem>>)
      } else {
      }
    }
    %scan3A_394 = arith.constant 64 : i32
    "tpu.region"() ({
      %run_scoped3A = tpu.sem_alloc : memref<!tpu.dma_semaphore, #tpu.memory_space<semaphore_mem>>
      %dma_start3A_395 = arith.constant 0 : i32
      %dma_start3A_396 = tpu.memref_slice %arg4[%dma_start3A_395, %mul3A_2] : memref<64x16384xf32, #tpu.memory_space<hbm>> -> memref<64x512xf32, #tpu.memory_space<hbm>>
      %dma_start3A_397 = arith.constant 0 : i32
      %dma_start3A_398 = tpu.memref_slice %arg4[%dma_start3A_397, %mul3A_2] : memref<64x16384xf32, #tpu.memory_space<hbm>> -> memref<64x512xf32, #tpu.memory_space<hbm>>
      tpu.enqueue_dma source(%arg7 : memref<64x512xf32, #tpu.memory_space<vmem>>) target(%dma_start3A_398 : memref<64x512xf32, #tpu.memory_space<hbm>>) target_semaphore(%run_scoped3A : memref<!tpu.dma_semaphore, #tpu.memory_space<semaphore_mem>>)
      %dma_wait3A = arith.constant 0 : i32
      %dma_wait3A_399 = tpu.memref_slice %arg4[%dma_wait3A, %mul3A_2] : memref<64x16384xf32, #tpu.memory_space<hbm>> -> memref<64x512xf32, #tpu.memory_space<hbm>>
      %dma_wait3A_400 = arith.constant 0 : i32
      %dma_wait3A_401 = tpu.memref_slice %arg4[%dma_wait3A_400, %mul3A_2] : memref<64x16384xf32, #tpu.memory_space<hbm>> -> memref<64x512xf32, #tpu.memory_space<hbm>>
      tpu.wait_dma2 semaphore(%run_scoped3A : memref<!tpu.dma_semaphore, #tpu.memory_space<semaphore_mem>>) src(%arg7 : memref<64x512xf32, #tpu.memory_space<vmem>>) dst(%dma_wait3A_401 : memref<64x512xf32, #tpu.memory_space<hbm>>)
      tpu.yield
    }) : () -> ()
    return
  }
}

</mosaic_0001>

<sc_bundles>
// kernel: kernel.3.cloned.1.call-start
scs
__scs_entry_jumppad:
0x0: {  	(pc) =	sbr.rel $0x88, $3  }
0x1: {  	(tag) =	ssettag $0x0;
	lr =	simm.s32 $0x1  }
0x2: {  	[smem:$0x3F9F] =	sst lr;
	_ =	strace $0xD0000000  }
0x3: {  	_ = 	snop  }
0x4: {  	_ = 	snop  }
0x5: {  	_ = 	snop  }
0x6: {  	_ = 	snop  }
0x7: {  	_ = 	snop  }
__scs_overlays_trampoline_lowered:
0x8: {  	[smem:$0x3FAE] =	sst s0  }
0x9: {  	[smem:$0x3FAF] =	sst s1  }
0xa: {  	[smem:$0x3FB0] =	sst s2  }
0xb: {  	[smem:$0x3FB1] =	sst s3  }
0xc: {  	[smem:$0x3FB2] =	sst s4  }
0xd: {  	[smem:$0x3FB3] =	sst s5  }
0xe: {  	[smem:$0x3FB4] =	sst s6  }
0xf: {  	[smem:$0x3FB5] =	sst s7  }
0x10: {  	[smem:$0x3FB6] =	sst s8  }
0x11: {  	[smem:$0x3FB7] =	sst s9;
	s0 =	simm.s32 @!p0 $0x0  }
0x12: {  	s1 =	sld [smem:$0x3F9D];
	s0 =	simm.s32 @p0 $0x1  }
0x13: {  	[smem:$0x3FB8] =	sst s0;
	s0 =	simm.s32 @!p1 $0x0  }
0x14: {  	s2 =	sld [smem:$0x3F9C];
	s0 =	simm.s32 @p1 $0x1  }
0x15: {  	[smem:$0x3FB9] =	sst s0;
	s0 =	simm.s32 @!p2 $0x0  }
0x16: {  	s3 =	sld [smem:$0x3FDB];
	s0 =	simm.s32 @p2 $0x1  }
0x17: {  	s4 =	simm.s32 $0x1BF5;
	[smem:$0x3FBB] =	sst s0  }
0x18: {  	s0 =	sld [smem:$0x3F9E];
	_ =	swait.ge [sflag:s4], $0x0  }
0x19: {  	s7 =	sld [smem:$0x3F9F]  }
0x1a: {  	s8 =	sadd.s32 $0xFFFFE003, lr  }
0x1b: {  	s9 =	sadd.s32 $0xFFFFFEF7, lr;
	s5 =	simm.s32 $0xFFFFFFFF;
	p2 =	slt.u32 s8, $0xFFFFF086  }
0x1c: {  	p1 =	slt.u32 s9, $0xF7A;
	s5 =	simm.s32 @!p2 $0x0  }
0x1d: {  	s5 =	simm.s32 @p1 $0x1;
	p0 =	seq.s32 s7, s2  }
0x1e: {  	s7 =	smul.u32 @!p0 $0xF7A, s2;
	p2 =	seq.s32 @!p0 s5, $0x0  }
0x1f: {  	s9 =	smul.u32 $0xF7A, s1;
	s8 =	simm.s32 @!p0 $0x1BF5;
	p2 =	por !p2, p0  }
0x20: {  	[sflag:s8] =	ssyncset.s32 @!p0 $0xFFFFF086;
	s6 =	sadd.s32 @!p0 s3, s7;
	s7 =	simm.s32 @!p0 $0x108  }
0x21: {  	s3 =	sadd.s32 s3, s9;
	s6 =	sadd.s32 @!p0 $0x88, s6;
	s7 =	simm.s32 @p2 $0x1082  }
0x22: {  	[simem:s7], [sflag:s8] =	dma.local @!p0 [hbm:s6], $0xF7A  }
0x23: {  	s9 =	sor.u32 $0xD0000000, s2;
	s6 =	simm.s32 $0x108;
	_ =	swait.ge @!p0 [sflag:s8], $0x0  }
0x24: {  	s3 =	sadd.s32 $0x88, s3;
	s6 =	simm.s32 @!p1 $0x1082;
	[sflag:s4] =	ssyncset.s32 $0xFFFFF086  }
0x25: {  	[simem:s6], [sflag:s4] =	dma.local [hbm:s3], $0xF7A  }
0x26: {  	[smem:$0x3F9F] =	sst s1;
	(tag) =	ssettag s2;
	_ =	strace s9  }
0x27: {  	s1 =	sld [smem:$0x3FAF]  }
0x28: {  	s2 =	sld [smem:$0x3FB0]  }
0x29: {  	s4 =	sld [smem:$0x3FB2]  }
0x2a: {  	p0 =	seq.s32 s5, $0x0;
	s5 =	sld [smem:$0x3FB3]  }
0x2b: {  	s6 =	sld [smem:$0x3FB4]  }
0x2c: {  	s7 =	sld [smem:$0x3FB5]  }
0x2d: {  	s3 =	simm.s32 $0x108;
	s8 =	sld [smem:$0x3FB6]  }
0x2e: {  	s3 =	simm.s32 @!p0 $0x1082;
	s9 =	sld [smem:$0x3FB7]  }
0x2f: {  	lr =	sadd.s32 s0, s3;
	s0 =	sld [smem:$0x3FAE]  }
0x30: {  	s3 =	sld [smem:$0x3FB1]  }
0x31: {  	[smem:$0x3FBA] =	sst s10  }
0x32: {  	s10 =	sld [smem:$0x3FB8];
	_ =	sdelay $0x3  }
0x33: {  	p0 =	seq.s32 s10, $0x1;
	s10 =	sld [smem:$0x3FBA];
	_ =	sdelay $0x3  }
0x34: {  	[smem:$0x3FBA] =	sst s10  }
0x35: {  	s10 =	sld [smem:$0x3FB9];
	_ =	sdelay $0x3  }
0x36: {  	p1 =	seq.s32 s10, $0x1;
	s10 =	sld [smem:$0x3FBA];
	_ =	sdelay $0x3  }
0x37: {  	[smem:$0x3FBA] =	sst s10  }
0x38: {  	s10 =	sld [smem:$0x3FBB]  }
0x39: {  	_ = 	snop;
	(pc) =	sbr.ind lr, $3  }
0x3a: {  	_ = 	snop  }
0x3b: {  	_ = 	snop  }
0x3c: {  	p2 =	seq.s32 s10, $0x1;
	s10 =	sld [smem:$0x3FBA]  }
0x3d: {  	_ =	shalt  }
0x3e: {  	_ =	shalt  }
0x3f: {  	_ =	shalt  }
0x40: {  	_ =	shalt  }
0x41: {  	_ =	shalt  }
0x42: {  	_ =	shalt  }
0x43: {  	_ =	shalt  }
0x44: {  	_ =	shalt  }
0x45: {  	_ =	shalt  }
0x46: {  	_ =	shalt  }
0x47: {  	_ =	shalt  }
0x48: {  	_ =	shalt  }
0x49: {  	_ =	shalt  }
0x4a: {  	_ =	shalt  }
0x4b: {  	_ =	shalt  }
0x4c: {  	_ =	shalt  }
0x4d: {  	_ =	shalt  }
0x4e: {  	_ =	shalt  }
0x4f: {  	_ =	shalt  }
0x50: {  	_ =	shalt  }
0x51: {  	_ =	shalt  }
0x52: {  	_ =	shalt  }
0x53: {  	_ =	shalt  }
0x54: {  	_ =	shalt  }
0x55: {  	_ =	shalt  }
0x56: {  	_ =	shalt  }
0x57: {  	_ =	shalt  }
0x58: {  	_ =	shalt  }
0x59: {  	_ =	shalt  }
0x5a: {  	_ =	shalt  }
0x5b: {  	_ =	shalt  }
0x5c: {  	_ =	shalt  }
0x5d: {  	_ =	shalt  }
0x5e: {  	_ =	shalt  }
0x5f: {  	_ =	shalt  }
0x60: {  	_ =	shalt  }
0x61: {  	_ =	shalt  }
0x62: {  	_ =	shalt  }
0x63: {  	_ =	shalt  }
0x64: {  	_ =	shalt  }
0x65: {  	_ =	shalt  }
0x66: {  	_ =	shalt  }
0x67: {  	_ =	shalt  }
0x68: {  	_ =	shalt  }
0x69: {  	_ =	shalt  }
0x6a: {  	_ =	shalt  }
0x6b: {  	_ =	shalt  }
0x6c: {  	_ =	shalt  }
0x6d: {  	_ =	shalt  }
0x6e: {  	_ =	shalt  }
0x6f: {  	_ =	shalt  }
0x70: {  	_ =	shalt  }
0x71: {  	_ =	shalt  }
0x72: {  	_ =	shalt  }
0x73: {  	_ =	shalt  }
0x74: {  	_ =	shalt  }
0x75: {  	_ =	shalt  }
0x76: {  	_ =	shalt  }
0x77: {  	_ =	shalt  }
0x78: {  	_ =	shalt  }
0x79: {  	_ =	shalt  }
0x7a: {  	_ =	shalt  }
0x7b: {  	_ =	shalt  }
0x7c: {  	_ =	shalt  }
0x7d: {  	_ =	shalt  }
0x7e: {  	_ =	shalt  }
0x7f: {  	_ =	shalt  }
0x80: {  	_ =	shalt  }
0x81: {  	_ =	shalt  }
0x82: {  	_ =	shalt  }
0x83: {  	_ =	shalt  }
0x84: {  	_ =	shalt  }
0x85: {  	_ =	shalt  }
0x86: {  	_ =	shalt  }
0x87: {  	_ =	shalt  }
.Lfunc_end0:
.L_simem_size_0:
called_computation_lowered:
.L_overlay_start_0:
0x88: {  	s2 =	sld [smem:$0x3FD9]  }
0x89: {  	s3 =	sld [smem:$0x3FFE];
	_ =	sdelay $0x1  }
0x8a: {  	s1 =	srdreg.scid  }
0x8b: {  	s0 =	sand.u32 $0x1, s1  }
0x8c: {  	s18 =	sshll.u32 s0, $0xA;
	s2 =	sadd.s32 s3, s2  }
0x8d: {  	s2 =	sadd.s32 s2, s18  }
0x8e: {  	[smem:$0x3FC6] =	sst s2  }
0x8f: {  	_ = 	snop  }
0x90: {  	s2 =	sld [smem:$0x3FC9]  }
0x91: {  	s19 =	sld [smem:$0x3FC8]  }
0x92: {  	s4 =	sld [smem:$0x3FD0];
	(tm) =	ssettm $0x1  }
0x93: {  	s5 =	sld [smem:$0x3FFB];
	_ =	sdelay $0x3  }
0x94: {  	_ =	strace s5  }
0x95: {  	s5 =	sld [smem:$0x3FFC];
	_ =	sdelay $0x3  }
0x96: {  	_ =	strace s5  }
0x97: {  	s5 =	sld [smem:$0x3FFD];
	_ =	sdelay $0x3  }
0x98: {  	_ =	strace s5  }
0x99: {  	_ =	strace $0x8FFFFFFF  }
0x9a: {  	s20 =	sld [smem:$0x3FDB];
	_ =	sdelay $0x1  }
0x9b: {  	s6 =	simm.s32 $_scs_section_size  }
0x9c: {  	s7 =	simm.s32 $_size__tile_overlayer_lowered;
	s8 =	simm.s32 $_tile_overlayer_lowered  }
0x9d: {  	s23 =	simm.s32 $0x1BFF;
	s22 =	sshll.u32 s8, $0x1;
	s5 =	sadd.s32 s6, s20  }
0x9e: {  	s9 =	simm.s32 $0x0;
	s21 =	sshll.u32 s7, $0x1;
	s7 =	sadd.s32 s22, s5  }
0x9f: {  	[timem:s9], [sflag:s23] =	dma.local [hbm:s7], s21  }
0xa0: {  	_ =	swait.ge [sflag:s23], s21  }
0xa1: {  	s6 =	ssub.s32 $0x0, s21;
	[sflag:s23] =	ssyncset.done $0x0  }
0xa2: {  	[sflag:s23] =	ssyncadd.s32 s6;
	_ =	sdelay $0x1  }
0xa3: {  	s24 =	simm.s32 $0x1B8B  }
0xa4: {  	_ =	swait.ge [sflag:s24], $0x1  }
0xa5: {  	[sflag:s24] =	ssyncset.done $0x0  }
0xa6: {  	s25 =	simm.s32 $0x1B8E;
	[sflag:s24] =	ssyncadd.s32 $0xFFFFFFFF  }
0xa7: {  	s26 =	simm.s32 $execute0_lowered;
	[smem:$0x3FD2] =	sst s25  }
0xa8: {  	s6 =	sshll.u32 s26, $0x1;
	_ =	strace $0x80000046;
	[dreg:$0x1] =	wrdreg $0xFFFFFFFF  }
0xa9: {  	s28 =	simm.s32 $_size_execute0_lowered;
	s5 =	sadd.s32 s5, s6;
	[dreg:$0x0] =	wrdreg $0x0  }
0xaa: {  	s6 =	sshll.u32 s28, $0x1;
	[dreg:$0x2] =	wrdreg s5  }
0xab: {  	[dreg:$0x3] =	wrdreg s6  }
0xac: {  	[dreg:$0x4] =	wrdreg $0xC0  }
0xad: {  	_ =	task [dreg:s9], $0x5FFFF  }
0xae: {  	[dreg:$0x1] =	wrdreg $0xFFFFFFFF  }
0xaf: {  	[dreg:$0x0] =	wrdreg $0x60  }
0xb0: {  	[dreg:$0x2] =	wrdreg s2  }
0xb1: {  	[dreg:$0x3] =	wrdreg s19  }
0xb2: {  	[dreg:$0x4] =	wrdreg s4  }
0xb3: {  	[dreg:$0x5] =	wrdreg $0x9  }
0xb4: {  	_ =	task.clear_ibuf [dreg:s9], $0x6FFFF;
	_ =	strace $0x90000046  }
0xb5: {  	s29 =	simm.s32 $0x9;
	_ =	strace $0x80000048  }
0xb6: {  	_ =	swait.ge [sflag:s29], $0x1  }
0xb7: {  	[sflag:s29] =	ssyncadd.s32 $0xFFFFFFFF  }
0xb8: {  	_ =	strace $0x90000048  }
0xb9: {  	_ =	sfence  }
0xba: {  	s30 =	sld [smem:$0x0];
	_ =	sdelay $0x2  }
0xbb: {  	s31 =	sshll.u32 s1, $0xD;
	s1 =	sshrl.u32 s1, $0x2  }
0xbc: {  	s3 =	sand.u32 $0x4000, s31;
	s1 =	sadd.s32 s1, s30  }
0xbd: {  	s0 =	sor.u32 s3, s0;
	s1 =	sshll.u32 s1, $0x11  }
0xbe: {  	s0 =	sor.u32 s1, s0  }
0xbf: {  	s0 =	sadd.s32 $0x8F2B, s0  }
0xc0: {  	[sflag:s0] =	ssyncadd.remote.s32 $0x1  }
0xc1: {  	_ =	sfence.sel $0xFFFF  }
0xc2: {  	[dreg:$0x0] =	wrdreg $0xFFFFFFFF;
	(pc) =	sbr.abs _section_cstart, $3  }
0xc3: {  	[dreg:$0x1] =	wrdreg $0xFFFFFFFF  }
0xc4: {  	_ =	task.clear_ibuf [dreg:s9], $0x2FFFF;
	_ =	strace $0x9FFFFFFF  }
0xc5: {  	(tm) =	ssettm $0x7FFFFFFF  }
tec
execute0_lowered:
.L_overlay_start_1:
0x0: {  	(tag) =	ssettag $0x1  }
0x1: {  	vm0 =	vcmask $0x300;
	v0 =	vimm.s32 $0x1380  }
0x2: {  	vm1 =	vcmask $0x704;
	vm2 =	vcmask $0xB08;
	v0 =	vsel vm0, $0x0, v0  }
0x3: {  	vm3 =	vcmask $0xF0C;
	vm4 =	vcmask $0x1310;
	v0 =	vsel vm1, $0x80, v0  }
0x4: {  	vm5 =	vcmask $0x1714;
	vm6 =	vcmask $0x1B18;
	v0 =	vsel vm2, $0x100, v0  }
0x5: {  	v1 =	vimm.s32 $0xECA86420;
	vm7 =	vcmask $0x1F1C;
	v0 =	vsel vm3, $0x180, v0  }
0x6: {  	vm8 =	vcmask $0x2320;
	vm9 =	vcmask $0x2724;
	v0 =	vsel vm4, $0x200, v0  }
0x7: {  	vm10 =	vcmask $0x2B28;
	vm11 =	vcmask $0x3330;
	v0 =	vsel vm5, $0x280, v0  }
0x8: {  	v2 =	vlaneseq.u32;
	vm12 =	vcmask $0x2F2C;
	v0 =	vsel vm6, $0x300, v0  }
0x9: {  	vm13 =	vcmask $0x3B38;
	vm14 =	vcmask $0x3734;
	v0 =	vsel vm7, $0x380, v0  }
0xa: {  	vm15 =	vmmov $0xff;
	v5 =	vimm.s32 $0x3380;
	v0 =	vsel vm8, $0x1000, v0  }
0xb: {  	v6 =	vimm.s32 $0x7380;
	v1 =	vunpack.c.l.s4.s8 v1;
	v0 =	vsel vm9, $0x1080, v0  }
0xc: {  	v61 =	vmul.u32 $0x2, v2;
	v12 =	vmul.u32 $0x80, v2;
	v0 =	vsel vm10, $0x1100, v0  }
0xd: {  	v62 =	vsel vm0, $0x2000, v5;
	v5 =	vimm.s32 $0x5380;
	v0 =	vsel vm12, $0x1180, v0  }
0xe: {  	v6 =	vsel vm0, $0x6000, v6;
	v5 =	vsel vm0, $0x4000, v5;
	v0 =	vsel vm11, $0x1200, v0  }
0xf: {  	v6 =	vsel vm1, $0x6080, v6;
	v1 =	vunpack.c.0.s8.s32 v1;
	v0 =	vsel vm14, $0x1280, v0  }
0x10: {  	v4 =	vor.u32 $0x800, v12;
	v13 =	vsel vm13, $0x1300, v0;
	v0 =	vsel vm1, $0x2080, v62  }
0x11: {  	v5 =	vsel vm1, $0x4080, v5;
	v6 =	vsel vm2, $0x6100, v6;
	v0 =	vsel vm2, $0x2100, v0  }
0x12: {  	v8 =	vor.u32 $0x1800, v12;
	v5 =	vsel vm2, $0x4100, v5;
	v0 =	vsel vm3, $0x2180, v0  }
0x13: {  	v6 =	vsel vm3, $0x6180, v6;
	v5 =	vsel vm3, $0x4180, v5;
	v0 =	vsel vm4, $0x2200, v0  }
0x14: {  	v6 =	vsel vm4, $0x6200, v6;
	v5 =	vsel vm4, $0x4200, v5;
	v0 =	vsel vm5, $0x2280, v0  }
0x15: {  	v6 =	vsel vm5, $0x6280, v6;
	v5 =	vsel vm5, $0x4280, v5;
	v0 =	vsel vm6, $0x2300, v0  }
0x16: {  	s2 =	srdreg.scid;
	v6 =	vsel vm6, $0x6300, v6;
	v5 =	vsel vm6, $0x4300, v5;
	v0 =	vsel vm7, $0x2380, v0  }
0x17: {  	s0 =	rddreg [dreg:$0x0];
	s3 =	stileid.u32;
	s2 =	sand.u32 $0x1, s2;
	v6 =	vsel vm7, $0x6380, v6;
	v5 =	vsel vm7, $0x4380, v5;
	v0 =	vsel vm8, $0x3000, v0  }
0x18: {  	s1 =	rddreg [dreg:$0x2];
	s3 =	sshll.u32 s3, $0xA;
	s4 =	sshll.u32 s2, $0x9;
	v6 =	vsel vm8, $0x7000, v6;
	v5 =	vsel vm8, $0x5000, v5;
	v0 =	vsel vm9, $0x3080, v0  }
0x19: {  	s5 =	simm.s32 $0x0;
	s2 =	ssub.s32 $0x2, s2;
	s3 =	sor.u32 s4, s3;
	v6 =	vsel vm9, $0x7080, v6;
	v5 =	vsel vm9, $0x5080, v5;
	v0 =	vsel vm10, $0x3100, v0  }
.Ltmp0:
0x1a: {  	[tilespmem:$0x1FFD0] =	vst v61;
	s28 =	sshrl.u32 s2, $0x1;
	s29 =	sshrl.u32 s3, $0x3;
	v6 =	vsel vm10, $0x7100, v6;
	v5 =	vsel vm10, $0x5100, v5;
	v0 =	vsel vm12, $0x3180, v0;
	(pc) =	sbr.rel .LBB2_1-.Ltmp0, $4  }
0x1b: {  	[smem:$0x7FF] =	sst s5;
	s2 =	ssub.s32 s2, s28;
	[tilespmem:$0x1FFC0] =	vst v1;
	s0 =	sadd.s32 s0, s29;
	v6 =	vsel vm12, $0x7180, v6;
	v7 =	vsel vm12, $0x5180, v5;
	v0 =	vsel vm11, $0x3200, v0  }
0x1c: {  	s30 =	sadd.s32 s1, s3;
	_ =	strace $0x80000047;
	[dreg:$0x4] =	wrdreg s0;
	v63 =	vsel vm11, $0x5200, v7;
	v7 =	vsel vm11, $0x7200, v6;
	v0 =	vsel vm14, $0x3280, v0  }
0x1d: {  	s19 =	simm.s32 $0x10280;
	s31 =	smax.u32 s2, $0x1;
	[dreg:$0x5] =	wrdreg s30;
	[tilespmem:$0x1FFE0] =	vst v12;
	v9 =	vsel vm14, $0x7280, v7;
	v5 =	vsel vm13, $0x3300, v0;
	v0 =	vsel vm14, $0x5280, v63  }
0x1e: {  	s1 =	simm.s32 $0x0;
	s2 =	simm.s32 $0x3;
	[dreg:$0x6] =	wrdreg s31;
	v6 =	vor.u32 $0x1000, v12;
	v9 =	vsel vm13, $0x7300, v9;
	[tilespmem:$0x1FFF0] =	vst v13;
	v7 =	vsel vm13, $0x5300, v0  }
.LBB2_4:
0x1f: {  	s0 =	rddreg [dreg:$0x5];
	s1 =	simm.s32 $0x1000;
	s2 =	simm.s32 $0x20000  }
0x20: {  	[hbm4b:s0+s1] =	stream.strided.scatter [tilespmem:s19], [sflag:$0x3], $0x8000, s2, s1, $0x38;
	[tilespmem:$0x18280] =	vst v63  }
0x21: {  	s2 =	simm.s32 $0x3  }
0x22: {  	_ =	swait.ge [sflag:s2], $0x8000  }
0x23: {  	s30 =	rddreg [dreg:$0x7]  }
0x24: {  	s31 =	rddreg [dreg:$0x6];
	s1 =	sadd.s32 $0x1, s30  }
0x25: {  	p0 =	sne.s32 s1, s31  }
.Ltmp1:
0x26: {  	_ = 	snop;
	(pc) =	sbr.rel @!p0 .LBB2_5-.Ltmp1, $3  }
0x27: {  	_ =	sdelay $0x1  }
0x28: {  	[sflag:s2] =	ssyncset.done $0x0  }
0x29: {  	[sflag:s2] =	ssyncadd.s32 $0xFFFF8000  }
.LBB2_1:
0x2a: {  	[dreg:$0x7] =	wrdreg s1  }
0x2b: {  	s0 =	simm.s32 $0x0;
	s21 =	rddreg [dreg:$0x4]  }
0x2c: {  	[tilespmem:s0], [sflag:$0x3] =	stream.linear.gather [hbm4b:s21+s0], $0x200, $0x38;
	[tilespmem:$0x18280] =	vst v63  }
0x2d: {  	_ =	swait.ge [sflag:s2], $0x200  }
0x2e: {  	[sflag:s2] =	ssyncset.done $0x0  }
0x2f: {  	[sflag:s2] =	ssyncadd.s32 $0xFFFFFE00  }
0x30: {  	v0 =	vld [tilespmem:$0x0];
	_ =	sdelay $0x4  }
0x31: {  	(v2sf) =	vpush v0, $0xD;
	_ =	sdelay $0x1  }
0x32: {  	(v2sf) =	vpush v0, $0xC;
	_ =	sdelay $0x1  }
0x33: {  	(v2sf) =	vpush v0, $0xE  }
0x34: {  	(v2sf) =	vpush v0, $0xF;
	_ =	sdelay $0x1  }
0x35: {  	(v2sf) =	vpush v0, $0x9;
	_ =	sdelay $0x2  }
0x36: {  	(v2sf) =	vpush v0, $0x8;
	_ =	sdelay $0x1  }
0x37: {  	(v2sf) =	vpush v0, $0xA;
	_ =	sdelay $0x1  }
0x38: {  	(v2sf) =	vpush v0, $0xB  }
0x39: {  	s22 =	spop (v2sf);
	(v2sf) =	vpush v0, $0x0  }
0x3a: {  	s8 =	smulhi.u32 $0x431BDE83, s22;
	s0 =	sshra.s32 s22, $0x1F  }
0x3b: {  	s23 =	spop (v2sf);
	(v2sf) =	vpush v0, $0x1;
	s4 =	smul.u32 $0x431BDE83, s0  }
0x3c: {  	s9 =	smulhi.u32 $0x431BDE83, s23;
	s0 =	sshra.s32 s23, $0x1F  }
0x3d: {  	s24 =	spop (v2sf);
	(v2sf) =	vpush v0, $0x2;
	s6 =	smul.u32 $0x431BDE83, s0  }
0x3e: {  	s10 =	smulhi.u32 $0x431BDE83, s24;
	s0 =	sshra.s32 s24, $0x1F;
	s25 =	spop (v2sf);
	(v2sf) =	vpush v0, $0x3  }
0x3f: {  	s24 =	smul.u32 $0x431BDE83, s0  }
0x40: {  	s13 =	smulhi.u32 $0x431BDE83, s25;
	s0 =	sshra.s32 s25, $0x1F;
	s26 =	spop (v2sf);
	(v2sf) =	vpush v0, $0x4  }
0x41: {  	s25 =	smul.u32 $0x431BDE83, s0;
	(v2sf) =	vpush v0, $0x5  }
0x42: {  	s15 =	smulhi.u32 $0x431BDE83, s26;
	s0 =	sshra.s32 s26, $0x1F  }
0x43: {  	s28 =	spop (v2sf);
	s7 =	smul.u32 $0x431BDE83, s0;
	(v2sf) =	vpush v0, $0x6  }
0x44: {  	s18 =	smulhi.u32 $0x431BDE83, s28;
	s0 =	sshra.s32 s28, $0x1F  }
0x45: {  	s29 =	spop (v2sf);
	s3 =	smul.u32 $0x431BDE83, s0  }
0x46: {  	v10 =	vld [tilespmem:$0x10];
	s20 =	smulhi.u32 $0x431BDE83, s29;
	s0 =	sshra.s32 s29, $0x1F  }
0x47: {  	s30 =	spop (v2sf);
	(v2sf) =	vpush v0, $0x7;
	s5 =	smul.u32 $0x431BDE83, s0  }
0x48: {  	s23 =	smulhi.u32 $0x431BDE83, s30;
	s0 =	sshra.s32 s30, $0x1F;
	s31 =	spop (v2sf)  }
0x49: {  	s2 =	smul.u32 $0x431BDE83, s0;
	s0 =	sshra.s32 s31, $0x1F  }
0x4a: {  	s1 =	spop (v2sf);
	s22 =	smul.u32 $0x431BDE83, s0  }
0x4b: {  	(v2sf) =	vpush v10, $0xD;
	s28 =	smulhi.u32 $0x431BDE83, s1;
	s0 =	sshra.s32 s1, $0x1F  }
0x4c: {  	s11 =	spop (v2sf);
	s14 =	smul.u32 $0x431BDE83, s0  }
0x4d: {  	s29 =	smulhi.u32 $0x431BDE83, s11;
	s12 =	spop (v2sf)  }
0x4e: {  	s30 =	smulhi.u32 $0x431BDE83, s12;
	s1 =	sshra.s32 s12, $0x1F  }
0x4f: {  	(v2sf) =	vpush v10, $0xC;
	s16 =	spop (v2sf);
	s17 =	smul.u32 $0x431BDE83, s1  }
0x50: {  	s0 =	sshra.s32 s11, $0x1F;
	s21 =	smulhi.u32 $0x431BDE83, s16;
	s11 =	spop (v2sf)  }
0x51: {  	s12 =	smulhi.u32 $0x431BDE83, s11  }
0x52: {  	[smem:$0x41A] =	sst s21;
	s21 =	spop (v2sf)  }
0x53: {  	(v2sf) =	vpush v10, $0xE;
	s1 =	sshra.s32 s16, $0x1F;
	[smem:$0x41B] =	sst s12;
	s12 =	smulhi.u32 $0x431BDE83, s21  }
0x54: {  	s16 =	smul.u32 $0x431BDE83, s1;
	s1 =	sshra.s32 s11, $0x1F  }
0x55: {  	s11 =	smul.u32 $0x431BDE83, s1;
	s1 =	sshra.s32 s21, $0x1F;
	[smem:$0x41C] =	sst s12  }
0x56: {  	s12 =	smul.u32 $0x431BDE83, s1;
	s1 =	spop (v2sf)  }
0x57: {  	(v2sf) =	vpush v10, $0xF;
	s21 =	smulhi.u32 $0x431BDE83, s1  }
0x58: {  	s26 =	smulhi.u32 $0x431BDE83, s31  }
0x59: {  	s31 =	smul.u32 $0x431BDE83, s0;
	s1 =	sshra.s32 s1, $0x1F;
	[smem:$0x41D] =	sst s21  }
0x5a: {  	s21 =	smul.u32 $0x431BDE83, s1;
	s1 =	spop (v2sf)  }
0x5b: {  	(v2sf) =	vpush v10, $0x9;
	s0 =	smulhi.u32 $0x431BDE83, s1;
	s1 =	sshra.s32 s1, $0x1F  }
0x5c: {  	s1 =	smul.u32 $0x431BDE83, s1;
	_ =	sdelay $0x1  }
0x5d: {  	[smem:$0x41F] =	sst s1;
	s1 =	spop (v2sf)  }
0x5e: {  	(v2sf) =	vpush v10, $0x8;
	[smem:$0x41E] =	sst s0;
	s0 =	smulhi.u32 $0x431BDE83, s1;
	s1 =	sshra.s32 s1, $0x1F  }
0x5f: {  	s1 =	smul.u32 $0x431BDE83, s1;
	_ =	sdelay $0x1  }
0x60: {  	[smem:$0x421] =	sst s1;
	s1 =	spop (v2sf)  }
0x61: {  	(v2sf) =	vpush v10, $0xA;
	[smem:$0x420] =	sst s0;
	s0 =	smulhi.u32 $0x431BDE83, s1;
	s1 =	sshra.s32 s1, $0x1F  }
0x62: {  	s1 =	smul.u32 $0x431BDE83, s1;
	_ =	sdelay $0x1  }
0x63: {  	(v2sf) =	vpush v10, $0xB;
	[smem:$0x423] =	sst s1;
	s1 =	spop (v2sf)  }
0x64: {  	[smem:$0x422] =	sst s0;
	s0 =	smulhi.u32 $0x431BDE83, s1;
	s1 =	sshra.s32 s1, $0x1F  }
0x65: {  	s1 =	smul.u32 $0x431BDE83, s1;
	_ =	sdelay $0x1  }
0x66: {  	[smem:$0x425] =	sst s1;
	s1 =	spop (v2sf)  }
0x67: {  	[smem:$0x424] =	sst s0;
	s0 =	smulhi.u32 $0x431BDE83, s1;
	s1 =	sshra.s32 s1, $0x1F  }
0x68: {  	s8 =	sadd.s32 s4, s8;
	s1 =	smul.u32 $0x431BDE83, s1  }
0x69: {  	[smem:$0x42F] =	sst s8  }
0x6a: {  	s2 =	sadd.s32 s2, s23;
	(v2sf) =	vpush v10, $0x0;
	[smem:$0x427] =	sst s1;
	s1 =	spop (v2sf)  }
0x6b: {  	[smem:$0x426] =	sst s0;
	s0 =	smulhi.u32 $0x431BDE83, s1;
	s1 =	sshra.s32 s1, $0x1F  }
0x6c: {  	[smem:$0x436] =	sst s2;
	s1 =	smul.u32 $0x431BDE83, s1  }
0x6d: {  	s14 =	sadd.s32 s14, s28;
	s28 =	sld [smem:$0x41B];
	(v2sf) =	vpush v10, $0x1  }
0x6e: {  	[smem:$0x429] =	sst s1;
	s1 =	spop (v2sf)  }
0x6f: {  	(v2sf) =	vpush v10, $0x2;
	[smem:$0x428] =	sst s0;
	s0 =	smulhi.u32 $0x431BDE83, s1;
	s1 =	sshra.s32 s1, $0x1F  }
0x70: {  	s11 =	sadd.s32 s11, s28;
	s28 =	sld [smem:$0x421];
	s4 =	smul.u32 $0x431BDE83, s1  }
0x71: {  	(v2sf) =	vpush v10, $0x3;
	s8 =	spop (v2sf);
	[smem:$0x42A] =	sst s0  }
0x72: {  	s1 =	sshra.s32 s8, $0x1F;
	[smem:$0x42B] =	sst s4;
	s4 =	sadd.s32 s6, s9  }
0x73: {  	(v2sf) =	vpush v10, $0x4;
	s6 =	smulhi.u32 $0x431BDE83, s8;
	s8 =	sadd.s32 s24, s10;
	[smem:$0x430] =	sst s4  }
0x74: {  	s24 =	sadd.s32 s25, s13;
	[smem:$0x431] =	sst s8  }
0x75: {  	(v2sf) =	vpush v10, $0x5;
	[smem:$0x432] =	sst s24  }
0x76: {  	s9 =	smul.u32 $0x431BDE83, s1;
	s8 =	sadd.s32 s5, s20;
	s20 =	sld [smem:$0x41A]  }
0x77: {  	s4 =	sadd.s32 s7, s15;
	s7 =	sadd.s32 s3, s18;
	s3 =	sld [smem:$0x41E]  }
0x78: {  	v12 =	vld [tilespmem:$0x20];
	(v2sf) =	vpush v10, $0x6;
	[smem:$0x42C] =	sst s6  }
0x79: {  	s10 =	spop (v2sf);
	[smem:$0x42D] =	sst s9  }
0x7a: {  	s25 =	smulhi.u32 $0x431BDE83, s10;
	s1 =	sshra.s32 s10, $0x1F;
	[smem:$0x433] =	sst s4  }
0x7b: {  	s13 =	smul.u32 $0x431BDE83, s1;
	[smem:$0x434] =	sst s7  }
0x7c: {  	(v2sf) =	vpush v10, $0x7;
	s6 =	spop (v2sf);
	[smem:$0x435] =	sst s8  }
0x7d: {  	(v2sf) =	vpush v12, $0xD;
	[smem:$0x42E] =	sst s25;
	s25 =	smulhi.u32 $0x431BDE83, s6;
	s0 =	sshra.s32 s6, $0x1F  }
0x7e: {  	s8 =	sadd.s32 s31, s29;
	s9 =	spop (v2sf);
	s1 =	smul.u32 $0x431BDE83, s0  }
0x7f: {  	s29 =	sld [smem:$0x41C];
	s23 =	smulhi.u32 $0x431BDE83, s9;
	s0 =	sshra.s32 s9, $0x1F  }
0x80: {  	s10 =	spop (v2sf);
	s15 =	smul.u32 $0x431BDE83, s0  }
0x81: {  	s31 =	sld [smem:$0x41D];
	s24 =	smulhi.u32 $0x431BDE83, s10;
	s0 =	sshra.s32 s10, $0x1F  }
0x82: {  	s22 =	sadd.s32 s22, s26;
	s18 =	spop (v2sf);
	s10 =	smul.u32 $0x431BDE83, s0  }
0x83: {  	s9 =	smulhi.u32 $0x431BDE83, s18;
	s0 =	sshra.s32 s18, $0x1F;
	s18 =	sld [smem:$0x41F]  }
0x84: {  	s12 =	sadd.s32 s12, s29;
	s7 =	smul.u32 $0x431BDE83, s0;
	s26 =	spop (v2sf)  }
0x85: {  	s29 =	sld [smem:$0x422];
	s6 =	smulhi.u32 $0x431BDE83, s26;
	s0 =	sshra.s32 s26, $0x1F  }
0x86: {  	s26 =	sld [smem:$0x420];
	s5 =	smul.u32 $0x431BDE83, s0;
	s2 =	sadd.s32 s18, s3  }
0x87: {  	s17 =	sadd.s32 s17, s30;
	[smem:$0x437] =	sst s2;
	s30 =	spop (v2sf)  }
0x88: {  	s4 =	smulhi.u32 $0x431BDE83, s30;
	s0 =	sshra.s32 s30, $0x1F;
	s30 =	sld [smem:$0x423]  }
0x89: {  	s2 =	smul.u32 $0x431BDE83, s0;
	s0 =	sadd.s32 s28, s26;
	s28 =	sld [smem:$0x424]  }
0x8a: {  	s16 =	sadd.s32 s16, s20;
	s21 =	sadd.s32 s21, s31;
	[smem:$0x438] =	sst s0  }
0x8b: {  	s20 =	spop (v2sf);
	s0 =	sadd.s32 s30, s29;
	s29 =	sld [smem:$0x425]  }
0x8c: {  	s18 =	sshra.s32 s20, $0x1F;
	s31 =	spop (v2sf);
	s30 =	sld [smem:$0x426]  }
0x8d: {  	(v2sf) =	vpush v12, $0xC;
	s26 =	smul.u32 $0x431BDE83, s18;
	[smem:$0x439] =	sst s0;
	s18 =	sshra.s32 s31, $0x1F  }
0x8e: {  	s0 =	sadd.s32 s29, s28;
	s28 =	smulhi.u32 $0x431BDE83, s31;
	s31 =	sld [smem:$0x427]  }
0x8f: {  	s29 =	sld [smem:$0x428]  }
0x90: {  	(v2sf) =	vpush v12, $0xE;
	[smem:$0x43A] =	sst s0  }
0x91: {  	s0 =	sadd.s32 s31, s30;
	s30 =	sld [smem:$0x429]  }
0x92: {  	(v2sf) =	vpush v12, $0xF;
	s3 =	smulhi.u32 $0x431BDE83, s20;
	s20 =	sld [smem:$0x42A]  }
0x93: {  	[smem:$0x43B] =	sst s0  }
0x94: {  	(v2sf) =	vpush v12, $0x9;
	s0 =	sadd.s32 s30, s29;
	s30 =	sld [smem:$0x42B];
	_ =	sdelay $0x1  }
0x95: {  	(v2sf) =	vpush v12, $0x8;
	[smem:$0x43C] =	sst s0  }
0x96: {  	s0 =	sadd.s32 s30, s20;
	s20 =	sld [smem:$0x42D]  }
0x97: {  	(v2sf) =	vpush v12, $0xA;
	[smem:$0x43D] =	sst s0  }
0x98: {  	s1 =	sadd.s32 s1, s25;
	s0 =	sld [smem:$0x42C]  }
0x99: {  	[smem:$0x43F] =	sst s1;
	s15 =	sadd.s32 s15, s23;
	(v2sf) =	vpush v12, $0xB  }
0x9a: {  	s10 =	sadd.s32 s10, s24;
	s9 =	sadd.s32 s7, s9;
	s6 =	sadd.s32 s5, s6  }
0x9b: {  	s31 =	smul.u32 $0x431BDE83, s18;
	s18 =	spop (v2sf);
	s0 =	sadd.s32 s20, s0  }
0x9c: {  	s29 =	smulhi.u32 $0x431BDE83, s18;
	s18 =	sshra.s32 s18, $0x1F;
	[smem:$0x43E] =	sst s0  }
0x9d: {  	s3 =	sadd.s32 s26, s3;
	s18 =	smul.u32 $0x431BDE83, s18;
	s0 =	sld [smem:$0x42E]  }
0x9e: {  	s2 =	sadd.s32 s2, s4;
	[smem:$0x440] =	sst s3;
	s30 =	spop (v2sf)  }
0x9f: {  	s18 =	sadd.s32 s18, s29;
	s20 =	smulhi.u32 $0x431BDE83, s30;
	s30 =	sshra.s32 s30, $0x1F  }
0xa0: {  	s30 =	smul.u32 $0x431BDE83, s30;
	s13 =	sadd.s32 s13, s0;
	s0 =	spop (v2sf)  }
0xa1: {  	[smem:$0x441] =	sst s18;
	s25 =	smulhi.u32 $0x431BDE83, s0;
	s0 =	sshra.s32 s0, $0x1F  }
0xa2: {  	s31 =	sadd.s32 s31, s28;
	s23 =	spop (v2sf);
	s1 =	smul.u32 $0x431BDE83, s0  }
0xa3: {  	s18 =	sld [smem:$0x433];
	s0 =	smulhi.u32 $0x431BDE83, s23;
	s23 =	sshra.s32 s23, $0x1F  }
0xa4: {  	s20 =	sadd.s32 s30, s20;
	s24 =	spop (v2sf);
	s7 =	smul.u32 $0x431BDE83, s23  }
0xa5: {  	[smem:$0x442] =	sst s20;
	s5 =	smulhi.u32 $0x431BDE83, s24;
	s23 =	sshra.s32 s24, $0x1F  }
0xa6: {  	s4 =	smul.u32 $0x431BDE83, s23;
	s23 =	spop (v2sf);
	s1 =	sadd.s32 s1, s25  }
0xa7: {  	s24 =	smulhi.u32 $0x431BDE83, s23;
	[smem:$0x443] =	sst s1;
	s0 =	sadd.s32 s7, s0  }
0xa8: {  	s23 =	sshra.s32 s23, $0x1F;
	s28 =	spop (v2sf);
	[smem:$0x444] =	sst s0  }
0xa9: {  	s29 =	smulhi.u32 $0x431BDE83, s28;
	s26 =	sshra.s32 s28, $0x1F;
	s28 =	sld [smem:$0x42F]  }
0xaa: {  	s23 =	smul.u32 $0x431BDE83, s23;
	s20 =	sadd.s32 s4, s5;
	s4 =	sld [smem:$0x432]  }
0xab: {  	s0 =	sshra.s32 s21, $0x1F;
	[smem:$0x445] =	sst s20  }
0xac: {  	s3 =	smul.u32 $0x431BDE83, s26;
	v14 =	vmov s0;
	s0 =	sld [smem:$0x436];
	s25 =	sadd.s32 s23, s24  }
0xad: {  	[smem:$0x446] =	sst s25  }
0xae: {  	s26 =	sadd.s32 s3, s29;
	s29 =	sld [smem:$0x430]  }
0xaf: {  	s5 =	sshrl.u32 s28, $0x1F;
	s1 =	sshra.s32 s28, $0x12;
	s3 =	sld [smem:$0x431]  }
0xb0: {  	s24 =	sshrl.u32 s4, $0x1F;
	s4 =	sshra.s32 s4, $0x12;
	s28 =	sshrl.u32 s18, $0x1F  }
0xb1: {  	s25 =	sshrl.u32 s22, $0x1F;
	[smem:$0x447] =	sst s26;
	s26 =	sshra.s32 s18, $0x12  }
0xb2: {  	s30 =	sshrl.u32 s29, $0x1F;
	s20 =	sshra.s32 s29, $0x12;
	s29 =	sld [smem:$0x434]  }
0xb3: {  	v13 =	vmov s25;
	s23 =	sshrl.u32 s3, $0x1F;
	s3 =	sshra.s32 s3, $0x12;
	v11 =	vmov s30;
	s30 =	sld [smem:$0x435];
	v16 =	vmov s20  }
0xb4: {  	v13 =	vnsel vm0, $0x0, v13;
	s20 =	sshra.s32 s21, $0x12;
	v11 =	vsel vm2, s5, v11;
	s5 =	sshrl.u32 s14, $0x1F;
	v16 =	vsel vm2, s1, v16;
	s1 =	sld [smem:$0x43B]  }
0xb5: {  	s7 =	sshrl.u32 s29, $0x1F;
	s18 =	sshra.s32 s29, $0x12;
	v13 =	vsel vm2, s5, v13;
	s5 =	sshrl.u32 s0, $0x1F  }
0xb6: {  	v11 =	vsel vm4, s23, v11;
	s23 =	sshrl.u32 s8, $0x1F;
	v16 =	vsel vm4, s3, v16;
	s3 =	sld [smem:$0x43C];
	s29 =	sshrl.u32 s30, $0x1F  }
0xb7: {  	s25 =	sshra.s32 s30, $0x12;
	s30 =	sshra.s32 s22, $0x12;
	v13 =	vsel vm4, s23, v13;
	s23 =	sshra.s32 s0, $0x12  }
0xb8: {  	v11 =	vsel vm6, s24, v11;
	s22 =	sshra.s32 s22, $0x1F;
	s0 =	sshrl.u32 s17, $0x1F;
	s24 =	sshra.s32 s8, $0x12  }
0xb9: {  	v15 =	vmov s7;
	s8 =	sshra.s32 s8, $0x1F;
	s7 =	sld [smem:$0x43D];
	v14 =	vsel vm0, s30, v14;
	s30 =	sshra.s32 s14, $0x12  }
0xba: {  	v17 =	vmov s18;
	v13 =	vsel vm6, s0, v13;
	s14 =	sshra.s32 s14, $0x1F;
	s0 =	sshrl.u32 s16, $0x1F;
	v15 =	vsel vm2, s28, v15;
	s28 =	sshrl.u32 s12, $0x1F  }
0xbb: {  	(v2sf) =	vpush v12, $0x0;
	v17 =	vsel vm2, s26, v17;
	s26 =	sld [smem:$0x43E];
	v13 =	vsel vm8, s0, v13;
	s0 =	sshra.s32 s17, $0x12;
	s17 =	sshra.s32 s17, $0x1F  }
0xbc: {  	(v2sf) =	vpush v12, $0x1;
	v14 =	vsel vm1, s22, v14;
	v15 =	vsel vm4, s29, v15;
	s29 =	sshra.s32 s16, $0x12;
	s22 =	sshra.s32 s16, $0x1F;
	s18 =	sshrl.u32 s3, $0x1F  }
0xbd: {  	v17 =	vsel vm4, s25, v17;
	s25 =	sshrl.u32 s13, $0x1F;
	v14 =	vsel vm2, s30, v14;
	s30 =	sshrl.u32 s11, $0x1F;
	v15 =	vsel vm6, s5, v15;
	s5 =	sld [smem:$0x438]  }
0xbe: {  	v20 =	vmov s25;
	s25 =	sshrl.u32 s10, $0x1F;
	v21 =	vmov s18;
	s18 =	sshra.s32 s6, $0x12;
	v14 =	vsel vm3, s14, v14;
	s14 =	sld [smem:$0x43A]  }
0xbf: {  	(v2sf) =	vpush v12, $0x2;
	v13 =	vsel vm10, s30, v13;
	s30 =	sshrl.u32 s21, $0x1F;
	v14 =	vsel vm4, s24, v14;
	s24 =	sshra.s32 s11, $0x12;
	s11 =	sshra.s32 s11, $0x1F  }
0xc0: {  	(v2sf) =	vpush v12, $0x3;
	v13 =	vsel vm11, s28, v13;
	s28 =	sshra.s32 s12, $0x12;
	s12 =	sshra.s32 s12, $0x1F;
	v14 =	vsel vm5, s8, v14;
	s8 =	sld [smem:$0x439]  }
0xc1: {  	v16 =	vsel vm6, s4, v16;
	v13 =	vsel vm13, s30, v13;
	v14 =	vsel vm6, s0, v14;
	s0 =	sld [smem:$0x437];
	s30 =	sshrl.u32 s14, $0x1F;
	s4 =	sshra.s32 s14, $0x12  }
0xc2: {  	(v2sf) =	vpush v12, $0x4;
	s14 =	sshra.s32 s3, $0x12;
	s3 =	sld [smem:$0x440];
	v14 =	vsel vm7, s17, v14;
	s17 =	sshrl.u32 s5, $0x1F  }
0xc3: {  	(v2sf) =	vpush v12, $0x5;
	s5 =	sshra.s32 s5, $0x12;
	v14 =	vsel vm8, s29, v14;
	s29 =	sshrl.u32 s8, $0x1F;
	s8 =	sshra.s32 s8, $0x12  }
0xc4: {  	(v2sf) =	vpush v12, $0x6;
	s21 =	sshrl.u32 s0, $0x1F;
	s16 =	sshra.s32 s0, $0x12;
	v14 =	vsel vm9, s22, v14;
	s22 =	sshrl.u32 s1, $0x1F  }
0xc5: {  	(v2sf) =	vpush v12, $0x7;
	v11 =	vcombine.low v15, v11;
	v18 =	vmov s17;
	s0 =	sshra.s32 s1, $0x12;
	s1 =	sshra.s32 s26, $0x12;
	s17 =	sshra.s32 s3, $0x1F  }
0xc6: {  	v3 =	vld [tilespmem:$0x1FFC0];
	v22 =	vmov s5;
	v14 =	vsel vm10, s24, v14;
	s24 =	sshrl.u32 s7, $0x1F;
	s7 =	sshra.s32 s7, $0x12;
	v18 =	vsel vm2, s21, v18;
	s21 =	sshra.s32 s15, $0x12  }
0xc7: {  	v2 =	vld [tilespmem:$0x1FFD0];
	v19 =	vmov s17;
	v21 =	vsel vm2, s22, v21;
	s22 =	sld [smem:$0x443];
	v14 =	vsel vm12, s11, v14;
	s11 =	sshrl.u32 s26, $0x1F;
	s26 =	sshra.s32 s13, $0x12  }
0xc8: {  	v22 =	vsel vm2, s16, v22;
	s13 =	sshra.s32 s13, $0x1F;
	v18 =	vsel vm4, s29, v18;
	s29 =	sshrl.u32 s2, $0x1F;
	v14 =	vsel vm11, s28, v14;
	s28 =	sld [smem:$0x43F]  }
0xc9: {  	v22 =	vsel vm4, s8, v22;
	v19 =	vsel vm0, s26, v19;
	s26 =	sshra.s32 s10, $0x12;
	v18 =	vsel vm6, s30, v18;
	s10 =	sshra.s32 s10, $0x1F;
	s30 =	sshrl.u32 s3, $0x1F  }
0xca: {  	s3 =	sshra.s32 s3, $0x12;
	v22 =	vsel vm6, s4, v22;
	v14 =	vsel vm14, s12, v14;
	v19 =	vsel vm1, s13, v19;
	s13 =	sshrl.u32 s9, $0x1F;
	s4 =	sshrl.u32 s22, $0x1F  }
0xcb: {  	v17 =	vsel vm6, s23, v17;
	v20 =	vnsel vm0, $0x0, v20;
	v14 =	vsel vm13, s20, v14;
	s20 =	sshrl.u32 s15, $0x1F;
	s15 =	sshra.s32 s15, $0x1F;
	s12 =	sshrl.u32 s28, $0x1F  }
0xcc: {  	v11 =	vperm.xlane v11, v3;
	v13 =	vperm.xlane v13, v2;
	v23 =	vmov s14;
	s23 =	sshra.s32 s28, $0x12;
	s17 =	sshra.s32 s28, $0x1F;
	s28 =	sshra.s32 s9, $0x12  }
0xcd: {  	v21 =	vsel vm4, s24, v21;
	s9 =	sshra.s32 s9, $0x1F;
	v20 =	vsel vm2, s12, v20;
	v19 =	vsel vm2, s23, v19;
	s12 =	sshrl.u32 s6, $0x1F;
	s23 =	spop (v2sf)  }
0xce: {  	v21 =	vsel vm6, s11, v21;
	s6 =	sshra.s32 s6, $0x1F;
	v20 =	vsel vm4, s20, v20;
	v19 =	vsel vm3, s17, v19;
	s11 =	smulhi.u32 $0x431BDE83, s23;
	s24 =	sshra.s32 s23, $0x1F  }
0xcf: {  	v23 =	vsel vm2, s0, v23;
	s20 =	sshra.s32 s2, $0x12;
	v20 =	vsel vm6, s25, v20;
	v19 =	vsel vm4, s21, v19;
	s5 =	smul.u32 $0x431BDE83, s24;
	s24 =	sld [smem:$0x441]  }
0xd0: {  	v45 =	vsel vm4, s7, v23;
	s23 =	smov.u32 s31;
	s21 =	sshra.s32 s2, $0x1F;
	s25 =	spop (v2sf);
	v20 =	vsel vm8, s13, v20;
	v19 =	vsel vm5, s15, v19  }
0xd1: {  	v46 =	vsel vm6, s1, v45;
	s15 =	smulhi.u32 $0x431BDE83, s25;
	v20 =	vsel vm10, s12, v20;
	v19 =	vsel vm6, s26, v19;
	s12 =	sshrl.u32 s31, $0x1F;
	s26 =	spop (v2sf)  }
0xd2: {  	v13 =	vsel vm15, v13, v11;
	v11 =	vcombine.low v46, v22;
	s31 =	sld [smem:$0x442];
	s1 =	sadd.s32 s5, s11;
	v19 =	vsel vm7, s10, v19;
	s10 =	sshrl.u32 s24, $0x1F  }
0xd3: {  	v20 =	vsel vm11, s29, v20;
	s29 =	sshra.s32 s25, $0x1F;
	s13 =	spop (v2sf);
	s25 =	sld [smem:$0x444]  }
0xd4: {  	v51 =	vperm.xlane v11, v3;
	s0 =	smulhi.u32 $0x431BDE83, s26;
	s24 =	sshra.s32 s24, $0x12;
	v19 =	vsel vm8, s28, v19;
	s14 =	spop (v2sf)  }
0xd5: {  	v11 =	vld [tilespmem:$0x30];
	v20 =	vsel vm13, s30, v20;
	s30 =	sshra.s32 s26, $0x1F;
	s26 =	sld [smem:$0x445];
	v47 =	vmov s10;
	v19 =	vsel vm9, s9, v19;
	s9 =	smul.u32 $0x431BDE83, s29  }
0xd6: {  	s8 =	sshrl.u32 s31, $0x1F;
	s11 =	smul.u32 $0x431BDE83, s30;
	v48 =	vsel vm2, s12, v47;
	s12 =	sshrl.u32 s1, $0x1F  }
0xd7: {  	v16 =	vcombine.low v17, v16;
	s30 =	sshra.s32 s13, $0x1F;
	v15 =	vsel vm10, s18, v19;
	s17 =	sshrl.u32 s25, $0x1F;
	s18 =	spop (v2sf)  }
0xd8: {  	v15 =	vsel vm12, s6, v15;
	s7 =	sshrl.u32 s26, $0x1F;
	s2 =	spop (v2sf);
	s9 =	sadd.s32 s9, s15  }
0xd9: {  	v16 =	vperm.xlane v16, v3;
	s5 =	sadd.s32 s11, s0;
	s26 =	sshra.s32 s26, $0x12;
	v15 =	vsel vm11, s20, v15;
	s28 =	spop (v2sf)  }
0xda: {  	v14 =	vperm.xlane v14, v2;
	(v2sf) =	vpush v11, $0xD;
	v15 =	vsel vm14, s21, v15;
	s29 =	smulhi.u32 $0x431BDE83, s28;
	s6 =	sshra.s32 s28, $0x1F;
	s21 =	sld [smem:$0x446]  }
0xdb: {  	(v2sf) =	vpush v11, $0xC;
	v50 =	vperm.xlane v20, v2;
	s20 =	sld [smem:$0x447];
	s15 =	sshrl.u32 s9, $0x1F;
	v52 =	vmov s7;
	s6 =	smul.u32 $0x431BDE83, s6  }
0xdc: {  	(v2sf) =	vpush v11, $0xE;
	s7 =	smulhi.u32 $0x431BDE83, s14;
	v20 =	vsel vm2, s17, v52;
	s17 =	sshra.s32 s9, $0x12;
	v15 =	vsel vm13, s3, v15;
	s3 =	sshrl.u32 s5, $0x1F  }
0xdd: {  	s16 =	sshrl.u32 s21, $0x1F;
	s0 =	sadd.s32 s6, s29;
	s6 =	smulhi.u32 $0x431BDE83, s13  }
0xde: {  	v18 =	vcombine.low v21, v18;
	v14 =	vsel vm15, v14, v16;
	(v2sf) =	vpush v11, $0xF;
	s13 =	smul.u32 $0x431BDE83, s30;
	s29 =	sshra.s32 s14, $0x1F;
	s28 =	sshra.s32 s0, $0x1F  }
0xdf: {  	v17 =	vsel vm4, s8, v48;
	(v2sf) =	vpush v11, $0x9;
	s30 =	sshra.s32 s1, $0x12;
	s1 =	sshra.s32 s1, $0x1F;
	s14 =	smulhi.u32 $0x431BDE83, s18;
	v53 =	vmov s28  }
0xe0: {  	v17 =	vsel vm6, s4, v17;
	v20 =	vsel vm4, s16, v20;
	s16 =	sshra.s32 s18, $0x1F;
	s4 =	sadd.s32 s13, s6;
	s13 =	smul.u32 $0x431BDE83, s29;
	v21 =	vsel vm0, s30, v53  }
0xe1: {  	v13 =	vadd.s32 v13, v14;
	v54 =	vmov s12;
	s10 =	sshrl.u32 s20, $0x1F;
	s8 =	sshra.s32 s21, $0x12;
	s11 =	smul.u32 $0x431BDE83, s16;
	v21 =	vsel vm1, s1, v21  }
0xe2: {  	v56 =	vmov s24;
	v22 =	vnsel vm0, $0x0, v54;
	s28 =	sshra.s32 s9, $0x1F;
	s29 =	smulhi.u32 $0x431BDE83, s2;
	s2 =	sshra.s32 s2, $0x1F;
	v21 =	vsel vm2, s17, v21  }
0xe3: {  	(v2sf) =	vpush v11, $0x8;
	v20 =	vsel vm6, s10, v20;
	s10 =	sshra.s32 s22, $0x12;
	s18 =	sshrl.u32 s4, $0x1F;
	s30 =	sshra.s32 s5, $0x12;
	v21 =	vsel vm3, s28, v21  }
0xe4: {  	v57 =	vmov s26;
	v22 =	vsel vm2, s15, v22;
	s2 =	smul.u32 $0x431BDE83, s2;
	s6 =	sadd.s32 s13, s7;
	s7 =	sshra.s32 s5, $0x1F;
	v21 =	vsel vm4, s30, v21  }
0xe5: {  	(v2sf) =	vpush v11, $0xA;
	v22 =	vsel vm4, s3, v22;
	s16 =	sshra.s32 s4, $0x1F;
	s13 =	sadd.s32 s11, s14;
	s14 =	sshra.s32 s4, $0x12;
	v21 =	vsel vm5, s7, v21  }
0xe6: {  	(v2sf) =	vpush v11, $0xB;
	v22 =	vsel vm6, s18, v22;
	s11 =	sshra.s32 s20, $0x12;
	s12 =	sshrl.u32 s6, $0x1F;
	s15 =	sshrl.u32 s13, $0x1F;
	v21 =	vsel vm6, s14, v21  }
0xe7: {  	(v2sf) =	vpush v11, $0x0;
	s2 =	sadd.s32 s2, s29;
	s18 =	sshra.s32 s6, $0x12;
	s29 =	sshra.s32 s23, $0x12;
	v22 =	vsel vm8, s12, v22;
	v21 =	vsel vm7, s16, v21  }
0xe8: {  	v17 =	vcombine.low v20, v17;
	s5 =	sshra.s32 s13, $0x12;
	s17 =	sshrl.u32 s2, $0x1F;
	s28 =	sshra.s32 s6, $0x1F;
	v22 =	vsel vm10, s15, v22;
	v21 =	vsel vm8, s18, v21  }
0xe9: {  	s9 =	sshra.s32 s13, $0x1F;
	s30 =	sshra.s32 s25, $0x12;
	s15 =	spop (v2sf);
	(v2sf) =	vpush v11, $0x1;
	v55 =	vsel vm11, s17, v22;
	v21 =	vsel vm9, s28, v21  }
0xea: {  	s13 =	sshrl.u32 s0, $0x1F;
	v22 =	vsel vm2, s29, v56;
	s7 =	sshra.s32 s31, $0x12;
	v23 =	vsel vm2, s30, v57;
	s16 =	spop (v2sf);
	v21 =	vsel vm10, s5, v21  }
0xeb: {  	s12 =	sshra.s32 s2, $0x12;
	s21 =	smulhi.u32 $0x431BDE83, s15;
	v22 =	vsel vm4, s7, v22;
	v23 =	vsel vm4, s8, v23;
	s17 =	spop (v2sf);
	v21 =	vsel vm12, s9, v21  }
0xec: {  	s14 =	sshra.s32 s2, $0x1F;
	v22 =	vsel vm6, s10, v22;
	v23 =	vsel vm6, s11, v23;
	s11 =	smulhi.u32 $0x431BDE83, s17;
	s23 =	sshra.s32 s17, $0x1F;
	v21 =	vsel vm11, s12, v21  }
0xed: {  	s0 =	sshra.s32 s0, $0x12;
	v20 =	vsel vm13, s13, v55;
	v22 =	vcombine.low v23, v22;
	s18 =	spop (v2sf);
	s17 =	smul.u32 $0x431BDE83, s23;
	v21 =	vsel vm14, s14, v21  }
0xee: {  	v17 =	vperm.xlane v17, v3;
	v20 =	vperm.xlane v20, v2;
	s20 =	spop (v2sf);
	s9 =	smulhi.u32 $0x431BDE83, s16;
	v21 =	vsel vm13, s0, v21  }
0xef: {  	(v2sf) =	vpush v11, $0x2;
	v14 =	vperm.xlane v22, v3;
	s13 =	smulhi.u32 $0x431BDE83, s20;
	v21 =	vperm.xlane v21, v2  }
0xf0: {  	(v2sf) =	vpush v11, $0x3;
	s24 =	sshra.s32 s18, $0x1F;
	s12 =	smulhi.u32 $0x431BDE83, s18  }
0xf1: {  	v58 =	vsel vm15, v20, v17;
	(v2sf) =	vpush v11, $0x4;
	s25 =	sshra.s32 s20, $0x1F;
	s18 =	smul.u32 $0x431BDE83, s24;
	v14 =	vsel vm15, v21, v14  }
0xf2: {  	(v2sf) =	vpush v11, $0x5;
	s26 =	spop (v2sf);
	s20 =	smul.u32 $0x431BDE83, s25;
	v14 =	vadd.s32 v58, v14  }
0xf3: {  	v13 =	vmul.u32 $0xF4240, v13;
	s22 =	sshra.s32 s16, $0x1F;
	s16 =	smulhi.u32 $0x431BDE83, s26;
	v59 =	vmul.u32 $0xF4240, v14  }
0xf4: {  	(v2sf) =	vpush v11, $0x6;
	s28 =	spop (v2sf);
	s0 =	sshra.s32 s15, $0x1F;
	s15 =	smul.u32 $0x431BDE83, s22  }
0xf5: {  	v1 =	vsub.s32 v0, v13;
	s29 =	spop (v2sf);
	s22 =	smulhi.u32 $0x431BDE83, s28;
	v0 =	vsub.s32 v12, v59;
	v12 =	vld [tilespmem:$0x40]  }
0xf6: {  	s23 =	smulhi.u32 $0x431BDE83, s29  }
0xf7: {  	s30 =	spop (v2sf);
	s14 =	smul.u32 $0x431BDE83, s0  }
0xf8: {  	(v2sf) =	vpush v11, $0x7;
	s0 =	sshra.s32 s26, $0x1F;
	s25 =	smulhi.u32 $0x431BDE83, s30  }
0xf9: {  	[smem:$0x448] =	sst s21;
	s21 =	smul.u32 $0x431BDE83, s0;
	s0 =	sshra.s32 s28, $0x1F  }
0xfa: {  	s24 =	smul.u32 $0x431BDE83, s0;
	s0 =	sshra.s32 s29, $0x1F;
	(v2sf) =	vpush v12, $0xD  }
0xfb: {  	s26 =	smul.u32 $0x431BDE83, s0;
	s0 =	sshra.s32 s30, $0x1F  }
0xfc: {  	s1 =	smul.u32 $0x431BDE83, s0;
	s31 =	spop (v2sf)  }
0xfd: {  	s28 =	smulhi.u32 $0x431BDE83, s31;
	s0 =	sshra.s32 s31, $0x1F  }
0xfe: {  	s6 =	smul.u32 $0x431BDE83, s0;
	s2 =	spop (v2sf);
	(v2sf) =	vpush v12, $0xC  }
0xff: {  	s29 =	smulhi.u32 $0x431BDE83, s2;
	s0 =	sshra.s32 s2, $0x1F;
	s3 =	spop (v2sf)  }
0x100: {  	s2 =	smul.u32 $0x431BDE83, s0;
	s4 =	spop (v2sf)  }
0x101: {  	s30 =	smulhi.u32 $0x431BDE83, s3;
	s5 =	spop (v2sf)  }
0x102: {  	s7 =	smulhi.u32 $0x431BDE83, s5;
	(v2sf) =	vpush v12, $0xE  }
0x103: {  	s0 =	sshra.s32 s3, $0x1F;
	s31 =	smulhi.u32 $0x431BDE83, s4;
	s8 =	spop (v2sf)  }
0x104: {  	s3 =	sshra.s32 s4, $0x1F;
	[smem:$0x449] =	sst s7;
	s7 =	smulhi.u32 $0x431BDE83, s8  }
0x105: {  	s10 =	smul.u32 $0x431BDE83, s3;
	s3 =	sshra.s32 s5, $0x1F  }
0x106: {  	s5 =	smul.u32 $0x431BDE83, s3;
	s3 =	sshra.s32 s8, $0x1F;
	(v2sf) =	vpush v12, $0xF;
	[smem:$0x44A] =	sst s7  }
0x107: {  	s7 =	smul.u32 $0x431BDE83, s3;
	s3 =	spop (v2sf)  }
0x108: {  	s8 =	smulhi.u32 $0x431BDE83, s3;
	s3 =	sshra.s32 s3, $0x1F  }
0x109: {  	s4 =	smul.u32 $0x431BDE83, s3;
	s3 =	spop (v2sf)  }
0x10a: {  	(v2sf) =	vpush v12, $0x9;
	[smem:$0x44B] =	sst s8;
	s8 =	smulhi.u32 $0x431BDE83, s3;
	s3 =	sshra.s32 s3, $0x1F  }
0x10b: {  	s3 =	smul.u32 $0x431BDE83, s3;
	_ =	sdelay $0x1  }
0x10c: {  	[smem:$0x44D] =	sst s3;
	s3 =	spop (v2sf)  }
0x10d: {  	(v2sf) =	vpush v12, $0x8;
	[smem:$0x44C] =	sst s8;
	s8 =	smulhi.u32 $0x431BDE83, s3;
	s3 =	sshra.s32 s3, $0x1F  }
0x10e: {  	s3 =	smul.u32 $0x431BDE83, s3;
	_ =	sdelay $0x1  }
0x10f: {  	[smem:$0x44F] =	sst s3;
	s3 =	spop (v2sf)  }
0x110: {  	(v2sf) =	vpush v12, $0xA;
	[smem:$0x44E] =	sst s8;
	s8 =	smulhi.u32 $0x431BDE83, s3;
	s3 =	sshra.s32 s3, $0x1F  }
0x111: {  	s3 =	smul.u32 $0x431BDE83, s3;
	_ =	sdelay $0x1  }
0x112: {  	[smem:$0x451] =	sst s3;
	s3 =	spop (v2sf)  }
0x113: {  	(v2sf) =	vpush v12, $0xB;
	[smem:$0x450] =	sst s8;
	s8 =	smulhi.u32 $0x431BDE83, s3;
	s3 =	sshra.s32 s3, $0x1F  }
0x114: {  	s3 =	smul.u32 $0x431BDE83, s3;
	_ =	sdelay $0x1  }
0x115: {  	[smem:$0x453] =	sst s3;
	s3 =	spop (v2sf)  }
0x116: {  	(v2sf) =	vpush v12, $0x0;
	[smem:$0x452] =	sst s8;
	s8 =	smulhi.u32 $0x431BDE83, s3;
	s3 =	sshra.s32 s3, $0x1F  }
0x117: {  	s3 =	smul.u32 $0x431BDE83, s3;
	_ =	sdelay $0x1  }
0x118: {  	[smem:$0x455] =	sst s3;
	s3 =	spop (v2sf)  }
0x119: {  	(v2sf) =	vpush v12, $0x1;
	[smem:$0x454] =	sst s8;
	s8 =	smulhi.u32 $0x431BDE83, s3;
	s3 =	sshra.s32 s3, $0x1F  }
0x11a: {  	s3 =	smul.u32 $0x431BDE83, s3;
	_ =	sdelay $0x1  }
0x11b: {  	[smem:$0x457] =	sst s3;
	s3 =	spop (v2sf)  }
0x11c: {  	(v2sf) =	vpush v12, $0x2;
	[smem:$0x456] =	sst s8;
	s8 =	smulhi.u32 $0x431BDE83, s3;
	s3 =	sshra.s32 s3, $0x1F  }
0x11d: {  	s3 =	smul.u32 $0x431BDE83, s3;
	_ =	sdelay $0x1  }
0x11e: {  	[smem:$0x459] =	sst s3;
	s3 =	spop (v2sf)  }
0x11f: {  	(v2sf) =	vpush v12, $0x3;
	[smem:$0x458] =	sst s8;
	s8 =	smulhi.u32 $0x431BDE83, s3;
	s3 =	sshra.s32 s3, $0x1F  }
0x120: {  	s3 =	smul.u32 $0x431BDE83, s3;
	_ =	sdelay $0x1  }
0x121: {  	[smem:$0x45B] =	sst s3;
	s3 =	spop (v2sf)  }
0x122: {  	(v2sf) =	vpush v12, $0x4;
	[smem:$0x45A] =	sst s8;
	s8 =	smulhi.u32 $0x431BDE83, s3;
	s3 =	sshra.s32 s3, $0x1F  }
0x123: {  	s3 =	smul.u32 $0x431BDE83, s3;
	_ =	sdelay $0x1  }
0x124: {  	[smem:$0x45D] =	sst s3;
	s3 =	spop (v2sf)  }
0x125: {  	(v2sf) =	vpush v12, $0x5;
	[smem:$0x45C] =	sst s8;
	s8 =	smulhi.u32 $0x431BDE83, s3;
	s3 =	sshra.s32 s3, $0x1F  }
0x126: {  	s3 =	smul.u32 $0x431BDE83, s3;
	_ =	sdelay $0x1  }
0x127: {  	[smem:$0x45F] =	sst s3;
	s3 =	spop (v2sf)  }
0x128: {  	(v2sf) =	vpush v12, $0x6;
	[smem:$0x45E] =	sst s8;
	s8 =	smulhi.u32 $0x431BDE83, s3;
	s3 =	sshra.s32 s3, $0x1F  }
0x129: {  	s3 =	smul.u32 $0x431BDE83, s3;
	_ =	sdelay $0x1  }
0x12a: {  	[smem:$0x461] =	sst s3;
	s3 =	spop (v2sf)  }
0x12b: {  	v13 =	vld [tilespmem:$0x50];
	[smem:$0x460] =	sst s8;
	s8 =	smulhi.u32 $0x431BDE83, s3;
	s3 =	sshra.s32 s3, $0x1F  }
0x12c: {  	(v2sf) =	vpush v12, $0x7;
	s3 =	smul.u32 $0x431BDE83, s3;
	_ =	sdelay $0x1  }
0x12d: {  	[smem:$0x463] =	sst s3;
	s3 =	spop (v2sf)  }
0x12e: {  	[smem:$0x462] =	sst s8;
	s8 =	smulhi.u32 $0x431BDE83, s3;
	s3 =	sshra.s32 s3, $0x1F  }
0x12f: {  	(v2sf) =	vpush v13, $0xD;
	s3 =	smul.u32 $0x431BDE83, s3  }
0x130: {  	v49 =	vperm.xlane v18, v3;
	v15 =	vperm.xlane v15, v2  }
0x131: {  	[smem:$0x465] =	sst s3;
	s3 =	spop (v2sf)  }
0x132: {  	v16 =	vsel vm15, v50, v49;
	v15 =	vsel vm15, v15, v51;
	[smem:$0x464] =	sst s8;
	s8 =	smulhi.u32 $0x431BDE83, s3;
	s3 =	sshra.s32 s3, $0x1F  }
0x133: {  	v15 =	vadd.s32 v16, v15;
	(v2sf) =	vpush v13, $0xC;
	s3 =	smul.u32 $0x431BDE83, s3  }
0x134: {  	v15 =	vmul.u32 $0xF4240, v15  }
0x135: {  	[tilespmem:$0x1FFB0] =	vst v1;
	(v2sf) =	vpush v13, $0xE;
	[smem:$0x467] =	sst s3;
	s3 =	spop (v2sf)  }
0x136: {  	[tilespmem:$0x0] =	vst v1;
	v10 =	vsub.s32 v10, v15;
	(v2sf) =	vpush v13, $0xF;
	[smem:$0x466] =	sst s8;
	s8 =	smulhi.u32 $0x431BDE83, s3  }
0x137: {  	[tilespmem:$0x10] =	vst v10;
	(v2sf) =	vpush v13, $0x9;
	s3 =	sshra.s32 s3, $0x1F  }
0x138: {  	[tilespmem:$0x20] =	vst v0;
	(v2sf) =	vpush v13, $0x8;
	s3 =	smul.u32 $0x431BDE83, s3;
	[smem:$0x468] =	sst s8  }
0x139: {  	(v2sf) =	vpush v13, $0xA  }
0x13a: {  	[smem:$0x469] =	sst s3;
	s3 =	spop (v2sf)  }
0x13b: {  	s8 =	smulhi.u32 $0x431BDE83, s3;
	s3 =	sshra.s32 s3, $0x1F  }
0x13c: {  	s3 =	smul.u32 $0x431BDE83, s3;
	_ =	sdelay $0x1  }
0x13d: {  	[smem:$0x46B] =	sst s3;
	s3 =	spop (v2sf)  }
0x13e: {  	[smem:$0x46A] =	sst s8;
	s8 =	smulhi.u32 $0x431BDE83, s3;
	s3 =	sshra.s32 s3, $0x1F  }
0x13f: {  	s3 =	smul.u32 $0x431BDE83, s3;
	_ =	sdelay $0x1  }
0x140: {  	[smem:$0x46D] =	sst s3;
	s3 =	spop (v2sf)  }
0x141: {  	[smem:$0x46C] =	sst s8;
	s8 =	smulhi.u32 $0x431BDE83, s3;
	s3 =	sshra.s32 s3, $0x1F  }
0x142: {  	s3 =	smul.u32 $0x431BDE83, s3;
	_ =	sdelay $0x1  }
0x143: {  	[smem:$0x46F] =	sst s3;
	s3 =	spop (v2sf)  }
0x144: {  	[smem:$0x46E] =	sst s8;
	s8 =	smulhi.u32 $0x431BDE83, s3;
	s3 =	sshra.s32 s3, $0x1F  }
0x145: {  	s3 =	smul.u32 $0x431BDE83, s3;
	_ =	sdelay $0x1  }
0x146: {  	[smem:$0x471] =	sst s3;
	s3 =	spop (v2sf)  }
0x147: {  	(v2sf) =	vpush v13, $0xB;
	[smem:$0x470] =	sst s8;
	s8 =	smulhi.u32 $0x431BDE83, s3;
	s3 =	sshra.s32 s3, $0x1F  }
0x148: {  	s3 =	smul.u32 $0x431BDE83, s3;
	_ =	sdelay $0x1  }
0x149: {  	[smem:$0x473] =	sst s3;
	s3 =	spop (v2sf)  }
0x14a: {  	(v2sf) =	vpush v13, $0x0;
	[smem:$0x472] =	sst s8;
	s8 =	smulhi.u32 $0x431BDE83, s3;
	s3 =	sshra.s32 s3, $0x1F  }
0x14b: {  	s3 =	smul.u32 $0x431BDE83, s3;
	_ =	sdelay $0x1  }
0x14c: {  	[smem:$0x475] =	sst s3;
	s3 =	spop (v2sf)  }
0x14d: {  	(v2sf) =	vpush v13, $0x1;
	[smem:$0x474] =	sst s8;
	s8 =	smulhi.u32 $0x431BDE83, s3;
	s3 =	sshra.s32 s3, $0x1F  }
0x14e: {  	s3 =	smul.u32 $0x431BDE83, s3;
	_ =	sdelay $0x1  }
0x14f: {  	[smem:$0x477] =	sst s3;
	s3 =	spop (v2sf)  }
0x150: {  	(v2sf) =	vpush v13, $0x2;
	[smem:$0x476] =	sst s8;
	s8 =	smulhi.u32 $0x431BDE83, s3;
	s3 =	sshra.s32 s3, $0x1F  }
0x151: {  	s3 =	smul.u32 $0x431BDE83, s3;
	_ =	sdelay $0x1  }
0x152: {  	[smem:$0x479] =	sst s3;
	s3 =	spop (v2sf)  }
0x153: {  	(v2sf) =	vpush v13, $0x3;
	[smem:$0x478] =	sst s8;
	s8 =	smulhi.u32 $0x431BDE83, s3;
	s3 =	sshra.s32 s3, $0x1F  }
0x154: {  	s3 =	smul.u32 $0x431BDE83, s3;
	_ =	sdelay $0x1  }
0x155: {  	[smem:$0x47B] =	sst s3;
	s3 =	spop (v2sf)  }
0x156: {  	(v2sf) =	vpush v13, $0x4;
	[smem:$0x47A] =	sst s8;
	s8 =	smulhi.u32 $0x431BDE83, s3;
	s3 =	sshra.s32 s3, $0x1F  }
0x157: {  	s3 =	smul.u32 $0x431BDE83, s3;
	_ =	sdelay $0x1  }
0x158: {  	[smem:$0x47D] =	sst s3;
	s3 =	spop (v2sf)  }
0x159: {  	(v2sf) =	vpush v13, $0x5;
	[smem:$0x47C] =	sst s8;
	s8 =	smulhi.u32 $0x431BDE83, s3;
	s3 =	sshra.s32 s3, $0x1F  }
0x15a: {  	s3 =	smul.u32 $0x431BDE83, s3;
	_ =	sdelay $0x1  }
0x15b: {  	[smem:$0x47F] =	sst s3;
	s3 =	spop (v2sf)  }
0x15c: {  	(v2sf) =	vpush v13, $0x6;
	[smem:$0x47E] =	sst s8;
	s8 =	smulhi.u32 $0x431BDE83, s3;
	s3 =	sshra.s32 s3, $0x1F  }
0x15d: {  	s3 =	smul.u32 $0x431BDE83, s3;
	_ =	sdelay $0x1  }
0x15e: {  	v15 =	vld [tilespmem:$0x60];
	[smem:$0x481] =	sst s3;
	s3 =	spop (v2sf)  }
0x15f: {  	(v2sf) =	vpush v13, $0x7;
	[smem:$0x480] =	sst s8;
	s8 =	smulhi.u32 $0x431BDE83, s3;
	s3 =	sshra.s32 s3, $0x1F  }
0x160: {  	s3 =	smul.u32 $0x431BDE83, s3;
	_ =	sdelay $0x1  }
0x161: {  	[smem:$0x483] =	sst s3;
	s3 =	spop (v2sf)  }
0x162: {  	(v2sf) =	vpush v15, $0xD;
	[smem:$0x482] =	sst s8;
	s8 =	smulhi.u32 $0x431BDE83, s3;
	s3 =	sshra.s32 s3, $0x1F  }
0x163: {  	s3 =	smul.u32 $0x431BDE83, s3;
	_ =	sdelay $0x1  }
0x164: {  	[smem:$0x485] =	sst s3;
	s3 =	spop (v2sf)  }
0x165: {  	(v2sf) =	vpush v15, $0xC;
	[smem:$0x484] =	sst s8;
	s8 =	smulhi.u32 $0x431BDE83, s3;
	s3 =	sshra.s32 s3, $0x1F  }
0x166: {  	s3 =	smul.u32 $0x431BDE83, s3;
	_ =	sdelay $0x1  }
0x167: {  	[smem:$0x487] =	sst s3;
	s3 =	spop (v2sf)  }
0x168: {  	(v2sf) =	vpush v15, $0xE;
	[smem:$0x486] =	sst s8;
	s8 =	smulhi.u32 $0x431BDE83, s3;
	s3 =	sshra.s32 s3, $0x1F  }
0x169: {  	s3 =	smul.u32 $0x431BDE83, s3;
	_ =	sdelay $0x1  }
0x16a: {  	[smem:$0x489] =	sst s3;
	s3 =	spop (v2sf)  }
0x16b: {  	(v2sf) =	vpush v15, $0xF;
	[smem:$0x488] =	sst s8;
	s8 =	smulhi.u32 $0x431BDE83, s3;
	s3 =	sshra.s32 s3, $0x1F  }
0x16c: {  	s3 =	smul.u32 $0x431BDE83, s3;
	_ =	sdelay $0x1  }
0x16d: {  	[smem:$0x48B] =	sst s3;
	s3 =	spop (v2sf)  }
0x16e: {  	(v2sf) =	vpush v15, $0x9;
	[smem:$0x48A] =	sst s8;
	s8 =	smulhi.u32 $0x431BDE83, s3;
	s3 =	sshra.s32 s3, $0x1F  }
0x16f: {  	s3 =	smul.u32 $0x431BDE83, s3;
	_ =	sdelay $0x1  }
0x170: {  	[smem:$0x48D] =	sst s3;
	s3 =	spop (v2sf)  }
0x171: {  	(v2sf) =	vpush v15, $0x8;
	[smem:$0x48C] =	sst s8;
	s8 =	smulhi.u32 $0x431BDE83, s3;
	s3 =	sshra.s32 s3, $0x1F  }
0x172: {  	s3 =	smul.u32 $0x431BDE83, s3;
	_ =	sdelay $0x1  }
0x173: {  	[smem:$0x48F] =	sst s3;
	s3 =	spop (v2sf)  }
0x174: {  	(v2sf) =	vpush v15, $0xA;
	[smem:$0x48E] =	sst s8;
	s8 =	smulhi.u32 $0x431BDE83, s3;
	s3 =	sshra.s32 s3, $0x1F  }
0x175: {  	s3 =	smul.u32 $0x431BDE83, s3;
	_ =	sdelay $0x1  }
0x176: {  	[smem:$0x491] =	sst s3;
	s3 =	spop (v2sf)  }
0x177: {  	(v2sf) =	vpush v15, $0xB;
	[smem:$0x490] =	sst s8;
	s8 =	smulhi.u32 $0x431BDE83, s3;
	s3 =	sshra.s32 s3, $0x1F  }
0x178: {  	s3 =	smul.u32 $0x431BDE83, s3;
	_ =	sdelay $0x1  }
0x179: {  	[smem:$0x493] =	sst s3;
	s3 =	spop (v2sf)  }
0x17a: {  	(v2sf) =	vpush v15, $0x0;
	[smem:$0x492] =	sst s8;
	s8 =	smulhi.u32 $0x431BDE83, s3;
	s3 =	sshra.s32 s3, $0x1F  }
0x17b: {  	s3 =	smul.u32 $0x431BDE83, s3;
	_ =	sdelay $0x1  }
0x17c: {  	[smem:$0x495] =	sst s3;
	s3 =	spop (v2sf)  }
0x17d: {  	(v2sf) =	vpush v15, $0x1;
	[smem:$0x494] =	sst s8;
	s8 =	smulhi.u32 $0x431BDE83, s3;
	s3 =	sshra.s32 s3, $0x1F  }
0x17e: {  	s3 =	smul.u32 $0x431BDE83, s3;
	_ =	sdelay $0x1  }
0x17f: {  	[smem:$0x497] =	sst s3;
	s3 =	spop (v2sf)  }
0x180: {  	(v2sf) =	vpush v15, $0x2;
	[smem:$0x496] =	sst s8;
	s8 =	smulhi.u32 $0x431BDE83, s3;
	s3 =	sshra.s32 s3, $0x1F  }
0x181: {  	s3 =	smul.u32 $0x431BDE83, s3;
	_ =	sdelay $0x1  }
0x182: {  	[smem:$0x499] =	sst s3;
	s3 =	spop (v2sf)  }
0x183: {  	(v2sf) =	vpush v15, $0x3;
	[smem:$0x498] =	sst s8;
	s8 =	smulhi.u32 $0x431BDE83, s3;
	s3 =	sshra.s32 s3, $0x1F  }
0x184: {  	s3 =	smul.u32 $0x431BDE83, s3;
	_ =	sdelay $0x1  }
0x185: {  	[smem:$0x49B] =	sst s3;
	s3 =	spop (v2sf)  }
0x186: {  	(v2sf) =	vpush v15, $0x4;
	[smem:$0x49A] =	sst s8;
	s8 =	smulhi.u32 $0x431BDE83, s3;
	s3 =	sshra.s32 s3, $0x1F  }
0x187: {  	s3 =	smul.u32 $0x431BDE83, s3;
	_ =	sdelay $0x1  }
0x188: {  	[smem:$0x49D] =	sst s3;
	s3 =	spop (v2sf)  }
0x189: {  	(v2sf) =	vpush v15, $0x5;
	[smem:$0x49C] =	sst s8;
	s8 =	smulhi.u32 $0x431BDE83, s3;
	s3 =	sshra.s32 s3, $0x1F  }
0x18a: {  	s3 =	smul.u32 $0x431BDE83, s3;
	_ =	sdelay $0x1  }
0x18b: {  	[smem:$0x49F] =	sst s3;
	s3 =	spop (v2sf)  }
0x18c: {  	(v2sf) =	vpush v15, $0x6;
	[smem:$0x49E] =	sst s8;
	s8 =	smulhi.u32 $0x431BDE83, s3;
	s3 =	sshra.s32 s3, $0x1F  }
0x18d: {  	s3 =	smul.u32 $0x431BDE83, s3;
	_ =	sdelay $0x1  }
0x18e: {  	v14 =	vld [tilespmem:$0x70];
	[smem:$0x4A1] =	sst s3;
	s3 =	spop (v2sf)  }
0x18f: {  	(v2sf) =	vpush v15, $0x7;
	[smem:$0x4A0] =	sst s8;
	s8 =	smulhi.u32 $0x431BDE83, s3;
	s3 =	sshra.s32 s3, $0x1F  }
0x190: {  	s3 =	smul.u32 $0x431BDE83, s3;
	_ =	sdelay $0x1  }
0x191: {  	[smem:$0x4A3] =	sst s3;
	s3 =	spop (v2sf)  }
0x192: {  	(v2sf) =	vpush v14, $0xD;
	[smem:$0x4A2] =	sst s8;
	s8 =	smulhi.u32 $0x431BDE83, s3;
	s3 =	sshra.s32 s3, $0x1F  }
0x193: {  	s3 =	smul.u32 $0x431BDE83, s3;
	_ =	sdelay $0x1  }
0x194: {  	[smem:$0x4A5] =	sst s3;
	s3 =	spop (v2sf)  }
0x195: {  	(v2sf) =	vpush v14, $0xC;
	[smem:$0x4A4] =	sst s8;
	s8 =	smulhi.u32 $0x431BDE83, s3;
	s3 =	sshra.s32 s3, $0x1F  }
0x196: {  	s3 =	smul.u32 $0x431BDE83, s3;
	_ =	sdelay $0x1  }
0x197: {  	[smem:$0x4A7] =	sst s3;
	s3 =	spop (v2sf)  }
0x198: {  	(v2sf) =	vpush v14, $0xE;
	[smem:$0x4A6] =	sst s8;
	s8 =	smulhi.u32 $0x431BDE83, s3;
	s3 =	sshra.s32 s3, $0x1F  }
0x199: {  	s3 =	smul.u32 $0x431BDE83, s3;
	_ =	sdelay $0x1  }
0x19a: {  	[smem:$0x4A9] =	sst s3;
	s3 =	spop (v2sf)  }
0x19b: {  	(v2sf) =	vpush v14, $0xF;
	[smem:$0x4A8] =	sst s8;
	s8 =	smulhi.u32 $0x431BDE83, s3;
	s3 =	sshra.s32 s3, $0x1F  }
0x19c: {  	s3 =	smul.u32 $0x431BDE83, s3;
	_ =	sdelay $0x1  }
0x19d: {  	[smem:$0x4AB] =	sst s3;
	s3 =	spop (v2sf)  }
0x19e: {  	(v2sf) =	vpush v14, $0x9;
	[smem:$0x4AA] =	sst s8;
	s8 =	smulhi.u32 $0x431BDE83, s3;
	s3 =	sshra.s32 s3, $0x1F  }
0x19f: {  	s3 =	smul.u32 $0x431BDE83, s3;
	_ =	sdelay $0x1  }
0x1a0: {  	[smem:$0x4AD] =	sst s3;
	s3 =	spop (v2sf)  }
0x1a1: {  	(v2sf) =	vpush v14, $0x8;
	[smem:$0x4AC] =	sst s8;
	s8 =	smulhi.u32 $0x431BDE83, s3;
	s3 =	sshra.s32 s3, $0x1F  }
0x1a2: {  	s3 =	smul.u32 $0x431BDE83, s3;
	_ =	sdelay $0x1  }
0x1a3: {  	[smem:$0x4AF] =	sst s3;
	s3 =	spop (v2sf)  }
0x1a4: {  	(v2sf) =	vpush v14, $0xA;
	[smem:$0x4AE] =	sst s8;
	s8 =	smulhi.u32 $0x431BDE83, s3;
	s3 =	sshra.s32 s3, $0x1F  }
0x1a5: {  	s3 =	smul.u32 $0x431BDE83, s3;
	_ =	sdelay $0x1  }
0x1a6: {  	[smem:$0x4B1] =	sst s3;
	s3 =	spop (v2sf)  }
0x1a7: {  	(v2sf) =	vpush v14, $0xB;
	[smem:$0x4B0] =	sst s8;
	s8 =	smulhi.u32 $0x431BDE83, s3;
	s3 =	sshra.s32 s3, $0x1F  }
0x1a8: {  	s3 =	smul.u32 $0x431BDE83, s3;
	_ =	sdelay $0x1  }
0x1a9: {  	[smem:$0x4B3] =	sst s3;
	s3 =	spop (v2sf)  }
0x1aa: {  	(v2sf) =	vpush v14, $0x0;
	[smem:$0x4B2] =	sst s8;
	s8 =	smulhi.u32 $0x431BDE83, s3;
	s3 =	sshra.s32 s3, $0x1F  }
0x1ab: {  	s3 =	smul.u32 $0x431BDE83, s3;
	_ =	sdelay $0x1  }
0x1ac: {  	[smem:$0x4B5] =	sst s3;
	s3 =	spop (v2sf)  }
0x1ad: {  	(v2sf) =	vpush v14, $0x1;
	[smem:$0x4B4] =	sst s8;
	s8 =	smulhi.u32 $0x431BDE83, s3;
	s3 =	sshra.s32 s3, $0x1F  }
0x1ae: {  	s3 =	smul.u32 $0x431BDE83, s3;
	_ =	sdelay $0x1  }
0x1af: {  	[smem:$0x4B7] =	sst s3;
	s3 =	spop (v2sf)  }
0x1b0: {  	(v2sf) =	vpush v14, $0x2;
	[smem:$0x4B6] =	sst s8;
	s8 =	smulhi.u32 $0x431BDE83, s3;
	s3 =	sshra.s32 s3, $0x1F  }
0x1b1: {  	s3 =	smul.u32 $0x431BDE83, s3;
	_ =	sdelay $0x1  }
0x1b2: {  	[smem:$0x4B9] =	sst s3;
	s3 =	spop (v2sf)  }
0x1b3: {  	(v2sf) =	vpush v14, $0x3;
	[smem:$0x4B8] =	sst s8;
	s8 =	smulhi.u32 $0x431BDE83, s3;
	s3 =	sshra.s32 s3, $0x1F  }
0x1b4: {  	s3 =	smul.u32 $0x431BDE83, s3;
	_ =	sdelay $0x1  }
0x1b5: {  	[smem:$0x4BB] =	sst s3;
	s3 =	spop (v2sf)  }
0x1b6: {  	(v2sf) =	vpush v14, $0x4;
	[smem:$0x4BA] =	sst s8;
	s8 =	smulhi.u32 $0x431BDE83, s3;
	s3 =	sshra.s32 s3, $0x1F  }
0x1b7: {  	s3 =	smul.u32 $0x431BDE83, s3;
	_ =	sdelay $0x1  }
0x1b8: {  	[smem:$0x4BD] =	sst s3;
	s3 =	spop (v2sf)  }
0x1b9: {  	(v2sf) =	vpush v14, $0x5;
	[smem:$0x4BC] =	sst s8;
	s8 =	smulhi.u32 $0x431BDE83, s3;
	s3 =	sshra.s32 s3, $0x1F  }
0x1ba: {  	s3 =	smul.u32 $0x431BDE83, s3;
	_ =	sdelay $0x1  }
0x1bb: {  	[smem:$0x4BF] =	sst s3;
	s3 =	spop (v2sf)  }
0x1bc: {  	(v2sf) =	vpush v14, $0x6;
	[smem:$0x4BE] =	sst s8;
	s8 =	smulhi.u32 $0x431BDE83, s3;
	s3 =	sshra.s32 s3, $0x1F  }
0x1bd: {  	s3 =	smul.u32 $0x431BDE83, s3;
	_ =	sdelay $0x1  }
0x1be: {  	v16 =	vld [tilespmem:$0x80];
	[smem:$0x4C1] =	sst s3;
	s3 =	spop (v2sf)  }
0x1bf: {  	(v2sf) =	vpush v14, $0x7;
	[smem:$0x4C0] =	sst s8;
	s8 =	smulhi.u32 $0x431BDE83, s3;
	s3 =	sshra.s32 s3, $0x1F  }
0x1c0: {  	s3 =	smul.u32 $0x431BDE83, s3;
	_ =	sdelay $0x1  }
0x1c1: {  	[smem:$0x4C3] =	sst s3;
	s3 =	spop (v2sf)  }
0x1c2: {  	(v2sf) =	vpush v16, $0xD;
	[smem:$0x4C2] =	sst s8;
	s8 =	smulhi.u32 $0x431BDE83, s3;
	s3 =	sshra.s32 s3, $0x1F  }
0x1c3: {  	s3 =	smul.u32 $0x431BDE83, s3;
	_ =	sdelay $0x1  }
0x1c4: {  	[smem:$0x4C5] =	sst s3;
	s3 =	spop (v2sf)  }
0x1c5: {  	(v2sf) =	vpush v16, $0xC;
	[smem:$0x4C4] =	sst s8;
	s8 =	smulhi.u32 $0x431BDE83, s3;
	s3 =	sshra.s32 s3, $0x1F  }
0x1c6: {  	s3 =	smul.u32 $0x431BDE83, s3;
	_ =	sdelay $0x1  }
0x1c7: {  	[smem:$0x4C7] =	sst s3;
	s3 =	spop (v2sf)  }
0x1c8: {  	(v2sf) =	vpush v16, $0xE;
	[smem:$0x4C6] =	sst s8;
	s8 =	smulhi.u32 $0x431BDE83, s3;
	s3 =	sshra.s32 s3, $0x1F  }
0x1c9: {  	s3 =	smul.u32 $0x431BDE83, s3;
	_ =	sdelay $0x1  }
0x1ca: {  	[smem:$0x4C9] =	sst s3;
	s3 =	spop (v2sf)  }
0x1cb: {  	(v2sf) =	vpush v16, $0xF;
	[smem:$0x4C8] =	sst s8;
	s8 =	smulhi.u32 $0x431BDE83, s3;
	s3 =	sshra.s32 s3, $0x1F  }
0x1cc: {  	s3 =	smul.u32 $0x431BDE83, s3;
	_ =	sdelay $0x1  }
0x1cd: {  	[smem:$0x4CB] =	sst s3;
	s3 =	spop (v2sf)  }
0x1ce: {  	(v2sf) =	vpush v16, $0x9;
	[smem:$0x4CA] =	sst s8;
	s8 =	smulhi.u32 $0x431BDE83, s3;
	s3 =	sshra.s32 s3, $0x1F  }
0x1cf: {  	s3 =	smul.u32 $0x431BDE83, s3;
	_ =	sdelay $0x1  }
0x1d0: {  	[smem:$0x4CD] =	sst s3;
	s3 =	spop (v2sf)  }
0x1d1: {  	(v2sf) =	vpush v16, $0x8;
	[smem:$0x4CC] =	sst s8;
	s8 =	smulhi.u32 $0x431BDE83, s3;
	s3 =	sshra.s32 s3, $0x1F  }
0x1d2: {  	s3 =	smul.u32 $0x431BDE83, s3;
	_ =	sdelay $0x1  }
0x1d3: {  	[smem:$0x4CF] =	sst s3;
	s3 =	spop (v2sf)  }
0x1d4: {  	(v2sf) =	vpush v16, $0xA;
	[smem:$0x4CE] =	sst s8;
	s8 =	smulhi.u32 $0x431BDE83, s3;
	s3 =	sshra.s32 s3, $0x1F  }
0x1d5: {  	s3 =	smul.u32 $0x431BDE83, s3;
	_ =	sdelay $0x1  }
0x1d6: {  	[smem:$0x4D1] =	sst s3;
	s3 =	spop (v2sf)  }
0x1d7: {  	(v2sf) =	vpush v16, $0xB;
	[smem:$0x4D0] =	sst s8;
	s8 =	smulhi.u32 $0x431BDE83, s3;
	s3 =	sshra.s32 s3, $0x1F  }
0x1d8: {  	s3 =	smul.u32 $0x431BDE83, s3;
	_ =	sdelay $0x1  }
0x1d9: {  	[smem:$0x4D3] =	sst s3;
	s3 =	spop (v2sf)  }
0x1da: {  	(v2sf) =	vpush v16, $0x0;
	[smem:$0x4D2] =	sst s8;
	s8 =	smulhi.u32 $0x431BDE83, s3;
	s3 =	sshra.s32 s3, $0x1F  }
0x1db: {  	s3 =	smul.u32 $0x431BDE83, s3;
	_ =	sdelay $0x1  }
0x1dc: {  	[smem:$0x4D5] =	sst s3;
	s3 =	spop (v2sf)  }
0x1dd: {  	(v2sf) =	vpush v16, $0x1;
	[smem:$0x4D4] =	sst s8;
	s8 =	smulhi.u32 $0x431BDE83, s3;
	s3 =	sshra.s32 s3, $0x1F  }
0x1de: {  	s3 =	smul.u32 $0x431BDE83, s3;
	_ =	sdelay $0x1  }
0x1df: {  	[smem:$0x4D7] =	sst s3;
	s3 =	spop (v2sf)  }
0x1e0: {  	(v2sf) =	vpush v16, $0x2;
	[smem:$0x4D6] =	sst s8;
	s8 =	smulhi.u32 $0x431BDE83, s3;
	s3 =	sshra.s32 s3, $0x1F  }
0x1e1: {  	s3 =	smul.u32 $0x431BDE83, s3;
	_ =	sdelay $0x1  }
0x1e2: {  	[smem:$0x4D9] =	sst s3;
	s3 =	spop (v2sf)  }
0x1e3: {  	(v2sf) =	vpush v16, $0x3;
	[smem:$0x4D8] =	sst s8;
	s8 =	smulhi.u32 $0x431BDE83, s3;
	s3 =	sshra.s32 s3, $0x1F  }
0x1e4: {  	s3 =	smul.u32 $0x431BDE83, s3;
	_ =	sdelay $0x1  }
0x1e5: {  	[smem:$0x4DB] =	sst s3;
	s3 =	spop (v2sf)  }
0x1e6: {  	(v2sf) =	vpush v16, $0x4;
	[smem:$0x4DA] =	sst s8;
	s8 =	smulhi.u32 $0x431BDE83, s3;
	s3 =	sshra.s32 s3, $0x1F  }
0x1e7: {  	s3 =	smul.u32 $0x431BDE83, s3;
	_ =	sdelay $0x1  }
0x1e8: {  	[smem:$0x4DD] =	sst s3;
	s3 =	spop (v2sf)  }
0x1e9: {  	(v2sf) =	vpush v16, $0x5;
	[smem:$0x4DC] =	sst s8;
	s8 =	smulhi.u32 $0x431BDE83, s3;
	s3 =	sshra.s32 s3, $0x1F  }
0x1ea: {  	s3 =	smul.u32 $0x431BDE83, s3;
	_ =	sdelay $0x1  }
0x1eb: {  	[smem:$0x4DF] =	sst s3;
	s3 =	spop (v2sf)  }
0x1ec: {  	(v2sf) =	vpush v16, $0x6;
	[smem:$0x4DE] =	sst s8;
	s8 =	smulhi.u32 $0x431BDE83, s3;
	s3 =	sshra.s32 s3, $0x1F  }
0x1ed: {  	s3 =	smul.u32 $0x431BDE83, s3;
	_ =	sdelay $0x1  }
0x1ee: {  	v17 =	vld [tilespmem:$0x90];
	[smem:$0x4E1] =	sst s3;
	s3 =	spop (v2sf)  }
0x1ef: {  	(v2sf) =	vpush v16, $0x7;
	[smem:$0x4E0] =	sst s8;
	s8 =	smulhi.u32 $0x431BDE83, s3;
	s3 =	sshra.s32 s3, $0x1F  }
0x1f0: {  	s3 =	smul.u32 $0x431BDE83, s3;
	_ =	sdelay $0x1  }
0x1f1: {  	[smem:$0x4E3] =	sst s3;
	s3 =	spop (v2sf)  }
0x1f2: {  	(v2sf) =	vpush v17, $0xD;
	[smem:$0x4E2] =	sst s8;
	s8 =	smulhi.u32 $0x431BDE83, s3;
	s3 =	sshra.s32 s3, $0x1F  }
0x1f3: {  	s3 =	smul.u32 $0x431BDE83, s3;
	_ =	sdelay $0x1  }
0x1f4: {  	[smem:$0x4E5] =	sst s3;
	s3 =	spop (v2sf)  }
0x1f5: {  	(v2sf) =	vpush v17, $0xC;
	[smem:$0x4E4] =	sst s8;
	s8 =	smulhi.u32 $0x431BDE83, s3;
	s3 =	sshra.s32 s3, $0x1F  }
0x1f6: {  	s3 =	smul.u32 $0x431BDE83, s3;
	_ =	sdelay $0x1  }
0x1f7: {  	[smem:$0x4E7] =	sst s3;
	s3 =	spop (v2sf)  }
0x1f8: {  	(v2sf) =	vpush v17, $0xE;
	[smem:$0x4E6] =	sst s8;
	s8 =	smulhi.u32 $0x431BDE83, s3;
	s3 =	sshra.s32 s3, $0x1F  }
0x1f9: {  	s9 =	sadd.s32 s15, s9;
	s3 =	smul.u32 $0x431BDE83, s3  }
0x1fa: {  	[smem:$0x563] =	sst s9  }
0x1fb: {  	s11 =	sadd.s32 s17, s11;
	[smem:$0x4E9] =	sst s3;
	s3 =	spop (v2sf)  }
0x1fc: {  	(v2sf) =	vpush v17, $0xF;
	[smem:$0x4E8] =	sst s8;
	s8 =	smulhi.u32 $0x431BDE83, s3;
	s3 =	sshra.s32 s3, $0x1F  }
0x1fd: {  	s12 =	sadd.s32 s18, s12;
	[smem:$0x565] =	sst s11;
	s3 =	smul.u32 $0x431BDE83, s3  }
0x1fe: {  	[smem:$0x567] =	sst s12  }
0x1ff: {  	s18 =	sadd.s32 s20, s13;
	[smem:$0x4EB] =	sst s3;
	s3 =	spop (v2sf)  }
0x200: {  	(v2sf) =	vpush v17, $0x9;
	[smem:$0x4EA] =	sst s8;
	s8 =	smulhi.u32 $0x431BDE83, s3;
	s3 =	sshra.s32 s3, $0x1F  }
0x201: {  	s20 =	sadd.s32 s21, s16;
	[smem:$0x569] =	sst s18;
	s3 =	smul.u32 $0x431BDE83, s3  }
0x202: {  	[smem:$0x56A] =	sst s20  }
0x203: {  	s22 =	sadd.s32 s24, s22;
	[smem:$0x4ED] =	sst s3;
	s3 =	spop (v2sf)  }
0x204: {  	(v2sf) =	vpush v17, $0x8;
	[smem:$0x4EC] =	sst s8;
	s8 =	smulhi.u32 $0x431BDE83, s3;
	s3 =	sshra.s32 s3, $0x1F  }
0x205: {  	s23 =	sadd.s32 s26, s23;
	[smem:$0x56C] =	sst s22;
	s3 =	smul.u32 $0x431BDE83, s3  }
0x206: {  	[smem:$0x56E] =	sst s23  }
0x207: {  	s1 =	sadd.s32 s1, s25;
	[smem:$0x4EF] =	sst s3;
	s3 =	spop (v2sf)  }
0x208: {  	[smem:$0x4EE] =	sst s8;
	s8 =	smulhi.u32 $0x431BDE83, s3;
	s3 =	sshra.s32 s3, $0x1F  }
0x209: {  	s26 =	sadd.s32 s6, s28;
	[smem:$0x564] =	sst s1;
	s3 =	smul.u32 $0x431BDE83, s3  }
0x20a: {  	s0 =	smul.u32 $0x431BDE83, s0;
	[smem:$0x566] =	sst s26;
	(v2sf) =	vpush v17, $0xA  }
0x20b: {  	s2 =	sadd.s32 s2, s29;
	[smem:$0x4F1] =	sst s3;
	s3 =	spop (v2sf)  }
0x20c: {  	(v2sf) =	vpush v17, $0xB;
	[smem:$0x4F0] =	sst s8;
	s8 =	smulhi.u32 $0x431BDE83, s3;
	s3 =	sshra.s32 s3, $0x1F  }
0x20d: {  	s0 =	sadd.s32 s0, s30;
	[smem:$0x568] =	sst s2;
	s3 =	smul.u32 $0x431BDE83, s3  }
0x20e: {  	[smem:$0x56B] =	sst s0;
	(v2sf) =	vpush v17, $0x0  }
0x20f: {  	s20 =	sadd.s32 s10, s31;
	[smem:$0x4F3] =	sst s3;
	s3 =	spop (v2sf)  }
0x210: {  	(v2sf) =	vpush v17, $0x1;
	[smem:$0x4F2] =	sst s8;
	s8 =	smulhi.u32 $0x431BDE83, s3;
	s3 =	sshra.s32 s3, $0x1F  }
0x211: {  	[smem:$0x56D] =	sst s20;
	(v2sf) =	vpush v17, $0x2;
	s3 =	smul.u32 $0x431BDE83, s3  }
0x212: {  	s23 =	sld [smem:$0x44A]  }
0x213: {  	(v2sf) =	vpush v17, $0x3;
	[smem:$0x4F5] =	sst s3;
	s3 =	spop (v2sf)  }
0x214: {  	[smem:$0x4F4] =	sst s8;
	s8 =	smulhi.u32 $0x431BDE83, s3  }
0x215: {  	s26 =	sld [smem:$0x44C];
	(v2sf) =	vpush v17, $0x4  }
0x216: {  	s3 =	sshra.s32 s3, $0x1F;
	[smem:$0x4F6] =	sst s8  }
0x217: {  	s3 =	smul.u32 $0x431BDE83, s3;
	s8 =	sld [smem:$0x448]  }
0x218: {  	s29 =	sld [smem:$0x44E]  }
0x219: {  	[smem:$0x4F7] =	sst s3;
	s3 =	spop (v2sf)  }
0x21a: {  	s8 =	sadd.s32 s14, s8;
	s14 =	smulhi.u32 $0x431BDE83, s3;
	s3 =	sshra.s32 s3, $0x1F  }
0x21b: {  	s15 =	smul.u32 $0x431BDE83, s3;
	s3 =	spop (v2sf)  }
0x21c: {  	s30 =	sld [smem:$0x44F];
	s9 =	smulhi.u32 $0x431BDE83, s3;
	s3 =	sshra.s32 s3, $0x1F  }
0x21d: {  	s17 =	spop (v2sf);
	s11 =	smul.u32 $0x431BDE83, s3  }
0x21e: {  	[smem:$0x561] =	sst s8;
	s12 =	smulhi.u32 $0x431BDE83, s17;
	s3 =	sshra.s32 s17, $0x1F  }
0x21f: {  	s21 =	spop (v2sf);
	s16 =	smul.u32 $0x431BDE83, s3  }
0x220: {  	s13 =	smulhi.u32 $0x431BDE83, s21;
	s3 =	sshra.s32 s21, $0x1F;
	s24 =	spop (v2sf)  }
0x221: {  	(v2sf) =	vpush v17, $0x5;
	s21 =	sld [smem:$0x449];
	s8 =	smul.u32 $0x431BDE83, s3  }
0x222: {  	s17 =	smulhi.u32 $0x431BDE83, s24;
	s28 =	spop (v2sf)  }
0x223: {  	s25 =	sshra.s32 s24, $0x1F;
	s24 =	sld [smem:$0x44B];
	s3 =	smulhi.u32 $0x431BDE83, s28  }
0x224: {  	v18 =	vld [tilespmem:$0xA0];
	(v2sf) =	vpush v17, $0x6;
	s1 =	sshra.s32 s28, $0x1F;
	s2 =	spop (v2sf);
	s28 =	sld [smem:$0x44D]  }
0x225: {  	s10 =	smulhi.u32 $0x431BDE83, s2;
	s0 =	sshra.s32 s2, $0x1F;
	s2 =	sld [smem:$0x450]  }
0x226: {  	s18 =	smul.u32 $0x431BDE83, s1;
	s1 =	sadd.s32 s5, s21;
	s21 =	sld [smem:$0x451]  }
0x227: {  	(v2sf) =	vpush v17, $0x7;
	[smem:$0x56F] =	sst s1  }
0x228: {  	s1 =	sadd.s32 s7, s23;
	s23 =	sld [smem:$0x452]  }
0x229: {  	(v2sf) =	vpush v18, $0xD;
	[smem:$0x570] =	sst s1  }
0x22a: {  	s1 =	sadd.s32 s4, s24;
	s24 =	sld [smem:$0x453]  }
0x22b: {  	[smem:$0x562] =	sst s1  }
0x22c: {  	s1 =	sadd.s32 s28, s26;
	s26 =	sld [smem:$0x454]  }
0x22d: {  	(v2sf) =	vpush v18, $0xC;
	s28 =	sld [smem:$0x455]  }
0x22e: {  	s6 =	smul.u32 $0x431BDE83, s25;
	[smem:$0x571] =	sst s1  }
0x22f: {  	s20 =	smul.u32 $0x431BDE83, s0;
	s1 =	sadd.s32 s30, s29;
	s29 =	sld [smem:$0x456]  }
0x230: {  	(v2sf) =	vpush v18, $0xE;
	s22 =	spop (v2sf);
	s30 =	sld [smem:$0x457]  }
0x231: {  	s5 =	smulhi.u32 $0x431BDE83, s22;
	s0 =	sshra.s32 s22, $0x1F;
	[smem:$0x572] =	sst s1  }
0x232: {  	s4 =	smul.u32 $0x431BDE83, s0;
	s1 =	sadd.s32 s21, s2;
	s2 =	sld [smem:$0x45C]  }
0x233: {  	s25 =	spop (v2sf);
	[smem:$0x574] =	sst s1;
	s1 =	sadd.s32 s24, s23  }
0x234: {  	s7 =	smulhi.u32 $0x431BDE83, s25;
	s0 =	sshra.s32 s25, $0x1F;
	[smem:$0x576] =	sst s1  }
0x235: {  	s1 =	sadd.s32 s28, s26;
	s28 =	sld [smem:$0x459];
	s22 =	smul.u32 $0x431BDE83, s0  }
0x236: {  	[smem:$0x578] =	sst s1;
	s31 =	spop (v2sf)  }
0x237: {  	s1 =	sadd.s32 s30, s29;
	s29 =	sld [smem:$0x45A];
	s0 =	sshra.s32 s31, $0x1F  }
0x238: {  	s25 =	spop (v2sf);
	s23 =	smul.u32 $0x431BDE83, s0  }
0x239: {  	s24 =	smulhi.u32 $0x431BDE83, s25;
	s0 =	sshra.s32 s25, $0x1F;
	s25 =	sld [smem:$0x458]  }
0x23a: {  	s30 =	sld [smem:$0x45B]  }
0x23b: {  	[smem:$0x57A] =	sst s1  }
0x23c: {  	s21 =	smulhi.u32 $0x431BDE83, s31;
	s31 =	spop (v2sf);
	s1 =	sadd.s32 s28, s25  }
0x23d: {  	s26 =	smul.u32 $0x431BDE83, s0;
	[smem:$0x57D] =	sst s1  }
0x23e: {  	(v2sf) =	vpush v18, $0xF;
	s25 =	smulhi.u32 $0x431BDE83, s31;
	s1 =	sadd.s32 s30, s29;
	s29 =	sld [smem:$0x45D]  }
0x23f: {  	s0 =	sshra.s32 s31, $0x1F;
	s31 =	spop (v2sf);
	s30 =	sld [smem:$0x45E]  }
0x240: {  	s28 =	smul.u32 $0x431BDE83, s0;
	s0 =	sshra.s32 s31, $0x1F;
	[smem:$0x57F] =	sst s1  }
0x241: {  	s1 =	sadd.s32 s29, s2;
	s29 =	smulhi.u32 $0x431BDE83, s31;
	s31 =	sld [smem:$0x45F]  }
0x242: {  	(v2sf) =	vpush v18, $0x9;
	s2 =	sld [smem:$0x460]  }
0x243: {  	[smem:$0x575] =	sst s1  }
0x244: {  	s1 =	sadd.s32 s31, s30;
	s30 =	sld [smem:$0x461];
	_ =	sdelay $0x1  }
0x245: {  	[smem:$0x577] =	sst s1  }
0x246: {  	s1 =	sadd.s32 s30, s2;
	s2 =	sld [smem:$0x463]  }
0x247: {  	[smem:$0x579] =	sst s1  }
0x248: {  	s1 =	sld [smem:$0x462];
	_ =	sdelay $0x2  }
0x249: {  	s31 =	smul.u32 $0x431BDE83, s0;
	s1 =	sadd.s32 s2, s1;
	s2 =	sld [smem:$0x465]  }
0x24a: {  	s0 =	spop (v2sf);
	[smem:$0x57B] =	sst s1  }
0x24b: {  	(v2sf) =	vpush v18, $0x8;
	s30 =	smulhi.u32 $0x431BDE83, s0;
	s0 =	sshra.s32 s0, $0x1F;
	s1 =	sld [smem:$0x464]  }
0x24c: {  	s0 =	smul.u32 $0x431BDE83, s0;
	_ =	sdelay $0x1  }
0x24d: {  	[smem:$0x4F8] =	sst s0;
	s0 =	spop (v2sf);
	s1 =	sadd.s32 s2, s1  }
0x24e: {  	s2 =	smulhi.u32 $0x431BDE83, s0;
	[smem:$0x57C] =	sst s1  }
0x24f: {  	s1 =	sld [smem:$0x466]  }
0x250: {  	[smem:$0x4F9] =	sst s2  }
0x251: {  	s2 =	sld [smem:$0x467];
	_ =	sdelay $0x2  }
0x252: {  	s1 =	sadd.s32 s2, s1;
	s2 =	sld [smem:$0x469]  }
0x253: {  	[smem:$0x57E] =	sst s1  }
0x254: {  	(v2sf) =	vpush v18, $0xA;
	s0 =	sshra.s32 s0, $0x1F;
	s1 =	sld [smem:$0x468]  }
0x255: {  	s0 =	smul.u32 $0x431BDE83, s0;
	_ =	sdelay $0x1  }
0x256: {  	[smem:$0x4FA] =	sst s0;
	s0 =	spop (v2sf);
	s1 =	sadd.s32 s2, s1  }
0x257: {  	s2 =	smulhi.u32 $0x431BDE83, s0;
	[smem:$0x580] =	sst s1  }
0x258: {  	s1 =	sld [smem:$0x46A]  }
0x259: {  	[smem:$0x4FB] =	sst s2  }
0x25a: {  	s2 =	sld [smem:$0x46B];
	_ =	sdelay $0x2  }
0x25b: {  	s1 =	sadd.s32 s2, s1;
	s2 =	sld [smem:$0x46D]  }
0x25c: {  	[smem:$0x573] =	sst s1  }
0x25d: {  	(v2sf) =	vpush v18, $0xB;
	s0 =	sshra.s32 s0, $0x1F;
	s1 =	sld [smem:$0x46C]  }
0x25e: {  	s0 =	smul.u32 $0x431BDE83, s0;
	_ =	sdelay $0x1  }
0x25f: {  	[smem:$0x4FC] =	sst s0;
	s0 =	spop (v2sf);
	s1 =	sadd.s32 s2, s1  }
0x260: {  	s2 =	smulhi.u32 $0x431BDE83, s0;
	[smem:$0x581] =	sst s1  }
0x261: {  	s1 =	sld [smem:$0x46E]  }
0x262: {  	[smem:$0x4FD] =	sst s2  }
0x263: {  	s2 =	sld [smem:$0x46F];
	_ =	sdelay $0x2  }
0x264: {  	s1 =	sadd.s32 s2, s1;
	s2 =	sld [smem:$0x471]  }
0x265: {  	[smem:$0x582] =	sst s1  }
0x266: {  	(v2sf) =	vpush v18, $0x0;
	s0 =	sshra.s32 s0, $0x1F;
	s1 =	sld [smem:$0x470]  }
0x267: {  	s0 =	smul.u32 $0x431BDE83, s0;
	_ =	sdelay $0x1  }
0x268: {  	[smem:$0x4FE] =	sst s0;
	s0 =	spop (v2sf);
	s1 =	sadd.s32 s2, s1  }
0x269: {  	s2 =	smulhi.u32 $0x431BDE83, s0;
	[smem:$0x583] =	sst s1  }
0x26a: {  	s1 =	sld [smem:$0x472]  }
0x26b: {  	[smem:$0x4FF] =	sst s2  }
0x26c: {  	s2 =	sld [smem:$0x473];
	_ =	sdelay $0x2  }
0x26d: {  	s1 =	sadd.s32 s2, s1;
	s2 =	sld [smem:$0x475]  }
0x26e: {  	[smem:$0x585] =	sst s1  }
0x26f: {  	(v2sf) =	vpush v18, $0x1;
	s0 =	sshra.s32 s0, $0x1F;
	s1 =	sld [smem:$0x474]  }
0x270: {  	s0 =	smul.u32 $0x431BDE83, s0;
	_ =	sdelay $0x1  }
0x271: {  	[smem:$0x500] =	sst s0;
	s0 =	spop (v2sf);
	s1 =	sadd.s32 s2, s1  }
0x272: {  	s2 =	smulhi.u32 $0x431BDE83, s0;
	[smem:$0x587] =	sst s1  }
0x273: {  	s1 =	sld [smem:$0x476]  }
0x274: {  	[smem:$0x501] =	sst s2  }
0x275: {  	s2 =	sld [smem:$0x477];
	_ =	sdelay $0x2  }
0x276: {  	s1 =	sadd.s32 s2, s1;
	s2 =	sld [smem:$0x479]  }
0x277: {  	[smem:$0x589] =	sst s1  }
0x278: {  	(v2sf) =	vpush v18, $0x2;
	s0 =	sshra.s32 s0, $0x1F;
	s1 =	sld [smem:$0x478]  }
0x279: {  	s0 =	smul.u32 $0x431BDE83, s0;
	_ =	sdelay $0x1  }
0x27a: {  	[smem:$0x502] =	sst s0;
	s0 =	spop (v2sf);
	s1 =	sadd.s32 s2, s1  }
0x27b: {  	s2 =	smulhi.u32 $0x431BDE83, s0;
	[smem:$0x58B] =	sst s1  }
0x27c: {  	s1 =	sld [smem:$0x47A]  }
0x27d: {  	[smem:$0x503] =	sst s2  }
0x27e: {  	s2 =	sld [smem:$0x47B];
	_ =	sdelay $0x2  }
0x27f: {  	s1 =	sadd.s32 s2, s1;
	s2 =	sld [smem:$0x47D]  }
0x280: {  	[smem:$0x58E] =	sst s1  }
0x281: {  	(v2sf) =	vpush v18, $0x3;
	s0 =	sshra.s32 s0, $0x1F;
	s1 =	sld [smem:$0x47C]  }
0x282: {  	s0 =	smul.u32 $0x431BDE83, s0;
	_ =	sdelay $0x1  }
0x283: {  	[smem:$0x504] =	sst s0;
	s0 =	spop (v2sf);
	s1 =	sadd.s32 s2, s1  }
0x284: {  	s2 =	smulhi.u32 $0x431BDE83, s0;
	[smem:$0x586] =	sst s1  }
0x285: {  	s1 =	sld [smem:$0x47E]  }
0x286: {  	[smem:$0x505] =	sst s2  }
0x287: {  	s2 =	sld [smem:$0x47F];
	_ =	sdelay $0x2  }
0x288: {  	s1 =	sadd.s32 s2, s1;
	s2 =	sld [smem:$0x481]  }
0x289: {  	[smem:$0x588] =	sst s1  }
0x28a: {  	(v2sf) =	vpush v18, $0x4;
	s0 =	sshra.s32 s0, $0x1F;
	s1 =	sld [smem:$0x480]  }
0x28b: {  	s0 =	smul.u32 $0x431BDE83, s0;
	_ =	sdelay $0x1  }
0x28c: {  	[smem:$0x506] =	sst s0;
	s0 =	spop (v2sf);
	s1 =	sadd.s32 s2, s1  }
0x28d: {  	s2 =	smulhi.u32 $0x431BDE83, s0;
	[smem:$0x58A] =	sst s1  }
0x28e: {  	s1 =	sld [smem:$0x482]  }
0x28f: {  	[smem:$0x507] =	sst s2  }
0x290: {  	s2 =	sld [smem:$0x483];
	_ =	sdelay $0x2  }
0x291: {  	s1 =	sadd.s32 s2, s1;
	s2 =	sld [smem:$0x485]  }
0x292: {  	[smem:$0x58C] =	sst s1  }
0x293: {  	(v2sf) =	vpush v18, $0x5;
	s0 =	sshra.s32 s0, $0x1F;
	s1 =	sld [smem:$0x484]  }
0x294: {  	s0 =	smul.u32 $0x431BDE83, s0;
	_ =	sdelay $0x1  }
0x295: {  	[smem:$0x508] =	sst s0;
	s0 =	spop (v2sf);
	s1 =	sadd.s32 s2, s1  }
0x296: {  	s2 =	smulhi.u32 $0x431BDE83, s0;
	[smem:$0x58D] =	sst s1  }
0x297: {  	s1 =	sld [smem:$0x486]  }
0x298: {  	[smem:$0x509] =	sst s2  }
0x299: {  	s2 =	sld [smem:$0x487];
	_ =	sdelay $0x2  }
0x29a: {  	s1 =	sadd.s32 s2, s1;
	s2 =	sld [smem:$0x489]  }
0x29b: {  	[smem:$0x58F] =	sst s1  }
0x29c: {  	(v2sf) =	vpush v18, $0x6;
	s0 =	sshra.s32 s0, $0x1F;
	s1 =	sld [smem:$0x488]  }
0x29d: {  	s0 =	smul.u32 $0x431BDE83, s0;
	_ =	sdelay $0x1  }
0x29e: {  	[smem:$0x50A] =	sst s0;
	s0 =	spop (v2sf);
	s1 =	sadd.s32 s2, s1  }
0x29f: {  	s2 =	smulhi.u32 $0x431BDE83, s0;
	[smem:$0x590] =	sst s1  }
0x2a0: {  	s1 =	sld [smem:$0x48A]  }
0x2a1: {  	[smem:$0x50B] =	sst s2  }
0x2a2: {  	s2 =	sld [smem:$0x48B];
	_ =	sdelay $0x2  }
0x2a3: {  	s1 =	sadd.s32 s2, s1;
	s2 =	sld [smem:$0x48D]  }
0x2a4: {  	[smem:$0x584] =	sst s1  }
0x2a5: {  	(v2sf) =	vpush v18, $0x7;
	s0 =	sshra.s32 s0, $0x1F;
	s1 =	sld [smem:$0x48C]  }
0x2a6: {  	s0 =	smul.u32 $0x431BDE83, s0;
	_ =	sdelay $0x1  }
0x2a7: {  	[smem:$0x50C] =	sst s0;
	s0 =	spop (v2sf);
	s1 =	sadd.s32 s2, s1  }
0x2a8: {  	s2 =	smulhi.u32 $0x431BDE83, s0;
	[smem:$0x591] =	sst s1  }
0x2a9: {  	s1 =	sld [smem:$0x48E]  }
0x2aa: {  	v19 =	vld [tilespmem:$0xB0];
	[smem:$0x50D] =	sst s2  }
0x2ab: {  	s2 =	sld [smem:$0x48F];
	_ =	sdelay $0x2  }
0x2ac: {  	s1 =	sadd.s32 s2, s1;
	s2 =	sld [smem:$0x491]  }
0x2ad: {  	(v2sf) =	vpush v19, $0xD;
	[smem:$0x592] =	sst s1  }
0x2ae: {  	s0 =	sshra.s32 s0, $0x1F;
	s1 =	sld [smem:$0x490]  }
0x2af: {  	s0 =	smul.u32 $0x431BDE83, s0;
	_ =	sdelay $0x1  }
0x2b0: {  	[smem:$0x50E] =	sst s0;
	s0 =	spop (v2sf);
	s1 =	sadd.s32 s2, s1  }
0x2b1: {  	s2 =	smulhi.u32 $0x431BDE83, s0;
	[smem:$0x594] =	sst s1  }
0x2b2: {  	s1 =	sld [smem:$0x492]  }
0x2b3: {  	[smem:$0x50F] =	sst s2  }
0x2b4: {  	s2 =	sld [smem:$0x493];
	_ =	sdelay $0x2  }
0x2b5: {  	(v2sf) =	vpush v19, $0xC;
	s1 =	sadd.s32 s2, s1;
	s2 =	sld [smem:$0x495]  }
0x2b6: {  	(v2sf) =	vpush v19, $0xE;
	s0 =	sshra.s32 s0, $0x1F;
	[smem:$0x596] =	sst s1  }
0x2b7: {  	(v2sf) =	vpush v19, $0xF;
	s0 =	smul.u32 $0x431BDE83, s0;
	s1 =	sld [smem:$0x494]  }
0x2b8: {  	(v2sf) =	vpush v19, $0x9  }
0x2b9: {  	(v2sf) =	vpush v19, $0x8;
	[smem:$0x510] =	sst s0;
	s0 =	spop (v2sf)  }
0x2ba: {  	(v2sf) =	vpush v19, $0xA;
	s1 =	sadd.s32 s2, s1;
	s2 =	smulhi.u32 $0x431BDE83, s0  }
0x2bb: {  	(v2sf) =	vpush v19, $0xB;
	[smem:$0x597] =	sst s1  }
0x2bc: {  	[smem:$0x511] =	sst s2  }
0x2bd: {  	s1 =	sld [smem:$0x496]  }
0x2be: {  	s2 =	sld [smem:$0x497];
	_ =	sdelay $0x2  }
0x2bf: {  	s1 =	sadd.s32 s2, s1;
	s2 =	sld [smem:$0x499]  }
0x2c0: {  	[smem:$0x599] =	sst s1  }
0x2c1: {  	s0 =	sshra.s32 s0, $0x1F;
	s1 =	sld [smem:$0x498]  }
0x2c2: {  	s0 =	smul.u32 $0x431BDE83, s0;
	_ =	sdelay $0x1  }
0x2c3: {  	[smem:$0x512] =	sst s0;
	s0 =	spop (v2sf);
	s1 =	sadd.s32 s2, s1  }
0x2c4: {  	s2 =	smulhi.u32 $0x431BDE83, s0;
	[smem:$0x59B] =	sst s1  }
0x2c5: {  	s1 =	sld [smem:$0x49A]  }
0x2c6: {  	[smem:$0x513] =	sst s2  }
0x2c7: {  	s2 =	sld [smem:$0x49B];
	_ =	sdelay $0x2  }
0x2c8: {  	s1 =	sadd.s32 s2, s1;
	s2 =	sld [smem:$0x49D]  }
0x2c9: {  	[smem:$0x59D] =	sst s1  }
0x2ca: {  	s0 =	sshra.s32 s0, $0x1F;
	s1 =	sld [smem:$0x49C]  }
0x2cb: {  	s0 =	smul.u32 $0x431BDE83, s0;
	_ =	sdelay $0x1  }
0x2cc: {  	[smem:$0x514] =	sst s0;
	s0 =	spop (v2sf);
	s1 =	sadd.s32 s2, s1  }
0x2cd: {  	s2 =	smulhi.u32 $0x431BDE83, s0;
	[smem:$0x595] =	sst s1  }
0x2ce: {  	s1 =	sld [smem:$0x49E]  }
0x2cf: {  	[smem:$0x515] =	sst s2  }
0x2d0: {  	s2 =	sld [smem:$0x49F];
	_ =	sdelay $0x2  }
0x2d1: {  	s1 =	sadd.s32 s2, s1;
	s2 =	sld [smem:$0x4A1]  }
0x2d2: {  	[smem:$0x598] =	sst s1  }
0x2d3: {  	s0 =	sshra.s32 s0, $0x1F;
	s1 =	sld [smem:$0x4A0]  }
0x2d4: {  	s0 =	smul.u32 $0x431BDE83, s0;
	_ =	sdelay $0x1  }
0x2d5: {  	[smem:$0x516] =	sst s0;
	s0 =	spop (v2sf);
	s1 =	sadd.s32 s2, s1  }
0x2d6: {  	s2 =	smulhi.u32 $0x431BDE83, s0;
	[smem:$0x59A] =	sst s1  }
0x2d7: {  	s1 =	sld [smem:$0x4A2]  }
0x2d8: {  	[smem:$0x517] =	sst s2  }
0x2d9: {  	s2 =	sld [smem:$0x4A3];
	_ =	sdelay $0x2  }
0x2da: {  	s1 =	sadd.s32 s2, s1;
	s2 =	sld [smem:$0x4A5]  }
0x2db: {  	[smem:$0x59C] =	sst s1  }
0x2dc: {  	s0 =	sshra.s32 s0, $0x1F;
	s1 =	sld [smem:$0x4A4]  }
0x2dd: {  	s0 =	smul.u32 $0x431BDE83, s0;
	_ =	sdelay $0x1  }
0x2de: {  	[smem:$0x518] =	sst s0;
	s0 =	spop (v2sf);
	s1 =	sadd.s32 s2, s1  }
0x2df: {  	s2 =	smulhi.u32 $0x431BDE83, s0;
	[smem:$0x59E] =	sst s1  }
0x2e0: {  	s1 =	sld [smem:$0x4A6]  }
0x2e1: {  	[smem:$0x519] =	sst s2  }
0x2e2: {  	s2 =	sld [smem:$0x4A7];
	_ =	sdelay $0x2  }
0x2e3: {  	s1 =	sadd.s32 s2, s1;
	s2 =	sld [smem:$0x4A9]  }
0x2e4: {  	[smem:$0x59F] =	sst s1  }
0x2e5: {  	s0 =	sshra.s32 s0, $0x1F;
	s1 =	sld [smem:$0x4A8]  }
0x2e6: {  	s0 =	smul.u32 $0x431BDE83, s0;
	_ =	sdelay $0x1  }
0x2e7: {  	[smem:$0x51A] =	sst s0;
	s0 =	spop (v2sf);
	s1 =	sadd.s32 s2, s1  }
0x2e8: {  	s2 =	smulhi.u32 $0x431BDE83, s0;
	[smem:$0x5A0] =	sst s1  }
0x2e9: {  	s1 =	sld [smem:$0x4AA]  }
0x2ea: {  	[smem:$0x51B] =	sst s2  }
0x2eb: {  	s2 =	sld [smem:$0x4AB];
	_ =	sdelay $0x2  }
0x2ec: {  	s1 =	sadd.s32 s2, s1;
	s2 =	sld [smem:$0x4AD]  }
0x2ed: {  	[smem:$0x593] =	sst s1  }
0x2ee: {  	s0 =	sshra.s32 s0, $0x1F;
	s1 =	sld [smem:$0x4AC]  }
0x2ef: {  	s0 =	smul.u32 $0x431BDE83, s0;
	_ =	sdelay $0x1  }
0x2f0: {  	[smem:$0x51C] =	sst s0;
	s0 =	spop (v2sf);
	s1 =	sadd.s32 s2, s1  }
0x2f1: {  	s2 =	smulhi.u32 $0x431BDE83, s0;
	[smem:$0x5A1] =	sst s1  }
0x2f2: {  	s1 =	sld [smem:$0x4AE]  }
0x2f3: {  	[smem:$0x51D] =	sst s2  }
0x2f4: {  	s2 =	sld [smem:$0x4AF];
	_ =	sdelay $0x2  }
0x2f5: {  	s1 =	sadd.s32 s2, s1;
	s2 =	sld [smem:$0x4B1]  }
0x2f6: {  	[smem:$0x5A2] =	sst s1  }
0x2f7: {  	(v2sf) =	vpush v19, $0x0;
	s0 =	sshra.s32 s0, $0x1F;
	s1 =	sld [smem:$0x4B0]  }
0x2f8: {  	s0 =	smul.u32 $0x431BDE83, s0;
	_ =	sdelay $0x1  }
0x2f9: {  	[smem:$0x51E] =	sst s0;
	s0 =	spop (v2sf);
	s1 =	sadd.s32 s2, s1  }
0x2fa: {  	s2 =	smulhi.u32 $0x431BDE83, s0;
	[smem:$0x5A3] =	sst s1  }
0x2fb: {  	s1 =	sld [smem:$0x4B2]  }
0x2fc: {  	[smem:$0x51F] =	sst s2  }
0x2fd: {  	s2 =	sld [smem:$0x4B3];
	_ =	sdelay $0x2  }
0x2fe: {  	s1 =	sadd.s32 s2, s1;
	s2 =	sld [smem:$0x4B5]  }
0x2ff: {  	[smem:$0x5A5] =	sst s1  }
0x300: {  	(v2sf) =	vpush v19, $0x1;
	s0 =	sshra.s32 s0, $0x1F;
	s1 =	sld [smem:$0x4B4]  }
0x301: {  	s0 =	smul.u32 $0x431BDE83, s0;
	_ =	sdelay $0x1  }
0x302: {  	[smem:$0x520] =	sst s0;
	s0 =	spop (v2sf);
	s1 =	sadd.s32 s2, s1  }
0x303: {  	s2 =	smulhi.u32 $0x431BDE83, s0;
	[smem:$0x5A7] =	sst s1  }
0x304: {  	s1 =	sld [smem:$0x4B6]  }
0x305: {  	[smem:$0x521] =	sst s2  }
0x306: {  	s2 =	sld [smem:$0x4B7];
	_ =	sdelay $0x2  }
0x307: {  	s1 =	sadd.s32 s2, s1;
	s2 =	sld [smem:$0x4B9]  }
0x308: {  	[smem:$0x5A8] =	sst s1  }
0x309: {  	(v2sf) =	vpush v19, $0x2;
	s0 =	sshra.s32 s0, $0x1F;
	s1 =	sld [smem:$0x4B8]  }
0x30a: {  	s0 =	smul.u32 $0x431BDE83, s0;
	_ =	sdelay $0x1  }
0x30b: {  	[smem:$0x522] =	sst s0;
	s0 =	spop (v2sf);
	s1 =	sadd.s32 s2, s1  }
0x30c: {  	s2 =	smulhi.u32 $0x431BDE83, s0;
	[smem:$0x5AA] =	sst s1  }
0x30d: {  	s1 =	sld [smem:$0x4BA]  }
0x30e: {  	[smem:$0x523] =	sst s2  }
0x30f: {  	s2 =	sld [smem:$0x4BB];
	_ =	sdelay $0x2  }
0x310: {  	s1 =	sadd.s32 s2, s1;
	s2 =	sld [smem:$0x4BD]  }
0x311: {  	[smem:$0x5AD] =	sst s1  }
0x312: {  	(v2sf) =	vpush v19, $0x3;
	s0 =	sshra.s32 s0, $0x1F;
	s1 =	sld [smem:$0x4BC]  }
0x313: {  	s0 =	smul.u32 $0x431BDE83, s0;
	_ =	sdelay $0x1  }
0x314: {  	[smem:$0x524] =	sst s0;
	s0 =	spop (v2sf);
	s1 =	sadd.s32 s2, s1  }
0x315: {  	s2 =	smulhi.u32 $0x431BDE83, s0;
	[smem:$0x5A6] =	sst s1  }
0x316: {  	s1 =	sld [smem:$0x4BE]  }
0x317: {  	[smem:$0x525] =	sst s2  }
0x318: {  	s2 =	sld [smem:$0x4BF];
	_ =	sdelay $0x2  }
0x319: {  	s1 =	sadd.s32 s2, s1;
	s2 =	sld [smem:$0x4C1]  }
0x31a: {  	[smem:$0x5A9] =	sst s1  }
0x31b: {  	(v2sf) =	vpush v19, $0x4;
	s0 =	sshra.s32 s0, $0x1F;
	s1 =	sld [smem:$0x4C0]  }
0x31c: {  	s0 =	smul.u32 $0x431BDE83, s0;
	_ =	sdelay $0x1  }
0x31d: {  	[smem:$0x526] =	sst s0;
	s0 =	spop (v2sf);
	s1 =	sadd.s32 s2, s1  }
0x31e: {  	s2 =	smulhi.u32 $0x431BDE83, s0;
	[smem:$0x5AB] =	sst s1  }
0x31f: {  	s1 =	sld [smem:$0x4C2]  }
0x320: {  	[smem:$0x527] =	sst s2  }
0x321: {  	s2 =	sld [smem:$0x4C3];
	_ =	sdelay $0x2  }
0x322: {  	s1 =	sadd.s32 s2, s1;
	s2 =	sld [smem:$0x4C5]  }
0x323: {  	[smem:$0x5AC] =	sst s1  }
0x324: {  	(v2sf) =	vpush v19, $0x5;
	s0 =	sshra.s32 s0, $0x1F;
	s1 =	sld [smem:$0x4C4]  }
0x325: {  	s0 =	smul.u32 $0x431BDE83, s0;
	_ =	sdelay $0x1  }
0x326: {  	[smem:$0x528] =	sst s0;
	s0 =	spop (v2sf);
	s1 =	sadd.s32 s2, s1  }
0x327: {  	s2 =	smulhi.u32 $0x431BDE83, s0;
	[smem:$0x5AE] =	sst s1  }
0x328: {  	s1 =	sld [smem:$0x4C6]  }
0x329: {  	[smem:$0x529] =	sst s2  }
0x32a: {  	s2 =	sld [smem:$0x4C7];
	_ =	sdelay $0x2  }
0x32b: {  	s1 =	sadd.s32 s2, s1;
	s2 =	sld [smem:$0x4C9]  }
0x32c: {  	[smem:$0x5AF] =	sst s1  }
0x32d: {  	(v2sf) =	vpush v19, $0x6;
	s0 =	sshra.s32 s0, $0x1F;
	s1 =	sld [smem:$0x4C8]  }
0x32e: {  	s0 =	smul.u32 $0x431BDE83, s0;
	_ =	sdelay $0x1  }
0x32f: {  	[smem:$0x52A] =	sst s0;
	s0 =	spop (v2sf);
	s1 =	sadd.s32 s2, s1  }
0x330: {  	s2 =	smulhi.u32 $0x431BDE83, s0;
	[smem:$0x5B0] =	sst s1  }
0x331: {  	s1 =	sld [smem:$0x4CA]  }
0x332: {  	[smem:$0x52B] =	sst s2  }
0x333: {  	s2 =	sld [smem:$0x4CB];
	_ =	sdelay $0x2  }
0x334: {  	s1 =	sadd.s32 s2, s1;
	s2 =	sld [smem:$0x4CD]  }
0x335: {  	[smem:$0x5A4] =	sst s1  }
0x336: {  	(v2sf) =	vpush v19, $0x7;
	s0 =	sshra.s32 s0, $0x1F;
	s1 =	sld [smem:$0x4CC]  }
0x337: {  	s0 =	smul.u32 $0x431BDE83, s0;
	_ =	sdelay $0x1  }
0x338: {  	[smem:$0x52C] =	sst s0;
	s0 =	spop (v2sf);
	s1 =	sadd.s32 s2, s1  }
0x339: {  	s2 =	smulhi.u32 $0x431BDE83, s0;
	[smem:$0x5B1] =	sst s1  }
0x33a: {  	s1 =	sld [smem:$0x4CE]  }
0x33b: {  	[smem:$0x52D] =	sst s2  }
0x33c: {  	v20 =	vld [tilespmem:$0xC0];
	s2 =	sld [smem:$0x4CF];
	_ =	sdelay $0x2  }
0x33d: {  	s1 =	sadd.s32 s2, s1;
	s2 =	sld [smem:$0x4D1]  }
0x33e: {  	[smem:$0x5B2] =	sst s1  }
0x33f: {  	(v2sf) =	vpush v20, $0xD;
	s0 =	sshra.s32 s0, $0x1F;
	s1 =	sld [smem:$0x4D0]  }
0x340: {  	s0 =	smul.u32 $0x431BDE83, s0;
	_ =	sdelay $0x1  }
0x341: {  	[smem:$0x52E] =	sst s0;
	s0 =	spop (v2sf);
	s1 =	sadd.s32 s2, s1  }
0x342: {  	s2 =	smulhi.u32 $0x431BDE83, s0;
	[smem:$0x5B3] =	sst s1  }
0x343: {  	s1 =	sld [smem:$0x4D2]  }
0x344: {  	[smem:$0x52F] =	sst s2  }
0x345: {  	s2 =	sld [smem:$0x4D3];
	_ =	sdelay $0x2  }
0x346: {  	s1 =	sadd.s32 s2, s1;
	s2 =	sld [smem:$0x4D5]  }
0x347: {  	[smem:$0x5B4] =	sst s1  }
0x348: {  	(v2sf) =	vpush v20, $0xC;
	s0 =	sshra.s32 s0, $0x1F;
	s1 =	sld [smem:$0x4D4]  }
0x349: {  	s0 =	smul.u32 $0x431BDE83, s0;
	_ =	sdelay $0x1  }
0x34a: {  	[smem:$0x530] =	sst s0;
	s0 =	spop (v2sf);
	s1 =	sadd.s32 s2, s1  }
0x34b: {  	s2 =	smulhi.u32 $0x431BDE83, s0;
	[smem:$0x5B6] =	sst s1  }
0x34c: {  	s1 =	sld [smem:$0x4D6]  }
0x34d: {  	[smem:$0x531] =	sst s2  }
0x34e: {  	s2 =	sld [smem:$0x4D7];
	_ =	sdelay $0x2  }
0x34f: {  	s1 =	sadd.s32 s2, s1;
	s2 =	sld [smem:$0x4D9]  }
0x350: {  	[smem:$0x5B8] =	sst s1  }
0x351: {  	(v2sf) =	vpush v20, $0xE;
	s0 =	sshra.s32 s0, $0x1F;
	s1 =	sld [smem:$0x4D8]  }
0x352: {  	s0 =	smul.u32 $0x431BDE83, s0;
	_ =	sdelay $0x1  }
0x353: {  	[smem:$0x532] =	sst s0;
	s0 =	spop (v2sf);
	s1 =	sadd.s32 s2, s1  }
0x354: {  	s2 =	smulhi.u32 $0x431BDE83, s0;
	[smem:$0x5B9] =	sst s1  }
0x355: {  	s1 =	sld [smem:$0x4DA]  }
0x356: {  	[smem:$0x533] =	sst s2  }
0x357: {  	s2 =	sld [smem:$0x4DB];
	_ =	sdelay $0x2  }
0x358: {  	s1 =	sadd.s32 s2, s1;
	s2 =	sld [smem:$0x4DD]  }
0x359: {  	[smem:$0x5BB] =	sst s1  }
0x35a: {  	(v2sf) =	vpush v20, $0xF;
	s0 =	sshra.s32 s0, $0x1F;
	s1 =	sld [smem:$0x4DC]  }
0x35b: {  	s0 =	smul.u32 $0x431BDE83, s0;
	_ =	sdelay $0x1  }
0x35c: {  	[smem:$0x534] =	sst s0;
	s0 =	spop (v2sf);
	s1 =	sadd.s32 s2, s1  }
0x35d: {  	s2 =	smulhi.u32 $0x431BDE83, s0;
	[smem:$0x5B7] =	sst s1  }
0x35e: {  	s1 =	sld [smem:$0x4DE]  }
0x35f: {  	[smem:$0x535] =	sst s2  }
0x360: {  	s2 =	sld [smem:$0x4DF];
	_ =	sdelay $0x2  }
0x361: {  	s1 =	sadd.s32 s2, s1;
	s2 =	sld [smem:$0x4E1]  }
0x362: {  	[smem:$0x5BA] =	sst s1  }
0x363: {  	(v2sf) =	vpush v20, $0x9;
	s0 =	sshra.s32 s0, $0x1F;
	s1 =	sld [smem:$0x4E0]  }
0x364: {  	s0 =	smul.u32 $0x431BDE83, s0;
	_ =	sdelay $0x1  }
0x365: {  	[smem:$0x536] =	sst s0;
	s0 =	spop (v2sf);
	s1 =	sadd.s32 s2, s1  }
0x366: {  	s2 =	smulhi.u32 $0x431BDE83, s0;
	[smem:$0x5BC] =	sst s1  }
0x367: {  	s1 =	sld [smem:$0x4E2]  }
0x368: {  	[smem:$0x537] =	sst s2  }
0x369: {  	s2 =	sld [smem:$0x4E3];
	_ =	sdelay $0x2  }
0x36a: {  	s1 =	sadd.s32 s2, s1;
	s2 =	sld [smem:$0x4E5]  }
0x36b: {  	[smem:$0x5BD] =	sst s1  }
0x36c: {  	(v2sf) =	vpush v20, $0x8;
	s0 =	sshra.s32 s0, $0x1F;
	s1 =	sld [smem:$0x4E4]  }
0x36d: {  	s14 =	sadd.s32 s15, s14;
	s0 =	smul.u32 $0x431BDE83, s0  }
0x36e: {  	[smem:$0x5CA] =	sst s14  }
0x36f: {  	[smem:$0x538] =	sst s0;
	s0 =	spop (v2sf);
	s1 =	sadd.s32 s2, s1  }
0x370: {  	s2 =	smulhi.u32 $0x431BDE83, s0;
	[smem:$0x5BE] =	sst s1  }
0x371: {  	s1 =	sld [smem:$0x4E6]  }
0x372: {  	[smem:$0x539] =	sst s2  }
0x373: {  	s15 =	sadd.s32 s11, s9;
	s2 =	sld [smem:$0x4E7]  }
0x374: {  	s12 =	sadd.s32 s16, s12;
	[smem:$0x5CB] =	sst s15  }
0x375: {  	[smem:$0x5C7] =	sst s12  }
0x376: {  	s1 =	sadd.s32 s2, s1;
	s2 =	sld [smem:$0x4E9]  }
0x377: {  	[smem:$0x5BF] =	sst s1  }
0x378: {  	s17 =	sadd.s32 s6, s17;
	(v2sf) =	vpush v20, $0xA;
	s0 =	sshra.s32 s0, $0x1F;
	s1 =	sld [smem:$0x4E8]  }
0x379: {  	s18 =	sadd.s32 s18, s3;
	[smem:$0x5CC] =	sst s17;
	s0 =	smul.u32 $0x431BDE83, s0  }
0x37a: {  	[smem:$0x5CD] =	sst s18  }
0x37b: {  	[smem:$0x53A] =	sst s0;
	s0 =	spop (v2sf);
	s1 =	sadd.s32 s2, s1  }
0x37c: {  	s2 =	smulhi.u32 $0x431BDE83, s0;
	[smem:$0x5C0] =	sst s1  }
0x37d: {  	s1 =	sld [smem:$0x4EA]  }
0x37e: {  	[smem:$0x53B] =	sst s2  }
0x37f: {  	s15 =	sadd.s32 s8, s13;
	s2 =	sld [smem:$0x4EB]  }
0x380: {  	s12 =	sadd.s32 s20, s10;
	[smem:$0x5C9] =	sst s15  }
0x381: {  	[smem:$0x5CE] =	sst s12  }
0x382: {  	s1 =	sadd.s32 s2, s1;
	s2 =	sld [smem:$0x4ED]  }
0x383: {  	[smem:$0x5B5] =	sst s1  }
0x384: {  	s13 =	sadd.s32 s4, s5;
	(v2sf) =	vpush v20, $0xB;
	s0 =	sshra.s32 s0, $0x1F;
	s1 =	sld [smem:$0x4EC]  }
0x385: {  	s17 =	sadd.s32 s23, s21;
	[smem:$0x5CF] =	sst s13;
	s0 =	smul.u32 $0x431BDE83, s0  }
0x386: {  	[smem:$0x5C5] =	sst s17  }
0x387: {  	[smem:$0x53C] =	sst s0;
	s0 =	spop (v2sf);
	s1 =	sadd.s32 s2, s1  }
0x388: {  	s2 =	smulhi.u32 $0x431BDE83, s0;
	[smem:$0x5C1] =	sst s1  }
0x389: {  	s1 =	sld [smem:$0x4EE]  }
0x38a: {  	[smem:$0x53D] =	sst s2  }
0x38b: {  	s20 =	sadd.s32 s26, s24;
	s2 =	sld [smem:$0x4EF]  }
0x38c: {  	s21 =	sadd.s32 s28, s25;
	[smem:$0x5D1] =	sst s20  }
0x38d: {  	[smem:$0x5D2] =	sst s21  }
0x38e: {  	s1 =	sadd.s32 s2, s1;
	s2 =	sld [smem:$0x4F1]  }
0x38f: {  	[smem:$0x5C2] =	sst s1  }
0x390: {  	s23 =	sadd.s32 s31, s29;
	(v2sf) =	vpush v20, $0x0;
	s0 =	sshra.s32 s0, $0x1F;
	s1 =	sld [smem:$0x4F0]  }
0x391: {  	[smem:$0x5D3] =	sst s23;
	s0 =	smul.u32 $0x431BDE83, s0  }
0x392: {  	s24 =	sld [smem:$0x4F8]  }
0x393: {  	[smem:$0x53E] =	sst s0;
	s0 =	spop (v2sf);
	s1 =	sadd.s32 s2, s1  }
0x394: {  	s2 =	smulhi.u32 $0x431BDE83, s0;
	[smem:$0x5C3] =	sst s1  }
0x395: {  	s1 =	sld [smem:$0x4F2]  }
0x396: {  	[smem:$0x53F] =	sst s2  }
0x397: {  	s2 =	sld [smem:$0x4F3]  }
0x398: {  	s26 =	sld [smem:$0x4F9];
	(v2sf) =	vpush v20, $0x1  }
0x399: {  	s28 =	sld [smem:$0x4FA];
	(v2sf) =	vpush v20, $0x2  }
0x39a: {  	s1 =	sadd.s32 s2, s1;
	s2 =	sld [smem:$0x4F5]  }
0x39b: {  	(v2sf) =	vpush v20, $0x3;
	[smem:$0x5C4] =	sst s1  }
0x39c: {  	s0 =	sshra.s32 s0, $0x1F;
	s1 =	sld [smem:$0x4F4]  }
0x39d: {  	s29 =	sld [smem:$0x4FB];
	s0 =	smul.u32 $0x431BDE83, s0  }
0x39e: {  	s31 =	sld [smem:$0x4FC];
	(v2sf) =	vpush v20, $0x4  }
0x39f: {  	[smem:$0x540] =	sst s0;
	s0 =	spop (v2sf);
	s1 =	sadd.s32 s2, s1  }
0x3a0: {  	s2 =	smulhi.u32 $0x431BDE83, s0;
	[smem:$0x5C6] =	sst s1  }
0x3a1: {  	(v2sf) =	vpush v20, $0x5;
	s1 =	sld [smem:$0x4F6]  }
0x3a2: {  	[smem:$0x541] =	sst s2  }
0x3a3: {  	(v2sf) =	vpush v20, $0x6;
	s0 =	sshra.s32 s0, $0x1F;
	s2 =	sld [smem:$0x4F7]  }
0x3a4: {  	s17 =	sld [smem:$0x4FE];
	s0 =	smul.u32 $0x431BDE83, s0  }
0x3a5: {  	v22 =	vld [tilespmem:$0xD0];
	s21 =	sld [smem:$0x4FF];
	(v2sf) =	vpush v20, $0x7  }
0x3a6: {  	[smem:$0x542] =	sst s0;
	s1 =	sadd.s32 s2, s1  }
0x3a7: {  	s2 =	spop (v2sf);
	[smem:$0x5C8] =	sst s1  }
0x3a8: {  	s14 =	smulhi.u32 $0x431BDE83, s2;
	s0 =	sshra.s32 s2, $0x1F;
	s2 =	spop (v2sf)  }
0x3a9: {  	s1 =	sadd.s32 s24, s30;
	s24 =	sld [smem:$0x501];
	s9 =	smul.u32 $0x431BDE83, s0  }
0x3aa: {  	(v2sf) =	vpush v22, $0xD;
	s11 =	smulhi.u32 $0x431BDE83, s2;
	s0 =	sshra.s32 s2, $0x1F;
	s16 =	spop (v2sf)  }
0x3ab: {  	[smem:$0x5D4] =	sst s1;
	s1 =	sadd.s32 s28, s26;
	s8 =	smul.u32 $0x431BDE83, s0  }
0x3ac: {  	s28 =	sld [smem:$0x503];
	s6 =	smulhi.u32 $0x431BDE83, s16;
	s0 =	sshra.s32 s16, $0x1F  }
0x3ad: {  	s2 =	spop (v2sf);
	s16 =	sadd.s32 s22, s7;
	[smem:$0x5D5] =	sst s1  }
0x3ae: {  	s1 =	sadd.s32 s31, s29;
	s29 =	sld [smem:$0x504];
	s3 =	smul.u32 $0x431BDE83, s0  }
0x3af: {  	s10 =	smulhi.u32 $0x431BDE83, s2;
	[smem:$0x5D0] =	sst s16  }
0x3b0: {  	s0 =	sshra.s32 s2, $0x1F;
	s15 =	spop (v2sf);
	[smem:$0x5D7] =	sst s1  }
0x3b1: {  	(v2sf) =	vpush v22, $0xC;
	s16 =	sld [smem:$0x4FD];
	s5 =	smul.u32 $0x431BDE83, s0  }
0x3b2: {  	s4 =	smulhi.u32 $0x431BDE83, s15;
	s0 =	sshra.s32 s15, $0x1F;
	s18 =	spop (v2sf)  }
0x3b3: {  	(v2sf) =	vpush v22, $0xE;
	s2 =	sld [smem:$0x505];
	s7 =	smul.u32 $0x431BDE83, s0;
	s0 =	sshra.s32 s18, $0x1F  }
0x3b4: {  	s22 =	spop (v2sf);
	s20 =	smul.u32 $0x431BDE83, s0  }
0x3b5: {  	s13 =	smulhi.u32 $0x431BDE83, s22;
	s0 =	sshra.s32 s22, $0x1F;
	s22 =	sld [smem:$0x500]  }
0x3b6: {  	s1 =	sadd.s32 s17, s16;
	s17 =	sld [smem:$0x507]  }
0x3b7: {  	s0 =	smul.u32 $0x431BDE83, s0;
	[smem:$0x5D9] =	sst s1;
	s7 =	sadd.s32 s7, s4  }
0x3b8: {  	[smem:$0x5FF] =	sst s7  }
0x3b9: {  	(v2sf) =	vpush v22, $0xF;
	s25 =	spop (v2sf);
	[smem:$0x543] =	sst s0  }
0x3ba: {  	s30 =	smulhi.u32 $0x431BDE83, s25;
	s0 =	sshra.s32 s25, $0x1F;
	s25 =	sld [smem:$0x502]  }
0x3bb: {  	(v2sf) =	vpush v22, $0x9;
	s1 =	sadd.s32 s22, s21;
	s22 =	sld [smem:$0x509];
	s0 =	smul.u32 $0x431BDE83, s0  }
0x3bc: {  	[smem:$0x5DB] =	sst s1  }
0x3bd: {  	[smem:$0x544] =	sst s0  }
0x3be: {  	s1 =	sadd.s32 s25, s24;
	s25 =	sld [smem:$0x50B]  }
0x3bf: {  	s12 =	smulhi.u32 $0x431BDE83, s18;
	[smem:$0x5D8] =	sst s1  }
0x3c0: {  	s1 =	sadd.s32 s29, s28;
	s29 =	sld [smem:$0x50D];
	s15 =	spop (v2sf)  }
0x3c1: {  	[smem:$0x5DA] =	sst s1;
	s18 =	smulhi.u32 $0x431BDE83, s15  }
0x3c2: {  	(v2sf) =	vpush v22, $0x8;
	s0 =	sshra.s32 s15, $0x1F;
	s23 =	spop (v2sf);
	s15 =	sld [smem:$0x506]  }
0x3c3: {  	s0 =	smul.u32 $0x431BDE83, s0;
	[smem:$0x545] =	sst s18  }
0x3c4: {  	s26 =	smulhi.u32 $0x431BDE83, s23;
	s18 =	sld [smem:$0x508]  }
0x3c5: {  	[smem:$0x546] =	sst s0  }
0x3c6: {  	[smem:$0x547] =	sst s26  }
0x3c7: {  	s0 =	sshra.s32 s23, $0x1F;
	s23 =	sld [smem:$0x50A]  }
0x3c8: {  	s31 =	spop (v2sf);
	s26 =	sld [smem:$0x50C]  }
0x3c9: {  	(v2sf) =	vpush v22, $0xA;
	s16 =	smulhi.u32 $0x431BDE83, s31;
	s1 =	sadd.s32 s15, s2;
	s2 =	sld [smem:$0x517]  }
0x3ca: {  	s21 =	spop (v2sf);
	[smem:$0x5DC] =	sst s1  }
0x3cb: {  	s24 =	smulhi.u32 $0x431BDE83, s21;
	[smem:$0x549] =	sst s16  }
0x3cc: {  	s16 =	sld [smem:$0x50F]  }
0x3cd: {  	[smem:$0x54B] =	sst s24  }
0x3ce: {  	s1 =	sadd.s32 s18, s17;
	s17 =	sld [smem:$0x510]  }
0x3cf: {  	s0 =	smul.u32 $0x431BDE83, s0;
	s24 =	sld [smem:$0x513]  }
0x3d0: {  	s4 =	sld [smem:$0x549]  }
0x3d1: {  	(v2sf) =	vpush v22, $0xB;
	s28 =	spop (v2sf);
	[smem:$0x548] =	sst s0  }
0x3d2: {  	s15 =	smulhi.u32 $0x431BDE83, s28;
	[smem:$0x5DD] =	sst s1  }
0x3d3: {  	s0 =	sshra.s32 s31, $0x1F;
	s31 =	sld [smem:$0x50E]  }
0x3d4: {  	[smem:$0x54D] =	sst s15  }
0x3d5: {  	s1 =	sadd.s32 s23, s22;
	s22 =	sld [smem:$0x512]  }
0x3d6: {  	s15 =	sld [smem:$0x518]  }
0x3d7: {  	s7 =	sld [smem:$0x54B]  }
0x3d8: {  	s18 =	spop (v2sf);
	[smem:$0x5DE] =	sst s1  }
0x3d9: {  	(v2sf) =	vpush v22, $0x0;
	s23 =	smulhi.u32 $0x431BDE83, s18;
	s1 =	sadd.s32 s26, s25;
	s25 =	sld [smem:$0x514]  }
0x3da: {  	[smem:$0x5DF] =	sst s1  }
0x3db: {  	s0 =	smul.u32 $0x431BDE83, s0;
	[smem:$0x54F] =	sst s23  }
0x3dc: {  	s23 =	sld [smem:$0x51C]  }
0x3dd: {  	[smem:$0x54A] =	sst s0  }
0x3de: {  	s0 =	sshra.s32 s21, $0x1F;
	s21 =	sld [smem:$0x511]  }
0x3df: {  	s1 =	sadd.s32 s31, s29;
	s29 =	sld [smem:$0x516]  }
0x3e0: {  	s26 =	spop (v2sf);
	[smem:$0x5E0] =	sst s1  }
0x3e1: {  	(v2sf) =	vpush v22, $0x1;
	s31 =	smulhi.u32 $0x431BDE83, s26;
	s1 =	sadd.s32 s17, s16;
	s17 =	sld [smem:$0x519]  }
0x3e2: {  	[smem:$0x5D6] =	sst s1  }
0x3e3: {  	s0 =	smul.u32 $0x431BDE83, s0;
	[smem:$0x551] =	sst s31  }
0x3e4: {  	s31 =	sld [smem:$0x520]  }
0x3e5: {  	[smem:$0x54C] =	sst s0  }
0x3e6: {  	s0 =	sshra.s32 s28, $0x1F;
	s28 =	sld [smem:$0x515]  }
0x3e7: {  	s1 =	sadd.s32 s22, s21;
	s22 =	sld [smem:$0x51B]  }
0x3e8: {  	s16 =	spop (v2sf);
	[smem:$0x5E1] =	sst s1  }
0x3e9: {  	(v2sf) =	vpush v22, $0x2;
	s21 =	smulhi.u32 $0x431BDE83, s16;
	s1 =	sadd.s32 s25, s24;
	s25 =	sld [smem:$0x51D]  }
0x3ea: {  	[smem:$0x5E2] =	sst s1  }
0x3eb: {  	s0 =	smul.u32 $0x431BDE83, s0;
	[smem:$0x553] =	sst s21  }
0x3ec: {  	s21 =	sld [smem:$0x523]  }
0x3ed: {  	[smem:$0x54E] =	sst s0  }
0x3ee: {  	s0 =	sshra.s32 s18, $0x1F;
	s18 =	sld [smem:$0x51A]  }
0x3ef: {  	s1 =	sadd.s32 s29, s28;
	s29 =	sld [smem:$0x51F]  }
0x3f0: {  	s24 =	spop (v2sf);
	[smem:$0x5E3] =	sst s1  }
0x3f1: {  	(v2sf) =	vpush v22, $0x3;
	s28 =	smulhi.u32 $0x431BDE83, s24;
	s1 =	sadd.s32 s15, s2;
	s2 =	sld [smem:$0x529]  }
0x3f2: {  	[smem:$0x5E4] =	sst s1  }
0x3f3: {  	s0 =	smul.u32 $0x431BDE83, s0;
	[smem:$0x555] =	sst s28  }
0x3f4: {  	s28 =	sld [smem:$0x527]  }
0x3f5: {  	[smem:$0x550] =	sst s0  }
0x3f6: {  	s0 =	sshra.s32 s26, $0x1F;
	s26 =	sld [smem:$0x51E]  }
0x3f7: {  	s1 =	sadd.s32 s18, s17;
	s17 =	sld [smem:$0x522]  }
0x3f8: {  	s15 =	spop (v2sf);
	[smem:$0x5E5] =	sst s1  }
0x3f9: {  	(v2sf) =	vpush v22, $0x4;
	s18 =	smulhi.u32 $0x431BDE83, s15;
	s1 =	sadd.s32 s23, s22;
	s22 =	sld [smem:$0x524]  }
0x3fa: {  	[smem:$0x5E6] =	sst s1  }
0x3fb: {  	s0 =	smul.u32 $0x431BDE83, s0;
	[smem:$0x557] =	sst s18  }
0x3fc: {  	s18 =	sld [smem:$0x52C]  }
0x3fd: {  	[smem:$0x552] =	sst s0  }
0x3fe: {  	s0 =	sshra.s32 s16, $0x1F;
	s16 =	sld [smem:$0x521]  }
0x3ff: {  	s1 =	sadd.s32 s26, s25;
	s25 =	sld [smem:$0x526]  }
0x400: {  	s23 =	spop (v2sf);
	[smem:$0x5E8] =	sst s1  }
0x401: {  	(v2sf) =	vpush v22, $0x5;
	s26 =	smulhi.u32 $0x431BDE83, s23;
	s1 =	sadd.s32 s31, s29;
	s29 =	sld [smem:$0x528]  }
0x402: {  	[smem:$0x5EA] =	sst s1  }
0x403: {  	s0 =	smul.u32 $0x431BDE83, s0;
	[smem:$0x559] =	sst s26  }
0x404: {  	s26 =	sld [smem:$0x530]  }
0x405: {  	[smem:$0x554] =	sst s0  }
0x406: {  	s0 =	sshra.s32 s24, $0x1F;
	s24 =	sld [smem:$0x525]  }
0x407: {  	s1 =	sadd.s32 s17, s16;
	s17 =	sld [smem:$0x52B]  }
0x408: {  	s31 =	spop (v2sf);
	[smem:$0x5E9] =	sst s1  }
0x409: {  	(v2sf) =	vpush v22, $0x6;
	s16 =	smulhi.u32 $0x431BDE83, s31;
	s1 =	sadd.s32 s22, s21;
	s22 =	sld [smem:$0x52D]  }
0x40a: {  	[smem:$0x5EB] =	sst s1  }
0x40b: {  	s0 =	smul.u32 $0x431BDE83, s0;
	[smem:$0x55B] =	sst s16  }
0x40c: {  	s16 =	sld [smem:$0x534]  }
0x40d: {  	[smem:$0x556] =	sst s0  }
0x40e: {  	s0 =	sshra.s32 s15, $0x1F;
	s15 =	sld [smem:$0x52A]  }
0x40f: {  	s1 =	sadd.s32 s25, s24;
	s25 =	sld [smem:$0x52F]  }
0x410: {  	s21 =	spop (v2sf);
	[smem:$0x5EC] =	sst s1  }
0x411: {  	(v2sf) =	vpush v22, $0x7;
	s24 =	smulhi.u32 $0x431BDE83, s21;
	s1 =	sadd.s32 s29, s28;
	s29 =	sld [smem:$0x531]  }
0x412: {  	[smem:$0x5ED] =	sst s1  }
0x413: {  	s0 =	smul.u32 $0x431BDE83, s0;
	[smem:$0x55D] =	sst s24  }
0x414: {  	s24 =	sld [smem:$0x538]  }
0x415: {  	[smem:$0x558] =	sst s0  }
0x416: {  	s0 =	sshra.s32 s23, $0x1F;
	s23 =	sld [smem:$0x52E]  }
0x417: {  	s1 =	sadd.s32 s15, s2;
	s15 =	sld [smem:$0x533]  }
0x418: {  	s28 =	spop (v2sf);
	[smem:$0x5EE] =	sst s1  }
0x419: {  	s2 =	smulhi.u32 $0x431BDE83, s28;
	s1 =	sadd.s32 s18, s17;
	s18 =	sld [smem:$0x535]  }
0x41a: {  	v21 =	vld [tilespmem:$0xE0];
	[smem:$0x5EF] =	sst s1  }
0x41b: {  	s0 =	smul.u32 $0x431BDE83, s0;
	[smem:$0x55F] =	sst s2  }
0x41c: {  	s2 =	sld [smem:$0x541]  }
0x41d: {  	[smem:$0x55A] =	sst s0  }
0x41e: {  	s0 =	sshra.s32 s31, $0x1F;
	s31 =	sld [smem:$0x532]  }
0x41f: {  	(v2sf) =	vpush v21, $0xD;
	s1 =	sadd.s32 s23, s22;
	s23 =	sld [smem:$0x537]  }
0x420: {  	s17 =	spop (v2sf);
	[smem:$0x5F0] =	sst s1  }
0x421: {  	s22 =	smulhi.u32 $0x431BDE83, s17;
	s1 =	sadd.s32 s26, s25;
	s26 =	sld [smem:$0x539]  }
0x422: {  	(v2sf) =	vpush v21, $0xC;
	[smem:$0x5E7] =	sst s1  }
0x423: {  	s0 =	smul.u32 $0x431BDE83, s0;
	[smem:$0x560] =	sst s22  }
0x424: {  	s22 =	sld [smem:$0x53F]  }
0x425: {  	[smem:$0x55C] =	sst s0  }
0x426: {  	s0 =	sshra.s32 s21, $0x1F;
	s21 =	sld [smem:$0x536]  }
0x427: {  	(v2sf) =	vpush v21, $0xE;
	s1 =	sadd.s32 s31, s29;
	s31 =	sld [smem:$0x53A]  }
0x428: {  	[smem:$0x5F1] =	sst s1  }
0x429: {  	(v2sf) =	vpush v21, $0xF;
	s1 =	sadd.s32 s16, s15;
	s15 =	sld [smem:$0x53B]  }
0x42a: {  	s0 =	smul.u32 $0x431BDE83, s0;
	s16 =	sld [smem:$0x53C]  }
0x42b: {  	[smem:$0x5F2] =	sst s1  }
0x42c: {  	[smem:$0x55E] =	sst s0  }
0x42d: {  	s1 =	sadd.s32 s21, s18;
	s18 =	sld [smem:$0x53D]  }
0x42e: {  	s25 =	spop (v2sf);
	s0 =	sshra.s32 s28, $0x1F;
	s21 =	sld [smem:$0x53E]  }
0x42f: {  	s29 =	smul.u32 $0x431BDE83, s0;
	[smem:$0x5F3] =	sst s1  }
0x430: {  	(v2sf) =	vpush v21, $0x9;
	s0 =	sshra.s32 s17, $0x1F;
	s1 =	sadd.s32 s24, s23;
	s23 =	sld [smem:$0x540]  }
0x431: {  	s17 =	spop (v2sf);
	[smem:$0x5F4] =	sst s1;
	s1 =	sadd.s32 s31, s26  }
0x432: {  	s28 =	smul.u32 $0x431BDE83, s0;
	[smem:$0x5F5] =	sst s1  }
0x433: {  	(v2sf) =	vpush v21, $0x8;
	s26 =	smulhi.u32 $0x431BDE83, s25;
	s1 =	sadd.s32 s16, s15;
	s15 =	sld [smem:$0x542]  }
0x434: {  	s16 =	sadd.s32 s9, s14;
	s9 =	sadd.s32 s20, s12;
	s12 =	sld [smem:$0x544]  }
0x435: {  	(v2sf) =	vpush v21, $0xA;
	s0 =	sshra.s32 s25, $0x1F;
	s25 =	smulhi.u32 $0x431BDE83, s17;
	s20 =	sld [smem:$0x545]  }
0x436: {  	(v2sf) =	vpush v21, $0xB;
	s31 =	spop (v2sf);
	[smem:$0x5F7] =	sst s1  }
0x437: {  	s24 =	smul.u32 $0x431BDE83, s0;
	s0 =	sshra.s32 s17, $0x1F;
	[smem:$0x5FB] =	sst s16  }
0x438: {  	s17 =	spop (v2sf);
	s1 =	sadd.s32 s21, s18;
	[smem:$0x600] =	sst s9  }
0x439: {  	[smem:$0x5F9] =	sst s1;
	s1 =	sadd.s32 s23, s22;
	s23 =	smul.u32 $0x431BDE83, s0  }
0x43a: {  	s9 =	sld [smem:$0x54C];
	s22 =	smulhi.u32 $0x431BDE83, s31  }
0x43b: {  	s0 =	sshra.s32 s31, $0x1F;
	s31 =	sadd.s32 s8, s11;
	[smem:$0x5FA] =	sst s1  }
0x43c: {  	s18 =	smulhi.u32 $0x431BDE83, s17;
	s1 =	sadd.s32 s15, s2;
	[smem:$0x5FC] =	sst s31  }
0x43d: {  	s2 =	sadd.s32 s3, s6;
	s6 =	sadd.s32 s5, s10;
	s10 =	sld [smem:$0x543]  }
0x43e: {  	s21 =	smul.u32 $0x431BDE83, s0;
	s5 =	sld [smem:$0x54A]  }
0x43f: {  	s0 =	sshra.s32 s17, $0x1F;
	s3 =	spop (v2sf);
	[smem:$0x5F8] =	sst s1  }
0x440: {  	[smem:$0x5FD] =	sst s2;
	s17 =	smul.u32 $0x431BDE83, s0  }
0x441: {  	[smem:$0x5FE] =	sst s6;
	s16 =	smulhi.u32 $0x431BDE83, s3  }
0x442: {  	(v2sf) =	vpush v21, $0x0;
	s0 =	sshra.s32 s3, $0x1F;
	s8 =	spop (v2sf);
	s2 =	sld [smem:$0x547]  }
0x443: {  	(v2sf) =	vpush v21, $0x1;
	s3 =	sld [smem:$0x548];
	s15 =	smul.u32 $0x431BDE83, s0  }
0x444: {  	s0 =	sshra.s32 s8, $0x1F;
	s11 =	spop (v2sf);
	s1 =	sadd.s32 s10, s13  }
0x445: {  	s13 =	smul.u32 $0x431BDE83, s0;
	s0 =	sshra.s32 s11, $0x1F;
	s31 =	spop (v2sf)  }
0x446: {  	[smem:$0x5F6] =	sst s1;
	s1 =	sadd.s32 s12, s30;
	s12 =	smulhi.u32 $0x431BDE83, s11  }
0x447: {  	s30 =	sld [smem:$0x546];
	s10 =	smul.u32 $0x431BDE83, s0  }
0x448: {  	s11 =	smulhi.u32 $0x431BDE83, s31;
	s0 =	sshra.s32 s31, $0x1F;
	s31 =	sld [smem:$0x54E]  }
0x449: {  	[smem:$0x601] =	sst s1  }
0x44a: {  	s1 =	sadd.s32 s30, s20;
	s30 =	sld [smem:$0x54D]  }
0x44b: {  	[smem:$0x602] =	sst s1  }
0x44c: {  	(v2sf) =	vpush v21, $0x2;
	s14 =	smulhi.u32 $0x431BDE83, s8;
	s1 =	sadd.s32 s3, s2;
	s3 =	sld [smem:$0x54F]  }
0x44d: {  	v23 =	vld [tilespmem:$0xF0];
	(v2sf) =	vpush v21, $0x3;
	s8 =	smul.u32 $0x431BDE83, s0;
	[smem:$0x603] =	sst s1  }
0x44e: {  	(v2sf) =	vpush v21, $0x4;
	s0 =	sadd.s32 s9, s7;
	s1 =	sadd.s32 s5, s4;
	s4 =	sld [smem:$0x550]  }
0x44f: {  	(v2sf) =	vpush v21, $0x5;
	[smem:$0x605] =	sst s0  }
0x450: {  	(v2sf) =	vpush v21, $0x6;
	[smem:$0x604] =	sst s1;
	s0 =	sadd.s32 s31, s30  }
0x451: {  	(v2sf) =	vpush v21, $0x7;
	s6 =	spop (v2sf);
	[smem:$0x606] =	sst s0;
	s0 =	sadd.s32 s4, s3  }
0x452: {  	s24 =	sadd.s32 s24, s26;
	(v2sf) =	vpush v23, $0xD;
	s2 =	spop (v2sf);
	[smem:$0x607] =	sst s0  }
0x453: {  	s23 =	sadd.s32 s23, s25;
	(v2sf) =	vpush v23, $0xC;
	[smem:$0x610] =	sst s24  }
0x454: {  	s17 =	sadd.s32 s17, s18;
	[smem:$0x611] =	sst s23  }
0x455: {  	s15 =	sadd.s32 s15, s16;
	[smem:$0x612] =	sst s17  }
0x456: {  	[smem:$0x613] =	sst s15  }
0x457: {  	s5 =	sld [smem:$0x551]  }
0x458: {  	s9 =	smulhi.u32 $0x431BDE83, s6;
	s20 =	sshra.s32 s6, $0x1F;
	s6 =	sld [smem:$0x552]  }
0x459: {  	s3 =	sld [smem:$0x553]  }
0x45a: {  	s4 =	sld [smem:$0x554]  }
0x45b: {  	s0 =	sadd.s32 s6, s5;
	s5 =	sld [smem:$0x555]  }
0x45c: {  	s31 =	spop (v2sf);
	[smem:$0x608] =	sst s0  }
0x45d: {  	s6 =	smulhi.u32 $0x431BDE83, s31;
	s0 =	sshra.s32 s31, $0x1F;
	s31 =	sld [smem:$0x556]  }
0x45e: {  	s1 =	sadd.s32 s4, s3;
	s4 =	sld [smem:$0x557]  }
0x45f: {  	[smem:$0x609] =	sst s1  }
0x460: {  	s13 =	sadd.s32 s13, s14;
	s1 =	sadd.s32 s31, s5;
	s31 =	sld [smem:$0x558]  }
0x461: {  	[smem:$0x614] =	sst s13;
	s3 =	spop (v2sf)  }
0x462: {  	s5 =	smul.u32 $0x431BDE83, s0;
	s0 =	sshra.s32 s3, $0x1F;
	[smem:$0x60A] =	sst s1  }
0x463: {  	s1 =	sadd.s32 s31, s4;
	s4 =	smulhi.u32 $0x431BDE83, s3;
	s3 =	sld [smem:$0x559]  }
0x464: {  	s31 =	sld [smem:$0x55A]  }
0x465: {  	s7 =	smulhi.u32 $0x431BDE83, s2;
	s30 =	sshra.s32 s2, $0x1F;
	s2 =	sld [smem:$0x55B]  }
0x466: {  	[smem:$0x60B] =	sst s1  }
0x467: {  	s10 =	sadd.s32 s10, s12;
	s1 =	sadd.s32 s31, s3;
	s31 =	sld [smem:$0x55C]  }
0x468: {  	[smem:$0x615] =	sst s10  }
0x469: {  	[smem:$0x60C] =	sst s1  }
0x46a: {  	s1 =	sadd.s32 s31, s2;
	s31 =	sld [smem:$0x55E]  }
0x46b: {  	s20 =	smul.u32 $0x431BDE83, s20;
	[smem:$0x60D] =	sst s1  }
0x46c: {  	s8 =	sadd.s32 s8, s11;
	s1 =	sld [smem:$0x55D]  }
0x46d: {  	s9 =	sadd.s32 s20, s9;
	[smem:$0x616] =	sst s8;
	(v2sf) =	vpush v23, $0xE  }
0x46e: {  	[smem:$0x617] =	sst s9  }
0x46f: {  	s30 =	smul.u32 $0x431BDE83, s30;
	(v2sf) =	vpush v23, $0xF;
	s1 =	sadd.s32 s31, s1;
	s31 =	sld [smem:$0x55F]  }
0x470: {  	s3 =	smul.u32 $0x431BDE83, s0;
	s0 =	spop (v2sf)  }
0x471: {  	s26 =	sadd.s32 s21, s22;
	s2 =	smulhi.u32 $0x431BDE83, s0;
	[smem:$0x60E] =	sst s1  }
0x472: {  	s0 =	sshra.s32 s0, $0x1F;
	s29 =	sadd.s32 s29, s31;
	s31 =	sld [smem:$0x560]  }
0x473: {  	s5 =	sadd.s32 s5, s6;
	s1 =	smul.u32 $0x431BDE83, s0;
	s0 =	spop (v2sf)  }
0x474: {  	(v2sf) =	vpush v23, $0x9;
	[smem:$0x60F] =	sst s29;
	s29 =	smulhi.u32 $0x431BDE83, s0;
	s0 =	sshra.s32 s0, $0x1F  }
0x475: {  	s0 =	smul.u32 $0x431BDE83, s0;
	s31 =	sadd.s32 s28, s31;
	s28 =	spop (v2sf)  }
0x476: {  	[smem:$0x618] =	sst s5;
	s24 =	smulhi.u32 $0x431BDE83, s28;
	s28 =	sshra.s32 s28, $0x1F  }
0x477: {  	(v2sf) =	vpush v23, $0x8;
	s1 =	sadd.s32 s1, s2;
	s23 =	smul.u32 $0x431BDE83, s28;
	s28 =	spop (v2sf)  }
0x478: {  	[smem:$0x619] =	sst s1;
	s21 =	smulhi.u32 $0x431BDE83, s28;
	s28 =	sshra.s32 s28, $0x1F  }
0x479: {  	s0 =	sadd.s32 s0, s29;
	s25 =	spop (v2sf);
	s17 =	smul.u32 $0x431BDE83, s28  }
0x47a: {  	[smem:$0x61A] =	sst s0;
	s15 =	smulhi.u32 $0x431BDE83, s25;
	s28 =	sshra.s32 s25, $0x1F  }
0x47b: {  	s16 =	spop (v2sf);
	s20 =	sadd.s32 s23, s24;
	s13 =	smul.u32 $0x431BDE83, s28  }
0x47c: {  	(v2sf) =	vpush v23, $0xA;
	s10 =	smulhi.u32 $0x431BDE83, s16;
	s18 =	sshra.s32 s16, $0x1F;
	s22 =	spop (v2sf)  }
0x47d: {  	s30 =	sadd.s32 s30, s7;
	[smem:$0x61B] =	sst s20;
	s8 =	smul.u32 $0x431BDE83, s18  }
0x47e: {  	s9 =	smulhi.u32 $0x431BDE83, s22;
	s11 =	sshra.s32 s22, $0x1F;
	s25 =	spop (v2sf)  }
0x47f: {  	s7 =	smul.u32 $0x431BDE83, s11;
	s24 =	sadd.s32 s13, s15;
	s13 =	sld [smem:$0x562]  }
0x480: {  	s5 =	smulhi.u32 $0x431BDE83, s25;
	s28 =	sshra.s32 s25, $0x1F;
	[dreg:$0x1f] =	wrdreg s24  }
0x481: {  	s25 =	sadd.s32 s3, s4;
	s8 =	sadd.s32 s8, s10;
	s10 =	sld [smem:$0x564]  }
0x482: {  	s3 =	smul.u32 $0x431BDE83, s28;
	s28 =	sadd.s32 s17, s21;
	s21 =	sld [smem:$0x567]  }
0x483: {  	s11 =	spop (v2sf);
	[dreg:$0x18] =	wrdreg s8  }
0x484: {  	s12 =	smulhi.u32 $0x431BDE83, s11;
	s14 =	sshra.s32 s11, $0x1F;
	s8 =	sld [smem:$0x563]  }
0x485: {  	s16 =	smul.u32 $0x431BDE83, s14;
	s7 =	sadd.s32 s7, s9;
	s14 =	sld [smem:$0x565]  }
0x486: {  	s18 =	spop (v2sf);
	[dreg:$0x14] =	wrdreg s7  }
0x487: {  	s3 =	sadd.s32 s3, s5;
	s5 =	sld [smem:$0x561];
	s7 =	sshra.s32 s13, $0x1F  }
0x488: {  	s22 =	smulhi.u32 $0x431BDE83, s18;
	s2 =	sshra.s32 s18, $0x1F;
	[dreg:$0x12] =	wrdreg s3  }
0x489: {  	s0 =	sadd.s32 s16, s12;
	s11 =	sshra.s32 s10, $0x12;
	s16 =	sld [smem:$0x566]  }
0x48a: {  	s12 =	sshrl.u32 s10, $0x1F;
	s2 =	smul.u32 $0x431BDE83, s2;
	[dreg:$0x17] =	wrdreg s0  }
0x48b: {  	s9 =	sshrl.u32 s8, $0x1F;
	s15 =	sshrl.u32 s14, $0x1F;
	s23 =	spop (v2sf)  }
0x48c: {  	v24 =	vmov s12;
	s12 =	sld [smem:$0x56A];
	s29 =	smulhi.u32 $0x431BDE83, s23;
	s6 =	sshra.s32 s23, $0x1F  }
0x48d: {  	s1 =	sshra.s32 s5, $0x12;
	s23 =	sld [smem:$0x568];
	s6 =	smul.u32 $0x431BDE83, s6  }
0x48e: {  	s3 =	sadd.s32 s2, s22;
	s17 =	sshra.s32 s16, $0x12;
	s18 =	sshrl.u32 s16, $0x1F  }
0x48f: {  	[dreg:$0xf] =	wrdreg s3;
	s4 =	sadd.s32 s6, s29;
	s6 =	sshrl.u32 s5, $0x1F  }
0x490: {  	v60 =	vmov s7;
	s5 =	sshra.s32 s10, $0x1F;
	s24 =	sshrl.u32 s23, $0x1F;
	s10 =	sld [smem:$0x569]  }
0x491: {  	v0 =	vsel vm0, s11, v60;
	v10 =	vmov s9;
	s29 =	sshra.s32 s23, $0x12;
	s9 =	sshra.s32 s23, $0x1F;
	s23 =	sld [smem:$0x56C]  }
0x492: {  	s20 =	sshra.s32 s16, $0x1F;
	s22 =	sshrl.u32 s21, $0x1F;
	[dreg:$0x10] =	wrdreg s4;
	v0 =	vsel vm1, s5, v0;
	v10 =	vsel vm2, s6, v10  }
0x493: {  	v24 =	vnsel vm0, $0x0, v24;
	s2 =	sshra.s32 s21, $0x12;
	s3 =	sshra.s32 s8, $0x12;
	v0 =	vsel vm2, s17, v0;
	v10 =	vsel vm4, s15, v10;
	s15 =	sld [smem:$0x56F]  }
0x494: {  	s5 =	sshra.s32 s14, $0x12;
	s17 =	sshrl.u32 s12, $0x1F;
	v0 =	vsel vm3, s20, v0;
	v1 =	vsel vm6, s22, v10;
	v10 =	vsel vm2, s18, v24;
	s18 =	sld [smem:$0x56B]  }
0x495: {  	s11 =	sshrl.u32 s10, $0x1F;
	v61 =	vmov s17;
	s0 =	sshra.s32 s10, $0x12;
	v0 =	vsel vm4, s29, v0;
	s29 =	sld [smem:$0x56D]  }
0x496: {  	v10 =	vsel vm4, s24, v10;
	v24 =	vsel vm2, s11, v61;
	s24 =	sshrl.u32 s23, $0x1F;
	s11 =	sld [smem:$0x56E];
	s23 =	sshra.s32 s23, $0x12  }
0x497: {  	v0 =	vsel vm5, s9, v0;
	s16 =	sshrl.u32 s15, $0x1F;
	s20 =	sshrl.u32 s18, $0x1F;
	s21 =	sshra.s32 s18, $0x12  }
0x498: {  	s22 =	sshra.s32 s18, $0x1F;
	s18 =	sshra.s32 s12, $0x12;
	v0 =	vsel vm6, s21, v0;
	s21 =	sld [smem:$0x570]  }
0x499: {  	v24 =	vsel vm4, s24, v24;
	v10 =	vsel vm6, s20, v10;
	s8 =	sshrl.u32 s29, $0x1F;
	s14 =	sshrl.u32 s11, $0x1F;
	v63 =	vmov s18;
	s18 =	sld [smem:$0x572]  }
0x49a: {  	s24 =	sshrl.u32 s13, $0x1F;
	s17 =	sshra.s32 s29, $0x12;
	v10 =	vsel vm8, s8, v10;
	v0 =	vsel vm7, s22, v0;
	v25 =	vsel vm6, s14, v24;
	s14 =	sld [smem:$0x573]  }
0x49b: {  	s20 =	sshra.s32 s29, $0x1F;
	v10 =	vsel vm10, s16, v10;
	v0 =	vsel vm8, s17, v0;
	s16 =	sld [smem:$0x571];
	s22 =	sshrl.u32 s21, $0x1F  }
0x49c: {  	v62 =	vmov s3;
	v0 =	vsel vm9, s20, v0;
	s20 =	sshrl.u32 s18, $0x1F;
	s3 =	sshra.s32 s18, $0x12;
	s18 =	sld [smem:$0x579]  }
0x49d: {  	s9 =	sshra.s32 s15, $0x1F;
	s29 =	sshra.s32 s15, $0x12;
	v10 =	vsel vm11, s22, v10;
	s22 =	sld [smem:$0x574]  }
0x49e: {  	s15 =	sshra.s32 s13, $0x12;
	s12 =	sshra.s32 s21, $0x1F;
	v0 =	vsel vm10, s29, v0;
	v50 =	vsel vm13, s24, v10;
	s24 =	sld [smem:$0x575]  }
0x49f: {  	v10 =	vsel vm2, s1, v62;
	s1 =	sshra.s32 s11, $0x12;
	s11 =	sshra.s32 s21, $0x12;
	v0 =	vsel vm12, s9, v0;
	s9 =	sld [smem:$0x576]  }
0x4a0: {  	s17 =	sshrl.u32 s16, $0x1F;
	s21 =	sshra.s32 s14, $0x1F;
	v10 =	vsel vm4, s5, v10;
	v0 =	vsel vm11, s11, v0;
	s11 =	sld [smem:$0x577]  }
0x4a1: {  	v28 =	vmov s21;
	s21 =	sshra.s32 s18, $0x12;
	v27 =	vsel vm6, s2, v10;
	v10 =	vsel vm2, s0, v63;
	s0 =	sshra.s32 s16, $0x12;
	s16 =	sld [smem:$0x578]  }
0x4a2: {  	v10 =	vsel vm4, s23, v10;
	s23 =	sshrl.u32 s22, $0x1F;
	s29 =	sshra.s32 s24, $0x12;
	s7 =	sshrl.u32 s24, $0x1F  }
0x4a3: {  	v0 =	vsel vm14, s12, v0;
	s8 =	sshra.s32 s24, $0x1F;
	s10 =	sshrl.u32 s9, $0x1F;
	s5 =	sshra.s32 s9, $0x12  }
0x4a4: {  	v32 =	vsel vm6, s1, v10;
	v29 =	vsel vm0, s29, v28;
	s1 =	sshra.s32 s22, $0x12;
	v10 =	vmov s20;
	s12 =	sshra.s32 s11, $0x12;
	s29 =	sld [smem:$0x57B]  }
0x4a5: {  	v52 =	vsel vm13, s15, v0;
	v30 =	vmov s7;
	s20 =	sshrl.u32 s18, $0x1F;
	s22 =	sshra.s32 s18, $0x1F;
	s18 =	sld [smem:$0x57D];
	v10 =	vsel vm2, s17, v10  }
0x4a6: {  	s13 =	sshrl.u32 s11, $0x1F;
	s15 =	sshra.s32 s11, $0x1F;
	v0 =	vsel vm1, s8, v29;
	v24 =	vnsel vm0, $0x0, v30;
	v10 =	vsel vm4, s23, v10;
	s23 =	sld [smem:$0x57A]  }
0x4a7: {  	s17 =	sshrl.u32 s16, $0x1F;
	s4 =	sshra.s32 s16, $0x12;
	v0 =	vsel vm2, s12, v0;
	v24 =	vsel vm2, s13, v24;
	s12 =	sld [smem:$0x57C]  }
0x4a8: {  	s13 =	sld [smem:$0x584];
	v53 =	vsel vm6, s10, v10;
	v10 =	vsel vm4, s20, v24;
	s11 =	sshrl.u32 s29, $0x1F;
	s16 =	sshra.s32 s29, $0x12  }
0x4a9: {  	v0 =	vsel vm3, s15, v0;
	s9 =	sshrl.u32 s18, $0x1F;
	s10 =	sshra.s32 s18, $0x12;
	v10 =	vsel vm6, s11, v10;
	s11 =	sld [smem:$0x57E]  }
0x4aa: {  	v0 =	vsel vm4, s21, v0;
	s21 =	sld [smem:$0x57F];
	s24 =	sshrl.u32 s23, $0x1F;
	s15 =	sshrl.u32 s12, $0x1F  }
0x4ab: {  	v0 =	vsel vm5, s22, v0;
	s2 =	sshra.s32 s23, $0x12;
	s23 =	sld [smem:$0x580];
	v31 =	vmov s24;
	v10 =	vsel vm8, s15, v10;
	s15 =	sshra.s32 s12, $0x1F  }
0x4ac: {  	v0 =	vsel vm6, s16, v0;
	s16 =	sshrl.u32 s14, $0x1F;
	v24 =	vsel vm2, s17, v31;
	s17 =	sshra.s32 s29, $0x1F;
	s20 =	sshrl.u32 s11, $0x1F  }
0x4ad: {  	s22 =	sshrl.u32 s21, $0x1F;
	s29 =	sshra.s32 s12, $0x12;
	s18 =	sshra.s32 s11, $0x12;
	v0 =	vsel vm7, s17, v0  }
0x4ae: {  	v24 =	vsel vm4, s9, v24;
	v10 =	vsel vm10, s20, v10;
	s24 =	sshrl.u32 s23, $0x1F;
	s20 =	sshra.s32 s11, $0x1F;
	s11 =	sld [smem:$0x582];
	v0 =	vsel vm8, s29, v0  }
0x4af: {  	s17 =	sshra.s32 s21, $0x12;
	s21 =	sshra.s32 s23, $0x12;
	v55 =	vsel vm6, s22, v24;
	v10 =	vsel vm11, s24, v10;
	s24 =	sld [smem:$0x581];
	v0 =	vsel vm9, s15, v0  }
0x4b0: {  	s22 =	sshra.s32 s23, $0x1F;
	s23 =	sshra.s32 s14, $0x12;
	s14 =	sld [smem:$0x583];
	v54 =	vsel vm13, s16, v10;
	v10 =	vmov s3;
	v0 =	vsel vm10, s18, v0  }
0x4b1: {  	v33 =	vmov s2;
	v10 =	vsel vm2, s0, v10;
	s12 =	sshrl.u32 s11, $0x1F;
	v0 =	vsel vm12, s20, v0;
	s20 =	sld [smem:$0x586]  }
0x4b2: {  	v24 =	vsel vm2, s4, v33;
	v10 =	vsel vm4, s1, v10;
	s29 =	sshrl.u32 s24, $0x1F;
	s0 =	sshra.s32 s24, $0x12;
	s24 =	sld [smem:$0x587]  }
0x4b3: {  	s15 =	sshrl.u32 s14, $0x1F;
	s1 =	sshra.s32 s14, $0x12;
	s14 =	sld [smem:$0x589];
	v56 =	vsel vm6, s5, v10;
	v10 =	vsel vm4, s10, v24;
	v0 =	vsel vm11, s21, v0  }
0x4b4: {  	s16 =	sshra.s32 s13, $0x1F;
	v34 =	vmov s12;
	v10 =	vsel vm6, s17, v10;
	v0 =	vsel vm14, s22, v0;
	s17 =	sld [smem:$0x585]  }
0x4b5: {  	s5 =	sshra.s32 s11, $0x12;
	s21 =	sshra.s32 s20, $0x12;
	v58 =	vsel vm13, s23, v0;
	v0 =	vsel vm2, s29, v34;
	s29 =	sld [smem:$0x588]  }
0x4b6: {  	[tilespmem:$0x1FB40] =	vst v10;
	v10 =	vmov s16;
	s22 =	sshrl.u32 s20, $0x1F;
	s23 =	sshra.s32 s20, $0x1F;
	s16 =	sld [smem:$0x58A]  }
0x4b7: {  	s4 =	sshrl.u32 s24, $0x1F;
	s7 =	sshra.s32 s24, $0x12;
	v10 =	vsel vm0, s21, v10;
	s21 =	sld [smem:$0x58B]  }
0x4b8: {  	s3 =	sshra.s32 s14, $0x12;
	v0 =	vsel vm4, s15, v0;
	s15 =	sshrl.u32 s14, $0x1F;
	v10 =	vsel vm1, s23, v10;
	s23 =	sld [smem:$0x58C]  }
0x4b9: {  	v40 =	vmov s3;
	s18 =	sshrl.u32 s17, $0x1F;
	s2 =	sshra.s32 s17, $0x12;
	v37 =	vmov s15;
	s15 =	sld [smem:$0x58E]  }
0x4ba: {  	v41 =	vsel vm2, s7, v40;
	s7 =	sld [smem:$0x5A3];
	s10 =	sshra.s32 s29, $0x12;
	s11 =	sshrl.u32 s29, $0x1F  }
0x4bb: {  	v35 =	vmov s22;
	s12 =	sshra.s32 s29, $0x1F;
	v0 =	vsel vm6, s18, v0;
	s17 =	sshrl.u32 s16, $0x1F;
	s18 =	sshra.s32 s16, $0x12  }
0x4bc: {  	v24 =	vnsel vm0, $0x0, v35;
	s20 =	sshra.s32 s16, $0x1F;
	s29 =	sld [smem:$0x58D];
	s22 =	sshrl.u32 s21, $0x1F  }
0x4bd: {  	v10 =	vsel vm2, s10, v10;
	v36 =	vsel vm2, s11, v24;
	v24 =	vsel vm2, s4, v37;
	s24 =	sshrl.u32 s23, $0x1F;
	s10 =	sshra.s32 s23, $0x12;
	s14 =	sshra.s32 s23, $0x1F  }
0x4be: {  	[tilespmem:$0x1FB50] =	vst v0;
	v10 =	vsel vm3, s12, v10;
	v0 =	vsel vm4, s17, v36;
	v24 =	vsel vm4, s22, v24;
	s16 =	sshrl.u32 s15, $0x1F;
	s17 =	sld [smem:$0x58F];
	s6 =	sshra.s32 s15, $0x12  }
0x4bf: {  	s15 =	sshra.s32 s13, $0x12;
	v10 =	vsel vm4, s18, v10;
	s9 =	sshrl.u32 s29, $0x1F;
	v24 =	vsel vm6, s16, v24;
	s16 =	sld [smem:$0x591]  }
0x4c0: {  	s22 =	sshra.s32 s29, $0x12;
	s23 =	sshra.s32 s29, $0x1F;
	v10 =	vsel vm5, s20, v10;
	s20 =	sld [smem:$0x590]  }
0x4c1: {  	v0 =	vsel vm6, s24, v0;
	s24 =	sshrl.u32 s13, $0x1F;
	s13 =	sld [smem:$0x597];
	v10 =	vsel vm6, s10, v10;
	s18 =	sshrl.u32 s17, $0x1F  }
0x4c2: {  	v0 =	vsel vm8, s9, v0;
	s29 =	sshra.s32 s17, $0x12;
	s11 =	sshra.s32 s17, $0x1F;
	s17 =	sld [smem:$0x592];
	v10 =	vsel vm7, s14, v10  }
0x4c3: {  	s4 =	sshra.s32 s21, $0x12;
	v0 =	vsel vm10, s18, v0;
	s14 =	sld [smem:$0x593];
	s21 =	sshrl.u32 s20, $0x1F;
	v10 =	vsel vm8, s22, v10  }
0x4c4: {  	v38 =	vmov s5;
	s3 =	sshrl.u32 s13, $0x1F;
	v0 =	vsel vm11, s21, v0;
	v10 =	vsel vm9, s23, v10;
	s23 =	sld [smem:$0x595]  }
0x4c5: {  	v39 =	vsel vm2, s0, v38;
	s5 =	sshra.s32 s13, $0x12;
	s13 =	sld [smem:$0x59C];
	s12 =	sshra.s32 s20, $0x12;
	v0 =	vsel vm13, s24, v0;
	v10 =	vsel vm10, s29, v10  }
0x4c6: {  	s10 =	sshra.s32 s20, $0x1F;
	s21 =	sld [smem:$0x594];
	s20 =	sshra.s32 s14, $0x1F;
	[tilespmem:$0x1FB90] =	vst v0;
	v0 =	vsel vm4, s1, v39;
	v10 =	vsel vm12, s11, v10  }
0x4c7: {  	s9 =	sshrl.u32 s16, $0x1F;
	v42 =	vmov s20;
	s20 =	sld [smem:$0x599];
	v0 =	vsel vm6, s2, v0;
	v10 =	vsel vm11, s12, v10;
	s24 =	sshra.s32 s23, $0x12  }
0x4c8: {  	s0 =	sshra.s32 s16, $0x12;
	s11 =	sld [smem:$0x596];
	[tilespmem:$0x1FB70] =	vst v0;
	v0 =	vsel vm4, s4, v41;
	v43 =	vsel vm14, s10, v10;
	v10 =	vsel vm0, s24, v42;
	s10 =	sshra.s32 s23, $0x1F  }
0x4c9: {  	s18 =	sshrl.u32 s17, $0x1F;
	s22 =	sshrl.u32 s21, $0x1F;
	v0 =	vsel vm6, s6, v0;
	v10 =	vsel vm1, s10, v10;
	s10 =	sld [smem:$0x59B]  }
0x4ca: {  	v44 =	vmov s18;
	s1 =	sshra.s32 s21, $0x12;
	s21 =	sshrl.u32 s20, $0x1F;
	[tilespmem:$0x1FB80] =	vst v0;
	v0 =	vsel vm13, s15, v43;
	s15 =	sld [smem:$0x598]  }
0x4cb: {  	s2 =	sshra.s32 s17, $0x12;
	s29 =	sshrl.u32 s23, $0x1F;
	v47 =	vmov s21;
	s21 =	sld [smem:$0x59E];
	[tilespmem:$0x1FBA0] =	vst v0;
	v0 =	vsel vm2, s9, v44  }
0x4cc: {  	s12 =	sshrl.u32 s11, $0x1F;
	s4 =	sshra.s32 s11, $0x12;
	v0 =	vsel vm4, s22, v0;
	s22 =	sld [smem:$0x59A]  }
0x4cd: {  	v45 =	vmov s29;
	s9 =	sshra.s32 s20, $0x12;
	s16 =	sshra.s32 s15, $0x12;
	s17 =	sshrl.u32 s15, $0x1F  }
0x4ce: {  	[tilespmem:$0x1FB60] =	vst v24;
	v24 =	vnsel vm0, $0x0, v45;
	s18 =	sshra.s32 s15, $0x1F;
	s15 =	sshrl.u32 s13, $0x1F;
	v10 =	vsel vm2, s16, v10;
	s16 =	sshra.s32 s13, $0x12  }
0x4cf: {  	v46 =	vsel vm2, s17, v24;
	s17 =	sshra.s32 s13, $0x1F;
	s13 =	sld [smem:$0x5A0];
	v10 =	vsel vm3, s18, v10;
	s23 =	sshra.s32 s22, $0x12  }
0x4d0: {  	s6 =	sshra.s32 s10, $0x12;
	v0 =	vsel vm6, s12, v0;
	s12 =	sshrl.u32 s10, $0x1F;
	v10 =	vsel vm4, s23, v10;
	s23 =	sld [smem:$0x59F]  }
0x4d1: {  	s11 =	sshra.s32 s21, $0x1F;
	s24 =	sshrl.u32 s22, $0x1F;
	s29 =	sshra.s32 s22, $0x1F  }
0x4d2: {  	[tilespmem:$0x1FBB0] =	vst v0;
	s18 =	sld [smem:$0x59D];
	s22 =	sshrl.u32 s21, $0x1F;
	v0 =	vsel vm4, s24, v46;
	v10 =	vsel vm5, s29, v10;
	s29 =	sshra.s32 s21, $0x12  }
0x4d3: {  	v0 =	vsel vm6, s15, v0;
	s15 =	sshrl.u32 s13, $0x1F;
	s21 =	sshra.s32 s13, $0x1F;
	v10 =	vsel vm6, s16, v10;
	s24 =	sshrl.u32 s23, $0x1F  }
0x4d4: {  	v0 =	vsel vm8, s22, v0;
	v10 =	vsel vm7, s17, v10;
	s16 =	sshra.s32 s23, $0x12;
	s17 =	sshra.s32 s23, $0x1F;
	s23 =	sld [smem:$0x5A1]  }
0x4d5: {  	v24 =	vsel vm2, s3, v47;
	s20 =	sshrl.u32 s18, $0x1F;
	s8 =	sshra.s32 s18, $0x12;
	v0 =	vsel vm10, s24, v0;
	v10 =	vsel vm8, s29, v10;
	s24 =	sld [smem:$0x5A2]  }
0x4d6: {  	v24 =	vsel vm4, s12, v24;
	s18 =	sshrl.u32 s14, $0x1F;
	s22 =	sshra.s32 s14, $0x12;
	v0 =	vsel vm11, s15, v0;
	v10 =	vsel vm9, s11, v10;
	s15 =	sld [smem:$0x5A4]  }
0x4d7: {  	v48 =	vmov s2;
	v24 =	vsel vm6, s20, v24;
	s20 =	sshra.s32 s13, $0x12;
	s13 =	sshrl.u32 s7, $0x1F;
	v10 =	vsel vm10, s16, v10;
	s16 =	sld [smem:$0x5A5]  }
0x4d8: {  	v49 =	vsel vm2, s0, v48;
	s12 =	sshrl.u32 s23, $0x1F;
	s0 =	sshra.s32 s23, $0x12;
	v10 =	vsel vm12, s17, v10;
	s17 =	sld [smem:$0x5A6]  }
0x4d9: {  	v0 =	vsel vm13, s18, v0;
	s29 =	sshrl.u32 s24, $0x1F;
	s3 =	sshra.s32 s24, $0x12;
	s24 =	sld [smem:$0x5A9];
	v10 =	vsel vm11, s20, v10  }
0x4da: {  	v51 =	vmov s9;
	[tilespmem:$0x1FBF0] =	vst v0;
	v0 =	vsel vm4, s1, v49;
	s1 =	sshra.s32 s7, $0x12;
	s14 =	sshra.s32 s15, $0x1F;
	v10 =	vsel vm14, s21, v10;
	s21 =	sld [smem:$0x5A7]  }
0x4db: {  	v57 =	vsel vm2, s5, v51;
	v59 =	vmov s14;
	s5 =	sshrl.u32 s16, $0x1F;
	s2 =	sshra.s32 s16, $0x12;
	s14 =	sld [smem:$0x5AB]  }
0x4dc: {  	s18 =	sshra.s32 s17, $0x12;
	v60 =	vsel vm13, s22, v10;
	s20 =	sshrl.u32 s17, $0x1F;
	v10 =	vmov s29;
	s22 =	sld [smem:$0x5A8]  }
0x4dd: {  	v0 =	vsel vm6, s4, v0;
	s7 =	sshra.s32 s17, $0x1F;
	s29 =	sshra.s32 s24, $0x12;
	v62 =	vmov s20;
	v10 =	vsel vm2, s12, v10;
	s20 =	sld [smem:$0x5AC]  }
0x4de: {  	[tilespmem:$0x1FBD0] =	vst v0;
	v0 =	vsel vm4, s6, v57;
	s12 =	sshrl.u32 s24, $0x1F;
	v10 =	vsel vm4, s13, v10;
	s13 =	sld [smem:$0x5AA];
	s16 =	sshrl.u32 s14, $0x1F  }
0x4df: {  	[tilespmem:$0x1FBC0] =	vst v24;
	v0 =	vsel vm6, s8, v0;
	v61 =	vsel vm0, s18, v59;
	s17 =	sshra.s32 s14, $0x12;
	s18 =	sshra.s32 s14, $0x1F;
	s14 =	sld [smem:$0x5B5]  }
0x4e0: {  	[tilespmem:$0x1FBE0] =	vst v0;
	v0 =	vsel vm1, s7, v61;
	v24 =	vnsel vm0, $0x0, v62;
	s23 =	sshrl.u32 s22, $0x1F;
	s9 =	sshra.s32 s22, $0x12;
	s22 =	sld [smem:$0x5AD]  }
0x4e1: {  	s11 =	sshra.s32 s24, $0x1F;
	s8 =	sshrl.u32 s21, $0x1F;
	v24 =	vsel vm2, s12, v24;
	v10 =	vsel vm6, s5, v10;
	v63 =	vmov s23;
	s23 =	sld [smem:$0x5AE]  }
0x4e2: {  	s6 =	sshra.s32 s21, $0x12;
	v0 =	vsel vm2, s29, v0;
	[tilespmem:$0x1FC10] =	vst v10;
	v10 =	vsel vm4, s16, v24;
	s21 =	sshrl.u32 s20, $0x1F;
	s16 =	sld [smem:$0x5AF]  }
0x4e3: {  	v0 =	vsel vm3, s11, v0;
	s29 =	sshra.s32 s20, $0x12;
	s4 =	sshrl.u32 s13, $0x1F;
	s5 =	sshra.s32 s13, $0x12  }
0x4e4: {  	v0 =	vsel vm4, s17, v0;
	v10 =	vsel vm6, s21, v10;
	s13 =	sshra.s32 s20, $0x1F;
	s21 =	sld [smem:$0x5B0];
	s7 =	sshrl.u32 s22, $0x1F  }
0x4e5: {  	v24 =	vsel vm2, s8, v63;
	v0 =	vsel vm5, s18, v0;
	s8 =	sshra.s32 s22, $0x12;
	s24 =	sshrl.u32 s23, $0x1F;
	s17 =	sshrl.u32 s16, $0x1F  }
0x4e6: {  	v0 =	vsel vm6, s29, v0;
	s18 =	sshra.s32 s23, $0x12;
	s20 =	sshra.s32 s23, $0x1F;
	s23 =	sshra.s32 s16, $0x12  }
0x4e7: {  	s29 =	sshrl.u32 s15, $0x1F;
	v10 =	vsel vm8, s24, v10;
	v0 =	vsel vm7, s13, v0;
	s13 =	sshra.s32 s15, $0x12;
	s15 =	sld [smem:$0x5B1]  }
0x4e8: {  	s22 =	sshrl.u32 s21, $0x1F;
	s24 =	sshra.s32 s16, $0x1F;
	s16 =	sld [smem:$0x5B2];
	v10 =	vsel vm10, s17, v10  }
0x4e9: {  	s11 =	sshra.s32 s21, $0x12;
	s12 =	sshra.s32 s21, $0x1F;
	s21 =	sld [smem:$0x5B4];
	v0 =	vsel vm8, s18, v0;
	v10 =	vsel vm11, s22, v10  }
0x4ea: {  	v28 =	vmov s9;
	s18 =	sld [smem:$0x5B3];
	v0 =	vsel vm9, s20, v0;
	v10 =	vsel vm13, s29, v10  }
0x4eb: {  	v24 =	vsel vm4, s4, v24;
	v0 =	vsel vm10, s23, v0;
	s9 =	sshrl.u32 s15, $0x1F;
	s29 =	sld [smem:$0x5B7];
	[tilespmem:$0x1FC70] =	vst v10;
	v10 =	vmov s3  }
0x4ec: {  	v24 =	vsel vm6, s7, v24;
	s17 =	sshrl.u32 s16, $0x1F;
	s4 =	sshra.s32 s16, $0x12;
	s16 =	sld [smem:$0x5B9];
	v0 =	vsel vm12, s24, v0;
	v10 =	vsel vm2, s0, v10  }
0x4ed: {  	[tilespmem:$0x1FC20] =	vst v24;
	v24 =	vsel vm2, s6, v28;
	s22 =	sshrl.u32 s21, $0x1F;
	s23 =	sshra.s32 s14, $0x1F;
	s24 =	sld [smem:$0x5B6];
	v0 =	vsel vm11, s11, v0;
	v10 =	vsel vm4, s1, v10  }
0x4ee: {  	s20 =	sshrl.u32 s18, $0x1F;
	s3 =	sshra.s32 s18, $0x12;
	v29 =	vmov s17;
	s17 =	sld [smem:$0x5BA];
	v0 =	vsel vm14, s12, v0;
	v10 =	vsel vm6, s2, v10  }
0x4ef: {  	s0 =	sshra.s32 s15, $0x12;
	s1 =	sshra.s32 s21, $0x12;
	s11 =	sshra.s32 s29, $0x12;
	v0 =	vsel vm13, s13, v0;
	[tilespmem:$0x1FC30] =	vst v10;
	v10 =	vsel vm4, s5, v24  }
0x4f0: {  	s12 =	sshrl.u32 s29, $0x1F;
	s10 =	sshra.s32 s29, $0x1F;
	s13 =	sld [smem:$0x5B8];
	[tilespmem:$0x1FC80] =	vst v0;
	v10 =	vsel vm6, s8, v10  }
0x4f1: {  	s6 =	sshra.s32 s16, $0x12;
	v0 =	vsel vm2, s9, v29;
	s9 =	sshrl.u32 s16, $0x1F;
	s16 =	sld [smem:$0x5BD];
	[tilespmem:$0x1FC40] =	vst v10;
	v10 =	vmov s23  }
0x4f2: {  	s7 =	sshrl.u32 s24, $0x1F;
	s2 =	sshra.s32 s24, $0x12;
	v0 =	vsel vm4, s20, v0;
	s23 =	sld [smem:$0x5BC];
	v10 =	vsel vm0, s11, v10  }
0x4f3: {  	v30 =	vmov s12;
	s18 =	sshra.s32 s17, $0x12;
	s21 =	sshra.s32 s17, $0x1F;
	v0 =	vsel vm6, s22, v0;
	s22 =	sld [smem:$0x5BB];
	v10 =	vsel vm1, s10, v10  }
0x4f4: {  	v24 =	vnsel vm0, $0x0, v30;
	s20 =	sshrl.u32 s17, $0x1F;
	s15 =	sshrl.u32 s13, $0x1F;
	s17 =	sshrl.u32 s16, $0x1F;
	v10 =	vsel vm2, s18, v10  }
0x4f5: {  	v31 =	vsel vm2, s20, v24;
	s20 =	sshra.s32 s16, $0x1F;
	s29 =	sshra.s32 s23, $0x12;
	v10 =	vsel vm3, s21, v10;
	s21 =	sld [smem:$0x5BE]  }
0x4f6: {  	v33 =	vmov s15;
	s5 =	sshrl.u32 s22, $0x1F;
	s24 =	sshrl.u32 s23, $0x1F;
	s15 =	sshra.s32 s23, $0x1F;
	v10 =	vsel vm4, s29, v10  }
0x4f7: {  	[tilespmem:$0x1FC50] =	vst v0;
	v24 =	vsel vm2, s7, v33;
	s10 =	sshra.s32 s22, $0x12;
	s18 =	sshra.s32 s16, $0x12;
	v0 =	vsel vm4, s24, v31;
	s29 =	sld [smem:$0x5BF];
	v10 =	vsel vm5, s15, v10  }
0x4f8: {  	v24 =	vsel vm4, s9, v24;
	s9 =	sshra.s32 s14, $0x12;
	v0 =	vsel vm6, s17, v0;
	s22 =	sshrl.u32 s21, $0x1F;
	v10 =	vsel vm6, s18, v10;
	s18 =	sld [smem:$0x5C0]  }
0x4f9: {  	s23 =	sshra.s32 s21, $0x12;
	v0 =	vsel vm8, s22, v0;
	v10 =	vsel vm7, s20, v10;
	s22 =	sshrl.u32 s14, $0x1F;
	s14 =	sld [smem:$0x5C5]  }
0x4fa: {  	s15 =	sshrl.u32 s29, $0x1F;
	v10 =	vsel vm8, s23, v10;
	s23 =	sld [smem:$0x5C1]  }
0x4fb: {  	s24 =	sshra.s32 s21, $0x1F;
	v0 =	vsel vm10, s15, v0;
	s15 =	sld [smem:$0x5C3]  }
0x4fc: {  	s16 =	sshra.s32 s29, $0x12;
	s20 =	sshrl.u32 s18, $0x1F;
	v10 =	vsel vm9, s24, v10;
	s24 =	sld [smem:$0x5C2]  }
0x4fd: {  	s21 =	sshra.s32 s18, $0x12;
	s7 =	sshra.s32 s18, $0x1F;
	s18 =	sld [smem:$0x5C6]  }
0x4fe: {  	v34 =	vmov s4;
	s8 =	sshra.s32 s13, $0x12;
	s17 =	sshra.s32 s29, $0x1F;
	v0 =	vsel vm11, s20, v0;
	v10 =	vsel vm10, s16, v10;
	s16 =	sld [smem:$0x5C4]  }
0x4ff: {  	v35 =	vsel vm2, s0, v34;
	s20 =	sld [smem:$0x5C7];
	v0 =	vsel vm13, s22, v0;
	s12 =	sshrl.u32 s23, $0x1F;
	s0 =	sshra.s32 s23, $0x12  }
0x500: {  	[tilespmem:$0x1FC90] =	vst v0;
	v0 =	vsel vm4, s3, v35;
	s29 =	sshrl.u32 s24, $0x1F;
	s3 =	sshra.s32 s24, $0x12;
	s24 =	sld [smem:$0x5C8]  }
0x501: {  	v36 =	vmov s8;
	v24 =	vsel vm6, s5, v24;
	v10 =	vsel vm12, s17, v10;
	s4 =	sshrl.u32 s18, $0x1F;
	s5 =	sshra.s32 s18, $0x12;
	s18 =	sld [smem:$0x5CA]  }
0x502: {  	v37 =	vsel vm2, s2, v36;
	s13 =	sshrl.u32 s15, $0x1F;
	s17 =	sshra.s32 s14, $0x1F;
	v10 =	vsel vm11, s21, v10;
	v42 =	vmov s29;
	s29 =	sld [smem:$0x5C9]  }
0x503: {  	v38 =	vmov s17;
	v57 =	vsel vm6, s1, v0;
	s1 =	sshra.s32 s15, $0x12;
	v0 =	vsel vm4, s6, v37;
	s21 =	sshra.s32 s20, $0x12;
	s6 =	sld [smem:$0x5CD]  }
0x504: {  	s11 =	sshrl.u32 s16, $0x1F;
	v40 =	vsel vm14, s7, v10;
	s22 =	sshrl.u32 s20, $0x1F;
	v10 =	vsel vm0, s21, v38;
	s21 =	sld [smem:$0x5CB]  }
0x505: {  	s2 =	sshra.s32 s16, $0x12;
	s23 =	sshra.s32 s20, $0x1F;
	v43 =	vmov s22;
	s22 =	sld [smem:$0x5CC]  }
0x506: {  	v41 =	vsel vm6, s10, v0;
	s7 =	sshrl.u32 s24, $0x1F;
	s8 =	sshra.s32 s24, $0x12;
	s20 =	sshrl.u32 s18, $0x1F  }
0x507: {  	[tilespmem:$0x1FC60] =	vst v24;
	v0 =	vsel vm13, s9, v40;
	v10 =	vsel vm1, s23, v10;
	v24 =	vnsel vm0, $0x0, v43;
	s9 =	sshra.s32 s18, $0x12;
	s15 =	sshra.s32 s29, $0x12;
	s16 =	sshrl.u32 s29, $0x1F  }
0x508: {  	[tilespmem:$0x1FCA0] =	vst v0;
	v0 =	vsel vm2, s12, v42;
	s17 =	sshra.s32 s29, $0x1F;
	v45 =	vmov s7;
	s7 =	sshrl.u32 s6, $0x1F;
	v44 =	vsel vm2, s16, v24;
	s16 =	sld [smem:$0x5CE]  }
0x509: {  	v0 =	vsel vm4, s13, v0;
	s13 =	sshra.s32 s6, $0x1F;
	v10 =	vsel vm2, s15, v10;
	s12 =	sshrl.u32 s21, $0x1F;
	s23 =	sshra.s32 s22, $0x12;
	v24 =	vsel vm2, s4, v45  }
0x50a: {  	v0 =	vsel vm6, s11, v0;
	s24 =	sshrl.u32 s22, $0x1F;
	s29 =	sshra.s32 s22, $0x1F;
	v10 =	vsel vm3, s17, v10;
	v24 =	vsel vm4, s20, v24;
	s20 =	sld [smem:$0x5CF]  }
0x50b: {  	s15 =	sshra.s32 s6, $0x12;
	[tilespmem:$0x1FCB0] =	vst v0;
	v0 =	vsel vm4, s24, v44;
	v10 =	vsel vm4, s23, v10;
	s23 =	sld [smem:$0x5D0];
	s17 =	sshrl.u32 s16, $0x1F  }
0x50c: {  	v0 =	vsel vm6, s7, v0;
	v10 =	vsel vm5, s29, v10;
	s18 =	sshra.s32 s16, $0x12;
	s7 =	sshra.s32 s16, $0x1F;
	s16 =	sld [smem:$0x5D2]  }
0x50d: {  	s11 =	sshra.s32 s21, $0x12;
	v10 =	vsel vm6, s15, v10;
	s21 =	sshrl.u32 s20, $0x1F;
	s15 =	sld [smem:$0x5D1]  }
0x50e: {  	v0 =	vsel vm8, s17, v0;
	s22 =	sshra.s32 s20, $0x12;
	v10 =	vsel vm7, s13, v10;
	s13 =	sshra.s32 s20, $0x1F;
	s20 =	sld [smem:$0x5D4]  }
0x50f: {  	v0 =	vsel vm10, s21, v0;
	s24 =	sshrl.u32 s23, $0x1F;
	s21 =	sld [smem:$0x5D5]  }
0x510: {  	[tilespmem:$0x1FC00] =	vst v60;
	v60 =	vsel vm6, s12, v24;
	s29 =	sshra.s32 s23, $0x12;
	s12 =	sshra.s32 s23, $0x1F;
	s23 =	sld [smem:$0x5D7]  }
0x511: {  	s4 =	sshrl.u32 s14, $0x1F;
	v10 =	vsel vm8, s18, v10;
	s18 =	sld [smem:$0x5D3]  }
0x512: {  	v46 =	vmov s3;
	v0 =	vsel vm11, s24, v0;
	s17 =	sshrl.u32 s16, $0x1F;
	s3 =	sshra.s32 s16, $0x12;
	s16 =	sld [smem:$0x5D6]  }
0x513: {  	v47 =	vsel vm2, s0, v46;
	s24 =	sld [smem:$0x5D8];
	v10 =	vsel vm9, s7, v10;
	s7 =	sshra.s32 s14, $0x12;
	s14 =	sshrl.u32 s15, $0x1F;
	v0 =	vsel vm13, s4, v0  }
0x514: {  	v48 =	vmov s8;
	s0 =	sshra.s32 s15, $0x12;
	[tilespmem:$0x1FCC0] =	vst v0;
	v10 =	vsel vm10, s22, v10;
	v0 =	vsel vm4, s1, v47;
	s1 =	sshra.s32 s20, $0x12;
	s6 =	sshra.s32 s21, $0x12  }
0x515: {  	v49 =	vsel vm2, s5, v48;
	s5 =	sshrl.u32 s23, $0x1F;
	v10 =	vsel vm12, s13, v10;
	s8 =	sshrl.u32 s18, $0x1F;
	s4 =	sshra.s32 s18, $0x12  }
0x516: {  	s13 =	sshrl.u32 s20, $0x1F;
	v0 =	vsel vm6, s2, v0;
	s2 =	sshrl.u32 s21, $0x1F;
	s18 =	sld [smem:$0x5DA];
	v10 =	vsel vm11, s29, v10  }
0x517: {  	s22 =	sshra.s32 s16, $0x1F;
	[tilespmem:$0x1FCD0] =	vst v0;
	v0 =	vsel vm4, s9, v49;
	s9 =	sshra.s32 s23, $0x12;
	s23 =	sld [smem:$0x5DC];
	v10 =	vsel vm14, s12, v10  }
0x518: {  	s15 =	sshra.s32 s24, $0x1F;
	v51 =	vmov s22;
	s29 =	sshra.s32 s24, $0x12;
	v59 =	vsel vm13, s7, v10;
	v10 =	vmov s17;
	s17 =	sld [smem:$0x5D9]  }
0x519: {  	s22 =	sld [smem:$0x5DB];
	v0 =	vsel vm6, s11, v0;
	v61 =	vsel vm0, s29, v51;
	s12 =	sshrl.u32 s24, $0x1F;
	s20 =	sshra.s32 s18, $0x12  }
0x51a: {  	[tilespmem:$0x1FCE0] =	vst v0;
	v62 =	vmov s12;
	v0 =	vsel vm1, s15, v61;
	s21 =	sshrl.u32 s18, $0x1F;
	s12 =	sshra.s32 s18, $0x1F;
	s18 =	sld [smem:$0x5DD]  }
0x51b: {  	v0 =	vsel vm2, s20, v0;
	s24 =	sshrl.u32 s23, $0x1F;
	s29 =	sshra.s32 s23, $0x12;
	s10 =	sshrl.u32 s17, $0x1F  }
0x51c: {  	v63 =	vmov s5;
	v10 =	vsel vm2, s14, v10;
	v0 =	vsel vm3, s12, v0;
	s7 =	sshra.s32 s17, $0x12;
	s17 =	sshra.s32 s23, $0x1F;
	s23 =	sld [smem:$0x5DE]  }
0x51d: {  	s15 =	sshrl.u32 s16, $0x1F;
	v24 =	vnsel vm0, $0x0, v62;
	s14 =	sshrl.u32 s22, $0x1F;
	v10 =	vsel vm4, s8, v10;
	v0 =	vsel vm4, s29, v0  }
0x51e: {  	v24 =	vsel vm2, s21, v24;
	s8 =	sshra.s32 s22, $0x12;
	v10 =	vsel vm6, s13, v10;
	s21 =	sshra.s32 s18, $0x12;
	v0 =	vsel vm5, s17, v0;
	s17 =	sld [smem:$0x5DF]  }
0x51f: {  	s20 =	sshrl.u32 s18, $0x1F;
	s22 =	sshra.s32 s18, $0x1F;
	[tilespmem:$0x1FD00] =	vst v10;
	v10 =	vsel vm4, s24, v24;
	v24 =	vsel vm2, s2, v63;
	v0 =	vsel vm6, s21, v0;
	s24 =	sshrl.u32 s23, $0x1F  }
0x520: {  	v24 =	vsel vm4, s10, v24;
	s29 =	sshra.s32 s23, $0x12;
	s13 =	sshra.s32 s23, $0x1F;
	v0 =	vsel vm7, s22, v0;
	s22 =	sld [smem:$0x5E0]  }
0x521: {  	v10 =	vsel vm6, s20, v10;
	v45 =	vsel vm6, s14, v24;
	s14 =	sshra.s32 s16, $0x12;
	s16 =	sld [smem:$0x5E1];
	s18 =	sshrl.u32 s17, $0x1F  }
0x522: {  	v10 =	vsel vm8, s24, v10;
	s20 =	sshra.s32 s17, $0x12;
	s21 =	sshra.s32 s17, $0x1F;
	v0 =	vsel vm8, s29, v0;
	s17 =	sld [smem:$0x5E2]  }
0x523: {  	v10 =	vsel vm10, s18, v10;
	v0 =	vsel vm9, s13, v0;
	s18 =	sld [smem:$0x5E3]  }
0x524: {  	s23 =	sshrl.u32 s22, $0x1F;
	v0 =	vsel vm10, s20, v0;
	s20 =	sld [smem:$0x5E4]  }
0x525: {  	s24 =	sshra.s32 s22, $0x12;
	s29 =	sshra.s32 s22, $0x1F;
	s22 =	sld [smem:$0x5E6]  }
0x526: {  	s2 =	sshra.s32 s16, $0x12;
	v0 =	vsel vm12, s21, v0;
	s21 =	sld [smem:$0x5E5]  }
0x527: {  	v10 =	vsel vm11, s23, v10;
	s13 =	sshrl.u32 s18, $0x1F;
	s5 =	sshra.s32 s18, $0x12;
	s18 =	sld [smem:$0x5E7]  }
0x528: {  	v10 =	vsel vm13, s15, v10;
	s15 =	sshrl.u32 s16, $0x1F;
	s16 =	sshrl.u32 s17, $0x1F;
	v0 =	vsel vm11, s24, v0;
	s24 =	sld [smem:$0x5E8]  }
0x529: {  	v28 =	vmov s9;
	[tilespmem:$0x1FD20] =	vst v10;
	v10 =	vmov s3;
	s3 =	sshra.s32 s17, $0x12;
	s10 =	sshrl.u32 s20, $0x1F;
	v0 =	vsel vm14, s29, v0;
	s29 =	sld [smem:$0x5E9]  }
0x52a: {  	v24 =	vsel vm2, s6, v28;
	v10 =	vsel vm2, s0, v10;
	s17 =	sshrl.u32 s21, $0x1F;
	s6 =	sshra.s32 s21, $0x12;
	s21 =	sld [smem:$0x5EA]  }
0x52b: {  	s0 =	sshra.s32 s20, $0x12;
	v51 =	vsel vm13, s14, v0;
	s14 =	sld [smem:$0x5EC];
	v10 =	vsel vm4, s4, v10;
	s23 =	sshra.s32 s18, $0x1F  }
0x52c: {  	s4 =	sshra.s32 s22, $0x12;
	v10 =	vsel vm6, s1, v10;
	s1 =	sshrl.u32 s22, $0x1F;
	s22 =	sld [smem:$0x5EB]  }
0x52d: {  	s12 =	sshra.s32 s29, $0x12;
	s20 =	sshrl.u32 s29, $0x1F;
	s11 =	sshra.s32 s29, $0x1F  }
0x52e: {  	v29 =	vmov s16;
	[tilespmem:$0x1FD10] =	vst v10;
	v10 =	vsel vm4, s7, v24;
	s7 =	sshrl.u32 s24, $0x1F;
	s9 =	sshra.s32 s21, $0x12;
	s16 =	sshrl.u32 s14, $0x1F  }
0x52f: {  	v30 =	vmov s20;
	s20 =	sshra.s32 s14, $0x12;
	v48 =	vsel vm6, s8, v10;
	v10 =	vmov s23;
	s8 =	sshra.s32 s24, $0x12;
	s23 =	sshra.s32 s22, $0x12  }
0x530: {  	v0 =	vsel vm2, s15, v29;
	v10 =	vsel vm0, s12, v10;
	s24 =	sshrl.u32 s22, $0x1F;
	s29 =	sshra.s32 s22, $0x1F;
	s22 =	sld [smem:$0x5ED]  }
0x531: {  	v33 =	vmov s1;
	v24 =	vnsel vm0, $0x0, v30;
	v10 =	vsel vm1, s11, v10;
	s11 =	sshrl.u32 s21, $0x1F;
	s21 =	sshra.s32 s14, $0x1F;
	s14 =	sld [smem:$0x5EE]  }
0x532: {  	v0 =	vsel vm4, s13, v0;
	v31 =	vsel vm2, s24, v24;
	v24 =	vsel vm2, s17, v33;
	s17 =	sld [smem:$0x5EF]  }
0x533: {  	v0 =	vsel vm6, s10, v0;
	v10 =	vsel vm2, s23, v10;
	s23 =	sshrl.u32 s22, $0x1F  }
0x534: {  	[tilespmem:$0x1FD30] =	vst v0;
	v0 =	vsel vm4, s16, v31;
	v10 =	vsel vm3, s29, v10;
	s24 =	sshra.s32 s22, $0x12;
	s29 =	sshra.s32 s22, $0x1F;
	s22 =	sld [smem:$0x5F0]  }
0x535: {  	v10 =	vsel vm4, s20, v10;
	s16 =	sshrl.u32 s14, $0x1F;
	v0 =	vsel vm6, s23, v0;
	s20 =	sshrl.u32 s17, $0x1F  }
0x536: {  	v10 =	vsel vm5, s21, v10;
	v0 =	vsel vm8, s16, v0;
	s21 =	sshra.s32 s17, $0x12;
	s16 =	sshra.s32 s17, $0x1F;
	s17 =	sld [smem:$0x5F1]  }
0x537: {  	v24 =	vsel vm4, s7, v24;
	s12 =	sshra.s32 s14, $0x12;
	v10 =	vsel vm6, s24, v10;
	s23 =	sshrl.u32 s22, $0x1F;
	v0 =	vsel vm10, s20, v0;
	s20 =	sld [smem:$0x5F3]  }
0x538: {  	v34 =	vmov s3;
	v62 =	vsel vm6, s11, v24;
	s24 =	sshra.s32 s22, $0x12;
	s11 =	sshra.s32 s22, $0x1F;
	s22 =	sld [smem:$0x5F5];
	v10 =	vsel vm7, s29, v10  }
0x539: {  	v35 =	vsel vm2, s2, v34;
	s29 =	sshrl.u32 s18, $0x1F;
	v0 =	vsel vm11, s23, v0;
	v10 =	vsel vm8, s12, v10;
	s12 =	sshra.s32 s18, $0x12;
	s18 =	sld [smem:$0x5F2]  }
0x53a: {  	s13 =	sshra.s32 s14, $0x1F;
	s15 =	sshrl.u32 s17, $0x1F;
	v26 =	vsel vm13, s29, v0;
	v0 =	vsel vm4, s5, v35;
	s29 =	sld [smem:$0x5F8]  }
0x53b: {  	v10 =	vsel vm9, s13, v10;
	v46 =	vsel vm6, s0, v0;
	s0 =	sshrl.u32 s22, $0x1F;
	s5 =	sshra.s32 s22, $0x12;
	s22 =	sld [smem:$0x5F9]  }
0x53c: {  	v10 =	vsel vm10, s21, v10;
	s13 =	sshrl.u32 s18, $0x1F;
	s7 =	sshra.s32 s18, $0x12;
	s18 =	sld [smem:$0x5F6]  }
0x53d: {  	s1 =	sshra.s32 s17, $0x12;
	s17 =	sshrl.u32 s20, $0x1F;
	s21 =	sld [smem:$0x5F4];
	v10 =	vsel vm12, s16, v10  }
0x53e: {  	v36 =	vmov s4;
	s2 =	sshra.s32 s20, $0x12;
	s20 =	sshrl.u32 s29, $0x1F;
	v10 =	vsel vm11, s24, v10;
	s24 =	sld [smem:$0x5F7]  }
0x53f: {  	v37 =	vsel vm2, s6, v36;
	v42 =	vmov s20;
	s20 =	sld [smem:$0x5FC];
	s23 =	sshra.s32 s18, $0x1F  }
0x540: {  	v0 =	vsel vm4, s8, v37;
	s16 =	sshra.s32 s29, $0x12;
	s8 =	sshra.s32 s22, $0x12;
	v38 =	vmov s23;
	s23 =	sld [smem:$0x5FA]  }
0x541: {  	v39 =	vsel vm14, s11, v10;
	s6 =	sshrl.u32 s24, $0x1F;
	s3 =	sshra.s32 s24, $0x12;
	s24 =	sld [smem:$0x5FB]  }
0x542: {  	v44 =	vsel vm6, s9, v0;
	v40 =	vmov s13;
	s13 =	sld [smem:$0x5FE];
	s14 =	sshrl.u32 s21, $0x1F;
	s4 =	sshra.s32 s21, $0x12;
	v0 =	vsel vm13, s12, v39  }
0x543: {  	[tilespmem:$0x1FD40] =	vst v0;
	v0 =	vsel vm2, s15, v40;
	s12 =	sshrl.u32 s23, $0x1F;
	s10 =	sshra.s32 s23, $0x12;
	s23 =	sld [smem:$0x5FD]  }
0x544: {  	s21 =	sshra.s32 s29, $0x1F;
	s11 =	sshrl.u32 s22, $0x1F;
	v24 =	vnsel vm0, $0x0, v42;
	v10 =	vsel vm0, s16, v38;
	v0 =	vsel vm4, s17, v0;
	s15 =	sshrl.u32 s24, $0x1F  }
0x545: {  	s22 =	sshra.s32 s20, $0x12;
	v47 =	vmov s6;
	v10 =	vsel vm1, s21, v10;
	s21 =	sshrl.u32 s20, $0x1F;
	s29 =	sshra.s32 s24, $0x12;
	v43 =	vsel vm2, s15, v24  }
0x546: {  	v49 =	vsel vm6, s14, v0;
	s16 =	sshra.s32 s24, $0x1F;
	v10 =	vsel vm2, s29, v10;
	v0 =	vsel vm4, s21, v43;
	s21 =	sld [smem:$0x5FF];
	s24 =	sshrl.u32 s23, $0x1F  }
0x547: {  	v24 =	vsel vm2, s0, v47;
	v10 =	vsel vm3, s16, v10;
	s29 =	sshra.s32 s23, $0x12;
	s15 =	sshra.s32 s23, $0x1F;
	s23 =	sld [smem:$0x600]  }
0x548: {  	s17 =	sshrl.u32 s13, $0x1F;
	s16 =	sshra.s32 s20, $0x1F;
	s20 =	sshra.s32 s13, $0x12;
	v24 =	vsel vm4, s11, v24;
	v10 =	vsel vm4, s22, v10  }
0x549: {  	v42 =	vsel vm6, s12, v24;
	s12 =	sld [smem:$0x606];
	v10 =	vsel vm5, s16, v10;
	s22 =	sshrl.u32 s21, $0x1F;
	s9 =	sshra.s32 s21, $0x12  }
0x54a: {  	v0 =	vsel vm6, s24, v0;
	v10 =	vsel vm6, s29, v10;
	s14 =	sshra.s32 s21, $0x1F;
	s21 =	sld [smem:$0x602];
	s24 =	sshrl.u32 s23, $0x1F  }
0x54b: {  	v0 =	vsel vm8, s17, v0;
	v10 =	vsel vm7, s15, v10;
	s11 =	sshra.s32 s23, $0x12;
	s15 =	sshra.s32 s23, $0x1F;
	s23 =	sld [smem:$0x603]  }
0x54c: {  	s16 =	sshra.s32 s13, $0x1F;
	v0 =	vsel vm10, s22, v0;
	v10 =	vsel vm8, s20, v10;
	s20 =	sld [smem:$0x601]  }
0x54d: {  	[tilespmem:$0x1FCF0] =	vst v59;
	v59 =	vmov s7;
	s13 =	sshra.s32 s18, $0x12;
	s29 =	sshrl.u32 s18, $0x1F;
	v0 =	vsel vm11, s24, v0;
	s24 =	sld [smem:$0x604]  }
0x54e: {  	v61 =	vsel vm2, s1, v59;
	s22 =	sshrl.u32 s21, $0x1F;
	s6 =	sshra.s32 s21, $0x12;
	v43 =	vsel vm13, s29, v0;
	s29 =	sld [smem:$0x605]  }
0x54f: {  	v10 =	vsel vm9, s16, v10;
	v0 =	vsel vm4, s2, v61;
	s21 =	sld [smem:$0x609];
	s16 =	sshrl.u32 s23, $0x1F;
	s1 =	sshra.s32 s23, $0x12  }
0x550: {  	v63 =	vmov s3;
	v10 =	vsel vm10, s9, v10;
	v39 =	vsel vm6, s4, v0;
	s4 =	sshrl.u32 s12, $0x1F;
	s12 =	sshra.s32 s12, $0x12;
	s17 =	sshrl.u32 s20, $0x1F  }
0x551: {  	v28 =	vsel vm2, s5, v63;
	s0 =	sshra.s32 s20, $0x12;
	s18 =	sshrl.u32 s24, $0x1F;
	v10 =	vsel vm12, s14, v10;
	s14 =	sld [smem:$0x607]  }
0x552: {  	(v2sf) =	vpush v23, $0xB;
	v0 =	vsel vm4, s8, v28;
	v29 =	vmov s22;
	s2 =	sshra.s32 s24, $0x12;
	s20 =	sld [smem:$0x608];
	s24 =	sshra.s32 s31, $0x1F  }
0x553: {  	v38 =	vsel vm6, s10, v0;
	v59 =	vmov s12;
	s12 =	sld [smem:$0x616];
	s3 =	sshrl.u32 s29, $0x1F;
	s9 =	sshra.s32 s29, $0x12;
	v10 =	vsel vm11, s11, v10  }
0x554: {  	v33 =	vmov s4;
	v30 =	vsel vm2, s17, v29;
	s22 =	sshrl.u32 s21, $0x1F;
	s23 =	sshra.s32 s21, $0x12;
	v10 =	vsel vm14, s15, v10;
	s15 =	sld [smem:$0x60A]  }
0x555: {  	s29 =	sshra.s32 s21, $0x1F;
	v0 =	vsel vm4, s16, v30;
	v31 =	vmov s22;
	s22 =	sld [smem:$0x60B];
	v24 =	vsel vm2, s3, v33;
	s5 =	sshrl.u32 s14, $0x1F  }
0x556: {  	s11 =	sshra.s32 s14, $0x12;
	s8 =	sshrl.u32 s20, $0x1F;
	v40 =	vsel vm13, s13, v10;
	v10 =	vmov s24;
	s24 =	sld [smem:$0x60C];
	v24 =	vsel vm4, s5, v24  }
0x557: {  	v34 =	vmov s6;
	s7 =	sshra.s32 s20, $0x12;
	v47 =	vsel vm6, s18, v0;
	s16 =	sshrl.u32 s15, $0x1F;
	v36 =	vsel vm6, s8, v24;
	s8 =	sld [smem:$0x610]  }
0x558: {  	v0 =	vnsel vm0, $0x0, v31;
	v10 =	vsel vm0, s23, v10;
	s20 =	sshra.s32 s15, $0x12;
	s21 =	sshra.s32 s15, $0x1F;
	v24 =	vsel vm2, s0, v34;
	s0 =	sld [smem:$0x614]  }
0x559: {  	s23 =	sshrl.u32 s22, $0x1F;
	v10 =	vsel vm1, s29, v10;
	s29 =	sshrl.u32 s24, $0x1F;
	v0 =	vsel vm2, s16, v0;
	s16 =	sld [smem:$0x60D]  }
0x55a: {  	(v2sf) =	vpush v23, $0x0;
	s18 =	sshra.s32 s24, $0x12;
	v10 =	vsel vm2, s20, v10;
	s15 =	sshra.s32 s24, $0x1F;
	s24 =	sld [smem:$0x60F]  }
0x55b: {  	s17 =	sshra.s32 s22, $0x12;
	s4 =	sshra.s32 s22, $0x1F;
	v35 =	vsel vm4, s1, v24;
	v0 =	vsel vm4, s23, v0;
	v10 =	vsel vm3, s21, v10;
	s23 =	sld [smem:$0x60E]  }
0x55c: {  	s1 =	sld [smem:$0x615];
	v35 =	vsel vm6, s2, v35;
	s2 =	sshra.s32 s12, $0x12;
	v10 =	vsel vm4, s17, v10;
	s22 =	sshrl.u32 s16, $0x1F  }
0x55d: {  	(v2sf) =	vpush v23, $0x1;
	v0 =	vsel vm6, s29, v0;
	s20 =	sshra.s32 s16, $0x12;
	s3 =	sshra.s32 s16, $0x1F;
	s29 =	sshrl.u32 s24, $0x1F;
	v10 =	vsel vm5, s4, v10  }
0x55e: {  	s10 =	sshrl.u32 s23, $0x1F;
	s13 =	sshra.s32 s23, $0x12;
	s14 =	sshra.s32 s23, $0x1F;
	v10 =	vsel vm6, s18, v10  }
0x55f: {  	v0 =	vsel vm8, s22, v0;
	s22 =	sshrl.u32 s31, $0x1F;
	s23 =	sshra.s32 s31, $0x12;
	s31 =	sld [smem:$0x613];
	v10 =	vsel vm7, s15, v10  }
0x560: {  	(v2sf) =	vpush v23, $0x2;
	s21 =	sshra.s32 s24, $0x12;
	s16 =	sshra.s32 s24, $0x1F;
	s4 =	sshra.s32 s8, $0x12;
	v10 =	vsel vm8, s20, v10  }
0x561: {  	(v2sf) =	vpush v23, $0x3;
	s18 =	sshrl.u32 s8, $0x1F;
	s8 =	sshra.s32 s0, $0x12;
	v0 =	vsel vm10, s10, v0;
	s10 =	sld [smem:$0x611];
	v10 =	vsel vm9, s3, v10  }
0x562: {  	(v2sf) =	vpush v23, $0x4;
	v0 =	vsel vm11, s29, v0;
	s29 =	sld [smem:$0x612];
	s20 =	sshrl.u32 s31, $0x1F;
	s3 =	sshrl.u32 s0, $0x1F;
	v10 =	vsel vm10, s13, v10  }
0x563: {  	v25 =	vcombine.low v25, v1;
	v37 =	vsel vm13, s22, v0;
	s0 =	sshra.s32 s1, $0x12;
	s22 =	sshrl.u32 s12, $0x1F;
	v10 =	vsel vm12, s14, v10;
	s14 =	sld [smem:$0x617]  }
0x564: {  	(v2sf) =	vpush v23, $0x5;
	v32 =	vcombine.low v32, v27;
	s24 =	sshrl.u32 s10, $0x1F;
	s10 =	sshra.s32 s10, $0x12;
	s13 =	sshrl.u32 s1, $0x1F  }
0x565: {  	(v2sf) =	vpush v23, $0x6;
	v1 =	vperm.xlane v25, v3;
	s1 =	spop (v2sf);
	s17 =	sshrl.u32 s29, $0x1F;
	v10 =	vsel vm11, s21, v10;
	s21 =	sshra.s32 s30, $0x12  }
0x566: {  	v32 =	vperm.xlane v32, v3;
	v61 =	vsel vm2, s9, v59;
	v10 =	vsel vm14, s16, v10;
	s16 =	sshra.s32 s30, $0x1F;
	s9 =	sshrl.u32 s14, $0x1F;
	s12 =	sshra.s32 s14, $0x12  }
0x567: {  	v54 =	vperm.xlane v54, v2;
	v0 =	vsel vm4, s11, v61;
	v63 =	vmov s24;
	s11 =	sshra.s32 s14, $0x1F;
	s14 =	sshrl.u32 s30, $0x1F;
	s30 =	sld [smem:$0x618]  }
0x568: {  	v31 =	vsel vm6, s7, v0;
	s6 =	sshra.s32 s29, $0x12;
	s29 =	sshra.s32 s31, $0x12;
	s31 =	sshra.s32 s28, $0x1F;
	v59 =	vmov s10;
	v24 =	vsel vm2, s18, v63  }
0x569: {  	s5 =	sshra.s32 s26, $0x12;
	s15 =	sshrl.u32 s26, $0x1F;
	v29 =	vmov s31;
	s31 =	spop (v2sf);
	(v2sf) =	vpush v23, $0x7;
	v30 =	vmov s9  }
0x56a: {  	s7 =	smulhi.u32 $0x431BDE83, s1;
	s26 =	sshra.s32 s1, $0x1F;
	v28 =	vsel vm4, s15, v24;
	v0 =	vsel vm0, s12, v29;
	v24 =	vnsel vm0, $0x0, v30;
	s18 =	sshrl.u32 s30, $0x1F  }
0x56b: {  	v33 =	vsel vm13, s23, v10;
	v0 =	vsel vm1, s11, v0;
	s24 =	sshra.s32 s30, $0x12;
	s15 =	sshra.s32 s30, $0x1F;
	s30 =	sld [smem:$0x619];
	v24 =	vsel vm2, s14, v24  }
0x56c: {  	s1 =	spop (v2sf);
	s23 =	sshrl.u32 s25, $0x1F;
	v10 =	vmov s3;
	v0 =	vsel vm2, s21, v0;
	s21 =	sld [smem:$0x61A];
	v24 =	vsel vm4, s18, v24  }
0x56d: {  	s3 =	smul.u32 $0x431BDE83, s26;
	v10 =	vsel vm2, s20, v10;
	v0 =	vsel vm3, s16, v0;
	v24 =	vsel vm6, s23, v24;
	s23 =	sld [smem:$0x61B]  }
0x56e: {  	v34 =	vsel vm6, s17, v28;
	s9 =	sshra.s32 s25, $0x12;
	s25 =	sshra.s32 s25, $0x1F;
	v10 =	vsel vm4, s13, v10;
	v0 =	vsel vm4, s24, v0;
	s17 =	sshrl.u32 s30, $0x1F  }
0x56f: {  	s12 =	smulhi.u32 $0x431BDE83, s31;
	s11 =	sshra.s32 s31, $0x1F;
	v29 =	vsel vm6, s22, v10;
	s31 =	sshrl.u32 s21, $0x1F;
	v0 =	vsel vm5, s15, v0;
	v10 =	vsel vm8, s17, v24  }
0x570: {  	v63 =	vmov s8;
	s22 =	sshra.s32 s1, $0x1F;
	s16 =	smul.u32 $0x431BDE83, s11;
	v0 =	vsel vm6, s9, v0;
	s24 =	sshrl.u32 s23, $0x1F;
	v10 =	vsel vm10, s31, v10  }
0x571: {  	s11 =	smulhi.u32 $0x431BDE83, s1;
	s1 =	sshrl.u32 s28, $0x1F;
	s26 =	sshra.s32 s30, $0x12;
	v24 =	vsel vm2, s4, v59;
	v0 =	vsel vm7, s25, v0;
	v10 =	vsel vm11, s24, v10  }
0x572: {  	s14 =	sshra.s32 s30, $0x1F;
	v61 =	vsel vm8, s26, v0;
	v30 =	vsel vm13, s1, v10;
	v10 =	vsel vm4, s5, v24  }
0x573: {  	s13 =	sshra.s32 s21, $0x12;
	s17 =	sshra.s32 s28, $0x12;
	s28 =	rddreg [dreg:$0x18];
	v24 =	vsel vm2, s29, v63;
	v63 =	vperm.xlane v52, v2;
	v52 =	vld [tilespmem:$0x1FB40];
	v28 =	vsel vm6, s6, v10  }
0x574: {  	s20 =	sshra.s32 s23, $0x12;
	s10 =	sshra.s32 s23, $0x1F;
	s23 =	sshrl.u32 s28, $0x1F;
	v10 =	vsel vm9, s14, v61;
	v24 =	vsel vm4, s0, v24;
	v61 =	vperm.xlane v50, v2  }
0x575: {  	s21 =	sshra.s32 s21, $0x1F;
	v59 =	vmov s23;
	v10 =	vsel vm10, s13, v10;
	v27 =	vsel vm6, s2, v24  }
0x576: {  	s9 =	rddreg [dreg:$0x14];
	s31 =	spop (v2sf);
	v32 =	vsel vm15, v63, v32;
	v10 =	vsel vm12, s21, v10;
	v24 =	vsel vm15, v61, v1  }
0x577: {  	s18 =	smulhi.u32 $0x431BDE83, s31;
	s4 =	sshra.s32 s31, $0x1F;
	s31 =	rddreg [dreg:$0x1f];
	v50 =	vcombine.low v55, v53;
	v10 =	vsel vm11, s20, v10;
	v24 =	vadd.s32 v24, v32  }
0x578: {  	s15 =	smul.u32 $0x431BDE83, s22;
	s22 =	sshrl.u32 s31, $0x1F;
	s29 =	rddreg [dreg:$0x17];
	v10 =	vsel vm14, s10, v10;
	v53 =	vcombine.low v52, v56;
	v24 =	vmul.u32 $0xF4240, v24  }
0x579: {  	v0 =	vld [tilespmem:$0x100];
	s1 =	rddreg [dreg:$0x10];
	v25 =	vsel vm13, s17, v10;
	v10 =	vsel vm2, s22, v59;
	v59 =	vperm.xlane v50, v3  }
0x57a: {  	v58 =	vperm.xlane v58, v2;
	s6 =	smul.u32 $0x431BDE83, s4;
	s4 =	rddreg [dreg:$0x12];
	v56 =	vld [tilespmem:$0x1FB50];
	v55 =	vperm.xlane v53, v3  }
0x57b: {  	s24 =	sshrl.u32 s9, $0x1F;
	s14 =	spop (v2sf);
	s0 =	rddreg [dreg:$0xf];
	v1 =	vsub.s32 v11, v24;
	v11 =	vsel vm15, v54, v59;
	v59 =	vld [tilespmem:$0x1FB60]  }
0x57c: {  	s26 =	sshrl.u32 s1, $0x1F;
	s25 =	sshrl.u32 s4, $0x1F;
	s8 =	smulhi.u32 $0x431BDE83, s14;
	v63 =	vld [tilespmem:$0x1FB80];
	v58 =	vsel vm15, v58, v55  }
0x57d: {  	s5 =	sshrl.u32 s0, $0x1F;
	[smem:$0x61C] =	sst s26;
	s21 =	sshra.s32 s14, $0x1F;
	v58 =	vadd.s32 v11, v58;
	v11 =	vld [tilespmem:$0x1FB90]  }
0x57e: {  	s2 =	sadd.s32 s3, s7;
	v61 =	vld [tilespmem:$0x1FB70];
	s3 =	smul.u32 $0x431BDE83, s21;
	s21 =	spop (v2sf)  }
0x57f: {  	s13 =	sadd.s32 s16, s12;
	s14 =	smulhi.u32 $0x431BDE83, s21;
	s7 =	sshra.s32 s21, $0x1F  }
0x580: {  	s20 =	sshrl.u32 s13, $0x1F;
	s26 =	spop (v2sf);
	s7 =	smul.u32 $0x431BDE83, s7;
	v24 =	vcombine.low v59, v56  }
0x581: {  	s21 =	sadd.s32 s15, s11;
	s22 =	smulhi.u32 $0x431BDE83, s26;
	s16 =	spop (v2sf)  }
0x582: {  	s10 =	sshra.s32 s26, $0x1F;
	s17 =	sadd.s32 s6, s18;
	s11 =	sshra.s32 s16, $0x1F;
	v53 =	vmov s20;
	v56 =	vld [tilespmem:$0x1FBA0];
	v52 =	vperm.xlane v24, v3;
	v11 =	vperm.xlane v11, v2  }
0x583: {  	(v2sf) =	vpush v0, $0xD;
	s3 =	sadd.s32 s3, s8;
	s23 =	spop (v2sf);
	s8 =	smul.u32 $0x431BDE83, s11;
	v50 =	vcombine.low v63, v61;
	v63 =	vnsel vm0, $0x0, v53;
	v53 =	vld [tilespmem:$0x1FBC0]  }
0x584: {  	(v2sf) =	vpush v0, $0xC;
	s18 =	sshrl.u32 s21, $0x1F;
	s20 =	sshra.s32 s1, $0x12;
	s26 =	smulhi.u32 $0x431BDE83, s23;
	v61 =	vsel vm15, v11, v52;
	v52 =	vld [tilespmem:$0x1FBB0]  }
0x585: {  	(v2sf) =	vpush v0, $0xE;
	s11 =	sshra.s32 s23, $0x1F;
	s23 =	sshrl.u32 s17, $0x1F;
	[smem:$0x61D] =	sst s20;
	v11 =	vsel vm2, s18, v63  }
0x586: {  	v10 =	vsel vm4, s24, v10;
	s20 =	sshra.s32 s21, $0x12;
	v59 =	vperm.xlane v50, v3;
	v11 =	vsel vm4, s23, v11;
	s23 =	sshra.s32 s21, $0x1F;
	s21 =	sld [smem:$0x61C]  }
0x587: {  	s30 =	sshrl.u32 s29, $0x1F;
	s24 =	sshrl.u32 s3, $0x1F;
	v55 =	vld [tilespmem:$0x1FBD0];
	v24 =	vsel vm6, s25, v10;
	v10 =	vmov s5;
	v50 =	vperm.xlane v56, v2  }
0x588: {  	s6 =	smulhi.u32 $0x431BDE83, s16;
	(v2sf) =	vpush v0, $0xF;
	s16 =	sadd.s32 s7, s14;
	v10 =	vsel vm2, s30, v10;
	v63 =	vld [tilespmem:$0x1FBE0];
	v54 =	vsel vm6, s24, v11  }
0x589: {  	s12 =	sshrl.u32 s2, $0x1F;
	s14 =	smul.u32 $0x431BDE83, s11;
	s25 =	sshrl.u32 s16, $0x1F;
	v56 =	vsel vm15, v50, v59;
	v10 =	vsel vm4, s21, v10;
	v59 =	vcombine.low v53, v52;
	v53 =	vld [tilespmem:$0x1FBF0]  }
0x58a: {  	(v2sf) =	vpush v0, $0x9;
	v11 =	vsel vm6, s12, v10;
	v10 =	vsel vm8, s25, v54;
	v54 =	vld [tilespmem:$0x1FC00]  }
0x58b: {  	(v2sf) =	vpush v0, $0x8;
	s11 =	sadd.s32 s8, s6;
	s6 =	sadd.s32 s14, s26;
	v58 =	vmul.u32 $0xF4240, v58  }
0x58c: {  	(v2sf) =	vpush v0, $0xA;
	s18 =	sshra.s32 s6, $0x1F  }
0x58d: {  	v12 =	vsub.s32 v12, v58;
	v50 =	vmov s18;
	v63 =	vcombine.low v63, v55  }
0x58e: {  	s10 =	smul.u32 $0x431BDE83, s10;
	v58 =	vld [tilespmem:$0x1FC10];
	s5 =	sshra.s32 s9, $0x12;
	s9 =	sshra.s32 s13, $0x12;
	v56 =	vadd.s32 v61, v56;
	v59 =	vperm.xlane v59, v3;
	v53 =	vperm.xlane v53, v2  }
0x58f: {  	s4 =	sshra.s32 s4, $0x12;
	v61 =	vld [tilespmem:$0x1FC30];
	v55 =	vsel vm0, s9, v50;
	v63 =	vperm.xlane v63, v3;
	v50 =	vperm.xlane v54, v2  }
0x590: {  	s1 =	sshra.s32 s17, $0x12;
	s7 =	sshra.s32 s0, $0x12;
	s15 =	sadd.s32 s10, s22;
	(v2sf) =	vpush v0, $0xB;
	v53 =	vsel vm15, v53, v59;
	v59 =	vld [tilespmem:$0x1FC20]  }
0x591: {  	s10 =	sshra.s32 s31, $0x12;
	s31 =	sshra.s32 s29, $0x12;
	s26 =	sshrl.u32 s15, $0x1F;
	v52 =	vsel vm15, v50, v63;
	v63 =	vld [tilespmem:$0x1FC40]  }
0x592: {  	s8 =	sshrl.u32 s11, $0x1F;
	s14 =	sshra.s32 s28, $0x12;
	s28 =	spop (v2sf)  }
0x593: {  	s22 =	sshrl.u32 s6, $0x1F;
	(v2sf) =	vpush v0, $0x0;
	s29 =	smulhi.u32 $0x431BDE83, s28;
	s30 =	sshra.s32 s28, $0x1F  }
0x594: {  	s13 =	sshra.s32 s13, $0x1F;
	s0 =	spop (v2sf);
	(v2sf) =	vpush v0, $0x1;
	s30 =	smul.u32 $0x431BDE83, s30  }
0x595: {  	s21 =	sshra.s32 s16, $0x1F;
	s9 =	sshra.s32 s16, $0x12;
	s16 =	spop (v2sf);
	(v2sf) =	vpush v0, $0x2;
	v54 =	vld [tilespmem:$0x1FC50]  }
0x596: {  	s24 =	sshra.s32 s17, $0x1F;
	s18 =	smulhi.u32 $0x431BDE83, s0;
	s12 =	sshra.s32 s0, $0x1F;
	v56 =	vmul.u32 $0xF4240, v56;
	v58 =	vcombine.low v59, v58;
	v59 =	vcombine.low v63, v61;
	v63 =	vld [tilespmem:$0x1FC60]  }
0x597: {  	s17 =	sshra.s32 s15, $0x12;
	s25 =	sshra.s32 s3, $0x12;
	v10 =	vsel vm10, s26, v10;
	v55 =	vsel vm1, s13, v55;
	s26 =	smul.u32 $0x431BDE83, s12;
	(v2sf) =	vpush v0, $0x3  }
0x598: {  	s3 =	sshra.s32 s3, $0x1F;
	s12 =	sshra.s32 s16, $0x1F;
	v10 =	vsel vm11, s8, v10;
	v55 =	vsel vm2, s20, v55;
	s20 =	smulhi.u32 $0x431BDE83, s16;
	v50 =	vmov s14  }
0x599: {  	s16 =	sshra.s32 s15, $0x1F;
	s15 =	smul.u32 $0x431BDE83, s12;
	v55 =	vsel vm3, s23, v55;
	s23 =	spop (v2sf);
	v10 =	vsel vm13, s22, v10;
	v61 =	vsel vm2, s10, v50  }
0x59a: {  	s13 =	sshra.s32 s11, $0x12;
	v55 =	vsel vm4, s1, v55;
	s22 =	smulhi.u32 $0x431BDE83, s23;
	s28 =	sshra.s32 s23, $0x1F;
	v52 =	vadd.s32 v53, v52;
	v50 =	vsel vm4, s5, v61;
	v61 =	vld [tilespmem:$0x1FC90]  }
0x59b: {  	s12 =	sshra.s32 s11, $0x1F;
	s0 =	spop (v2sf);
	s23 =	smul.u32 $0x431BDE83, s28;
	v53 =	vcombine.low v63, v54;
	v63 =	vcombine.low v41, v57;
	v57 =	vsub.s32 v13, v56;
	v13 =	vld [tilespmem:$0x1FC70]  }
0x59c: {  	s11 =	sshra.s32 s6, $0x12;
	(v2sf) =	vpush v0, $0x4;
	v55 =	vsel vm5, s24, v55;
	s24 =	smulhi.u32 $0x431BDE83, s0;
	s8 =	sshra.s32 s0, $0x1F;
	v56 =	vperm.xlane v59, v3;
	v59 =	vld [tilespmem:$0x1FC80]  }
0x59d: {  	s1 =	sadd.s32 s30, s29;
	(v2sf) =	vpush v0, $0x5;
	s29 =	spop (v2sf);
	s28 =	smul.u32 $0x431BDE83, s8;
	v55 =	vsel vm6, s25, v55;
	v54 =	vld [tilespmem:$0x1FCB0]  }
0x59e: {  	(v2sf) =	vpush v0, $0x6;
	s25 =	smulhi.u32 $0x431BDE83, s29;
	s30 =	sshra.s32 s29, $0x1F;
	s0 =	spop (v2sf);
	v55 =	vsel vm7, s3, v55;
	v52 =	vmul.u32 $0xF4240, v52  }
0x59f: {  	s6 =	sadd.s32 s26, s18;
	s18 =	smul.u32 $0x431BDE83, s30;
	s8 =	spop (v2sf);
	(v2sf) =	vpush v0, $0x7;
	v58 =	vperm.xlane v58, v3;
	v41 =	vsel vm6, s4, v50;
	v50 =	vld [tilespmem:$0x1FCA0]  }
0x5a0: {  	v15 =	vsub.s32 v15, v52;
	v53 =	vperm.xlane v53, v3;
	v13 =	vperm.xlane v13, v2  }
0x5a1: {  	v32 =	vmovc v2;
	s26 =	smulhi.u32 $0x431BDE83, s0;
	v52 =	vperm.xlane v59, v2;
	v59 =	vperm.xlane v61, v2;
	v2 =	vmov s7;
	s7 =	sadd.s32 s18, s25;
	s25 =	sld [smem:$0x61D]  }
0x5a2: {  	s2 =	sshra.s32 s2, $0x12;
	v55 =	vsel vm8, s9, v55;
	s29 =	smulhi.u32 $0x431BDE83, s8;
	s30 =	sshra.s32 s8, $0x1F;
	v63 =	vperm.xlane v63, v3;
	v60 =	vcombine.low v60, v54  }
0x5a3: {  	s10 =	sshra.s32 s0, $0x1F;
	s0 =	sadd.s32 s23, s22;
	s22 =	smul.u32 $0x431BDE83, s30;
	v54 =	vld [tilespmem:$0x1FCC0];
	v61 =	vsel vm2, s31, v2;
	v58 =	vsel vm15, v13, v58;
	v52 =	vsel vm15, v52, v56  }
0x5a4: {  	s5 =	sadd.s32 s15, s20;
	s20 =	smul.u32 $0x431BDE83, s10;
	s4 =	spop (v2sf);
	v50 =	vperm.xlane v50, v32;
	v56 =	vsel vm4, s25, v61;
	v52 =	vadd.s32 v58, v52;
	v58 =	vld [tilespmem:$0x1FCE0]  }
0x5a5: {  	s14 =	sshrl.u32 s1, $0x1F;
	s23 =	smulhi.u32 $0x431BDE83, s4;
	s8 =	sshra.s32 s4, $0x1F;
	v53 =	vsel vm15, v59, v53;
	v59 =	vperm.xlane v60, v3;
	v60 =	vsel vm6, s2, v56;
	v56 =	vld [tilespmem:$0x1FCD0]  }
0x5a6: {  	s9 =	sadd.s32 s28, s24;
	v55 =	vsel vm9, s21, v55;
	s28 =	spop (v2sf);
	s21 =	smul.u32 $0x431BDE83, s8;
	v50 =	vsel vm15, v50, v63;
	v63 =	vld [tilespmem:$0x1FCF0]  }
0x5a7: {  	s3 =	sshrl.u32 s6, $0x1F;
	s24 =	smulhi.u32 $0x431BDE83, s28;
	s30 =	sshra.s32 s28, $0x1F  }
0x5a8: {  	s15 =	sshrl.u32 s0, $0x1F;
	s18 =	smul.u32 $0x431BDE83, s30;
	s31 =	spop (v2sf);
	v13 =	vld [tilespmem:$0x110]  }
0x5a9: {  	v55 =	vsel vm10, s17, v55;
	s10 =	sshrl.u32 s5, $0x1F;
	s17 =	sshra.s32 s31, $0x1F;
	s25 =	smulhi.u32 $0x431BDE83, s31;
	v61 =	vperm.xlane v54, v32;
	v54 =	vld [tilespmem:$0x1FD00]  }
0x5aa: {  	v55 =	vsel vm12, s16, v55;
	s16 =	sadd.s32 s20, s26;
	s28 =	spop (v2sf);
	s20 =	smul.u32 $0x431BDE83, s17;
	v50 =	vadd.s32 v53, v50;
	v53 =	vcombine.low v58, v56  }
0x5ab: {  	v55 =	vsel vm11, s13, v55;
	s13 =	sadd.s32 s22, s29;
	s26 =	smulhi.u32 $0x431BDE83, s28;
	s17 =	sshra.s32 s28, $0x1F;
	v56 =	vsel vm15, v61, v59;
	v59 =	vperm.xlane v63, v32;
	v63 =	vld [tilespmem:$0x1FD20]  }
0x5ac: {  	v55 =	vsel vm14, s12, v55;
	s12 =	sshrl.u32 s13, $0x1F;
	s30 =	spop (v2sf);
	s22 =	smul.u32 $0x431BDE83, s17;
	v53 =	vperm.xlane v53, v3  }
0x5ad: {  	v44 =	vcombine.low v44, v46;
	s31 =	sshra.s32 s30, $0x1F;
	s17 =	sadd.s32 s21, s23;
	s23 =	spop (v2sf);
	(v2sf) =	vpush v13, $0xD  }
0x5ae: {  	s4 =	sshrl.u32 s9, $0x1F;
	s28 =	smul.u32 $0x431BDE83, s31;
	s29 =	sshra.s32 s23, $0x1F;
	v61 =	vcombine.low v45, v54;
	v53 =	vsel vm15, v59, v53;
	v59 =	vld [tilespmem:$0x1FD10]  }
0x5af: {  	v44 =	vperm.xlane v44, v3;
	s8 =	sshrl.u32 s7, $0x1F;
	s21 =	sadd.s32 s18, s24;
	s18 =	smul.u32 $0x431BDE83, s29;
	v58 =	vmov s3  }
0x5b0: {  	s2 =	sshrl.u32 s16, $0x1F;
	s3 =	smulhi.u32 $0x431BDE83, s30;
	s30 =	spop (v2sf);
	(v2sf) =	vpush v13, $0xC;
	v61 =	vperm.xlane v61, v3;
	v2 =	vperm.xlane v63, v32  }
0x5b1: {  	v42 =	vcombine.low v42, v49;
	s22 =	sadd.s32 s22, s26;
	v45 =	vsel vm13, s11, v55;
	v55 =	vsel vm2, s14, v58;
	s11 =	sshrl.u32 s17, $0x1F;
	s14 =	smulhi.u32 $0x431BDE83, s23  }
0x5b2: {  	s23 =	sadd.s32 s20, s25;
	s20 =	smulhi.u32 $0x431BDE83, s30;
	s24 =	sshra.s32 s30, $0x1F;
	(v2sf) =	vpush v13, $0xE;
	v53 =	vadd.s32 v56, v53;
	v56 =	vsel vm15, v2, v61;
	v61 =	vld [tilespmem:$0x1FD30]  }
0x5b3: {  	v51 =	vperm.xlane v51, v32;
	s31 =	spop (v2sf);
	s24 =	smul.u32 $0x431BDE83, s24;
	s25 =	sadd.s32 s28, s3;
	(v2sf) =	vpush v13, $0xF;
	v48 =	vcombine.low v48, v59  }
0x5b4: {  	v52 =	vmul.u32 $0xF4240, v52;
	v50 =	vmul.u32 $0xF4240, v50;
	s29 =	smulhi.u32 $0x431BDE83, s31;
	s26 =	sshra.s32 s31, $0x1F;
	s31 =	sshrl.u32 s23, $0x1F;
	(v2sf) =	vpush v13, $0x9  }
0x5b5: {  	s3 =	sadd.s32 s18, s14;
	s18 =	sshrl.u32 s21, $0x1F;
	s30 =	smul.u32 $0x431BDE83, s26;
	(v2sf) =	vpush v13, $0x8;
	v2 =	vmov s8;
	v48 =	vperm.xlane v48, v3  }
0x5b6: {  	s14 =	sshra.s32 s1, $0x12;
	s1 =	sshra.s32 s6, $0x12;
	s6 =	sshra.s32 s7, $0x12;
	(v2sf) =	vpush v13, $0xA;
	v53 =	vmul.u32 $0xF4240, v53;
	v2 =	vsel vm2, s4, v2  }
0x5b7: {  	s7 =	sshra.s32 s16, $0x12;
	s16 =	sshra.s32 s17, $0x12;
	s17 =	sshra.s32 s17, $0x1F;
	v59 =	vsel vm4, s10, v55;
	v63 =	vcombine.low v62, v61;
	v48 =	vsel vm15, v51, v48  }
0x5b8: {  	s26 =	sshra.s32 s21, $0x1F;
	s28 =	sshrl.u32 s3, $0x1F;
	s8 =	sshra.s32 s9, $0x12;
	v61 =	vmov s11;
	v51 =	vsel vm6, s15, v59;
	v48 =	vadd.s32 v56, v48  }
0x5b9: {  	s9 =	sshra.s32 s22, $0x12;
	s4 =	sshra.s32 s13, $0x12;
	s10 =	sadd.s32 s24, s20;
	v62 =	vperm.xlane v63, v3;
	v63 =	vnsel vm0, $0x0, v61;
	v55 =	vmul.u32 $0xF4240, v48  }
0x5ba: {  	s20 =	sshrl.u32 s22, $0x1F;
	s24 =	sadd.s32 s30, s29;
	s29 =	sshrl.u32 s10, $0x1F;
	v48 =	vsub.s32 v14, v52;
	v52 =	vsub.s32 v16, v50;
	v14 =	vsub.s32 v17, v53  }
0x5bb: {  	s30 =	sshrl.u32 s24, $0x1F;
	s15 =	sshrl.u32 s25, $0x1F;
	v53 =	vsel vm4, s2, v2;
	s2 =	sshra.s32 s23, $0x1F;
	v16 =	vsub.s32 v18, v55;
	v18 =	vsel vm2, s18, v63  }
0x5bc: {  	v38 =	vcombine.low v38, v39;
	(v2sf) =	vpush v13, $0xB;
	s18 =	sshra.s32 s24, $0x1F;
	v18 =	vsel vm4, s31, v18;
	s31 =	sshra.s32 s21, $0x12;
	s21 =	spop (v2sf)  }
0x5bd: {  	v26 =	vperm.xlane v26, v32;
	v54 =	vsel vm6, s20, v18;
	s20 =	sshra.s32 s23, $0x12;
	v18 =	vsel vm6, s12, v53;
	s23 =	sshra.s32 s25, $0x12;
	s12 =	sshra.s32 s21, $0x1F  }
0x5be: {  	(v2sf) =	vpush v13, $0x0;
	v56 =	vmov s18;
	v55 =	vsel vm8, s15, v54;
	s15 =	sshra.s32 s22, $0x1F;
	s22 =	sshra.s32 s25, $0x1F;
	s25 =	smulhi.u32 $0x431BDE83, s21  }
0x5bf: {  	v17 =	vsel vm15, v26, v62;
	v46 =	vsel vm0, s16, v56;
	s16 =	sshra.s32 s3, $0x1F;
	s13 =	smul.u32 $0x431BDE83, s12;
	v26 =	vsel vm10, s28, v55;
	s28 =	spop (v2sf)  }
0x5c0: {  	v42 =	vperm.xlane v42, v3;
	v38 =	vperm.xlane v38, v3;
	s21 =	sshra.s32 s3, $0x12;
	v26 =	vsel vm11, s29, v26;
	s3 =	smulhi.u32 $0x431BDE83, s28;
	s29 =	sshra.s32 s28, $0x1F  }
0x5c1: {  	s11 =	sshra.s32 s5, $0x12;
	(v2sf) =	vpush v13, $0x1;
	v46 =	vsel vm1, s17, v46;
	v26 =	vsel vm13, s30, v26;
	s17 =	smul.u32 $0x431BDE83, s29;
	s30 =	spop (v2sf)  }
0x5c2: {  	v31 =	vcombine.low v31, v35;
	s5 =	sshra.s32 s0, $0x12;
	(v2sf) =	vpush v13, $0x2;
	v46 =	vsel vm2, s31, v46;
	s18 =	smulhi.u32 $0x431BDE83, s30;
	s31 =	sshra.s32 s30, $0x1F  }
0x5c3: {  	v27 =	vcombine.low v27, v28;
	s0 =	sshra.s32 s24, $0x12;
	(v2sf) =	vpush v13, $0x3;
	v61 =	vsel vm3, s26, v46;
	s28 =	spop (v2sf);
	s24 =	smul.u32 $0x431BDE83, s31  }
0x5c4: {  	v36 =	vcombine.low v36, v47;
	v31 =	vperm.xlane v31, v3;
	s12 =	sshra.s32 s10, $0x12;
	v39 =	vsel vm4, s20, v61;
	s20 =	smulhi.u32 $0x431BDE83, s28;
	s26 =	sshra.s32 s28, $0x1F  }
0x5c5: {  	v29 =	vcombine.low v29, v34;
	v27 =	vperm.xlane v27, v3;
	v62 =	vmov s1;
	s1 =	sadd.s32 s13, s25;
	s29 =	spop (v2sf);
	s30 =	smul.u32 $0x431BDE83, s26  }
0x5c6: {  	v43 =	vperm.xlane v43, v32;
	v40 =	vperm.xlane v40, v32;
	(v2sf) =	vpush v13, $0x4;
	s13 =	sadd.s32 s17, s3;
	s3 =	smulhi.u32 $0x431BDE83, s29;
	s28 =	sshra.s32 s29, $0x1F  }
0x5c7: {  	v37 =	vperm.xlane v37, v32;
	v33 =	vperm.xlane v33, v32;
	v58 =	vld [tilespmem:$0x1FD40];
	s10 =	sshra.s32 s10, $0x1F;
	(v2sf) =	vpush v13, $0x5;
	s31 =	spop (v2sf);
	s28 =	smul.u32 $0x431BDE83, s28  }
0x5c8: {  	v25 =	vperm.xlane v25, v32;
	(v2sf) =	vpush v13, $0x6;
	v39 =	vsel vm5, s2, v39;
	s2 =	sadd.s32 s24, s18;
	s18 =	smulhi.u32 $0x431BDE83, s31;
	s26 =	sshra.s32 s31, $0x1F  }
0x5c9: {  	v63 =	vsel vm2, s14, v62;
	s14 =	sshrl.u32 s1, $0x1F;
	v39 =	vsel vm6, s9, v39;
	(v2sf) =	vpush v13, $0x7;
	s29 =	spop (v2sf);
	s24 =	smul.u32 $0x431BDE83, s26  }
0x5ca: {  	v42 =	vsel vm15, v43, v42;
	v38 =	vsel vm15, v40, v38;
	v47 =	vsel vm7, s15, v39;
	s9 =	sadd.s32 s30, s20;
	s20 =	smulhi.u32 $0x431BDE83, s29;
	s30 =	sshra.s32 s29, $0x1F  }
0x5cb: {  	v43 =	vadd.s32 v42, v38;
	v2 =	vsel vm4, s11, v63;
	s17 =	sshrl.u32 s13, $0x1F;
	v38 =	vsel vm8, s23, v47;
	s31 =	spop (v2sf);
	s25 =	smul.u32 $0x431BDE83, s30  }
0x5cc: {  	v59 =	vperm.xlane v58, v32;
	v46 =	vsel vm6, s5, v2;
	v38 =	vsel vm9, s22, v38;
	s5 =	sadd.s32 s28, s3;
	s3 =	smulhi.u32 $0x431BDE83, s31;
	s26 =	sshra.s32 s31, $0x1F  }
0x5cd: {  	v31 =	vsel vm15, v33, v31;
	v49 =	vmov s6;
	s11 =	sshrl.u32 s2, $0x1F;
	s29 =	spop (v2sf);
	v55 =	vsel vm10, s21, v38;
	s23 =	smul.u32 $0x431BDE83, s26  }
0x5ce: {  	v44 =	vsel vm15, v59, v44;
	v50 =	vsel vm2, s8, v49;
	s15 =	sshrl.u32 s9, $0x1F;
	s22 =	smulhi.u32 $0x431BDE83, s29;
	s26 =	sshra.s32 s29, $0x1F;
	v33 =	vsel vm12, s16, v55  }
0x5cf: {  	v17 =	vadd.s32 v17, v44;
	v44 =	vperm.xlane v36, v3;
	s6 =	sshrl.u32 s5, $0x1F;
	s8 =	sadd.s32 s24, s18;
	s18 =	smul.u32 $0x431BDE83, s26;
	v58 =	vsel vm11, s12, v33  }
0x5d0: {  	v30 =	vperm.xlane v30, v32;
	v54 =	vsel vm4, s7, v50;
	s7 =	sadd.s32 s25, s20;
	v62 =	vsel vm14, s10, v58;
	s10 =	sshrl.u32 s8, $0x1F;
	s30 =	spop (v2sf)  }
0x5d1: {  	v25 =	vsel vm15, v25, v27;
	v35 =	vsel vm15, v37, v44;
	v53 =	vperm.xlane v29, v3;
	s31 =	spop (v2sf);
	s21 =	smulhi.u32 $0x431BDE83, s30;
	s29 =	sshra.s32 s30, $0x1F  }
0x5d2: {  	v29 =	vsel vm6, s4, v54;
	v34 =	vmov s17;
	s4 =	sadd.s32 s23, s3;
	v37 =	vmov s10;
	s28 =	spop (v2sf);
	s30 =	smul.u32 $0x431BDE83, s29  }
0x5d3: {  	v28 =	vsel vm15, v30, v53;
	v27 =	vsel vm2, s14, v34;
	s23 =	sshrl.u32 s7, $0x1F;
	s12 =	sadd.s32 s18, s22;
	v30 =	vsel vm2, s6, v37;
	s18 =	smulhi.u32 $0x431BDE83, s28  }
0x5d4: {  	v27 =	vsel vm4, s11, v27;
	v30 =	vsel vm4, s23, v30;
	s20 =	sadd.s32 s30, s21;
	s30 =	sshra.s32 s28, $0x1F;
	s28 =	sshrl.u32 s4, $0x1F  }
0x5d5: {  	v27 =	vsel vm6, s15, v27;
	s25 =	spop (v2sf);
	v30 =	vsel vm6, s28, v30  }
0x5d6: {  	s26 =	spop (v2sf);
	v27 =	vcombine.low v30, v27  }
0x5d7: {  	s16 =	smulhi.u32 $0x431BDE83, s31;
	s24 =	sshra.s32 s31, $0x1F;
	s3 =	spop (v2sf)  }
0x5d8: {  	[tilespmem:$0x90] =	vst v14;
	s31 =	smul.u32 $0x431BDE83, s24;
	s24 =	spop (v2sf);
	v14 =	vperm.xlane v27, v3;
	v27 =	vld [tilespmem:$0x120]  }
0x5d9: {  	s29 =	smulhi.u32 $0x431BDE83, s24;
	s22 =	sshra.s32 s24, $0x1F  }
0x5da: {  	s22 =	smul.u32 $0x431BDE83, s22;
	_ =	sdelay $0x1  }
0x5db: {  	v2 =	vsel vm13, s0, v62;
	s14 =	smulhi.u32 $0x431BDE83, s25;
	s0 =	sadd.s32 s22, s29  }
0x5dc: {  	s25 =	sshra.s32 s25, $0x1F;
	s16 =	sadd.s32 s31, s16;
	s22 =	sshra.s32 s0, $0x1F;
	(v2sf) =	vpush v27, $0xD  }
0x5dd: {  	v31 =	vadd.s32 v35, v31;
	v59 =	vadd.s32 v28, v25;
	s31 =	sshrl.u32 s12, $0x1F;
	s24 =	smul.u32 $0x431BDE83, s30;
	s29 =	sshra.s32 s12, $0x12;
	v35 =	vmov s22  }
0x5de: {  	v36 =	vmov s31;
	s21 =	smulhi.u32 $0x431BDE83, s26;
	s31 =	sshra.s32 s20, $0x12;
	s12 =	sshra.s32 s12, $0x1F;
	(v2sf) =	vpush v27, $0xC;
	v28 =	vsel vm0, s29, v35  }
0x5df: {  	v33 =	vcombine.low v29, v46;
	s30 =	sshra.s32 s26, $0x1F;
	s18 =	sadd.s32 s24, s18;
	s24 =	smul.u32 $0x431BDE83, s25;
	v28 =	vsel vm1, s12, v28  }
0x5e0: {  	s17 =	sshrl.u32 s20, $0x1F;
	v29 =	vnsel vm0, $0x0, v36;
	s25 =	smul.u32 $0x431BDE83, s30;
	s29 =	sshra.s32 s20, $0x1F;
	(v2sf) =	vpush v27, $0xE;
	v28 =	vsel vm2, s31, v28  }
0x5e1: {  	v29 =	vsel vm2, s17, v29;
	s17 =	sshra.s32 s16, $0x1F;
	s30 =	smulhi.u32 $0x431BDE83, s3;
	s31 =	sshra.s32 s16, $0x12;
	v28 =	vsel vm3, s29, v28  }
0x5e2: {  	s3 =	sshra.s32 s3, $0x1F;
	s26 =	sshrl.u32 s18, $0x1F;
	s22 =	sshrl.u32 s16, $0x1F;
	(v2sf) =	vpush v27, $0xF;
	v28 =	vsel vm4, s31, v28  }
0x5e3: {  	s3 =	smul.u32 $0x431BDE83, s3;
	s14 =	sadd.s32 s24, s14;
	s24 =	sshra.s32 s18, $0x12;
	v29 =	vsel vm4, s22, v29;
	v28 =	vsel vm5, s17, v28  }
0x5e4: {  	s8 =	sshra.s32 s8, $0x12;
	v29 =	vsel vm6, s26, v29;
	s26 =	sshra.s32 s18, $0x1F;
	(v2sf) =	vpush v27, $0x9;
	v28 =	vsel vm6, s24, v28  }
0x5e5: {  	s3 =	sadd.s32 s3, s30;
	s30 =	sshra.s32 s13, $0x12;
	s29 =	sshra.s32 s14, $0x12;
	(v2sf) =	vpush v27, $0x8;
	v28 =	vsel vm7, s26, v28  }
0x5e6: {  	[tilespmem:$0x40] =	vst v12;
	s1 =	sshra.s32 s1, $0x12;
	v38 =	vmov s8;
	s10 =	sshra.s32 s14, $0x1F;
	s22 =	sadd.s32 s25, s21;
	v12 =	vmov s30;
	v28 =	vsel vm8, s29, v28  }
0x5e7: {  	s5 =	sshra.s32 s5, $0x12;
	s8 =	sshra.s32 s2, $0x12;
	v12 =	vsel vm2, s1, v12;
	s31 =	sshra.s32 s22, $0x12;
	(v2sf) =	vpush v27, $0xA;
	v28 =	vsel vm9, s10, v28  }
0x5e8: {  	v30 =	vsel vm2, s5, v38;
	s13 =	sshra.s32 s9, $0x12;
	s12 =	sshra.s32 s22, $0x1F;
	v12 =	vsel vm4, s8, v12;
	s10 =	sshra.s32 s7, $0x12;
	v28 =	vsel vm10, s31, v28  }
0x5e9: {  	[tilespmem:$0x60] =	vst v15;
	s20 =	sshrl.u32 s14, $0x1F;
	s15 =	sshra.s32 s3, $0x12;
	s14 =	sshra.s32 s4, $0x12;
	(v2sf) =	vpush v27, $0xB;
	v15 =	vsel vm4, s10, v30;
	v28 =	vsel vm12, s12, v28  }
0x5ea: {  	v12 =	vsel vm6, s13, v12;
	s17 =	sshra.s32 s3, $0x1F;
	v15 =	vsel vm6, s14, v15;
	v28 =	vsel vm11, s15, v28  }
0x5eb: {  	s16 =	sshrl.u32 s0, $0x1F;
	s0 =	sshra.s32 s0, $0x12;
	v12 =	vcombine.low v15, v12;
	v15 =	vsel vm14, s17, v28;
	s18 =	spop (v2sf)  }
0x5ec: {  	s25 =	sshrl.u32 s22, $0x1F;
	v29 =	vsel vm8, s20, v29;
	(v2sf) =	vpush v27, $0x0;
	v15 =	vsel vm13, s0, v15;
	s20 =	smulhi.u32 $0x431BDE83, s18;
	s0 =	sshra.s32 s18, $0x1F  }
0x5ed: {  	s28 =	sshrl.u32 s3, $0x1F;
	v29 =	vsel vm10, s25, v29;
	s21 =	spop (v2sf);
	s12 =	smul.u32 $0x431BDE83, s0  }
0x5ee: {  	v29 =	vsel vm11, s28, v29;
	(v2sf) =	vpush v27, $0x1;
	s11 =	smulhi.u32 $0x431BDE83, s21;
	s0 =	sshra.s32 s21, $0x1F  }
0x5ef: {  	v29 =	vsel vm13, s16, v29;
	s22 =	spop (v2sf);
	s14 =	smul.u32 $0x431BDE83, s0  }
0x5f0: {  	v39 =	vperm.xlane v29, v32;
	(v2sf) =	vpush v27, $0x2;
	s13 =	smulhi.u32 $0x431BDE83, s22;
	s0 =	sshra.s32 s22, $0x1F  }
0x5f1: {  	v12 =	vperm.xlane v12, v3;
	v15 =	vperm.xlane v15, v32;
	s23 =	spop (v2sf);
	s16 =	smul.u32 $0x431BDE83, s0  }
0x5f2: {  	(v2sf) =	vpush v27, $0x3;
	s15 =	smulhi.u32 $0x431BDE83, s23;
	s0 =	sshra.s32 s23, $0x1F  }
0x5f3: {  	v14 =	vsel vm15, v39, v14;
	v12 =	vsel vm15, v15, v12;
	s24 =	spop (v2sf);
	(v2sf) =	vpush v27, $0x4;
	s18 =	smul.u32 $0x431BDE83, s0  }
0x5f4: {  	v12 =	vadd.s32 v14, v12;
	s17 =	smulhi.u32 $0x431BDE83, s24;
	s0 =	sshra.s32 s24, $0x1F;
	s25 =	spop (v2sf);
	(v2sf) =	vpush v27, $0x5  }
0x5f5: {  	[smem:$0x61E] =	sst s20;
	v12 =	vmul.u32 $0xF4240, v12;
	s21 =	smul.u32 $0x431BDE83, s0  }
0x5f6: {  	s20 =	smulhi.u32 $0x431BDE83, s25;
	s0 =	sshra.s32 s25, $0x1F;
	s26 =	spop (v2sf);
	(v2sf) =	vpush v27, $0x6  }
0x5f7: {  	s22 =	smul.u32 $0x431BDE83, s0;
	v42 =	vsub.s32 v13, v12;
	v12 =	vld [tilespmem:$0x130]  }
0x5f8: {  	s23 =	smulhi.u32 $0x431BDE83, s26;
	s0 =	sshra.s32 s26, $0x1F;
	s28 =	spop (v2sf);
	(v2sf) =	vpush v27, $0x7  }
0x5f9: {  	s25 =	smul.u32 $0x431BDE83, s0  }
0x5fa: {  	s24 =	smulhi.u32 $0x431BDE83, s28;
	s0 =	sshra.s32 s28, $0x1F  }
0x5fb: {  	s29 =	spop (v2sf);
	s28 =	smul.u32 $0x431BDE83, s0  }
0x5fc: {  	s26 =	smulhi.u32 $0x431BDE83, s29;
	s0 =	sshra.s32 s29, $0x1F;
	(v2sf) =	vpush v12, $0xD  }
0x5fd: {  	s30 =	spop (v2sf);
	s2 =	smul.u32 $0x431BDE83, s0  }
0x5fe: {  	s29 =	smulhi.u32 $0x431BDE83, s30;
	s0 =	sshra.s32 s30, $0x1F  }
0x5ff: {  	s31 =	spop (v2sf);
	s6 =	smul.u32 $0x431BDE83, s0  }
0x600: {  	s30 =	smulhi.u32 $0x431BDE83, s31;
	s0 =	sshra.s32 s31, $0x1F;
	(v2sf) =	vpush v12, $0xC  }
0x601: {  	s8 =	smul.u32 $0x431BDE83, s0;
	s1 =	spop (v2sf)  }
0x602: {  	s31 =	smulhi.u32 $0x431BDE83, s1;
	s3 =	spop (v2sf)  }
0x603: {  	s4 =	smulhi.u32 $0x431BDE83, s3;
	s7 =	spop (v2sf)  }
0x604: {  	(v2sf) =	vpush v12, $0xE;
	s0 =	sshra.s32 s1, $0x1F;
	s9 =	smulhi.u32 $0x431BDE83, s7;
	s1 =	sshra.s32 s7, $0x1F  }
0x605: {  	s10 =	spop (v2sf);
	s7 =	smul.u32 $0x431BDE83, s1  }
0x606: {  	[smem:$0x61F] =	sst s4;
	s4 =	smulhi.u32 $0x431BDE83, s10  }
0x607: {  	[smem:$0x620] =	sst s9;
	s9 =	spop (v2sf)  }
0x608: {  	(v2sf) =	vpush v12, $0xF;
	s1 =	sshra.s32 s10, $0x1F;
	s10 =	smulhi.u32 $0x431BDE83, s9  }
0x609: {  	[smem:$0x621] =	sst s4  }
0x60a: {  	s4 =	smul.u32 $0x431BDE83, s1;
	s1 =	sshra.s32 s9, $0x1F;
	[smem:$0x622] =	sst s10  }
0x60b: {  	s10 =	smul.u32 $0x431BDE83, s1;
	s1 =	spop (v2sf)  }
0x60c: {  	(v2sf) =	vpush v12, $0x9;
	s9 =	smulhi.u32 $0x431BDE83, s1;
	s1 =	sshra.s32 s1, $0x1F  }
0x60d: {  	s1 =	smul.u32 $0x431BDE83, s1;
	_ =	sdelay $0x1  }
0x60e: {  	[smem:$0x624] =	sst s1;
	s1 =	spop (v2sf)  }
0x60f: {  	(v2sf) =	vpush v12, $0x8;
	[smem:$0x623] =	sst s9;
	s9 =	smulhi.u32 $0x431BDE83, s1;
	s1 =	sshra.s32 s1, $0x1F  }
0x610: {  	s1 =	smul.u32 $0x431BDE83, s1;
	_ =	sdelay $0x1  }
0x611: {  	[smem:$0x626] =	sst s1;
	s1 =	spop (v2sf)  }
0x612: {  	(v2sf) =	vpush v12, $0xA;
	[smem:$0x625] =	sst s9;
	s9 =	smulhi.u32 $0x431BDE83, s1;
	s1 =	sshra.s32 s1, $0x1F  }
0x613: {  	s1 =	smul.u32 $0x431BDE83, s1;
	_ =	sdelay $0x1  }
0x614: {  	v24 =	vcombine.low v11, v24;
	[smem:$0x628] =	sst s1;
	s1 =	spop (v2sf)  }
0x615: {  	[smem:$0x627] =	sst s9;
	s9 =	smulhi.u32 $0x431BDE83, s1;
	s1 =	sshra.s32 s1, $0x1F  }
0x616: {  	v24 =	vperm.xlane v24, v3;
	v10 =	vperm.xlane v10, v32;
	(v2sf) =	vpush v12, $0xB;
	s1 =	smul.u32 $0x431BDE83, s1  }
0x617: {  	v18 =	vcombine.low v18, v51;
	v56 =	vmul.u32 $0xF4240, v31  }
0x618: {  	v10 =	vsel vm15, v10, v24;
	v17 =	vmul.u32 $0xF4240, v17;
	v61 =	vcombine.low v60, v41;
	[smem:$0x62A] =	sst s1;
	s1 =	spop (v2sf)  }
0x619: {  	[tilespmem:$0x30] =	vst v1;
	v63 =	vperm.xlane v45, v32;
	v18 =	vperm.xlane v18, v3;
	v11 =	vsub.s32 v22, v56;
	[smem:$0x629] =	sst s9;
	s9 =	smulhi.u32 $0x431BDE83, s1;
	s1 =	sshra.s32 s1, $0x1F  }
0x61a: {  	[tilespmem:$0x50] =	vst v57;
	v26 =	vperm.xlane v26, v32;
	v22 =	vperm.xlane v61, v3;
	(v2sf) =	vpush v12, $0x0;
	s1 =	smul.u32 $0x431BDE83, s1  }
0x61b: {  	[tilespmem:$0x70] =	vst v48;
	v17 =	vsub.s32 v19, v17;
	v25 =	vperm.xlane v33, v3;
	v24 =	vperm.xlane v2, v32  }
0x61c: {  	[tilespmem:$0x80] =	vst v52;
	v19 =	vmul.u32 $0xF4240, v43;
	v22 =	vsel vm15, v63, v22;
	(v2sf) =	vpush v12, $0x1;
	[smem:$0x62C] =	sst s1;
	s1 =	spop (v2sf)  }
0x61d: {  	[tilespmem:$0xA0] =	vst v16;
	v40 =	vsel vm15, v26, v18;
	v10 =	vadd.s32 v10, v22;
	v41 =	vsel vm15, v24, v25;
	[smem:$0x62B] =	sst s9;
	s9 =	smulhi.u32 $0x431BDE83, s1;
	s1 =	sshra.s32 s1, $0x1F  }
0x61e: {  	[tilespmem:$0xB0] =	vst v17;
	v19 =	vsub.s32 v20, v19;
	v10 =	vmul.u32 $0xF4240, v10;
	v16 =	vadd.s32 v40, v41;
	s1 =	smul.u32 $0x431BDE83, s1  }
0x61f: {  	[tilespmem:$0xC0] =	vst v19;
	v16 =	vmul.u32 $0xF4240, v16  }
0x620: {  	v20 =	vmul.u32 $0xF4240, v59;
	[tilespmem:$0xD0] =	vst v11;
	v10 =	vsub.s32 v23, v10;
	(v2sf) =	vpush v12, $0x2;
	[smem:$0x62E] =	sst s1;
	s1 =	spop (v2sf)  }
0x621: {  	[tilespmem:$0xF0] =	vst v10;
	v0 =	vsub.s32 v0, v16;
	(v2sf) =	vpush v12, $0x3;
	[smem:$0x62D] =	sst s9;
	s9 =	smulhi.u32 $0x431BDE83, s1;
	s1 =	sshra.s32 s1, $0x1F  }
0x622: {  	[tilespmem:$0x100] =	vst v0;
	v15 =	vsub.s32 v21, v20;
	(v2sf) =	vpush v12, $0x4;
	s1 =	smul.u32 $0x431BDE83, s1  }
0x623: {  	[tilespmem:$0xE0] =	vst v15;
	(v2sf) =	vpush v12, $0x5;
	[smem:$0x62F] =	sst s9  }
0x624: {  	v14 =	vld [tilespmem:$0x140];
	[tilespmem:$0x110] =	vst v42;
	(v2sf) =	vpush v12, $0x6;
	[smem:$0x630] =	sst s1  }
0x625: {  	s1 =	spop (v2sf)  }
0x626: {  	s9 =	smulhi.u32 $0x431BDE83, s1;
	s1 =	sshra.s32 s1, $0x1F  }
0x627: {  	s1 =	smul.u32 $0x431BDE83, s1;
	_ =	sdelay $0x1  }
0x628: {  	[smem:$0x632] =	sst s1;
	s1 =	spop (v2sf)  }
0x629: {  	[smem:$0x631] =	sst s9;
	s9 =	smulhi.u32 $0x431BDE83, s1  }
0x62a: {  	s5 =	smul.u32 $0x431BDE83, s0;
	s0 =	sshra.s32 s3, $0x1F;
	s3 =	spop (v2sf)  }
0x62b: {  	[smem:$0x633] =	sst s9;
	s9 =	smulhi.u32 $0x431BDE83, s3;
	s3 =	sshra.s32 s3, $0x1F  }
0x62c: {  	s3 =	smul.u32 $0x431BDE83, s3;
	_ =	sdelay $0x1  }
0x62d: {  	[smem:$0x635] =	sst s3;
	s3 =	spop (v2sf)  }
0x62e: {  	[smem:$0x634] =	sst s9;
	s9 =	smulhi.u32 $0x431BDE83, s3;
	s3 =	sshra.s32 s3, $0x1F  }
0x62f: {  	s3 =	smul.u32 $0x431BDE83, s3;
	_ =	sdelay $0x1  }
0x630: {  	[smem:$0x637] =	sst s3;
	s3 =	spop (v2sf)  }
0x631: {  	(v2sf) =	vpush v12, $0x7;
	[smem:$0x636] =	sst s9;
	s9 =	smulhi.u32 $0x431BDE83, s3;
	s3 =	sshra.s32 s3, $0x1F  }
0x632: {  	s3 =	smul.u32 $0x431BDE83, s3;
	_ =	sdelay $0x1  }
0x633: {  	[smem:$0x639] =	sst s3;
	s3 =	spop (v2sf)  }
0x634: {  	(v2sf) =	vpush v14, $0xD;
	[smem:$0x638] =	sst s9;
	s9 =	smulhi.u32 $0x431BDE83, s3;
	s3 =	sshra.s32 s3, $0x1F  }
0x635: {  	s3 =	smul.u32 $0x431BDE83, s3;
	_ =	sdelay $0x1  }
0x636: {  	[smem:$0x63B] =	sst s3;
	s3 =	spop (v2sf)  }
0x637: {  	(v2sf) =	vpush v14, $0xC;
	[smem:$0x63A] =	sst s9;
	s9 =	smulhi.u32 $0x431BDE83, s3;
	s3 =	sshra.s32 s3, $0x1F  }
0x638: {  	s3 =	smul.u32 $0x431BDE83, s3;
	_ =	sdelay $0x1  }
0x639: {  	[smem:$0x63D] =	sst s3;
	s3 =	spop (v2sf)  }
0x63a: {  	(v2sf) =	vpush v14, $0xE;
	[smem:$0x63C] =	sst s9;
	s9 =	smulhi.u32 $0x431BDE83, s3;
	s3 =	sshra.s32 s3, $0x1F  }
0x63b: {  	s3 =	smul.u32 $0x431BDE83, s3;
	_ =	sdelay $0x1  }
0x63c: {  	[smem:$0x63F] =	sst s3;
	s3 =	spop (v2sf)  }
0x63d: {  	(v2sf) =	vpush v14, $0xF;
	[smem:$0x63E] =	sst s9;
	s9 =	smulhi.u32 $0x431BDE83, s3;
	s3 =	sshra.s32 s3, $0x1F  }
0x63e: {  	s3 =	smul.u32 $0x431BDE83, s3;
	_ =	sdelay $0x1  }
0x63f: {  	[smem:$0x641] =	sst s3;
	s3 =	spop (v2sf)  }
0x640: {  	(v2sf) =	vpush v14, $0x9;
	[smem:$0x640] =	sst s9;
	s9 =	smulhi.u32 $0x431BDE83, s3;
	s3 =	sshra.s32 s3, $0x1F  }
0x641: {  	s3 =	smul.u32 $0x431BDE83, s3;
	_ =	sdelay $0x1  }
0x642: {  	[smem:$0x643] =	sst s3;
	s3 =	spop (v2sf)  }
0x643: {  	(v2sf) =	vpush v14, $0x8;
	[smem:$0x642] =	sst s9;
	s9 =	smulhi.u32 $0x431BDE83, s3;
	s3 =	sshra.s32 s3, $0x1F  }
0x644: {  	s3 =	smul.u32 $0x431BDE83, s3;
	_ =	sdelay $0x1  }
0x645: {  	[smem:$0x645] =	sst s3;
	s3 =	spop (v2sf)  }
0x646: {  	(v2sf) =	vpush v14, $0xA;
	[smem:$0x644] =	sst s9;
	s9 =	smulhi.u32 $0x431BDE83, s3;
	s3 =	sshra.s32 s3, $0x1F  }
0x647: {  	s3 =	smul.u32 $0x431BDE83, s3;
	_ =	sdelay $0x1  }
0x648: {  	[smem:$0x647] =	sst s3;
	s3 =	spop (v2sf)  }
0x649: {  	(v2sf) =	vpush v14, $0xB;
	[smem:$0x646] =	sst s9;
	s9 =	smulhi.u32 $0x431BDE83, s3;
	s3 =	sshra.s32 s3, $0x1F  }
0x64a: {  	s3 =	smul.u32 $0x431BDE83, s3;
	_ =	sdelay $0x1  }
0x64b: {  	[smem:$0x649] =	sst s3;
	s3 =	spop (v2sf)  }
0x64c: {  	(v2sf) =	vpush v14, $0x0;
	[smem:$0x648] =	sst s9;
	s9 =	smulhi.u32 $0x431BDE83, s3;
	s3 =	sshra.s32 s3, $0x1F  }
0x64d: {  	s3 =	smul.u32 $0x431BDE83, s3;
	_ =	sdelay $0x1  }
0x64e: {  	[smem:$0x64B] =	sst s3;
	s3 =	spop (v2sf)  }
0x64f: {  	(v2sf) =	vpush v14, $0x1;
	[smem:$0x64A] =	sst s9;
	s9 =	smulhi.u32 $0x431BDE83, s3;
	s3 =	sshra.s32 s3, $0x1F  }
0x650: {  	s3 =	smul.u32 $0x431BDE83, s3;
	_ =	sdelay $0x1  }
0x651: {  	[smem:$0x64D] =	sst s3;
	s3 =	spop (v2sf)  }
0x652: {  	(v2sf) =	vpush v14, $0x2;
	[smem:$0x64C] =	sst s9;
	s9 =	smulhi.u32 $0x431BDE83, s3;
	s3 =	sshra.s32 s3, $0x1F  }
0x653: {  	s3 =	smul.u32 $0x431BDE83, s3;
	_ =	sdelay $0x1  }
0x654: {  	[smem:$0x64F] =	sst s3;
	s3 =	spop (v2sf)  }
0x655: {  	(v2sf) =	vpush v14, $0x3;
	[smem:$0x64E] =	sst s9;
	s9 =	smulhi.u32 $0x431BDE83, s3;
	s3 =	sshra.s32 s3, $0x1F  }
0x656: {  	s3 =	smul.u32 $0x431BDE83, s3;
	_ =	sdelay $0x1  }
0x657: {  	[smem:$0x651] =	sst s3;
	s3 =	spop (v2sf)  }
0x658: {  	(v2sf) =	vpush v14, $0x4;
	[smem:$0x650] =	sst s9;
	s9 =	smulhi.u32 $0x431BDE83, s3;
	s3 =	sshra.s32 s3, $0x1F  }
0x659: {  	s3 =	smul.u32 $0x431BDE83, s3;
	_ =	sdelay $0x1  }
0x65a: {  	[smem:$0x653] =	sst s3;
	s3 =	spop (v2sf)  }
0x65b: {  	(v2sf) =	vpush v14, $0x5;
	[smem:$0x652] =	sst s9;
	s9 =	smulhi.u32 $0x431BDE83, s3;
	s3 =	sshra.s32 s3, $0x1F  }
0x65c: {  	s3 =	smul.u32 $0x431BDE83, s3;
	_ =	sdelay $0x1  }
0x65d: {  	[smem:$0x655] =	sst s3;
	s3 =	spop (v2sf)  }
0x65e: {  	(v2sf) =	vpush v14, $0x6;
	[smem:$0x654] =	sst s9;
	s9 =	smulhi.u32 $0x431BDE83, s3;
	s3 =	sshra.s32 s3, $0x1F  }
0x65f: {  	s3 =	smul.u32 $0x431BDE83, s3;
	_ =	sdelay $0x1  }
0x660: {  	v13 =	vld [tilespmem:$0x150];
	[smem:$0x657] =	sst s3;
	s3 =	spop (v2sf)  }
0x661: {  	(v2sf) =	vpush v14, $0x7;
	[smem:$0x656] =	sst s9;
	s9 =	smulhi.u32 $0x431BDE83, s3;
	s3 =	sshra.s32 s3, $0x1F  }
0x662: {  	s3 =	smul.u32 $0x431BDE83, s3;
	_ =	sdelay $0x1  }
0x663: {  	[smem:$0x659] =	sst s3;
	s3 =	spop (v2sf)  }
0x664: {  	(v2sf) =	vpush v13, $0xD;
	[smem:$0x658] =	sst s9;
	s9 =	smulhi.u32 $0x431BDE83, s3;
	s3 =	sshra.s32 s3, $0x1F  }
0x665: {  	s3 =	smul.u32 $0x431BDE83, s3;
	_ =	sdelay $0x1  }
0x666: {  	[smem:$0x65B] =	sst s3;
	s3 =	spop (v2sf)  }
0x667: {  	(v2sf) =	vpush v13, $0xC;
	[smem:$0x65A] =	sst s9;
	s9 =	smulhi.u32 $0x431BDE83, s3;
	s3 =	sshra.s32 s3, $0x1F  }
0x668: {  	s3 =	smul.u32 $0x431BDE83, s3;
	_ =	sdelay $0x1  }
0x669: {  	[smem:$0x65D] =	sst s3;
	s3 =	spop (v2sf)  }
0x66a: {  	(v2sf) =	vpush v13, $0xE;
	[smem:$0x65C] =	sst s9;
	s9 =	smulhi.u32 $0x431BDE83, s3;
	s3 =	sshra.s32 s3, $0x1F  }
0x66b: {  	s3 =	smul.u32 $0x431BDE83, s3;
	_ =	sdelay $0x1  }
0x66c: {  	[smem:$0x65F] =	sst s3;
	s3 =	spop (v2sf)  }
0x66d: {  	(v2sf) =	vpush v13, $0xF;
	[smem:$0x65E] =	sst s9;
	s9 =	smulhi.u32 $0x431BDE83, s3;
	s3 =	sshra.s32 s3, $0x1F  }
0x66e: {  	s3 =	smul.u32 $0x431BDE83, s3;
	_ =	sdelay $0x1  }
0x66f: {  	[smem:$0x661] =	sst s3;
	s3 =	spop (v2sf)  }
0x670: {  	(v2sf) =	vpush v13, $0x9;
	[smem:$0x660] =	sst s9;
	s9 =	smulhi.u32 $0x431BDE83, s3;
	s3 =	sshra.s32 s3, $0x1F  }
0x671: {  	s3 =	smul.u32 $0x431BDE83, s3;
	_ =	sdelay $0x1  }
0x672: {  	[smem:$0x663] =	sst s3;
	s3 =	spop (v2sf)  }
0x673: {  	(v2sf) =	vpush v13, $0x8;
	[smem:$0x662] =	sst s9;
	s9 =	smulhi.u32 $0x431BDE83, s3;
	s3 =	sshra.s32 s3, $0x1F  }
0x674: {  	s3 =	smul.u32 $0x431BDE83, s3;
	_ =	sdelay $0x1  }
0x675: {  	[smem:$0x665] =	sst s3;
	s3 =	spop (v2sf)  }
0x676: {  	(v2sf) =	vpush v13, $0xA;
	[smem:$0x664] =	sst s9;
	s9 =	smulhi.u32 $0x431BDE83, s3;
	s3 =	sshra.s32 s3, $0x1F  }
0x677: {  	s3 =	smul.u32 $0x431BDE83, s3;
	_ =	sdelay $0x1  }
0x678: {  	[smem:$0x667] =	sst s3;
	s3 =	spop (v2sf)  }
0x679: {  	(v2sf) =	vpush v13, $0xB;
	[smem:$0x666] =	sst s9;
	s9 =	smulhi.u32 $0x431BDE83, s3;
	s3 =	sshra.s32 s3, $0x1F  }
0x67a: {  	s3 =	smul.u32 $0x431BDE83, s3;
	_ =	sdelay $0x1  }
0x67b: {  	[smem:$0x669] =	sst s3;
	s3 =	spop (v2sf)  }
0x67c: {  	(v2sf) =	vpush v13, $0x0;
	[smem:$0x668] =	sst s9;
	s9 =	smulhi.u32 $0x431BDE83, s3;
	s3 =	sshra.s32 s3, $0x1F  }
0x67d: {  	s3 =	smul.u32 $0x431BDE83, s3;
	_ =	sdelay $0x1  }
0x67e: {  	[smem:$0x66B] =	sst s3;
	s3 =	spop (v2sf)  }
0x67f: {  	(v2sf) =	vpush v13, $0x1;
	[smem:$0x66A] =	sst s9;
	s9 =	smulhi.u32 $0x431BDE83, s3;
	s3 =	sshra.s32 s3, $0x1F  }
0x680: {  	s3 =	smul.u32 $0x431BDE83, s3;
	_ =	sdelay $0x1  }
0x681: {  	[smem:$0x66D] =	sst s3;
	s3 =	spop (v2sf)  }
0x682: {  	(v2sf) =	vpush v13, $0x2;
	[smem:$0x66C] =	sst s9;
	s9 =	smulhi.u32 $0x431BDE83, s3;
	s3 =	sshra.s32 s3, $0x1F  }
0x683: {  	s3 =	smul.u32 $0x431BDE83, s3;
	_ =	sdelay $0x1  }
0x684: {  	[smem:$0x66F] =	sst s3;
	s3 =	spop (v2sf)  }
0x685: {  	(v2sf) =	vpush v13, $0x3;
	[smem:$0x66E] =	sst s9;
	s9 =	smulhi.u32 $0x431BDE83, s3;
	s3 =	sshra.s32 s3, $0x1F  }
0x686: {  	s3 =	smul.u32 $0x431BDE83, s3;
	_ =	sdelay $0x1  }
0x687: {  	[smem:$0x671] =	sst s3;
	s3 =	spop (v2sf)  }
0x688: {  	(v2sf) =	vpush v13, $0x4;
	[smem:$0x670] =	sst s9;
	s9 =	smulhi.u32 $0x431BDE83, s3;
	s3 =	sshra.s32 s3, $0x1F  }
0x689: {  	s3 =	smul.u32 $0x431BDE83, s3;
	_ =	sdelay $0x1  }
0x68a: {  	[smem:$0x673] =	sst s3;
	s3 =	spop (v2sf)  }
0x68b: {  	(v2sf) =	vpush v13, $0x5;
	[smem:$0x672] =	sst s9;
	s9 =	smulhi.u32 $0x431BDE83, s3;
	s3 =	sshra.s32 s3, $0x1F  }
0x68c: {  	s3 =	smul.u32 $0x431BDE83, s3;
	_ =	sdelay $0x1  }
0x68d: {  	[smem:$0x675] =	sst s3;
	s3 =	spop (v2sf)  }
0x68e: {  	(v2sf) =	vpush v13, $0x6;
	[smem:$0x674] =	sst s9;
	s9 =	smulhi.u32 $0x431BDE83, s3;
	s3 =	sshra.s32 s3, $0x1F  }
0x68f: {  	s3 =	smul.u32 $0x431BDE83, s3;
	_ =	sdelay $0x1  }
0x690: {  	v15 =	vld [tilespmem:$0x160];
	[smem:$0x677] =	sst s3;
	s3 =	spop (v2sf)  }
0x691: {  	(v2sf) =	vpush v13, $0x7;
	[smem:$0x676] =	sst s9;
	s9 =	smulhi.u32 $0x431BDE83, s3;
	s3 =	sshra.s32 s3, $0x1F  }
0x692: {  	s3 =	smul.u32 $0x431BDE83, s3;
	_ =	sdelay $0x1  }
0x693: {  	[smem:$0x679] =	sst s3;
	s3 =	spop (v2sf)  }
0x694: {  	(v2sf) =	vpush v15, $0xD;
	[smem:$0x678] =	sst s9;
	s9 =	smulhi.u32 $0x431BDE83, s3;
	s3 =	sshra.s32 s3, $0x1F  }
0x695: {  	s3 =	smul.u32 $0x431BDE83, s3;
	_ =	sdelay $0x1  }
0x696: {  	[smem:$0x67B] =	sst s3;
	s3 =	spop (v2sf)  }
0x697: {  	(v2sf) =	vpush v15, $0xC;
	[smem:$0x67A] =	sst s9;
	s9 =	smulhi.u32 $0x431BDE83, s3;
	s3 =	sshra.s32 s3, $0x1F  }
0x698: {  	s3 =	smul.u32 $0x431BDE83, s3;
	_ =	sdelay $0x1  }
0x699: {  	[smem:$0x67D] =	sst s3;
	s3 =	spop (v2sf)  }
0x69a: {  	(v2sf) =	vpush v15, $0xE;
	[smem:$0x67C] =	sst s9;
	s9 =	smulhi.u32 $0x431BDE83, s3;
	s3 =	sshra.s32 s3, $0x1F  }
0x69b: {  	s3 =	smul.u32 $0x431BDE83, s3;
	_ =	sdelay $0x1  }
0x69c: {  	[smem:$0x67F] =	sst s3;
	s3 =	spop (v2sf)  }
0x69d: {  	(v2sf) =	vpush v15, $0xF;
	[smem:$0x67E] =	sst s9;
	s9 =	smulhi.u32 $0x431BDE83, s3;
	s3 =	sshra.s32 s3, $0x1F  }
0x69e: {  	s3 =	smul.u32 $0x431BDE83, s3;
	_ =	sdelay $0x1  }
0x69f: {  	[smem:$0x681] =	sst s3;
	s3 =	spop (v2sf)  }
0x6a0: {  	(v2sf) =	vpush v15, $0x9;
	[smem:$0x680] =	sst s9;
	s9 =	smulhi.u32 $0x431BDE83, s3;
	s3 =	sshra.s32 s3, $0x1F  }
0x6a1: {  	s3 =	smul.u32 $0x431BDE83, s3;
	_ =	sdelay $0x1  }
0x6a2: {  	[smem:$0x683] =	sst s3;
	s3 =	spop (v2sf)  }
0x6a3: {  	(v2sf) =	vpush v15, $0x8;
	[smem:$0x682] =	sst s9;
	s9 =	smulhi.u32 $0x431BDE83, s3;
	s3 =	sshra.s32 s3, $0x1F  }
0x6a4: {  	s3 =	smul.u32 $0x431BDE83, s3;
	_ =	sdelay $0x1  }
0x6a5: {  	[smem:$0x685] =	sst s3;
	s3 =	spop (v2sf)  }
0x6a6: {  	(v2sf) =	vpush v15, $0xA;
	[smem:$0x684] =	sst s9;
	s9 =	smulhi.u32 $0x431BDE83, s3;
	s3 =	sshra.s32 s3, $0x1F  }
0x6a7: {  	s3 =	smul.u32 $0x431BDE83, s3;
	_ =	sdelay $0x1  }
0x6a8: {  	[smem:$0x687] =	sst s3;
	s3 =	spop (v2sf)  }
0x6a9: {  	(v2sf) =	vpush v15, $0xB;
	[smem:$0x686] =	sst s9;
	s9 =	smulhi.u32 $0x431BDE83, s3;
	s3 =	sshra.s32 s3, $0x1F  }
0x6aa: {  	s3 =	smul.u32 $0x431BDE83, s3;
	_ =	sdelay $0x1  }
0x6ab: {  	[smem:$0x689] =	sst s3;
	s3 =	spop (v2sf)  }
0x6ac: {  	(v2sf) =	vpush v15, $0x0;
	[smem:$0x688] =	sst s9;
	s9 =	smulhi.u32 $0x431BDE83, s3;
	s3 =	sshra.s32 s3, $0x1F  }
0x6ad: {  	s3 =	smul.u32 $0x431BDE83, s3;
	_ =	sdelay $0x1  }
0x6ae: {  	[smem:$0x68B] =	sst s3;
	s3 =	spop (v2sf)  }
0x6af: {  	(v2sf) =	vpush v15, $0x1;
	[smem:$0x68A] =	sst s9;
	s9 =	smulhi.u32 $0x431BDE83, s3;
	s3 =	sshra.s32 s3, $0x1F  }
0x6b0: {  	s3 =	smul.u32 $0x431BDE83, s3;
	_ =	sdelay $0x1  }
0x6b1: {  	[smem:$0x68D] =	sst s3;
	s3 =	spop (v2sf)  }
0x6b2: {  	(v2sf) =	vpush v15, $0x2;
	[smem:$0x68C] =	sst s9;
	s9 =	smulhi.u32 $0x431BDE83, s3;
	s3 =	sshra.s32 s3, $0x1F  }
0x6b3: {  	s3 =	smul.u32 $0x431BDE83, s3;
	_ =	sdelay $0x1  }
0x6b4: {  	[smem:$0x68F] =	sst s3;
	s3 =	spop (v2sf)  }
0x6b5: {  	(v2sf) =	vpush v15, $0x3;
	[smem:$0x68E] =	sst s9;
	s9 =	smulhi.u32 $0x431BDE83, s3;
	s3 =	sshra.s32 s3, $0x1F  }
0x6b6: {  	s3 =	smul.u32 $0x431BDE83, s3;
	_ =	sdelay $0x1  }
0x6b7: {  	[smem:$0x691] =	sst s3;
	s3 =	spop (v2sf)  }
0x6b8: {  	(v2sf) =	vpush v15, $0x4;
	[smem:$0x690] =	sst s9;
	s9 =	smulhi.u32 $0x431BDE83, s3;
	s3 =	sshra.s32 s3, $0x1F  }
0x6b9: {  	s3 =	smul.u32 $0x431BDE83, s3;
	_ =	sdelay $0x1  }
0x6ba: {  	[smem:$0x693] =	sst s3;
	s3 =	spop (v2sf)  }
0x6bb: {  	(v2sf) =	vpush v15, $0x5;
	[smem:$0x692] =	sst s9;
	s9 =	smulhi.u32 $0x431BDE83, s3;
	s3 =	sshra.s32 s3, $0x1F  }
0x6bc: {  	s3 =	smul.u32 $0x431BDE83, s3;
	_ =	sdelay $0x1  }
0x6bd: {  	[smem:$0x695] =	sst s3;
	s3 =	spop (v2sf)  }
0x6be: {  	(v2sf) =	vpush v15, $0x6;
	[smem:$0x694] =	sst s9;
	s9 =	smulhi.u32 $0x431BDE83, s3;
	s3 =	sshra.s32 s3, $0x1F  }
0x6bf: {  	s3 =	smul.u32 $0x431BDE83, s3;
	_ =	sdelay $0x1  }
0x6c0: {  	v16 =	vld [tilespmem:$0x170];
	[smem:$0x697] =	sst s3;
	s3 =	spop (v2sf)  }
0x6c1: {  	(v2sf) =	vpush v15, $0x7;
	[smem:$0x696] =	sst s9;
	s9 =	smulhi.u32 $0x431BDE83, s3;
	s3 =	sshra.s32 s3, $0x1F  }
0x6c2: {  	s3 =	smul.u32 $0x431BDE83, s3;
	_ =	sdelay $0x1  }
0x6c3: {  	[smem:$0x699] =	sst s3;
	s3 =	spop (v2sf)  }
0x6c4: {  	(v2sf) =	vpush v16, $0xD;
	[smem:$0x698] =	sst s9;
	s9 =	smulhi.u32 $0x431BDE83, s3;
	s3 =	sshra.s32 s3, $0x1F  }
0x6c5: {  	s3 =	smul.u32 $0x431BDE83, s3;
	_ =	sdelay $0x1  }
0x6c6: {  	[smem:$0x69B] =	sst s3;
	s3 =	spop (v2sf)  }
0x6c7: {  	(v2sf) =	vpush v16, $0xC;
	[smem:$0x69A] =	sst s9;
	s9 =	smulhi.u32 $0x431BDE83, s3;
	s3 =	sshra.s32 s3, $0x1F  }
0x6c8: {  	s3 =	smul.u32 $0x431BDE83, s3;
	_ =	sdelay $0x1  }
0x6c9: {  	[smem:$0x69D] =	sst s3;
	s3 =	spop (v2sf)  }
0x6ca: {  	(v2sf) =	vpush v16, $0xE;
	[smem:$0x69C] =	sst s9;
	s9 =	smulhi.u32 $0x431BDE83, s3;
	s3 =	sshra.s32 s3, $0x1F  }
0x6cb: {  	s3 =	smul.u32 $0x431BDE83, s3;
	_ =	sdelay $0x1  }
0x6cc: {  	[smem:$0x69F] =	sst s3;
	s3 =	spop (v2sf)  }
0x6cd: {  	(v2sf) =	vpush v16, $0xF;
	[smem:$0x69E] =	sst s9;
	s9 =	smulhi.u32 $0x431BDE83, s3;
	s3 =	sshra.s32 s3, $0x1F  }
0x6ce: {  	s3 =	smul.u32 $0x431BDE83, s3;
	_ =	sdelay $0x1  }
0x6cf: {  	[smem:$0x6A1] =	sst s3;
	s3 =	spop (v2sf)  }
0x6d0: {  	(v2sf) =	vpush v16, $0x9;
	[smem:$0x6A0] =	sst s9;
	s9 =	smulhi.u32 $0x431BDE83, s3;
	s3 =	sshra.s32 s3, $0x1F  }
0x6d1: {  	s3 =	smul.u32 $0x431BDE83, s3;
	_ =	sdelay $0x1  }
0x6d2: {  	[smem:$0x6A3] =	sst s3;
	s3 =	spop (v2sf)  }
0x6d3: {  	(v2sf) =	vpush v16, $0x8;
	[smem:$0x6A2] =	sst s9;
	s9 =	smulhi.u32 $0x431BDE83, s3;
	s3 =	sshra.s32 s3, $0x1F  }
0x6d4: {  	s3 =	smul.u32 $0x431BDE83, s3;
	_ =	sdelay $0x1  }
0x6d5: {  	[smem:$0x6A5] =	sst s3;
	s3 =	spop (v2sf)  }
0x6d6: {  	(v2sf) =	vpush v16, $0xA;
	[smem:$0x6A4] =	sst s9;
	s9 =	smulhi.u32 $0x431BDE83, s3;
	s3 =	sshra.s32 s3, $0x1F  }
0x6d7: {  	s3 =	smul.u32 $0x431BDE83, s3;
	_ =	sdelay $0x1  }
0x6d8: {  	[smem:$0x6A7] =	sst s3;
	s3 =	spop (v2sf)  }
0x6d9: {  	(v2sf) =	vpush v16, $0xB;
	[smem:$0x6A6] =	sst s9;
	s9 =	smulhi.u32 $0x431BDE83, s3;
	s3 =	sshra.s32 s3, $0x1F  }
0x6da: {  	s3 =	smul.u32 $0x431BDE83, s3;
	_ =	sdelay $0x1  }
0x6db: {  	[smem:$0x6A9] =	sst s3;
	s3 =	spop (v2sf)  }
0x6dc: {  	(v2sf) =	vpush v16, $0x0;
	[smem:$0x6A8] =	sst s9;
	s9 =	smulhi.u32 $0x431BDE83, s3;
	s3 =	sshra.s32 s3, $0x1F  }
0x6dd: {  	s3 =	smul.u32 $0x431BDE83, s3;
	_ =	sdelay $0x1  }
0x6de: {  	[smem:$0x6AB] =	sst s3;
	s3 =	spop (v2sf)  }
0x6df: {  	(v2sf) =	vpush v16, $0x1;
	[smem:$0x6AA] =	sst s9;
	s9 =	smulhi.u32 $0x431BDE83, s3;
	s3 =	sshra.s32 s3, $0x1F  }
0x6e0: {  	s3 =	smul.u32 $0x431BDE83, s3;
	_ =	sdelay $0x1  }
0x6e1: {  	[smem:$0x6AD] =	sst s3;
	s3 =	spop (v2sf)  }
0x6e2: {  	(v2sf) =	vpush v16, $0x2;
	[smem:$0x6AC] =	sst s9;
	s9 =	smulhi.u32 $0x431BDE83, s3;
	s3 =	sshra.s32 s3, $0x1F  }
0x6e3: {  	s3 =	smul.u32 $0x431BDE83, s3;
	_ =	sdelay $0x1  }
0x6e4: {  	[smem:$0x6AF] =	sst s3;
	s3 =	spop (v2sf)  }
0x6e5: {  	(v2sf) =	vpush v16, $0x3;
	[smem:$0x6AE] =	sst s9;
	s9 =	smulhi.u32 $0x431BDE83, s3;
	s3 =	sshra.s32 s3, $0x1F  }
0x6e6: {  	s3 =	smul.u32 $0x431BDE83, s3;
	_ =	sdelay $0x1  }
0x6e7: {  	[smem:$0x6B1] =	sst s3;
	s3 =	spop (v2sf)  }
0x6e8: {  	(v2sf) =	vpush v16, $0x4;
	[smem:$0x6B0] =	sst s9;
	s9 =	smulhi.u32 $0x431BDE83, s3;
	s3 =	sshra.s32 s3, $0x1F  }
0x6e9: {  	s3 =	smul.u32 $0x431BDE83, s3;
	_ =	sdelay $0x1  }
0x6ea: {  	[smem:$0x6B3] =	sst s3;
	s3 =	spop (v2sf)  }
0x6eb: {  	(v2sf) =	vpush v16, $0x5;
	[smem:$0x6B2] =	sst s9;
	s9 =	smulhi.u32 $0x431BDE83, s3;
	s3 =	sshra.s32 s3, $0x1F  }
0x6ec: {  	s3 =	smul.u32 $0x431BDE83, s3;
	_ =	sdelay $0x1  }
0x6ed: {  	[smem:$0x6B5] =	sst s3;
	s3 =	spop (v2sf)  }
0x6ee: {  	(v2sf) =	vpush v16, $0x6;
	[smem:$0x6B4] =	sst s9;
	s9 =	smulhi.u32 $0x431BDE83, s3;
	s3 =	sshra.s32 s3, $0x1F  }
0x6ef: {  	s3 =	smul.u32 $0x431BDE83, s3;
	_ =	sdelay $0x1  }
0x6f0: {  	v17 =	vld [tilespmem:$0x180];
	[smem:$0x6B7] =	sst s3;
	s3 =	spop (v2sf)  }
0x6f1: {  	(v2sf) =	vpush v16, $0x7;
	[smem:$0x6B6] =	sst s9;
	s9 =	smulhi.u32 $0x431BDE83, s3;
	s3 =	sshra.s32 s3, $0x1F  }
0x6f2: {  	s3 =	smul.u32 $0x431BDE83, s3;
	_ =	sdelay $0x1  }
0x6f3: {  	[smem:$0x6B9] =	sst s3;
	s3 =	spop (v2sf)  }
0x6f4: {  	(v2sf) =	vpush v17, $0xD;
	[smem:$0x6B8] =	sst s9;
	s9 =	smulhi.u32 $0x431BDE83, s3;
	s3 =	sshra.s32 s3, $0x1F  }
0x6f5: {  	s3 =	smul.u32 $0x431BDE83, s3;
	_ =	sdelay $0x1  }
0x6f6: {  	[smem:$0x6BB] =	sst s3;
	s3 =	spop (v2sf)  }
0x6f7: {  	(v2sf) =	vpush v17, $0xC;
	[smem:$0x6BA] =	sst s9;
	s9 =	smulhi.u32 $0x431BDE83, s3;
	s3 =	sshra.s32 s3, $0x1F  }
0x6f8: {  	s3 =	smul.u32 $0x431BDE83, s3;
	_ =	sdelay $0x1  }
0x6f9: {  	[smem:$0x6BD] =	sst s3;
	s3 =	spop (v2sf)  }
0x6fa: {  	(v2sf) =	vpush v17, $0xE;
	[smem:$0x6BC] =	sst s9;
	s9 =	smulhi.u32 $0x431BDE83, s3;
	s3 =	sshra.s32 s3, $0x1F  }
0x6fb: {  	s3 =	smul.u32 $0x431BDE83, s3;
	_ =	sdelay $0x1  }
0x6fc: {  	[smem:$0x6BF] =	sst s3;
	s3 =	spop (v2sf)  }
0x6fd: {  	(v2sf) =	vpush v17, $0xF;
	[smem:$0x6BE] =	sst s9;
	s9 =	smulhi.u32 $0x431BDE83, s3;
	s3 =	sshra.s32 s3, $0x1F  }
0x6fe: {  	s3 =	smul.u32 $0x431BDE83, s3;
	_ =	sdelay $0x1  }
0x6ff: {  	[smem:$0x6C1] =	sst s3;
	s3 =	spop (v2sf)  }
0x700: {  	(v2sf) =	vpush v17, $0x9;
	[smem:$0x6C0] =	sst s9;
	s9 =	smulhi.u32 $0x431BDE83, s3;
	s3 =	sshra.s32 s3, $0x1F  }
0x701: {  	s3 =	smul.u32 $0x431BDE83, s3;
	_ =	sdelay $0x1  }
0x702: {  	[smem:$0x6C3] =	sst s3;
	s3 =	spop (v2sf)  }
0x703: {  	(v2sf) =	vpush v17, $0x8;
	[smem:$0x6C2] =	sst s9;
	s9 =	smulhi.u32 $0x431BDE83, s3;
	s3 =	sshra.s32 s3, $0x1F  }
0x704: {  	s3 =	smul.u32 $0x431BDE83, s3;
	_ =	sdelay $0x1  }
0x705: {  	[smem:$0x6C5] =	sst s3;
	s3 =	spop (v2sf)  }
0x706: {  	(v2sf) =	vpush v17, $0xA;
	[smem:$0x6C4] =	sst s9;
	s9 =	smulhi.u32 $0x431BDE83, s3;
	s3 =	sshra.s32 s3, $0x1F  }
0x707: {  	s3 =	smul.u32 $0x431BDE83, s3;
	_ =	sdelay $0x1  }
0x708: {  	[smem:$0x6C7] =	sst s3;
	s3 =	spop (v2sf)  }
0x709: {  	(v2sf) =	vpush v17, $0xB;
	[smem:$0x6C6] =	sst s9;
	s9 =	smulhi.u32 $0x431BDE83, s3;
	s3 =	sshra.s32 s3, $0x1F  }
0x70a: {  	s11 =	sadd.s32 s14, s11;
	s3 =	smul.u32 $0x431BDE83, s3  }
0x70b: {  	[smem:$0x749] =	sst s11  }
0x70c: {  	s13 =	sadd.s32 s16, s13;
	[smem:$0x6C9] =	sst s3;
	s3 =	spop (v2sf)  }
0x70d: {  	(v2sf) =	vpush v17, $0x0;
	[smem:$0x6C8] =	sst s9;
	s9 =	smulhi.u32 $0x431BDE83, s3;
	s3 =	sshra.s32 s3, $0x1F  }
0x70e: {  	s15 =	sadd.s32 s18, s15;
	[smem:$0x74A] =	sst s13;
	s3 =	smul.u32 $0x431BDE83, s3  }
0x70f: {  	[smem:$0x74C] =	sst s15  }
0x710: {  	s18 =	sadd.s32 s21, s17;
	[smem:$0x6CB] =	sst s3;
	s3 =	spop (v2sf)  }
0x711: {  	(v2sf) =	vpush v17, $0x1;
	[smem:$0x6CA] =	sst s9;
	s9 =	smulhi.u32 $0x431BDE83, s3;
	s3 =	sshra.s32 s3, $0x1F  }
0x712: {  	s21 =	sadd.s32 s22, s20;
	[smem:$0x74F] =	sst s18;
	s3 =	smul.u32 $0x431BDE83, s3  }
0x713: {  	[smem:$0x74E] =	sst s21  }
0x714: {  	s23 =	sadd.s32 s25, s23;
	[smem:$0x6CD] =	sst s3;
	s3 =	spop (v2sf)  }
0x715: {  	[smem:$0x6CC] =	sst s9;
	s9 =	smulhi.u32 $0x431BDE83, s3;
	s3 =	sshra.s32 s3, $0x1F  }
0x716: {  	s24 =	sadd.s32 s28, s24;
	[smem:$0x751] =	sst s23;
	s3 =	smul.u32 $0x431BDE83, s3  }
0x717: {  	[smem:$0x753] =	sst s24;
	(v2sf) =	vpush v17, $0x2  }
0x718: {  	s2 =	sadd.s32 s2, s26;
	[smem:$0x6CF] =	sst s3;
	s3 =	spop (v2sf)  }
0x719: {  	(v2sf) =	vpush v17, $0x3;
	[smem:$0x6CE] =	sst s9;
	s9 =	smulhi.u32 $0x431BDE83, s3;
	s3 =	sshra.s32 s3, $0x1F  }
0x71a: {  	s28 =	sadd.s32 s6, s29;
	[smem:$0x748] =	sst s2;
	s3 =	smul.u32 $0x431BDE83, s3  }
0x71b: {  	[smem:$0x74B] =	sst s28;
	(v2sf) =	vpush v17, $0x4  }
0x71c: {  	s21 =	sadd.s32 s8, s30;
	[smem:$0x6D1] =	sst s3;
	s3 =	spop (v2sf)  }
0x71d: {  	(v2sf) =	vpush v17, $0x5;
	[smem:$0x6D0] =	sst s9;
	s9 =	smulhi.u32 $0x431BDE83, s3;
	s3 =	sshra.s32 s3, $0x1F  }
0x71e: {  	[smem:$0x74D] =	sst s21;
	s3 =	smul.u32 $0x431BDE83, s3  }
0x71f: {  	v18 =	vld [tilespmem:$0x190];
	s24 =	sld [smem:$0x61F];
	(v2sf) =	vpush v17, $0x6  }
0x720: {  	[smem:$0x6D3] =	sst s3;
	s3 =	spop (v2sf)  }
0x721: {  	(v2sf) =	vpush v17, $0x7;
	[smem:$0x6D2] =	sst s9;
	s9 =	smulhi.u32 $0x431BDE83, s3  }
0x722: {  	s30 =	sld [smem:$0x622]  }
0x723: {  	s3 =	sshra.s32 s3, $0x1F;
	[smem:$0x6D4] =	sst s9  }
0x724: {  	(v2sf) =	vpush v18, $0xD;
	s3 =	smul.u32 $0x431BDE83, s3;
	s9 =	sld [smem:$0x61E]  }
0x725: {  	s0 =	smul.u32 $0x431BDE83, s0;
	s21 =	sld [smem:$0x623]  }
0x726: {  	[smem:$0x6D5] =	sst s3;
	s3 =	spop (v2sf)  }
0x727: {  	(v2sf) =	vpush v18, $0xC;
	s9 =	sadd.s32 s12, s9;
	s12 =	smulhi.u32 $0x431BDE83, s3;
	s3 =	sshra.s32 s3, $0x1F  }
0x728: {  	s0 =	sadd.s32 s0, s24;
	s14 =	smul.u32 $0x431BDE83, s3;
	s3 =	spop (v2sf)  }
0x729: {  	s24 =	sld [smem:$0x626];
	s11 =	smulhi.u32 $0x431BDE83, s3;
	s3 =	sshra.s32 s3, $0x1F  }
0x72a: {  	s16 =	spop (v2sf);
	s13 =	smul.u32 $0x431BDE83, s3  }
0x72b: {  	[smem:$0x752] =	sst s0;
	s15 =	smulhi.u32 $0x431BDE83, s16;
	s3 =	sshra.s32 s16, $0x1F  }
0x72c: {  	s22 =	spop (v2sf);
	s17 =	smul.u32 $0x431BDE83, s3  }
0x72d: {  	[smem:$0x747] =	sst s9;
	s16 =	smulhi.u32 $0x431BDE83, s22;
	s3 =	sshra.s32 s22, $0x1F  }
0x72e: {  	s25 =	spop (v2sf);
	s22 =	sadd.s32 s5, s31;
	s9 =	smul.u32 $0x431BDE83, s3  }
0x72f: {  	s18 =	smulhi.u32 $0x431BDE83, s25;
	[smem:$0x750] =	sst s22  }
0x730: {  	(v2sf) =	vpush v18, $0xE;
	s26 =	sshra.s32 s25, $0x1F;
	s29 =	spop (v2sf);
	s22 =	sld [smem:$0x624]  }
0x731: {  	s3 =	sld [smem:$0x62F];
	s20 =	smul.u32 $0x431BDE83, s26  }
0x732: {  	s6 =	smulhi.u32 $0x431BDE83, s29;
	s26 =	sld [smem:$0x620]  }
0x733: {  	s2 =	sshra.s32 s29, $0x1F;
	s23 =	spop (v2sf);
	s29 =	sld [smem:$0x621]  }
0x734: {  	(v2sf) =	vpush v18, $0xF;
	s8 =	smulhi.u32 $0x431BDE83, s23;
	s25 =	sshra.s32 s23, $0x1F;
	s23 =	sld [smem:$0x625]  }
0x735: {  	s5 =	smul.u32 $0x431BDE83, s2;
	s2 =	sadd.s32 s7, s26;
	s26 =	sld [smem:$0x627]  }
0x736: {  	(v2sf) =	vpush v18, $0x9;
	s28 =	spop (v2sf);
	[smem:$0x754] =	sst s2;
	s2 =	sadd.s32 s4, s29  }
0x737: {  	s4 =	smulhi.u32 $0x431BDE83, s28;
	s0 =	sshra.s32 s28, $0x1F;
	s28 =	sld [smem:$0x628]  }
0x738: {  	s29 =	sld [smem:$0x629]  }
0x739: {  	(v2sf) =	vpush v18, $0x8;
	[smem:$0x755] =	sst s2  }
0x73a: {  	s2 =	sadd.s32 s10, s30;
	s30 =	sld [smem:$0x62A]  }
0x73b: {  	s1 =	sshra.s32 s1, $0x1F;
	[smem:$0x746] =	sst s2;
	s2 =	sadd.s32 s22, s21  }
0x73c: {  	s1 =	smul.u32 $0x431BDE83, s1;
	(v2sf) =	vpush v18, $0xA;
	[smem:$0x759] =	sst s2;
	s2 =	sadd.s32 s24, s23  }
0x73d: {  	s7 =	smul.u32 $0x431BDE83, s25;
	[smem:$0x758] =	sst s2  }
0x73e: {  	s10 =	smul.u32 $0x431BDE83, s0;
	s2 =	sadd.s32 s28, s26;
	s26 =	sld [smem:$0x62B]  }
0x73f: {  	s31 =	spop (v2sf);
	s28 =	sld [smem:$0x62C]  }
0x740: {  	s21 =	smulhi.u32 $0x431BDE83, s31;
	[smem:$0x75B] =	sst s2  }
0x741: {  	s0 =	sshra.s32 s31, $0x1F;
	s2 =	sadd.s32 s30, s29;
	s29 =	sld [smem:$0x62D]  }
0x742: {  	s23 =	smul.u32 $0x431BDE83, s0;
	s30 =	sld [smem:$0x62E]  }
0x743: {  	s25 =	spop (v2sf);
	[smem:$0x75C] =	sst s2  }
0x744: {  	s22 =	smulhi.u32 $0x431BDE83, s25;
	s2 =	sadd.s32 s28, s26;
	s26 =	sld [smem:$0x630]  }
0x745: {  	s0 =	sshra.s32 s25, $0x1F;
	s31 =	spop (v2sf);
	[smem:$0x760] =	sst s2  }
0x746: {  	s24 =	smul.u32 $0x431BDE83, s0;
	s2 =	sadd.s32 s30, s29;
	s29 =	sld [smem:$0x631]  }
0x747: {  	s25 =	smulhi.u32 $0x431BDE83, s31;
	s0 =	sshra.s32 s31, $0x1F;
	s30 =	sld [smem:$0x632]  }
0x748: {  	s31 =	spop (v2sf);
	[smem:$0x75E] =	sst s2;
	s2 =	sadd.s32 s26, s3  }
0x749: {  	s28 =	smul.u32 $0x431BDE83, s0;
	[smem:$0x762] =	sst s2  }
0x74a: {  	(v2sf) =	vpush v18, $0xB;
	s26 =	smulhi.u32 $0x431BDE83, s31;
	s2 =	sadd.s32 s30, s29;
	s29 =	sld [smem:$0x633]  }
0x74b: {  	s0 =	sshra.s32 s31, $0x1F;
	s31 =	spop (v2sf);
	s30 =	sld [smem:$0x634]  }
0x74c: {  	s3 =	smul.u32 $0x431BDE83, s0;
	s0 =	sshra.s32 s31, $0x1F;
	[smem:$0x764] =	sst s2  }
0x74d: {  	s1 =	sadd.s32 s1, s29;
	s29 =	smulhi.u32 $0x431BDE83, s31;
	s31 =	sld [smem:$0x635]  }
0x74e: {  	(v2sf) =	vpush v18, $0x0;
	s2 =	sld [smem:$0x636]  }
0x74f: {  	[smem:$0x757] =	sst s1  }
0x750: {  	s1 =	sadd.s32 s31, s30;
	s30 =	sld [smem:$0x637];
	_ =	sdelay $0x1  }
0x751: {  	[smem:$0x75A] =	sst s1  }
0x752: {  	s1 =	sadd.s32 s30, s2;
	s2 =	sld [smem:$0x639]  }
0x753: {  	[smem:$0x75D] =	sst s1  }
0x754: {  	s1 =	sld [smem:$0x638];
	_ =	sdelay $0x2  }
0x755: {  	s31 =	smul.u32 $0x431BDE83, s0;
	s1 =	sadd.s32 s2, s1;
	s2 =	sld [smem:$0x63B]  }
0x756: {  	s0 =	spop (v2sf);
	[smem:$0x75F] =	sst s1  }
0x757: {  	(v2sf) =	vpush v18, $0x1;
	s30 =	smulhi.u32 $0x431BDE83, s0;
	s0 =	sshra.s32 s0, $0x1F;
	s1 =	sld [smem:$0x63A]  }
0x758: {  	s0 =	smul.u32 $0x431BDE83, s0;
	_ =	sdelay $0x1  }
0x759: {  	[smem:$0x6D6] =	sst s0;
	s0 =	spop (v2sf);
	s1 =	sadd.s32 s2, s1  }
0x75a: {  	s2 =	smulhi.u32 $0x431BDE83, s0;
	[smem:$0x761] =	sst s1  }
0x75b: {  	s1 =	sld [smem:$0x63C]  }
0x75c: {  	[smem:$0x6D7] =	sst s2  }
0x75d: {  	s2 =	sld [smem:$0x63D];
	_ =	sdelay $0x2  }
0x75e: {  	s1 =	sadd.s32 s2, s1;
	s2 =	sld [smem:$0x63F]  }
0x75f: {  	[smem:$0x763] =	sst s1  }
0x760: {  	(v2sf) =	vpush v18, $0x2;
	s0 =	sshra.s32 s0, $0x1F;
	s1 =	sld [smem:$0x63E]  }
0x761: {  	s0 =	smul.u32 $0x431BDE83, s0;
	_ =	sdelay $0x1  }
0x762: {  	[smem:$0x6D8] =	sst s0;
	s0 =	spop (v2sf);
	s1 =	sadd.s32 s2, s1  }
0x763: {  	s2 =	smulhi.u32 $0x431BDE83, s0;
	[smem:$0x765] =	sst s1  }
0x764: {  	s1 =	sld [smem:$0x640]  }
0x765: {  	[smem:$0x6D9] =	sst s2  }
0x766: {  	s2 =	sld [smem:$0x641];
	_ =	sdelay $0x2  }
0x767: {  	s1 =	sadd.s32 s2, s1;
	s2 =	sld [smem:$0x643]  }
0x768: {  	[smem:$0x756] =	sst s1  }
0x769: {  	(v2sf) =	vpush v18, $0x3;
	s0 =	sshra.s32 s0, $0x1F;
	s1 =	sld [smem:$0x642]  }
0x76a: {  	s0 =	smul.u32 $0x431BDE83, s0;
	_ =	sdelay $0x1  }
0x76b: {  	[smem:$0x6DA] =	sst s0;
	s0 =	spop (v2sf);
	s1 =	sadd.s32 s2, s1  }
0x76c: {  	s2 =	smulhi.u32 $0x431BDE83, s0;
	[smem:$0x769] =	sst s1  }
0x76d: {  	s1 =	sld [smem:$0x644]  }
0x76e: {  	[smem:$0x6DB] =	sst s2  }
0x76f: {  	s2 =	sld [smem:$0x645];
	_ =	sdelay $0x2  }
0x770: {  	s1 =	sadd.s32 s2, s1;
	s2 =	sld [smem:$0x647]  }
0x771: {  	[smem:$0x767] =	sst s1  }
0x772: {  	(v2sf) =	vpush v18, $0x4;
	s0 =	sshra.s32 s0, $0x1F;
	s1 =	sld [smem:$0x646]  }
0x773: {  	s0 =	smul.u32 $0x431BDE83, s0;
	_ =	sdelay $0x1  }
0x774: {  	[smem:$0x6DC] =	sst s0;
	s0 =	spop (v2sf);
	s1 =	sadd.s32 s2, s1  }
0x775: {  	s2 =	smulhi.u32 $0x431BDE83, s0;
	[smem:$0x76A] =	sst s1  }
0x776: {  	s1 =	sld [smem:$0x648]  }
0x777: {  	[smem:$0x6DD] =	sst s2  }
0x778: {  	s2 =	sld [smem:$0x649];
	_ =	sdelay $0x2  }
0x779: {  	s1 =	sadd.s32 s2, s1;
	s2 =	sld [smem:$0x64B]  }
0x77a: {  	[smem:$0x76C] =	sst s1  }
0x77b: {  	(v2sf) =	vpush v18, $0x5;
	s0 =	sshra.s32 s0, $0x1F;
	s1 =	sld [smem:$0x64A]  }
0x77c: {  	s0 =	smul.u32 $0x431BDE83, s0;
	_ =	sdelay $0x1  }
0x77d: {  	[smem:$0x6DE] =	sst s0;
	s0 =	spop (v2sf);
	s1 =	sadd.s32 s2, s1  }
0x77e: {  	s2 =	smulhi.u32 $0x431BDE83, s0;
	[smem:$0x76F] =	sst s1  }
0x77f: {  	s1 =	sld [smem:$0x64C]  }
0x780: {  	[smem:$0x6DF] =	sst s2  }
0x781: {  	s2 =	sld [smem:$0x64D];
	_ =	sdelay $0x2  }
0x782: {  	s1 =	sadd.s32 s2, s1;
	s2 =	sld [smem:$0x64F]  }
0x783: {  	[smem:$0x76D] =	sst s1  }
0x784: {  	(v2sf) =	vpush v18, $0x6;
	s0 =	sshra.s32 s0, $0x1F;
	s1 =	sld [smem:$0x64E]  }
0x785: {  	s0 =	smul.u32 $0x431BDE83, s0;
	_ =	sdelay $0x1  }
0x786: {  	[smem:$0x6E0] =	sst s0;
	s0 =	spop (v2sf);
	s1 =	sadd.s32 s2, s1  }
0x787: {  	s2 =	smulhi.u32 $0x431BDE83, s0;
	[smem:$0x771] =	sst s1  }
0x788: {  	s1 =	sld [smem:$0x650]  }
0x789: {  	[smem:$0x6E1] =	sst s2  }
0x78a: {  	s2 =	sld [smem:$0x651];
	_ =	sdelay $0x2  }
0x78b: {  	s1 =	sadd.s32 s2, s1;
	s2 =	sld [smem:$0x653]  }
0x78c: {  	[smem:$0x773] =	sst s1  }
0x78d: {  	(v2sf) =	vpush v18, $0x7;
	s0 =	sshra.s32 s0, $0x1F;
	s1 =	sld [smem:$0x652]  }
0x78e: {  	s0 =	smul.u32 $0x431BDE83, s0;
	_ =	sdelay $0x1  }
0x78f: {  	[smem:$0x6E2] =	sst s0;
	s0 =	spop (v2sf);
	s1 =	sadd.s32 s2, s1  }
0x790: {  	s2 =	smulhi.u32 $0x431BDE83, s0;
	[smem:$0x768] =	sst s1  }
0x791: {  	s1 =	sld [smem:$0x654]  }
0x792: {  	v19 =	vld [tilespmem:$0x1A0];
	[smem:$0x6E3] =	sst s2  }
0x793: {  	s2 =	sld [smem:$0x655];
	_ =	sdelay $0x2  }
0x794: {  	s1 =	sadd.s32 s2, s1;
	s2 =	sld [smem:$0x657]  }
0x795: {  	(v2sf) =	vpush v19, $0xD;
	[smem:$0x76B] =	sst s1  }
0x796: {  	(v2sf) =	vpush v19, $0xC;
	s0 =	sshra.s32 s0, $0x1F;
	s1 =	sld [smem:$0x656]  }
0x797: {  	(v2sf) =	vpush v19, $0xE;
	s0 =	smul.u32 $0x431BDE83, s0  }
0x798: {  	(v2sf) =	vpush v19, $0xF  }
0x799: {  	(v2sf) =	vpush v19, $0x9;
	[smem:$0x6E4] =	sst s0;
	s0 =	spop (v2sf);
	s1 =	sadd.s32 s2, s1  }
0x79a: {  	(v2sf) =	vpush v19, $0x8;
	s2 =	smulhi.u32 $0x431BDE83, s0;
	[smem:$0x76E] =	sst s1  }
0x79b: {  	(v2sf) =	vpush v19, $0xA;
	s1 =	sld [smem:$0x658]  }
0x79c: {  	(v2sf) =	vpush v19, $0xB;
	[smem:$0x6E5] =	sst s2  }
0x79d: {  	s2 =	sld [smem:$0x659];
	_ =	sdelay $0x2  }
0x79e: {  	s1 =	sadd.s32 s2, s1;
	s2 =	sld [smem:$0x65B]  }
0x79f: {  	[smem:$0x770] =	sst s1  }
0x7a0: {  	s0 =	sshra.s32 s0, $0x1F;
	s1 =	sld [smem:$0x65A]  }
0x7a1: {  	s0 =	smul.u32 $0x431BDE83, s0;
	_ =	sdelay $0x1  }
0x7a2: {  	[smem:$0x6E6] =	sst s0;
	s0 =	spop (v2sf);
	s1 =	sadd.s32 s2, s1  }
0x7a3: {  	s2 =	smulhi.u32 $0x431BDE83, s0;
	[smem:$0x772] =	sst s1  }
0x7a4: {  	s1 =	sld [smem:$0x65C]  }
0x7a5: {  	[smem:$0x6E7] =	sst s2  }
0x7a6: {  	s2 =	sld [smem:$0x65D];
	_ =	sdelay $0x2  }
0x7a7: {  	s1 =	sadd.s32 s2, s1;
	s2 =	sld [smem:$0x65F]  }
0x7a8: {  	[smem:$0x774] =	sst s1  }
0x7a9: {  	s0 =	sshra.s32 s0, $0x1F;
	s1 =	sld [smem:$0x65E]  }
0x7aa: {  	s0 =	smul.u32 $0x431BDE83, s0;
	_ =	sdelay $0x1  }
0x7ab: {  	[smem:$0x6E8] =	sst s0;
	s0 =	spop (v2sf);
	s1 =	sadd.s32 s2, s1  }
0x7ac: {  	s2 =	smulhi.u32 $0x431BDE83, s0;
	[smem:$0x775] =	sst s1  }
0x7ad: {  	s1 =	sld [smem:$0x660]  }
0x7ae: {  	[smem:$0x6E9] =	sst s2  }
0x7af: {  	s2 =	sld [smem:$0x661];
	_ =	sdelay $0x2  }
0x7b0: {  	s1 =	sadd.s32 s2, s1;
	s2 =	sld [smem:$0x663]  }
0x7b1: {  	[smem:$0x766] =	sst s1  }
0x7b2: {  	s0 =	sshra.s32 s0, $0x1F;
	s1 =	sld [smem:$0x662]  }
0x7b3: {  	s0 =	smul.u32 $0x431BDE83, s0;
	_ =	sdelay $0x1  }
0x7b4: {  	[smem:$0x6EA] =	sst s0;
	s0 =	spop (v2sf);
	s1 =	sadd.s32 s2, s1  }
0x7b5: {  	s2 =	smulhi.u32 $0x431BDE83, s0;
	[smem:$0x778] =	sst s1  }
0x7b6: {  	s1 =	sld [smem:$0x664]  }
0x7b7: {  	[smem:$0x6EB] =	sst s2  }
0x7b8: {  	s2 =	sld [smem:$0x665];
	_ =	sdelay $0x2  }
0x7b9: {  	s1 =	sadd.s32 s2, s1;
	s2 =	sld [smem:$0x667]  }
0x7ba: {  	[smem:$0x779] =	sst s1  }
0x7bb: {  	s0 =	sshra.s32 s0, $0x1F;
	s1 =	sld [smem:$0x666]  }
0x7bc: {  	s0 =	smul.u32 $0x431BDE83, s0;
	_ =	sdelay $0x1  }
0x7bd: {  	[smem:$0x6EC] =	sst s0;
	s0 =	spop (v2sf);
	s1 =	sadd.s32 s2, s1  }
0x7be: {  	s2 =	smulhi.u32 $0x431BDE83, s0;
	[smem:$0x77B] =	sst s1  }
0x7bf: {  	s1 =	sld [smem:$0x668]  }
0x7c0: {  	[smem:$0x6ED] =	sst s2  }
0x7c1: {  	s2 =	sld [smem:$0x669];
	_ =	sdelay $0x2  }
0x7c2: {  	s1 =	sadd.s32 s2, s1;
	s2 =	sld [smem:$0x66B]  }
0x7c3: {  	[smem:$0x77D] =	sst s1  }
0x7c4: {  	s0 =	sshra.s32 s0, $0x1F;
	s1 =	sld [smem:$0x66A]  }
0x7c5: {  	s0 =	smul.u32 $0x431BDE83, s0;
	_ =	sdelay $0x1  }
0x7c6: {  	[smem:$0x6EE] =	sst s0;
	s0 =	spop (v2sf);
	s1 =	sadd.s32 s2, s1  }
0x7c7: {  	s2 =	smulhi.u32 $0x431BDE83, s0;
	[smem:$0x781] =	sst s1  }
0x7c8: {  	s1 =	sld [smem:$0x66C]  }
0x7c9: {  	[smem:$0x6EF] =	sst s2  }
0x7ca: {  	s2 =	sld [smem:$0x66D];
	_ =	sdelay $0x2  }
0x7cb: {  	s1 =	sadd.s32 s2, s1;
	s2 =	sld [smem:$0x66F]  }
0x7cc: {  	[smem:$0x77F] =	sst s1  }
0x7cd: {  	s0 =	sshra.s32 s0, $0x1F;
	s1 =	sld [smem:$0x66E]  }
0x7ce: {  	s0 =	smul.u32 $0x431BDE83, s0;
	_ =	sdelay $0x1  }
0x7cf: {  	[smem:$0x6F0] =	sst s0;
	s0 =	spop (v2sf);
	s1 =	sadd.s32 s2, s1  }
0x7d0: {  	s2 =	smulhi.u32 $0x431BDE83, s0;
	[smem:$0x783] =	sst s1  }
0x7d1: {  	s1 =	sld [smem:$0x670]  }
0x7d2: {  	[smem:$0x6F1] =	sst s2  }
0x7d3: {  	s2 =	sld [smem:$0x671];
	_ =	sdelay $0x2  }
0x7d4: {  	s1 =	sadd.s32 s2, s1;
	s2 =	sld [smem:$0x673]  }
0x7d5: {  	[smem:$0x785] =	sst s1  }
0x7d6: {  	s0 =	sshra.s32 s0, $0x1F;
	s1 =	sld [smem:$0x672]  }
0x7d7: {  	s0 =	smul.u32 $0x431BDE83, s0;
	_ =	sdelay $0x1  }
0x7d8: {  	[smem:$0x6F2] =	sst s0;
	s0 =	spop (v2sf);
	s1 =	sadd.s32 s2, s1  }
0x7d9: {  	s2 =	smulhi.u32 $0x431BDE83, s0;
	[smem:$0x777] =	sst s1  }
0x7da: {  	s1 =	sld [smem:$0x674]  }
0x7db: {  	[smem:$0x6F3] =	sst s2  }
0x7dc: {  	s2 =	sld [smem:$0x675];
	_ =	sdelay $0x2  }
0x7dd: {  	s1 =	sadd.s32 s2, s1;
	s2 =	sld [smem:$0x677]  }
0x7de: {  	[smem:$0x77A] =	sst s1  }
0x7df: {  	(v2sf) =	vpush v19, $0x0;
	s0 =	sshra.s32 s0, $0x1F;
	s1 =	sld [smem:$0x676]  }
0x7e0: {  	s0 =	smul.u32 $0x431BDE83, s0;
	_ =	sdelay $0x1  }
0x7e1: {  	[smem:$0x6F4] =	sst s0;
	s0 =	spop (v2sf);
	s1 =	sadd.s32 s2, s1  }
0x7e2: {  	s2 =	smulhi.u32 $0x431BDE83, s0;
	[smem:$0x77C] =	sst s1  }
0x7e3: {  	s1 =	sld [smem:$0x678]  }
0x7e4: {  	[smem:$0x6F5] =	sst s2  }
0x7e5: {  	s2 =	sld [smem:$0x679];
	_ =	sdelay $0x2  }
0x7e6: {  	s1 =	sadd.s32 s2, s1;
	s2 =	sld [smem:$0x67B]  }
0x7e7: {  	[smem:$0x77E] =	sst s1  }
0x7e8: {  	(v2sf) =	vpush v19, $0x1;
	s0 =	sshra.s32 s0, $0x1F;
	s1 =	sld [smem:$0x67A]  }
0x7e9: {  	s0 =	smul.u32 $0x431BDE83, s0;
	_ =	sdelay $0x1  }
0x7ea: {  	[smem:$0x6F6] =	sst s0;
	s0 =	spop (v2sf);
	s1 =	sadd.s32 s2, s1  }
0x7eb: {  	s2 =	smulhi.u32 $0x431BDE83, s0;
	[smem:$0x780] =	sst s1  }
0x7ec: {  	s1 =	sld [smem:$0x67C]  }
0x7ed: {  	[smem:$0x6F7] =	sst s2  }
0x7ee: {  	s2 =	sld [smem:$0x67D];
	_ =	sdelay $0x2  }
0x7ef: {  	s1 =	sadd.s32 s2, s1;
	s2 =	sld [smem:$0x67F]  }
0x7f0: {  	[smem:$0x782] =	sst s1  }
0x7f1: {  	(v2sf) =	vpush v19, $0x2;
	s0 =	sshra.s32 s0, $0x1F;
	s1 =	sld [smem:$0x67E]  }
0x7f2: {  	s0 =	smul.u32 $0x431BDE83, s0;
	_ =	sdelay $0x1  }
0x7f3: {  	[smem:$0x6F8] =	sst s0;
	s0 =	spop (v2sf);
	s1 =	sadd.s32 s2, s1  }
0x7f4: {  	s2 =	smulhi.u32 $0x431BDE83, s0;
	[smem:$0x784] =	sst s1  }
0x7f5: {  	s1 =	sld [smem:$0x680]  }
0x7f6: {  	[smem:$0x6F9] =	sst s2  }
0x7f7: {  	s2 =	sld [smem:$0x681];
	_ =	sdelay $0x2  }
0x7f8: {  	s1 =	sadd.s32 s2, s1;
	s2 =	sld [smem:$0x683]  }
0x7f9: {  	[smem:$0x776] =	sst s1  }
0x7fa: {  	(v2sf) =	vpush v19, $0x3;
	s0 =	sshra.s32 s0, $0x1F;
	s1 =	sld [smem:$0x682]  }
0x7fb: {  	s0 =	smul.u32 $0x431BDE83, s0;
	_ =	sdelay $0x1  }
0x7fc: {  	[smem:$0x6FA] =	sst s0;
	s0 =	spop (v2sf);
	s1 =	sadd.s32 s2, s1  }
0x7fd: {  	s2 =	smulhi.u32 $0x431BDE83, s0;
	[smem:$0x786] =	sst s1  }
0x7fe: {  	s1 =	sld [smem:$0x684]  }
0x7ff: {  	[smem:$0x6FB] =	sst s2  }
0x800: {  	s2 =	sld [smem:$0x685];
	_ =	sdelay $0x2  }
0x801: {  	s1 =	sadd.s32 s2, s1;
	s2 =	sld [smem:$0x687]  }
0x802: {  	[smem:$0x787] =	sst s1  }
0x803: {  	(v2sf) =	vpush v19, $0x4;
	s0 =	sshra.s32 s0, $0x1F;
	s1 =	sld [smem:$0x686]  }
0x804: {  	s0 =	smul.u32 $0x431BDE83, s0;
	_ =	sdelay $0x1  }
0x805: {  	[smem:$0x6FC] =	sst s0;
	s0 =	spop (v2sf);
	s1 =	sadd.s32 s2, s1  }
0x806: {  	s2 =	smulhi.u32 $0x431BDE83, s0;
	[smem:$0x78A] =	sst s1  }
0x807: {  	s1 =	sld [smem:$0x688]  }
0x808: {  	[smem:$0x6FD] =	sst s2  }
0x809: {  	s2 =	sld [smem:$0x689];
	_ =	sdelay $0x2  }
0x80a: {  	s1 =	sadd.s32 s2, s1;
	s2 =	sld [smem:$0x68B]  }
0x80b: {  	[smem:$0x78B] =	sst s1  }
0x80c: {  	(v2sf) =	vpush v19, $0x5;
	s0 =	sshra.s32 s0, $0x1F;
	s1 =	sld [smem:$0x68A]  }
0x80d: {  	s0 =	smul.u32 $0x431BDE83, s0;
	_ =	sdelay $0x1  }
0x80e: {  	[smem:$0x6FE] =	sst s0;
	s0 =	spop (v2sf);
	s1 =	sadd.s32 s2, s1  }
0x80f: {  	s2 =	smulhi.u32 $0x431BDE83, s0;
	[smem:$0x790] =	sst s1  }
0x810: {  	s1 =	sld [smem:$0x68C]  }
0x811: {  	[smem:$0x6FF] =	sst s2  }
0x812: {  	s2 =	sld [smem:$0x68D];
	_ =	sdelay $0x2  }
0x813: {  	s1 =	sadd.s32 s2, s1;
	s2 =	sld [smem:$0x68F]  }
0x814: {  	[smem:$0x78E] =	sst s1  }
0x815: {  	(v2sf) =	vpush v19, $0x6;
	s0 =	sshra.s32 s0, $0x1F;
	s1 =	sld [smem:$0x68E]  }
0x816: {  	s0 =	smul.u32 $0x431BDE83, s0;
	_ =	sdelay $0x1  }
0x817: {  	[smem:$0x700] =	sst s0;
	s0 =	spop (v2sf);
	s1 =	sadd.s32 s2, s1  }
0x818: {  	s2 =	smulhi.u32 $0x431BDE83, s0;
	[smem:$0x792] =	sst s1  }
0x819: {  	s1 =	sld [smem:$0x690]  }
0x81a: {  	[smem:$0x701] =	sst s2  }
0x81b: {  	s2 =	sld [smem:$0x691];
	_ =	sdelay $0x2  }
0x81c: {  	s1 =	sadd.s32 s2, s1;
	s2 =	sld [smem:$0x693]  }
0x81d: {  	[smem:$0x794] =	sst s1  }
0x81e: {  	(v2sf) =	vpush v19, $0x7;
	s0 =	sshra.s32 s0, $0x1F;
	s1 =	sld [smem:$0x692]  }
0x81f: {  	s0 =	smul.u32 $0x431BDE83, s0;
	_ =	sdelay $0x1  }
0x820: {  	[smem:$0x702] =	sst s0;
	s0 =	spop (v2sf);
	s1 =	sadd.s32 s2, s1  }
0x821: {  	s2 =	smulhi.u32 $0x431BDE83, s0;
	[smem:$0x789] =	sst s1  }
0x822: {  	s1 =	sld [smem:$0x694]  }
0x823: {  	[smem:$0x703] =	sst s2  }
0x824: {  	v20 =	vld [tilespmem:$0x1B0];
	s2 =	sld [smem:$0x695];
	_ =	sdelay $0x2  }
0x825: {  	s1 =	sadd.s32 s2, s1;
	s2 =	sld [smem:$0x697]  }
0x826: {  	[smem:$0x78C] =	sst s1  }
0x827: {  	(v2sf) =	vpush v20, $0xD;
	s0 =	sshra.s32 s0, $0x1F;
	s1 =	sld [smem:$0x696]  }
0x828: {  	s0 =	smul.u32 $0x431BDE83, s0;
	_ =	sdelay $0x1  }
0x829: {  	[smem:$0x704] =	sst s0;
	s0 =	spop (v2sf);
	s1 =	sadd.s32 s2, s1  }
0x82a: {  	s2 =	smulhi.u32 $0x431BDE83, s0;
	[smem:$0x78D] =	sst s1  }
0x82b: {  	s1 =	sld [smem:$0x698]  }
0x82c: {  	[smem:$0x705] =	sst s2  }
0x82d: {  	s2 =	sld [smem:$0x699];
	_ =	sdelay $0x2  }
0x82e: {  	s1 =	sadd.s32 s2, s1;
	s2 =	sld [smem:$0x69B]  }
0x82f: {  	[smem:$0x78F] =	sst s1  }
0x830: {  	(v2sf) =	vpush v20, $0xC;
	s0 =	sshra.s32 s0, $0x1F;
	s1 =	sld [smem:$0x69A]  }
0x831: {  	s0 =	smul.u32 $0x431BDE83, s0;
	_ =	sdelay $0x1  }
0x832: {  	[smem:$0x706] =	sst s0;
	s0 =	spop (v2sf);
	s1 =	sadd.s32 s2, s1  }
0x833: {  	s2 =	smulhi.u32 $0x431BDE83, s0;
	[smem:$0x791] =	sst s1  }
0x834: {  	s1 =	sld [smem:$0x69C]  }
0x835: {  	[smem:$0x707] =	sst s2  }
0x836: {  	s2 =	sld [smem:$0x69D];
	_ =	sdelay $0x2  }
0x837: {  	s1 =	sadd.s32 s2, s1;
	s2 =	sld [smem:$0x69F]  }
0x838: {  	[smem:$0x793] =	sst s1  }
0x839: {  	(v2sf) =	vpush v20, $0xE;
	s0 =	sshra.s32 s0, $0x1F;
	s1 =	sld [smem:$0x69E]  }
0x83a: {  	s0 =	smul.u32 $0x431BDE83, s0;
	_ =	sdelay $0x1  }
0x83b: {  	[smem:$0x708] =	sst s0;
	s0 =	spop (v2sf);
	s1 =	sadd.s32 s2, s1  }
0x83c: {  	s2 =	smulhi.u32 $0x431BDE83, s0;
	[smem:$0x795] =	sst s1  }
0x83d: {  	s1 =	sld [smem:$0x6A0]  }
0x83e: {  	[smem:$0x709] =	sst s2  }
0x83f: {  	s2 =	sld [smem:$0x6A1];
	_ =	sdelay $0x2  }
0x840: {  	s1 =	sadd.s32 s2, s1;
	s2 =	sld [smem:$0x6A3]  }
0x841: {  	[smem:$0x788] =	sst s1  }
0x842: {  	(v2sf) =	vpush v20, $0xF;
	s0 =	sshra.s32 s0, $0x1F;
	s1 =	sld [smem:$0x6A2]  }
0x843: {  	s0 =	smul.u32 $0x431BDE83, s0;
	_ =	sdelay $0x1  }
0x844: {  	[smem:$0x70A] =	sst s0;
	s0 =	spop (v2sf);
	s1 =	sadd.s32 s2, s1  }
0x845: {  	s2 =	smulhi.u32 $0x431BDE83, s0;
	[smem:$0x799] =	sst s1  }
0x846: {  	s1 =	sld [smem:$0x6A4]  }
0x847: {  	[smem:$0x70B] =	sst s2  }
0x848: {  	s2 =	sld [smem:$0x6A5];
	_ =	sdelay $0x2  }
0x849: {  	s1 =	sadd.s32 s2, s1;
	s2 =	sld [smem:$0x6A7]  }
0x84a: {  	[smem:$0x797] =	sst s1  }
0x84b: {  	(v2sf) =	vpush v20, $0x9;
	s0 =	sshra.s32 s0, $0x1F;
	s1 =	sld [smem:$0x6A6]  }
0x84c: {  	s0 =	smul.u32 $0x431BDE83, s0;
	_ =	sdelay $0x1  }
0x84d: {  	[smem:$0x70C] =	sst s0;
	s0 =	spop (v2sf);
	s1 =	sadd.s32 s2, s1  }
0x84e: {  	s2 =	smulhi.u32 $0x431BDE83, s0;
	[smem:$0x79A] =	sst s1  }
0x84f: {  	s1 =	sld [smem:$0x6A8]  }
0x850: {  	[smem:$0x70D] =	sst s2  }
0x851: {  	s2 =	sld [smem:$0x6A9];
	_ =	sdelay $0x2  }
0x852: {  	s1 =	sadd.s32 s2, s1;
	s2 =	sld [smem:$0x6AB]  }
0x853: {  	[smem:$0x79C] =	sst s1  }
0x854: {  	(v2sf) =	vpush v20, $0x8;
	s0 =	sshra.s32 s0, $0x1F;
	s1 =	sld [smem:$0x6AA]  }
0x855: {  	s0 =	smul.u32 $0x431BDE83, s0;
	_ =	sdelay $0x1  }
0x856: {  	[smem:$0x70E] =	sst s0;
	s0 =	spop (v2sf);
	s1 =	sadd.s32 s2, s1  }
0x857: {  	s2 =	smulhi.u32 $0x431BDE83, s0;
	[smem:$0x79F] =	sst s1  }
0x858: {  	s1 =	sld [smem:$0x6AC]  }
0x859: {  	[smem:$0x70F] =	sst s2  }
0x85a: {  	s2 =	sld [smem:$0x6AD];
	_ =	sdelay $0x2  }
0x85b: {  	s1 =	sadd.s32 s2, s1;
	s2 =	sld [smem:$0x6AF]  }
0x85c: {  	[smem:$0x79D] =	sst s1  }
0x85d: {  	(v2sf) =	vpush v20, $0xA;
	s0 =	sshra.s32 s0, $0x1F;
	s1 =	sld [smem:$0x6AE]  }
0x85e: {  	s0 =	smul.u32 $0x431BDE83, s0;
	_ =	sdelay $0x1  }
0x85f: {  	[smem:$0x710] =	sst s0;
	s0 =	spop (v2sf);
	s1 =	sadd.s32 s2, s1  }
0x860: {  	s2 =	smulhi.u32 $0x431BDE83, s0;
	[smem:$0x7A0] =	sst s1  }
0x861: {  	s1 =	sld [smem:$0x6B0]  }
0x862: {  	[smem:$0x711] =	sst s2  }
0x863: {  	s2 =	sld [smem:$0x6B1];
	_ =	sdelay $0x2  }
0x864: {  	s1 =	sadd.s32 s2, s1;
	s2 =	sld [smem:$0x6B3]  }
0x865: {  	[smem:$0x7A2] =	sst s1  }
0x866: {  	(v2sf) =	vpush v20, $0xB;
	s0 =	sshra.s32 s0, $0x1F;
	s1 =	sld [smem:$0x6B2]  }
0x867: {  	s0 =	smul.u32 $0x431BDE83, s0;
	_ =	sdelay $0x1  }
0x868: {  	[smem:$0x712] =	sst s0;
	s0 =	spop (v2sf);
	s1 =	sadd.s32 s2, s1  }
0x869: {  	s2 =	smulhi.u32 $0x431BDE83, s0;
	[smem:$0x798] =	sst s1  }
0x86a: {  	s1 =	sld [smem:$0x6B4]  }
0x86b: {  	[smem:$0x713] =	sst s2  }
0x86c: {  	s2 =	sld [smem:$0x6B5];
	_ =	sdelay $0x2  }
0x86d: {  	s1 =	sadd.s32 s2, s1;
	s2 =	sld [smem:$0x6B7]  }
0x86e: {  	[smem:$0x79B] =	sst s1  }
0x86f: {  	(v2sf) =	vpush v20, $0x0;
	s0 =	sshra.s32 s0, $0x1F;
	s1 =	sld [smem:$0x6B6]  }
0x870: {  	s0 =	smul.u32 $0x431BDE83, s0;
	_ =	sdelay $0x1  }
0x871: {  	[smem:$0x714] =	sst s0;
	s0 =	spop (v2sf);
	s1 =	sadd.s32 s2, s1  }
0x872: {  	s2 =	smulhi.u32 $0x431BDE83, s0;
	[smem:$0x79E] =	sst s1  }
0x873: {  	s1 =	sld [smem:$0x6B8]  }
0x874: {  	[smem:$0x715] =	sst s2  }
0x875: {  	s2 =	sld [smem:$0x6B9];
	_ =	sdelay $0x2  }
0x876: {  	s1 =	sadd.s32 s2, s1;
	s2 =	sld [smem:$0x6BB]  }
0x877: {  	[smem:$0x7A1] =	sst s1  }
0x878: {  	(v2sf) =	vpush v20, $0x1;
	s0 =	sshra.s32 s0, $0x1F;
	s1 =	sld [smem:$0x6BA]  }
0x879: {  	s0 =	smul.u32 $0x431BDE83, s0;
	_ =	sdelay $0x1  }
0x87a: {  	[smem:$0x716] =	sst s0;
	s0 =	spop (v2sf);
	s1 =	sadd.s32 s2, s1  }
0x87b: {  	s2 =	smulhi.u32 $0x431BDE83, s0;
	[smem:$0x7A3] =	sst s1  }
0x87c: {  	s1 =	sld [smem:$0x6BC]  }
0x87d: {  	[smem:$0x717] =	sst s2  }
0x87e: {  	s2 =	sld [smem:$0x6BD];
	_ =	sdelay $0x2  }
0x87f: {  	s1 =	sadd.s32 s2, s1;
	s2 =	sld [smem:$0x6BF]  }
0x880: {  	[smem:$0x7A4] =	sst s1  }
0x881: {  	(v2sf) =	vpush v20, $0x2;
	s0 =	sshra.s32 s0, $0x1F;
	s1 =	sld [smem:$0x6BE]  }
0x882: {  	s0 =	smul.u32 $0x431BDE83, s0;
	_ =	sdelay $0x1  }
0x883: {  	[smem:$0x718] =	sst s0;
	s0 =	spop (v2sf);
	s1 =	sadd.s32 s2, s1  }
0x884: {  	s2 =	smulhi.u32 $0x431BDE83, s0;
	[smem:$0x7A5] =	sst s1  }
0x885: {  	s1 =	sld [smem:$0x6C0]  }
0x886: {  	[smem:$0x719] =	sst s2  }
0x887: {  	s2 =	sld [smem:$0x6C1];
	_ =	sdelay $0x2  }
0x888: {  	s1 =	sadd.s32 s2, s1;
	s2 =	sld [smem:$0x6C3]  }
0x889: {  	[smem:$0x796] =	sst s1  }
0x88a: {  	(v2sf) =	vpush v20, $0x3;
	s0 =	sshra.s32 s0, $0x1F;
	s1 =	sld [smem:$0x6C2]  }
0x88b: {  	s0 =	smul.u32 $0x431BDE83, s0;
	_ =	sdelay $0x1  }
0x88c: {  	[smem:$0x71A] =	sst s0;
	s0 =	spop (v2sf);
	s1 =	sadd.s32 s2, s1  }
0x88d: {  	s2 =	smulhi.u32 $0x431BDE83, s0;
	[smem:$0x7AA] =	sst s1  }
0x88e: {  	s1 =	sld [smem:$0x6C4]  }
0x88f: {  	[smem:$0x71B] =	sst s2  }
0x890: {  	s12 =	sadd.s32 s14, s12;
	s2 =	sld [smem:$0x6C5]  }
0x891: {  	s13 =	sadd.s32 s13, s11;
	[smem:$0x7AC] =	sst s12  }
0x892: {  	[smem:$0x7AF] =	sst s13  }
0x893: {  	s1 =	sadd.s32 s2, s1;
	s2 =	sld [smem:$0x6C7]  }
0x894: {  	[smem:$0x7A8] =	sst s1  }
0x895: {  	s15 =	sadd.s32 s17, s15;
	(v2sf) =	vpush v20, $0x4;
	s0 =	sshra.s32 s0, $0x1F;
	s1 =	sld [smem:$0x6C6]  }
0x896: {  	s17 =	sadd.s32 s9, s16;
	[smem:$0x7B1] =	sst s15;
	s0 =	smul.u32 $0x431BDE83, s0  }
0x897: {  	[smem:$0x7B3] =	sst s17  }
0x898: {  	[smem:$0x71C] =	sst s0;
	s0 =	spop (v2sf);
	s1 =	sadd.s32 s2, s1  }
0x899: {  	s2 =	smulhi.u32 $0x431BDE83, s0;
	[smem:$0x7AB] =	sst s1  }
0x89a: {  	s1 =	sld [smem:$0x6C8]  }
0x89b: {  	[smem:$0x71D] =	sst s2  }
0x89c: {  	s9 =	sadd.s32 s20, s18;
	s2 =	sld [smem:$0x6C9]  }
0x89d: {  	s18 =	sadd.s32 s10, s4;
	[smem:$0x7B5] =	sst s9  }
0x89e: {  	[smem:$0x7B8] =	sst s18  }
0x89f: {  	s1 =	sadd.s32 s2, s1;
	s2 =	sld [smem:$0x6CB]  }
0x8a0: {  	[smem:$0x7AD] =	sst s1  }
0x8a1: {  	s21 =	sadd.s32 s23, s21;
	(v2sf) =	vpush v20, $0x5;
	s0 =	sshra.s32 s0, $0x1F;
	s1 =	sld [smem:$0x6CA]  }
0x8a2: {  	s23 =	sadd.s32 s24, s22;
	[smem:$0x7BA] =	sst s21;
	s0 =	smul.u32 $0x431BDE83, s0  }
0x8a3: {  	[smem:$0x7BC] =	sst s23  }
0x8a4: {  	[smem:$0x71E] =	sst s0;
	s0 =	spop (v2sf);
	s1 =	sadd.s32 s2, s1  }
0x8a5: {  	s2 =	smulhi.u32 $0x431BDE83, s0;
	[smem:$0x7B0] =	sst s1  }
0x8a6: {  	s1 =	sld [smem:$0x6CC]  }
0x8a7: {  	[smem:$0x71F] =	sst s2  }
0x8a8: {  	s25 =	sadd.s32 s28, s25;
	s2 =	sld [smem:$0x6CD]  }
0x8a9: {  	s28 =	sadd.s32 s3, s26;
	[smem:$0x7C0] =	sst s25  }
0x8aa: {  	[smem:$0x7BE] =	sst s28  }
0x8ab: {  	s1 =	sadd.s32 s2, s1;
	s2 =	sld [smem:$0x6CF]  }
0x8ac: {  	[smem:$0x7AE] =	sst s1  }
0x8ad: {  	s3 =	sadd.s32 s31, s29;
	(v2sf) =	vpush v20, $0x6;
	s0 =	sshra.s32 s0, $0x1F;
	s1 =	sld [smem:$0x6CE]  }
0x8ae: {  	s15 =	sadd.s32 s5, s6;
	[smem:$0x7C2] =	sst s3;
	s0 =	smul.u32 $0x431BDE83, s0  }
0x8af: {  	[smem:$0x7A6] =	sst s15  }
0x8b0: {  	[smem:$0x720] =	sst s0;
	s0 =	spop (v2sf);
	s1 =	sadd.s32 s2, s1  }
0x8b1: {  	v29 =	vld [tilespmem:$0x1C0];
	s2 =	smulhi.u32 $0x431BDE83, s0;
	[smem:$0x7B2] =	sst s1  }
0x8b2: {  	s1 =	sld [smem:$0x6D0]  }
0x8b3: {  	[smem:$0x721] =	sst s2  }
0x8b4: {  	s17 =	sadd.s32 s7, s8;
	(v2sf) =	vpush v20, $0x7;
	s2 =	sld [smem:$0x6D1]  }
0x8b5: {  	[smem:$0x7B6] =	sst s17  }
0x8b6: {  	s18 =	sld [smem:$0x6D7];
	(v2sf) =	vpush v29, $0xD  }
0x8b7: {  	s1 =	sadd.s32 s2, s1;
	s2 =	sld [smem:$0x6D3]  }
0x8b8: {  	(v2sf) =	vpush v29, $0xC;
	[smem:$0x7B4] =	sst s1  }
0x8b9: {  	s0 =	sshra.s32 s0, $0x1F;
	s1 =	sld [smem:$0x6D2]  }
0x8ba: {  	s21 =	sld [smem:$0x6D8];
	(v2sf) =	vpush v29, $0xE;
	s0 =	smul.u32 $0x431BDE83, s0  }
0x8bb: {  	s22 =	sld [smem:$0x6D9];
	(v2sf) =	vpush v29, $0xF  }
0x8bc: {  	[smem:$0x722] =	sst s0;
	s0 =	spop (v2sf);
	s1 =	sadd.s32 s2, s1  }
0x8bd: {  	(v2sf) =	vpush v29, $0x9;
	s2 =	smulhi.u32 $0x431BDE83, s0;
	[smem:$0x7A7] =	sst s1  }
0x8be: {  	s1 =	sld [smem:$0x6D4]  }
0x8bf: {  	(v2sf) =	vpush v29, $0x8;
	[smem:$0x723] =	sst s2  }
0x8c0: {  	(v2sf) =	vpush v29, $0xA;
	s2 =	sld [smem:$0x6D5]  }
0x8c1: {  	s23 =	sld [smem:$0x6DA];
	s0 =	sshra.s32 s0, $0x1F  }
0x8c2: {  	s25 =	sld [smem:$0x6DB];
	s0 =	smul.u32 $0x431BDE83, s0  }
0x8c3: {  	s26 =	sld [smem:$0x6DC];
	s1 =	sadd.s32 s2, s1;
	s2 =	spop (v2sf)  }
0x8c4: {  	[smem:$0x724] =	sst s0;
	s12 =	smulhi.u32 $0x431BDE83, s2;
	s0 =	sshra.s32 s2, $0x1F  }
0x8c5: {  	s14 =	spop (v2sf);
	s11 =	smul.u32 $0x431BDE83, s0  }
0x8c6: {  	s29 =	sld [smem:$0x6DD];
	s13 =	smulhi.u32 $0x431BDE83, s14;
	s0 =	sshra.s32 s14, $0x1F  }
0x8c7: {  	s2 =	spop (v2sf);
	s14 =	smul.u32 $0x431BDE83, s0  }
0x8c8: {  	s31 =	sld [smem:$0x6DE];
	s9 =	smulhi.u32 $0x431BDE83, s2;
	s0 =	sshra.s32 s2, $0x1F  }
0x8c9: {  	s16 =	spop (v2sf);
	s5 =	smul.u32 $0x431BDE83, s0  }
0x8ca: {  	s6 =	smulhi.u32 $0x431BDE83, s16;
	s0 =	sshra.s32 s16, $0x1F;
	s20 =	spop (v2sf)  }
0x8cb: {  	s16 =	sld [smem:$0x6D6];
	s7 =	smul.u32 $0x431BDE83, s0  }
0x8cc: {  	s4 =	smulhi.u32 $0x431BDE83, s20;
	s0 =	sshra.s32 s20, $0x1F;
	s24 =	spop (v2sf)  }
0x8cd: {  	[smem:$0x7A9] =	sst s1;
	s8 =	smul.u32 $0x431BDE83, s0;
	s0 =	sshra.s32 s24, $0x1F  }
0x8ce: {  	s2 =	spop (v2sf);
	s15 =	smul.u32 $0x431BDE83, s0  }
0x8cf: {  	s0 =	sshra.s32 s2, $0x1F;
	s1 =	sadd.s32 s16, s30;
	s17 =	spop (v2sf)  }
0x8d0: {  	[smem:$0x7C4] =	sst s1;
	s20 =	smul.u32 $0x431BDE83, s0  }
0x8d1: {  	s30 =	smulhi.u32 $0x431BDE83, s17;
	s0 =	sshra.s32 s17, $0x1F;
	s17 =	sld [smem:$0x6DF]  }
0x8d2: {  	s1 =	sadd.s32 s21, s18;
	s18 =	sld [smem:$0x6E0]  }
0x8d3: {  	[smem:$0x7B9] =	sst s1  }
0x8d4: {  	s1 =	sadd.s32 s23, s22;
	s22 =	sld [smem:$0x6E1]  }
0x8d5: {  	s23 =	sld [smem:$0x6E2]  }
0x8d6: {  	[smem:$0x7BB] =	sst s1  }
0x8d7: {  	s0 =	smul.u32 $0x431BDE83, s0;
	s1 =	sadd.s32 s26, s25;
	s25 =	sld [smem:$0x6E3]  }
0x8d8: {  	s26 =	sld [smem:$0x6E4]  }
0x8d9: {  	[smem:$0x725] =	sst s0  }
0x8da: {  	[smem:$0x7BD] =	sst s1  }
0x8db: {  	s1 =	sadd.s32 s31, s29;
	s29 =	sld [smem:$0x6E5]  }
0x8dc: {  	s31 =	sld [smem:$0x6E6]  }
0x8dd: {  	(v2sf) =	vpush v29, $0xB;
	[smem:$0x7BF] =	sst s1  }
0x8de: {  	s1 =	sadd.s32 s18, s17;
	s17 =	sld [smem:$0x6E7]  }
0x8df: {  	s18 =	sld [smem:$0x6E8]  }
0x8e0: {  	[smem:$0x7C1] =	sst s1  }
0x8e1: {  	(v2sf) =	vpush v29, $0x0;
	s1 =	sadd.s32 s23, s22;
	s22 =	sld [smem:$0x6E9]  }
0x8e2: {  	s23 =	sld [smem:$0x6EA]  }
0x8e3: {  	[smem:$0x7C3] =	sst s1  }
0x8e4: {  	s1 =	sadd.s32 s26, s25;
	s25 =	sld [smem:$0x6EB]  }
0x8e5: {  	s26 =	sld [smem:$0x6EC]  }
0x8e6: {  	(v2sf) =	vpush v29, $0x1;
	[smem:$0x7C5] =	sst s1  }
0x8e7: {  	s1 =	sadd.s32 s31, s29;
	s29 =	sld [smem:$0x6ED]  }
0x8e8: {  	s31 =	sld [smem:$0x6EE]  }
0x8e9: {  	[smem:$0x7B7] =	sst s1  }
0x8ea: {  	s1 =	sadd.s32 s18, s17;
	s17 =	sld [smem:$0x6EF]  }
0x8eb: {  	s10 =	smulhi.u32 $0x431BDE83, s24;
	s18 =	sld [smem:$0x6F0]  }
0x8ec: {  	s24 =	spop (v2sf);
	[smem:$0x7C7] =	sst s1  }
0x8ed: {  	(v2sf) =	vpush v29, $0x2;
	s28 =	smulhi.u32 $0x431BDE83, s24;
	s1 =	sadd.s32 s23, s22;
	s22 =	sld [smem:$0x6F1]  }
0x8ee: {  	s23 =	sld [smem:$0x6F2]  }
0x8ef: {  	[smem:$0x726] =	sst s28  }
0x8f0: {  	s0 =	sshra.s32 s24, $0x1F;
	s16 =	spop (v2sf);
	[smem:$0x7C8] =	sst s1  }
0x8f1: {  	s0 =	smul.u32 $0x431BDE83, s0;
	s1 =	sadd.s32 s26, s25;
	s25 =	sld [smem:$0x6F3]  }
0x8f2: {  	s21 =	smulhi.u32 $0x431BDE83, s16;
	s26 =	sld [smem:$0x6F4]  }
0x8f3: {  	[smem:$0x727] =	sst s0  }
0x8f4: {  	[smem:$0x728] =	sst s21  }
0x8f5: {  	s24 =	spop (v2sf);
	[smem:$0x7CA] =	sst s1  }
0x8f6: {  	s28 =	smulhi.u32 $0x431BDE83, s24;
	s1 =	sadd.s32 s31, s29;
	s29 =	sld [smem:$0x6F5]  }
0x8f7: {  	s31 =	sld [smem:$0x6F6]  }
0x8f8: {  	(v2sf) =	vpush v29, $0x3;
	[smem:$0x72A] =	sst s28  }
0x8f9: {  	[smem:$0x7CC] =	sst s1  }
0x8fa: {  	s1 =	sadd.s32 s18, s17;
	s17 =	sld [smem:$0x6F7]  }
0x8fb: {  	s18 =	sld [smem:$0x6F8]  }
0x8fc: {  	s0 =	sshra.s32 s16, $0x1F;
	s16 =	spop (v2sf);
	[smem:$0x7CF] =	sst s1  }
0x8fd: {  	s0 =	smul.u32 $0x431BDE83, s0;
	s1 =	sadd.s32 s23, s22;
	s22 =	sld [smem:$0x6F9]  }
0x8fe: {  	s21 =	smulhi.u32 $0x431BDE83, s16;
	s23 =	sld [smem:$0x6FA]  }
0x8ff: {  	[smem:$0x729] =	sst s0  }
0x900: {  	[smem:$0x72C] =	sst s21  }
0x901: {  	[smem:$0x7CD] =	sst s1  }
0x902: {  	s1 =	sadd.s32 s26, s25;
	s25 =	sld [smem:$0x6FB]  }
0x903: {  	(v2sf) =	vpush v29, $0x4;
	s26 =	sld [smem:$0x6FC]  }
0x904: {  	[smem:$0x7D0] =	sst s1  }
0x905: {  	s1 =	sadd.s32 s31, s29;
	s29 =	sld [smem:$0x6FD]  }
0x906: {  	s31 =	sld [smem:$0x6FE]  }
0x907: {  	s0 =	sshra.s32 s24, $0x1F;
	s24 =	spop (v2sf);
	[smem:$0x7D2] =	sst s1  }
0x908: {  	s0 =	smul.u32 $0x431BDE83, s0;
	s1 =	sadd.s32 s18, s17;
	s17 =	sld [smem:$0x6FF]  }
0x909: {  	s28 =	smulhi.u32 $0x431BDE83, s24;
	s18 =	sld [smem:$0x700]  }
0x90a: {  	[smem:$0x72B] =	sst s0  }
0x90b: {  	[smem:$0x72E] =	sst s28  }
0x90c: {  	[smem:$0x7C9] =	sst s1  }
0x90d: {  	s1 =	sadd.s32 s23, s22;
	s22 =	sld [smem:$0x701]  }
0x90e: {  	(v2sf) =	vpush v29, $0x5;
	s23 =	sld [smem:$0x702]  }
0x90f: {  	[smem:$0x7CB] =	sst s1  }
0x910: {  	s1 =	sadd.s32 s26, s25;
	s25 =	sld [smem:$0x703]  }
0x911: {  	s26 =	sld [smem:$0x704]  }
0x912: {  	s0 =	sshra.s32 s16, $0x1F;
	s16 =	spop (v2sf);
	[smem:$0x7CE] =	sst s1  }
0x913: {  	s0 =	smul.u32 $0x431BDE83, s0;
	s1 =	sadd.s32 s31, s29;
	s29 =	sld [smem:$0x705]  }
0x914: {  	s21 =	smulhi.u32 $0x431BDE83, s16;
	s31 =	sld [smem:$0x706]  }
0x915: {  	[smem:$0x72D] =	sst s0  }
0x916: {  	[smem:$0x730] =	sst s21  }
0x917: {  	[smem:$0x7D1] =	sst s1  }
0x918: {  	s1 =	sadd.s32 s18, s17;
	s17 =	sld [smem:$0x707]  }
0x919: {  	(v2sf) =	vpush v29, $0x6;
	s18 =	sld [smem:$0x708]  }
0x91a: {  	[smem:$0x7D3] =	sst s1  }
0x91b: {  	s1 =	sadd.s32 s23, s22;
	s22 =	sld [smem:$0x709]  }
0x91c: {  	s23 =	sld [smem:$0x70A]  }
0x91d: {  	s0 =	sshra.s32 s24, $0x1F;
	s24 =	spop (v2sf);
	[smem:$0x7D4] =	sst s1  }
0x91e: {  	s0 =	smul.u32 $0x431BDE83, s0;
	s1 =	sadd.s32 s26, s25;
	s25 =	sld [smem:$0x70B]  }
0x91f: {  	s28 =	smulhi.u32 $0x431BDE83, s24;
	s26 =	sld [smem:$0x70C]  }
0x920: {  	v22 =	vld [tilespmem:$0x1D0];
	(v2sf) =	vpush v29, $0x7;
	[smem:$0x72F] =	sst s0  }
0x921: {  	[smem:$0x732] =	sst s28  }
0x922: {  	[smem:$0x7D5] =	sst s1  }
0x923: {  	s1 =	sadd.s32 s31, s29;
	s29 =	sld [smem:$0x70D]  }
0x924: {  	s31 =	sld [smem:$0x70E]  }
0x925: {  	(v2sf) =	vpush v22, $0xD;
	[smem:$0x7C6] =	sst s1  }
0x926: {  	s1 =	sadd.s32 s18, s17;
	s17 =	sld [smem:$0x70F]  }
0x927: {  	s18 =	sld [smem:$0x710]  }
0x928: {  	(v2sf) =	vpush v22, $0xC;
	s0 =	sshra.s32 s16, $0x1F;
	s16 =	spop (v2sf);
	[smem:$0x7D7] =	sst s1  }
0x929: {  	s0 =	smul.u32 $0x431BDE83, s0;
	s1 =	sadd.s32 s23, s22;
	s22 =	sld [smem:$0x711]  }
0x92a: {  	s21 =	smulhi.u32 $0x431BDE83, s16;
	s23 =	sld [smem:$0x712]  }
0x92b: {  	[smem:$0x731] =	sst s0  }
0x92c: {  	[smem:$0x734] =	sst s21  }
0x92d: {  	(v2sf) =	vpush v22, $0xE;
	[smem:$0x7D9] =	sst s1  }
0x92e: {  	(v2sf) =	vpush v22, $0xF;
	s1 =	sadd.s32 s26, s25;
	s25 =	sld [smem:$0x713]  }
0x92f: {  	s0 =	sshra.s32 s24, $0x1F;
	s24 =	spop (v2sf);
	s26 =	sld [smem:$0x714]  }
0x930: {  	s0 =	smul.u32 $0x431BDE83, s0;
	[smem:$0x7DB] =	sst s1;
	s1 =	sadd.s32 s31, s29  }
0x931: {  	s28 =	smulhi.u32 $0x431BDE83, s24;
	[smem:$0x7DC] =	sst s1  }
0x932: {  	[smem:$0x733] =	sst s0;
	s0 =	sshra.s32 s16, $0x1F  }
0x933: {  	(v2sf) =	vpush v22, $0x9;
	s1 =	sadd.s32 s18, s17;
	[smem:$0x736] =	sst s28;
	s0 =	smul.u32 $0x431BDE83, s0  }
0x934: {  	(v2sf) =	vpush v22, $0x8;
	s16 =	spop (v2sf);
	[smem:$0x7E0] =	sst s1;
	s1 =	sadd.s32 s23, s22  }
0x935: {  	s21 =	smulhi.u32 $0x431BDE83, s16;
	[smem:$0x735] =	sst s0;
	s0 =	sshra.s32 s24, $0x1F  }
0x936: {  	[smem:$0x7DE] =	sst s1;
	s1 =	sadd.s32 s26, s25;
	s0 =	smul.u32 $0x431BDE83, s0  }
0x937: {  	[smem:$0x7E2] =	sst s1;
	s24 =	spop (v2sf)  }
0x938: {  	s28 =	smulhi.u32 $0x431BDE83, s24;
	[smem:$0x737] =	sst s0;
	s0 =	sshra.s32 s16, $0x1F  }
0x939: {  	[smem:$0x738] =	sst s21;
	s0 =	smul.u32 $0x431BDE83, s0  }
0x93a: {  	[smem:$0x73A] =	sst s28  }
0x93b: {  	[smem:$0x739] =	sst s0;
	s0 =	sshra.s32 s24, $0x1F  }
0x93c: {  	s16 =	spop (v2sf);
	s0 =	smul.u32 $0x431BDE83, s0  }
0x93d: {  	s21 =	smulhi.u32 $0x431BDE83, s16;
	s24 =	spop (v2sf)  }
0x93e: {  	s28 =	smulhi.u32 $0x431BDE83, s24;
	[smem:$0x73B] =	sst s0;
	s0 =	sshra.s32 s16, $0x1F  }
0x93f: {  	[smem:$0x73C] =	sst s21;
	s0 =	smul.u32 $0x431BDE83, s0  }
0x940: {  	(v2sf) =	vpush v22, $0xA;
	[smem:$0x73E] =	sst s28  }
0x941: {  	(v2sf) =	vpush v22, $0xB;
	[smem:$0x73D] =	sst s0;
	s0 =	sshra.s32 s24, $0x1F  }
0x942: {  	(v2sf) =	vpush v22, $0x0;
	s16 =	spop (v2sf);
	s0 =	smul.u32 $0x431BDE83, s0  }
0x943: {  	(v2sf) =	vpush v22, $0x1;
	s21 =	smulhi.u32 $0x431BDE83, s16;
	s24 =	spop (v2sf)  }
0x944: {  	(v2sf) =	vpush v22, $0x2;
	s28 =	smulhi.u32 $0x431BDE83, s24;
	[smem:$0x73F] =	sst s0;
	s0 =	sshra.s32 s16, $0x1F  }
0x945: {  	(v2sf) =	vpush v22, $0x3;
	[smem:$0x740] =	sst s21;
	s0 =	smul.u32 $0x431BDE83, s0  }
0x946: {  	(v2sf) =	vpush v22, $0x4;
	[smem:$0x742] =	sst s28  }
0x947: {  	(v2sf) =	vpush v22, $0x5;
	[smem:$0x741] =	sst s0  }
0x948: {  	s11 =	sadd.s32 s11, s12;
	s1 =	sld [smem:$0x715]  }
0x949: {  	s14 =	sadd.s32 s14, s13;
	[smem:$0x7D6] =	sst s11  }
0x94a: {  	[smem:$0x7E6] =	sst s14  }
0x94b: {  	s29 =	sld [smem:$0x716]  }
0x94c: {  	s16 =	sld [smem:$0x717]  }
0x94d: {  	s17 =	sld [smem:$0x718]  }
0x94e: {  	s21 =	sld [smem:$0x719]  }
0x94f: {  	s22 =	sld [smem:$0x71A]  }
0x950: {  	s0 =	sshra.s32 s24, $0x1F;
	s24 =	sld [smem:$0x71B]  }
0x951: {  	s25 =	sld [smem:$0x71C]  }
0x952: {  	s0 =	smul.u32 $0x431BDE83, s0;
	s28 =	sld [smem:$0x71D]  }
0x953: {  	s31 =	spop (v2sf);
	s11 =	sld [smem:$0x728]  }
0x954: {  	s18 =	smulhi.u32 $0x431BDE83, s31;
	[smem:$0x743] =	sst s0  }
0x955: {  	s23 =	spop (v2sf);
	s0 =	sshra.s32 s31, $0x1F;
	s31 =	sld [smem:$0x71E]  }
0x956: {  	s26 =	smulhi.u32 $0x431BDE83, s23;
	[smem:$0x744] =	sst s18  }
0x957: {  	s18 =	sld [smem:$0x720]  }
0x958: {  	s1 =	sadd.s32 s29, s1;
	[smem:$0x745] =	sst s26  }
0x959: {  	[smem:$0x7E4] =	sst s1  }
0x95a: {  	s1 =	sadd.s32 s17, s16;
	s17 =	sld [smem:$0x71F]  }
0x95b: {  	[smem:$0x7D8] =	sst s1  }
0x95c: {  	s1 =	sadd.s32 s22, s21;
	s21 =	sld [smem:$0x721]  }
0x95d: {  	s3 =	smulhi.u32 $0x431BDE83, s2;
	s22 =	sld [smem:$0x722]  }
0x95e: {  	s29 =	smul.u32 $0x431BDE83, s0;
	[smem:$0x7DA] =	sst s1  }
0x95f: {  	s16 =	spop (v2sf);
	s1 =	sadd.s32 s25, s24;
	s24 =	sld [smem:$0x723]  }
0x960: {  	s0 =	sshra.s32 s23, $0x1F;
	s26 =	smulhi.u32 $0x431BDE83, s16;
	[smem:$0x7DD] =	sst s1  }
0x961: {  	s1 =	sadd.s32 s31, s28;
	s28 =	smul.u32 $0x431BDE83, s0;
	s31 =	sld [smem:$0x724]  }
0x962: {  	s0 =	sshra.s32 s16, $0x1F;
	s16 =	sadd.s32 s5, s9;
	s9 =	sld [smem:$0x727]  }
0x963: {  	s5 =	sadd.s32 s20, s3;
	s20 =	sld [smem:$0x72A]  }
0x964: {  	s3 =	sld [smem:$0x72D]  }
0x965: {  	[smem:$0x7DF] =	sst s1  }
0x966: {  	[smem:$0x7E7] =	sst s16  }
0x967: {  	s23 =	spop (v2sf);
	[smem:$0x7EF] =	sst s5  }
0x968: {  	s1 =	sadd.s32 s18, s17;
	s18 =	sadd.s32 s7, s6;
	s7 =	sld [smem:$0x725]  }
0x969: {  	s12 =	spop (v2sf);
	s5 =	sld [smem:$0x72F]  }
0x96a: {  	s25 =	smul.u32 $0x431BDE83, s0;
	[smem:$0x7E1] =	sst s1  }
0x96b: {  	s0 =	sshra.s32 s23, $0x1F;
	s1 =	sadd.s32 s22, s21;
	[smem:$0x7E9] =	sst s18  }
0x96c: {  	(v2sf) =	vpush v22, $0x6;
	s22 =	smulhi.u32 $0x431BDE83, s12;
	[smem:$0x7E3] =	sst s1;
	s1 =	sadd.s32 s31, s24  }
0x96d: {  	s24 =	smulhi.u32 $0x431BDE83, s23;
	s31 =	sadd.s32 s8, s4;
	s8 =	sld [smem:$0x726]  }
0x96e: {  	(v2sf) =	vpush v22, $0x7;
	s23 =	smul.u32 $0x431BDE83, s0;
	s0 =	sshra.s32 s12, $0x1F;
	s12 =	sld [smem:$0x729]  }
0x96f: {  	[smem:$0x7E5] =	sst s1  }
0x970: {  	s4 =	sadd.s32 s15, s10;
	[smem:$0x7EB] =	sst s31  }
0x971: {  	s17 =	spop (v2sf);
	[smem:$0x7ED] =	sst s4  }
0x972: {  	s18 =	smulhi.u32 $0x431BDE83, s17;
	s1 =	sadd.s32 s7, s30;
	s30 =	sld [smem:$0x72B]  }
0x973: {  	s2 =	spop (v2sf);
	s4 =	sld [smem:$0x72E]  }
0x974: {  	v23 =	vld [tilespmem:$0x1E0];
	s16 =	smulhi.u32 $0x431BDE83, s2;
	s25 =	sadd.s32 s25, s26;
	s7 =	sld [smem:$0x730]  }
0x975: {  	s6 =	spop (v2sf);
	[dreg:$0x1a] =	wrdreg s25  }
0x976: {  	s21 =	smul.u32 $0x431BDE83, s0;
	s0 =	sshra.s32 s17, $0x1F;
	[smem:$0x7F2] =	sst s1  }
0x977: {  	s17 =	smul.u32 $0x431BDE83, s0;
	s0 =	sshra.s32 s2, $0x1F;
	s2 =	sld [smem:$0x72C]  }
0x978: {  	s23 =	sadd.s32 s23, s24;
	s1 =	sadd.s32 s9, s8;
	s9 =	sld [smem:$0x731]  }
0x979: {  	(v2sf) =	vpush v23, $0xD;
	s15 =	smul.u32 $0x431BDE83, s0;
	s0 =	sshra.s32 s6, $0x1F;
	[dreg:$0x19] =	wrdreg s23  }
0x97a: {  	[dreg:$0x1b] =	wrdreg s1;
	s13 =	smul.u32 $0x431BDE83, s0;
	s1 =	sadd.s32 s12, s11  }
0x97b: {  	s10 =	spop (v2sf);
	s17 =	sadd.s32 s17, s18;
	[smem:$0x7EA] =	sst s1  }
0x97c: {  	s12 =	smulhi.u32 $0x431BDE83, s10;
	s1 =	sadd.s32 s30, s20;
	s30 =	sld [smem:$0x732]  }
0x97d: {  	s0 =	sshra.s32 s10, $0x1F;
	s31 =	spop (v2sf);
	[dreg:$0x16] =	wrdreg s17  }
0x97e: {  	(v2sf) =	vpush v23, $0xC;
	[smem:$0x7EC] =	sst s1;
	s10 =	smul.u32 $0x431BDE83, s0  }
0x97f: {  	(v2sf) =	vpush v23, $0xE;
	s11 =	smulhi.u32 $0x431BDE83, s31;
	s0 =	sshra.s32 s31, $0x1F;
	s31 =	sld [smem:$0x733]  }
0x980: {  	s15 =	sadd.s32 s15, s16;
	s1 =	sadd.s32 s3, s2;
	s3 =	sld [smem:$0x734]  }
0x981: {  	[dreg:$0x15] =	wrdreg s15  }
0x982: {  	s14 =	smulhi.u32 $0x431BDE83, s6;
	[smem:$0x7EE] =	sst s1  }
0x983: {  	s1 =	sadd.s32 s5, s4;
	s4 =	sld [smem:$0x735]  }
0x984: {  	(v2sf) =	vpush v23, $0xF;
	s13 =	sadd.s32 s13, s14;
	s5 =	sld [smem:$0x736]  }
0x985: {  	[dreg:$0x13] =	wrdreg s13  }
0x986: {  	s8 =	smul.u32 $0x431BDE83, s0;
	s0 =	sadd.s32 s9, s7;
	[smem:$0x7F0] =	sst s1  }
0x987: {  	[smem:$0x7F1] =	sst s0;
	s0 =	sadd.s32 s31, s30  }
0x988: {  	s6 =	spop (v2sf);
	[smem:$0x7F3] =	sst s0  }
0x989: {  	s9 =	smulhi.u32 $0x431BDE83, s6;
	s20 =	sshra.s32 s6, $0x1F;
	s6 =	sld [smem:$0x737]  }
0x98a: {  	s0 =	sadd.s32 s4, s3;
	s3 =	sld [smem:$0x738]  }
0x98b: {  	s4 =	sld [smem:$0x739]  }
0x98c: {  	[smem:$0x7F4] =	sst s0  }
0x98d: {  	s2 =	spop (v2sf);
	s0 =	sadd.s32 s6, s5;
	s5 =	sld [smem:$0x73A]  }
0x98e: {  	s31 =	spop (v2sf);
	[smem:$0x7E8] =	sst s0  }
0x98f: {  	s6 =	smulhi.u32 $0x431BDE83, s31;
	s0 =	sshra.s32 s31, $0x1F;
	s31 =	sld [smem:$0x73B]  }
0x990: {  	s1 =	sadd.s32 s4, s3;
	s4 =	sld [smem:$0x73C]  }
0x991: {  	s20 =	smul.u32 $0x431BDE83, s20;
	[smem:$0x7F5] =	sst s1  }
0x992: {  	s7 =	smulhi.u32 $0x431BDE83, s2;
	s1 =	sadd.s32 s31, s5;
	s31 =	sld [smem:$0x73D]  }
0x993: {  	(v2sf) =	vpush v23, $0x9;
	s30 =	sshra.s32 s2, $0x1F;
	s2 =	sld [smem:$0x740];
	s3 =	spop (v2sf)  }
0x994: {  	s5 =	smul.u32 $0x431BDE83, s0;
	s0 =	sshra.s32 s3, $0x1F;
	[smem:$0x7F6] =	sst s1  }
0x995: {  	s1 =	sadd.s32 s31, s4;
	s4 =	smulhi.u32 $0x431BDE83, s3;
	s3 =	sld [smem:$0x73E]  }
0x996: {  	(v2sf) =	vpush v23, $0x8;
	s9 =	sadd.s32 s20, s9;
	s31 =	sld [smem:$0x73F]  }
0x997: {  	s30 =	smul.u32 $0x431BDE83, s30;
	[dreg:$0x11] =	wrdreg s9  }
0x998: {  	(v2sf) =	vpush v23, $0xA;
	[smem:$0x7F7] =	sst s1  }
0x999: {  	s7 =	sadd.s32 s30, s7;
	s1 =	sadd.s32 s31, s3;
	s31 =	sld [smem:$0x741]  }
0x99a: {  	(v2sf) =	vpush v23, $0xB;
	[dreg:$0xe] =	wrdreg s7  }
0x99b: {  	[smem:$0x7F8] =	sst s1  }
0x99c: {  	(v2sf) =	vpush v23, $0x0;
	s1 =	sadd.s32 s31, s2;
	s31 =	sld [smem:$0x743]  }
0x99d: {  	[smem:$0x7F9] =	sst s1  }
0x99e: {  	(v2sf) =	vpush v23, $0x1;
	s1 =	sld [smem:$0x742]  }
0x99f: {  	s7 =	sld [smem:$0x74A];
	s5 =	sadd.s32 s5, s6  }
0x9a0: {  	(v2sf) =	vpush v23, $0x2;
	[dreg:$0xd] =	wrdreg s5  }
0x9a1: {  	(v2sf) =	vpush v23, $0x3;
	s1 =	sadd.s32 s31, s1;
	s31 =	sld [smem:$0x744]  }
0x9a2: {  	s3 =	smul.u32 $0x431BDE83, s0;
	s0 =	spop (v2sf)  }
0x9a3: {  	(v2sf) =	vpush v23, $0x4;
	s2 =	smulhi.u32 $0x431BDE83, s0;
	[dreg:$0x1d] =	wrdreg s1  }
0x9a4: {  	s0 =	sshra.s32 s0, $0x1F;
	s29 =	sadd.s32 s29, s31;
	s31 =	sld [smem:$0x745]  }
0x9a5: {  	s1 =	smul.u32 $0x431BDE83, s0;
	s0 =	spop (v2sf);
	(v2sf) =	vpush v23, $0x5  }
0x9a6: {  	s26 =	sadd.s32 s21, s22;
	[dreg:$0x1c] =	wrdreg s29  }
0x9a7: {  	s29 =	smulhi.u32 $0x431BDE83, s0;
	s28 =	sadd.s32 s28, s31;
	s31 =	spop (v2sf)  }
0x9a8: {  	[dreg:$0x1e] =	wrdreg s28;
	s25 =	smulhi.u32 $0x431BDE83, s31;
	s28 =	sshra.s32 s31, $0x1F  }
0x9a9: {  	s3 =	sadd.s32 s3, s4;
	s31 =	spop (v2sf);
	s23 =	smul.u32 $0x431BDE83, s28  }
0x9aa: {  	s4 =	sld [smem:$0x759];
	s21 =	smulhi.u32 $0x431BDE83, s31;
	s28 =	sshra.s32 s31, $0x1F  }
0x9ab: {  	s31 =	spop (v2sf);
	s17 =	smul.u32 $0x431BDE83, s28  }
0x9ac: {  	[dreg:$0xc] =	wrdreg s3;
	s15 =	smulhi.u32 $0x431BDE83, s31;
	s18 =	sshra.s32 s31, $0x1F  }
0x9ad: {  	s22 =	spop (v2sf);
	s13 =	smul.u32 $0x431BDE83, s18;
	s18 =	sadd.s32 s10, s12  }
0x9ae: {  	s10 =	smulhi.u32 $0x431BDE83, s22;
	s24 =	sshra.s32 s22, $0x1F;
	s22 =	sadd.s32 s8, s11  }
0x9af: {  	s28 =	spop (v2sf);
	s23 =	sadd.s32 s23, s25;
	s8 =	smul.u32 $0x431BDE83, s24  }
0x9b0: {  	s9 =	smulhi.u32 $0x431BDE83, s28;
	s11 =	sshra.s32 s28, $0x1F;
	s24 =	spop (v2sf)  }
0x9b1: {  	[dreg:$0xa] =	wrdreg s23;
	s31 =	smul.u32 $0x431BDE83, s11;
	s28 =	sshra.s32 s24, $0x1F  }
0x9b2: {  	s12 =	spop (v2sf);
	s11 =	sadd.s32 s17, s21;
	s30 =	smul.u32 $0x431BDE83, s28  }
0x9b3: {  	s17 =	sld [smem:$0x748];
	s28 =	sadd.s32 s1, s2;
	s1 =	smulhi.u32 $0x431BDE83, s12  }
0x9b4: {  	s14 =	sshra.s32 s12, $0x1F;
	[dreg:$0x9] =	wrdreg s11;
	s20 =	spop (v2sf)  }
0x9b5: {  	s12 =	sadd.s32 s8, s10;
	s25 =	smulhi.u32 $0x431BDE83, s20;
	s2 =	sshra.s32 s20, $0x1F  }
0x9b6: {  	s0 =	sshra.s32 s0, $0x1F;
	[dreg:$0xb] =	wrdreg s12;
	s2 =	smul.u32 $0x431BDE83, s2  }
0x9b7: {  	s0 =	smul.u32 $0x431BDE83, s0;
	s31 =	sadd.s32 s31, s9;
	s9 =	sld [smem:$0x74B]  }
0x9b8: {  	s20 =	sadd.s32 s13, s15;
	s13 =	sadd.s32 s2, s25;
	s25 =	sld [smem:$0x749]  }
0x9b9: {  	[dreg:$0x8] =	wrdreg s13  }
0x9ba: {  	s5 =	smulhi.u32 $0x431BDE83, s24;
	s24 =	sadd.s32 s0, s29;
	s13 =	sld [smem:$0x746]  }
0x9bb: {  	s16 =	smul.u32 $0x431BDE83, s14;
	s21 =	sshra.s32 s17, $0x12;
	s15 =	sld [smem:$0x747]  }
0x9bc: {  	s10 =	sshra.s32 s9, $0x12;
	s11 =	sshrl.u32 s9, $0x1F;
	s12 =	sshra.s32 s9, $0x1F  }
0x9bd: {  	s9 =	sld [smem:$0x750];
	s6 =	sshrl.u32 s25, $0x1F;
	s14 =	sshra.s32 s13, $0x1F  }
0x9be: {  	s29 =	sadd.s32 s16, s1;
	s16 =	sshrl.u32 s15, $0x1F;
	v10 =	vmov s6;
	v43 =	vmov s14;
	s14 =	sld [smem:$0x74C]  }
0x9bf: {  	s8 =	sshrl.u32 s7, $0x1F;
	s3 =	sshra.s32 s17, $0x1F;
	v10 =	vsel vm2, s16, v10;
	s16 =	sld [smem:$0x74D];
	v0 =	vsel vm0, s21, v43  }
0x9c0: {  	(v2sf) =	vpush v23, $0x6;
	s0 =	sshra.s32 s7, $0x12;
	v10 =	vsel vm4, s8, v10;
	s8 =	sld [smem:$0x74E];
	v0 =	vsel vm1, s3, v0  }
0x9c1: {  	s30 =	sadd.s32 s30, s5;
	s23 =	sshrl.u32 s17, $0x1F;
	v0 =	vsel vm2, s10, v0;
	s10 =	sld [smem:$0x74F]  }
0x9c2: {  	v44 =	vmov s23;
	s1 =	sshra.s32 s15, $0x12;
	s3 =	sshra.s32 s25, $0x12;
	s15 =	sshrl.u32 s14, $0x1F  }
0x9c3: {  	v24 =	vnsel vm0, $0x0, v44;
	s17 =	sshra.s32 s16, $0x12;
	s21 =	sshrl.u32 s16, $0x1F;
	s25 =	sshrl.u32 s8, $0x1F  }
0x9c4: {  	s23 =	sshra.s32 s16, $0x1F;
	s16 =	sld [smem:$0x752];
	v0 =	vsel vm3, s12, v0;
	v1 =	vsel vm6, s15, v10;
	v45 =	vmov s25;
	s7 =	sshrl.u32 s10, $0x1F  }
0x9c5: {  	s5 =	sshra.s32 s14, $0x12;
	s14 =	sshra.s32 s9, $0x1F;
	v10 =	vsel vm2, s11, v24;
	v0 =	vsel vm4, s17, v0;
	v24 =	vsel vm2, s7, v45;
	s7 =	sld [smem:$0x751]  }
0x9c6: {  	s11 =	sshrl.u32 s9, $0x1F;
	s12 =	sshra.s32 s9, $0x12;
	s9 =	sld [smem:$0x753];
	v10 =	vsel vm4, s21, v10;
	v0 =	vsel vm5, s23, v0  }
0x9c7: {  	v10 =	vsel vm6, s11, v10;
	s11 =	sld [smem:$0x754];
	v0 =	vsel vm6, s12, v0  }
0x9c8: {  	s17 =	sshrl.u32 s16, $0x1F;
	s25 =	sshra.s32 s16, $0x12;
	v0 =	vsel vm7, s14, v0;
	s15 =	sshrl.u32 s7, $0x1F  }
0x9c9: {  	v46 =	vmov s3;
	s21 =	sshrl.u32 s9, $0x1F;
	s12 =	sshra.s32 s16, $0x1F;
	s14 =	sld [smem:$0x755];
	v0 =	vsel vm8, s25, v0;
	v24 =	vsel vm4, s15, v24  }
0x9ca: {  	s3 =	sld [smem:$0x75C];
	v10 =	vsel vm8, s17, v10;
	s23 =	sshrl.u32 s11, $0x1F;
	v0 =	vsel vm9, s12, v0;
	v2 =	vsel vm6, s21, v24;
	s21 =	sshra.s32 s11, $0x12  }
0x9cb: {  	s16 =	sshra.s32 s8, $0x12;
	v10 =	vsel vm10, s23, v10;
	s23 =	sshra.s32 s7, $0x12;
	s7 =	sshra.s32 s11, $0x1F;
	v0 =	vsel vm10, s21, v0  }
0x9cc: {  	s17 =	sshrl.u32 s13, $0x1F;
	s15 =	sshrl.u32 s14, $0x1F;
	s8 =	sshra.s32 s14, $0x12;
	v0 =	vsel vm12, s7, v0  }
0x9cd: {  	s25 =	sshra.s32 s9, $0x12;
	s9 =	sshra.s32 s14, $0x1F;
	s14 =	sld [smem:$0x756];
	v10 =	vsel vm11, s15, v10;
	v0 =	vsel vm11, s8, v0  }
0x9ce: {  	v63 =	vmovc v3;
	s6 =	sshrl.u32 s4, $0x1F;
	v3 =	vsel vm13, s17, v10;
	v10 =	vsel vm2, s1, v46;
	v0 =	vsel vm14, s9, v0;
	s9 =	sld [smem:$0x758]  }
0x9cf: {  	s2 =	sshra.s32 s10, $0x12;
	s10 =	spop (v2sf);
	v47 =	vmov s16;
	s17 =	sld [smem:$0x757];
	v10 =	vsel vm4, s0, v10  }
0x9d0: {  	s16 =	sshra.s32 s13, $0x12;
	s12 =	sshra.s32 s10, $0x1F;
	s11 =	smulhi.u32 $0x431BDE83, s10;
	v41 =	vsel vm6, s5, v10;
	v10 =	vsel vm2, s2, v47  }
0x9d1: {  	s15 =	sshra.s32 s14, $0x1F;
	s7 =	sld [smem:$0x75A];
	v10 =	vsel vm4, s23, v10;
	s5 =	sshrl.u32 s9, $0x1F  }
0x9d2: {  	v48 =	vmov s15;
	s2 =	smul.u32 $0x431BDE83, s12;
	s21 =	sshra.s32 s17, $0x12;
	v47 =	vsel vm6, s25, v10;
	v10 =	vmov s5;
	s5 =	sld [smem:$0x75B]  }
0x9d3: {  	s15 =	sld [smem:$0x75D];
	s23 =	sshrl.u32 s17, $0x1F;
	v49 =	vsel vm0, s21, v48;
	s25 =	sshra.s32 s17, $0x1F  }
0x9d4: {  	s13 =	sshrl.u32 s3, $0x1F;
	v45 =	vsel vm13, s16, v0;
	v50 =	vmov s23;
	s0 =	sadd.s32 s2, s11;
	v0 =	vsel vm1, s25, v49;
	s25 =	sld [smem:$0x75F]  }
0x9d5: {  	s8 =	sshra.s32 s7, $0x12;
	s10 =	sshrl.u32 s7, $0x1F;
	v24 =	vnsel vm0, $0x0, v50;
	v10 =	vsel vm2, s6, v10;
	s12 =	sshrl.u32 s5, $0x1F  }
0x9d6: {  	s11 =	sshra.s32 s7, $0x1F;
	s16 =	sshrl.u32 s15, $0x1F;
	v0 =	vsel vm2, s8, v0;
	v24 =	vsel vm2, s10, v24;
	s10 =	sld [smem:$0x75E];
	v10 =	vsel vm4, s12, v10  }
0x9d7: {  	s17 =	sshra.s32 s15, $0x12;
	v0 =	vsel vm3, s11, v0;
	s6 =	sshrl.u32 s25, $0x1F;
	v62 =	vsel vm6, s13, v10;
	v10 =	vsel vm4, s16, v24;
	s13 =	sld [smem:$0x761]  }
0x9d8: {  	s21 =	sshra.s32 s15, $0x1F;
	v0 =	vsel vm4, s17, v0;
	v10 =	vsel vm6, s6, v10;
	s6 =	sld [smem:$0x760]  }
0x9d9: {  	v0 =	vsel vm5, s21, v0;
	s12 =	sshra.s32 s25, $0x12  }
0x9da: {  	s23 =	sshrl.u32 s10, $0x1F;
	v0 =	vsel vm6, s12, v0;
	s12 =	sld [smem:$0x763];
	s11 =	sshrl.u32 s13, $0x1F  }
0x9db: {  	v51 =	vmov s23;
	s8 =	sshrl.u32 s6, $0x1F;
	v10 =	vsel vm8, s11, v10;
	s11 =	sld [smem:$0x765]  }
0x9dc: {  	v24 =	vsel vm2, s8, v51;
	s8 =	sld [smem:$0x762]  }
0x9dd: {  	s7 =	sld [smem:$0x764]  }
0x9de: {  	s17 =	sshrl.u32 s12, $0x1F  }
0x9df: {  	s15 =	sshra.s32 s25, $0x1F;
	v10 =	vsel vm10, s17, v10;
	s23 =	sshrl.u32 s11, $0x1F;
	s16 =	sshrl.u32 s8, $0x1F  }
0x9e0: {  	s21 =	sshrl.u32 s7, $0x1F;
	v0 =	vsel vm7, s15, v0;
	s15 =	sshra.s32 s9, $0x12;
	s17 =	sshrl.u32 s14, $0x1F;
	v10 =	vsel vm11, s23, v10;
	v24 =	vsel vm4, s16, v24  }
0x9e1: {  	s1 =	sshra.s32 s5, $0x12;
	v54 =	vsel vm13, s17, v10;
	v10 =	vmov s15;
	v11 =	vsel vm6, s21, v24;
	s21 =	sshra.s32 s4, $0x12  }
0x9e2: {  	s5 =	sshra.s32 s3, $0x12;
	s25 =	sshra.s32 s13, $0x12;
	s23 =	sshra.s32 s10, $0x12;
	v10 =	vsel vm2, s21, v10  }
0x9e3: {  	s2 =	sshra.s32 s6, $0x12;
	s16 =	sshra.s32 s13, $0x1F;
	v52 =	vmov s23;
	s13 =	sld [smem:$0x766];
	v10 =	vsel vm4, s1, v10  }
0x9e4: {  	s6 =	sshra.s32 s8, $0x12;
	s15 =	sld [smem:$0x768];
	v24 =	vsel vm2, s2, v52;
	v10 =	vsel vm6, s5, v10  }
0x9e5: {  	s9 =	sshra.s32 s7, $0x12;
	v0 =	vsel vm8, s25, v0;
	s25 =	sshra.s32 s12, $0x12;
	s8 =	sshra.s32 s11, $0x12;
	[tilespmem:$0x1FD60] =	vst v10;
	v10 =	vsel vm4, s6, v24  }
0x9e6: {  	s10 =	sshra.s32 s11, $0x1F;
	v0 =	vsel vm9, s16, v0;
	s11 =	sshra.s32 s13, $0x1F;
	s5 =	sld [smem:$0x76B];
	v10 =	vsel vm6, s9, v10  }
0x9e7: {  	[smem:$0x7FA] =	sst s0;
	s4 =	sshra.s32 s12, $0x1F;
	v0 =	vsel vm10, s25, v0;
	s16 =	sshra.s32 s15, $0x12;
	[tilespmem:$0x1FD70] =	vst v10;
	v10 =	vmov s11  }
0x9e8: {  	s23 =	sld [smem:$0x769];
	v0 =	vsel vm12, s4, v0;
	s21 =	sshra.s32 s15, $0x1F;
	v10 =	vsel vm0, s16, v10  }
0x9e9: {  	v0 =	vsel vm11, s8, v0;
	s9 =	sld [smem:$0x767];
	s7 =	sshra.s32 s5, $0x12;
	v10 =	vsel vm1, s21, v10  }
0x9ea: {  	v0 =	vsel vm14, s10, v0;
	s6 =	sld [smem:$0x76A];
	s10 =	sshra.s32 s5, $0x1F;
	v10 =	vsel vm2, s7, v10  }
0x9eb: {  	s12 =	sshra.s32 s14, $0x12;
	s17 =	sshrl.u32 s15, $0x1F;
	v10 =	vsel vm3, s10, v10;
	s10 =	sld [smem:$0x76D]  }
0x9ec: {  	s8 =	sshrl.u32 s5, $0x1F;
	s5 =	sld [smem:$0x76C];
	s14 =	sshrl.u32 s9, $0x1F  }
0x9ed: {  	s25 =	sshrl.u32 s23, $0x1F;
	s0 =	sshra.s32 s23, $0x12;
	v0 =	vsel vm13, s12, v0;
	v53 =	vmov s14;
	s14 =	sld [smem:$0x76E]  }
0x9ee: {  	s23 =	sld [smem:$0x770];
	v55 =	vmov s17;
	[tilespmem:$0x1FDC0] =	vst v0;
	s4 =	sshrl.u32 s6, $0x1F;
	v0 =	vsel vm2, s25, v53;
	s12 =	sshrl.u32 s10, $0x1F  }
0x9ef: {  	v24 =	vnsel vm0, $0x0, v55;
	s11 =	sshrl.u32 s5, $0x1F;
	v0 =	vsel vm4, s4, v0;
	v57 =	vmov s12;
	s12 =	sld [smem:$0x772]  }
0x9f0: {  	v56 =	vsel vm2, s8, v24;
	s4 =	sld [smem:$0x76F];
	v0 =	vsel vm6, s11, v0;
	s15 =	sshrl.u32 s14, $0x1F  }
0x9f1: {  	s8 =	sld [smem:$0x771];
	s6 =	sshra.s32 s6, $0x12;
	s25 =	sshrl.u32 s23, $0x1F;
	[tilespmem:$0x1FD80] =	vst v0;
	v0 =	vsel vm4, s15, v56  }
0x9f2: {  	s7 =	sld [smem:$0x773];
	s16 =	sshra.s32 s14, $0x12;
	v0 =	vsel vm6, s25, v0;
	s11 =	sshrl.u32 s12, $0x1F  }
0x9f3: {  	s17 =	sshra.s32 s14, $0x1F;
	v10 =	vsel vm4, s16, v10;
	s21 =	sshrl.u32 s4, $0x1F;
	v0 =	vsel vm8, s11, v0;
	s11 =	sld [smem:$0x774]  }
0x9f4: {  	s14 =	sshra.s32 s23, $0x12;
	v10 =	vsel vm5, s17, v10;
	v24 =	vsel vm2, s21, v57;
	s21 =	sshra.s32 s9, $0x12;
	s9 =	sld [smem:$0x775]  }
0x9f5: {  	s3 =	sshrl.u32 s8, $0x1F;
	s15 =	sshra.s32 s23, $0x1F;
	s16 =	sshrl.u32 s7, $0x1F;
	v10 =	vsel vm6, s14, v10  }
0x9f6: {  	v24 =	vsel vm4, s3, v24;
	v10 =	vsel vm7, s15, v10;
	s15 =	sshrl.u32 s13, $0x1F;
	s25 =	sshra.s32 s12, $0x12;
	s17 =	sshrl.u32 s11, $0x1F  }
0x9f7: {  	[tilespmem:$0x1FD50] =	vst v11;
	v11 =	vsel vm6, s16, v24;
	s14 =	sshra.s32 s12, $0x1F;
	s16 =	sshra.s32 s5, $0x12;
	s23 =	sshrl.u32 s9, $0x1F;
	v0 =	vsel vm10, s17, v0  }
0x9f8: {  	v58 =	vmov s21;
	s5 =	sshra.s32 s7, $0x12;
	s12 =	sld [smem:$0x776];
	v10 =	vsel vm8, s25, v10;
	s25 =	sshra.s32 s8, $0x12;
	v0 =	vsel vm11, s23, v0  }
0x9f9: {  	v59 =	vsel vm2, s0, v58;
	v10 =	vsel vm9, s14, v10;
	s21 =	sshra.s32 s11, $0x12;
	s17 =	sshra.s32 s10, $0x12;
	s10 =	sld [smem:$0x777];
	v0 =	vsel vm13, s15, v0  }
0x9fa: {  	v10 =	vsel vm10, s21, v10;
	v60 =	vmov s17;
	s23 =	sshra.s32 s4, $0x12;
	s4 =	sshra.s32 s11, $0x1F;
	s17 =	sld [smem:$0x779];
	[tilespmem:$0x1FDD0] =	vst v0;
	v0 =	vsel vm4, s6, v59  }
0x9fb: {  	s8 =	sshra.s32 s9, $0x1F;
	v61 =	vsel vm2, s23, v60;
	v10 =	vsel vm12, s4, v10;
	s15 =	sld [smem:$0x778];
	s6 =	sshra.s32 s9, $0x12;
	v0 =	vsel vm6, s16, v0  }
0x9fc: {  	s7 =	sshra.s32 s12, $0x1F;
	s23 =	sld [smem:$0x77A];
	s9 =	sshra.s32 s13, $0x12;
	v10 =	vsel vm11, s6, v10;
	[tilespmem:$0x1FDA0] =	vst v0;
	v0 =	vsel vm4, s25, v61  }
0x9fd: {  	s11 =	sshra.s32 s10, $0x12;
	s13 =	sshrl.u32 s10, $0x1F;
	v26 =	vsel vm14, s8, v10;
	v0 =	vsel vm6, s5, v0;
	s5 =	sld [smem:$0x77B]  }
0x9fe: {  	s14 =	sshra.s32 s10, $0x1F;
	s21 =	sshrl.u32 s17, $0x1F;
	[tilespmem:$0x1FDB0] =	vst v0;
	v0 =	vsel vm13, s9, v26;
	s9 =	sld [smem:$0x77C]  }
0x9ff: {  	v21 =	vmov s7;
	v28 =	vmov s13;
	s16 =	sshrl.u32 s15, $0x1F;
	s0 =	sshra.s32 s15, $0x12;
	s25 =	sshra.s32 s23, $0x12  }
0xa00: {  	v10 =	vsel vm0, s11, v21;
	s6 =	sshrl.u32 s23, $0x1F;
	s7 =	sshra.s32 s23, $0x1F;
	s15 =	sld [smem:$0x77E];
	[tilespmem:$0x1FDE0] =	vst v0;
	v0 =	vnsel vm0, $0x0, v28  }
0xa01: {  	v30 =	vmov s21;
	v10 =	vsel vm1, s14, v10;
	v0 =	vsel vm2, s6, v0;
	s8 =	sshrl.u32 s5, $0x1F;
	s6 =	sld [smem:$0x781];
	s10 =	sshrl.u32 s9, $0x1F  }
0xa02: {  	v24 =	vsel vm2, s16, v30;
	v10 =	vsel vm2, s25, v10;
	s11 =	sshra.s32 s9, $0x12;
	s13 =	sshra.s32 s9, $0x1F;
	s9 =	sld [smem:$0x77F]  }
0xa03: {  	s1 =	sshra.s32 s17, $0x12;
	v10 =	vsel vm3, s7, v10;
	v24 =	vsel vm4, s8, v24;
	s8 =	sld [smem:$0x77D]  }
0xa04: {  	s21 =	sld [smem:$0x780];
	s16 =	sshrl.u32 s15, $0x1F;
	s25 =	sshra.s32 s15, $0x12;
	v10 =	vsel vm4, s11, v10  }
0xa05: {  	s7 =	sshra.s32 s15, $0x1F;
	v0 =	vsel vm4, s10, v0;
	s10 =	sld [smem:$0x785];
	v10 =	vsel vm5, s13, v10;
	s17 =	sshrl.u32 s9, $0x1F  }
0xa06: {  	s11 =	sshrl.u32 s6, $0x1F;
	s13 =	sld [smem:$0x782];
	s14 =	sshrl.u32 s8, $0x1F;
	v10 =	vsel vm6, s25, v10;
	v31 =	vmov s17  }
0xa07: {  	[tilespmem:$0x1FD90] =	vst v11;
	s23 =	sshrl.u32 s21, $0x1F;
	v11 =	vsel vm6, s14, v24;
	v10 =	vsel vm7, s7, v10;
	s17 =	sshra.s32 s21, $0x12;
	v24 =	vsel vm2, s11, v31;
	s11 =	sld [smem:$0x784]  }
0xa08: {  	s3 =	sshra.s32 s5, $0x12;
	v0 =	vsel vm6, s16, v0;
	s7 =	sld [smem:$0x783];
	s21 =	sshra.s32 s21, $0x1F;
	v10 =	vsel vm8, s17, v10  }
0xa09: {  	v0 =	vsel vm8, s23, v0;
	s25 =	sshrl.u32 s12, $0x1F;
	s23 =	sshrl.u32 s10, $0x1F;
	s14 =	sshrl.u32 s13, $0x1F;
	v33 =	vsel vm9, s21, v10;
	v10 =	vmov s1  }
0xa0a: {  	s17 =	sshra.s32 s9, $0x12;
	s9 =	sshra.s32 s12, $0x12;
	v0 =	vsel vm10, s14, v0;
	v10 =	vsel vm2, s0, v10;
	s16 =	sshrl.u32 s11, $0x1F  }
0xa0b: {  	s12 =	sld [smem:$0x787];
	s14 =	sshra.s32 s8, $0x12;
	s15 =	sshrl.u32 s7, $0x1F;
	v10 =	vsel vm4, s3, v10;
	v0 =	vsel vm11, s16, v0  }
0xa0c: {  	s21 =	sshra.s32 s13, $0x1F;
	v24 =	vsel vm4, s15, v24;
	s15 =	sshra.s32 s13, $0x12;
	v10 =	vsel vm6, s14, v10;
	s14 =	sld [smem:$0x788];
	v0 =	vsel vm13, s25, v0  }
0xa0d: {  	v34 =	vmov s17;
	s16 =	sshra.s32 s6, $0x12;
	s25 =	sshra.s32 s10, $0x12;
	s10 =	sld [smem:$0x786];
	[tilespmem:$0x1FE70] =	vst v0;
	v0 =	vsel vm10, s15, v33  }
0xa0e: {  	[tilespmem:$0x1FDF0] =	vst v11;
	v11 =	vsel vm6, s23, v24;
	s23 =	sshra.s32 s7, $0x12;
	s7 =	sshra.s32 s11, $0x12;
	v24 =	vsel vm2, s16, v34;
	s16 =	sld [smem:$0x789];
	v0 =	vsel vm12, s21, v0  }
0xa0f: {  	s8 =	sshra.s32 s11, $0x1F;
	[tilespmem:$0x1FE10] =	vst v10;
	v10 =	vsel vm4, s23, v24;
	s23 =	sld [smem:$0x78A];
	s15 =	sshra.s32 s14, $0x1F;
	v0 =	vsel vm11, s7, v0  }
0xa10: {  	s11 =	sshrl.u32 s10, $0x1F;
	s0 =	sshra.s32 s10, $0x12;
	s10 =	sld [smem:$0x78C];
	v0 =	vsel vm14, s8, v0  }
0xa11: {  	s13 =	sshrl.u32 s12, $0x1F;
	v35 =	vmov s15;
	s21 =	sshra.s32 s16, $0x12;
	s15 =	sld [smem:$0x78D];
	v0 =	vsel vm13, s9, v0  }
0xa12: {  	s2 =	sshra.s32 s12, $0x12;
	v10 =	vsel vm6, s25, v10;
	s7 =	sshra.s32 s16, $0x1F;
	s8 =	sld [smem:$0x78B];
	[tilespmem:$0x1FE80] =	vst v0;
	v0 =	vsel vm0, s21, v35  }
0xa13: {  	[tilespmem:$0x1FE20] =	vst v10;
	s17 =	sshrl.u32 s16, $0x1F;
	v10 =	vmov s13;
	s12 =	sshra.s32 s10, $0x12;
	s21 =	sld [smem:$0x78F];
	v0 =	vsel vm1, s7, v0  }
0xa14: {  	v36 =	vmov s17;
	s25 =	sshrl.u32 s23, $0x1F;
	v10 =	vsel vm2, s11, v10;
	s13 =	sshra.s32 s10, $0x1F;
	s7 =	sld [smem:$0x78E];
	v0 =	vsel vm2, s12, v0  }
0xa15: {  	v24 =	vnsel vm0, $0x0, v36;
	v10 =	vsel vm4, s25, v10;
	s11 =	sshrl.u32 s10, $0x1F;
	s9 =	sshrl.u32 s8, $0x1F;
	v0 =	vsel vm3, s13, v0;
	s13 =	sld [smem:$0x791]  }
0xa16: {  	s16 =	sshrl.u32 s15, $0x1F;
	v24 =	vsel vm2, s11, v24;
	v10 =	vsel vm6, s9, v10;
	s9 =	sld [smem:$0x790]  }
0xa17: {  	(v2sf) =	vpush v23, $0x7;
	s3 =	sshra.s32 s23, $0x12;
	[tilespmem:$0x1FE30] =	vst v10;
	v10 =	vsel vm4, s16, v24;
	s23 =	sshrl.u32 s21, $0x1F  }
0xa18: {  	s17 =	sshrl.u32 s7, $0x1F;
	v10 =	vsel vm6, s23, v10;
	s12 =	sshrl.u32 s13, $0x1F  }
0xa19: {  	v37 =	vmov s17;
	s11 =	sshrl.u32 s9, $0x1F;
	v10 =	vsel vm8, s12, v10;
	s12 =	sld [smem:$0x793]  }
0xa1a: {  	v24 =	vsel vm2, s11, v37;
	s11 =	sld [smem:$0x795]  }
0xa1b: {  	s25 =	sshra.s32 s15, $0x12  }
0xa1c: {  	s10 =	sshra.s32 s15, $0x1F;
	s1 =	sshra.s32 s8, $0x12;
	v0 =	vsel vm4, s25, v0;
	s16 =	sshrl.u32 s12, $0x1F  }
0xa1d: {  	v0 =	vsel vm5, s10, v0;
	s10 =	sld [smem:$0x792];
	s17 =	sshra.s32 s21, $0x12;
	s25 =	sshrl.u32 s11, $0x1F;
	v10 =	vsel vm10, s16, v10  }
0xa1e: {  	s8 =	sld [smem:$0x794];
	s21 =	sshra.s32 s21, $0x1F;
	v0 =	vsel vm6, s17, v0;
	s16 =	sshrl.u32 s14, $0x1F;
	v10 =	vsel vm11, s25, v10  }
0xa1f: {  	s17 =	sshra.s32 s13, $0x12;
	v0 =	vsel vm7, s21, v0;
	s21 =	sshra.s32 s7, $0x12;
	v10 =	vsel vm13, s16, v10  }
0xa20: {  	s6 =	sld [smem:$0x79C];
	s15 =	sshrl.u32 s10, $0x1F;
	v0 =	vsel vm8, s17, v0;
	v38 =	vmov s21;
	s25 =	sshra.s32 s13, $0x1F;
	[tilespmem:$0x1FE90] =	vst v10;
	v10 =	vmov s2  }
0xa21: {  	s23 =	sshrl.u32 s8, $0x1F;
	s7 =	sshra.s32 s8, $0x12;
	v24 =	vsel vm4, s15, v24;
	s8 =	sshra.s32 s12, $0x12;
	v0 =	vsel vm9, s25, v0;
	v10 =	vsel vm2, s0, v10  }
0xa22: {  	[tilespmem:$0x1FE00] =	vst v11;
	s15 =	sshra.s32 s9, $0x12;
	v11 =	vsel vm6, s23, v24;
	s9 =	sshra.s32 s12, $0x1F;
	s13 =	sld [smem:$0x796];
	v0 =	vsel vm10, s8, v0;
	v10 =	vsel vm4, s3, v10  }
0xa23: {  	s23 =	sshra.s32 s10, $0x12;
	v24 =	vsel vm2, s15, v38;
	s10 =	sshra.s32 s11, $0x12;
	s8 =	sld [smem:$0x79A];
	v0 =	vsel vm12, s9, v0;
	v10 =	vsel vm6, s1, v10  }
0xa24: {  	v0 =	vsel vm11, s10, v0;
	s10 =	sld [smem:$0x797];
	[tilespmem:$0x1FE50] =	vst v10;
	v10 =	vsel vm4, s23, v24  }
0xa25: {  	v10 =	vsel vm6, s7, v10;
	s7 =	sld [smem:$0x799]  }
0xa26: {  	s11 =	sshra.s32 s11, $0x1F;
	s12 =	spop (v2sf);
	s23 =	sld [smem:$0x798]  }
0xa27: {  	s14 =	sshra.s32 s14, $0x12;
	s17 =	sshra.s32 s12, $0x1F;
	s21 =	sshrl.u32 s10, $0x1F  }
0xa28: {  	s15 =	sshra.s32 s13, $0x1F;
	v0 =	vsel vm14, s11, v0;
	s11 =	sld [smem:$0x79B];
	v39 =	vmov s21;
	s3 =	sshrl.u32 s7, $0x1F  }
0xa29: {  	s9 =	sshrl.u32 s8, $0x1F;
	v0 =	vsel vm13, s14, v0;
	[tilespmem:$0x1FE60] =	vst v10;
	v10 =	vmov s15;
	s21 =	sld [smem:$0x79E];
	s25 =	sshra.s32 s23, $0x12;
	v40 =	vsel vm2, s3, v39  }
0xa2a: {  	s16 =	smulhi.u32 $0x431BDE83, s12;
	[tilespmem:$0x1FEA0] =	vst v0;
	s4 =	sshra.s32 s23, $0x1F;
	v10 =	vsel vm0, s25, v10;
	v0 =	vsel vm4, s9, v40;
	s9 =	sld [smem:$0x79D]  }
0xa2b: {  	s0 =	smul.u32 $0x431BDE83, s17;
	s12 =	sshra.s32 s11, $0x12;
	v10 =	vsel vm1, s4, v10;
	s4 =	sld [smem:$0x79F]  }
0xa2c: {  	s5 =	sshrl.u32 s23, $0x1F;
	s23 =	sshra.s32 s21, $0x12;
	s25 =	sshrl.u32 s21, $0x1F  }
0xa2d: {  	s1 =	sshra.s32 s21, $0x1F;
	s21 =	sld [smem:$0x7A3];
	s17 =	sshrl.u32 s9, $0x1F  }
0xa2e: {  	v42 =	vmov s5;
	v10 =	vsel vm2, s12, v10;
	s12 =	sld [smem:$0x7A1];
	s5 =	sshrl.u32 s4, $0x1F;
	v44 =	vmov s17  }
0xa2f: {  	s14 =	sshrl.u32 s6, $0x1F;
	s15 =	sshra.s32 s11, $0x1F;
	v24 =	vsel vm2, s5, v44;
	s5 =	sld [smem:$0x7A0]  }
0xa30: {  	s0 =	sadd.s32 s0, s16;
	s6 =	sshra.s32 s6, $0x12;
	s16 =	sshrl.u32 s11, $0x1F;
	v0 =	vsel vm6, s14, v0;
	v43 =	vsel vm3, s15, v10  }
0xa31: {  	v10 =	vnsel vm0, $0x0, v42;
	[tilespmem:$0x1FEB0] =	vst v0;
	v0 =	vsel vm4, s23, v43;
	s23 =	sshrl.u32 s21, $0x1F;
	s14 =	sshrl.u32 s12, $0x1F;
	s15 =	sshra.s32 s12, $0x12  }
0xa32: {  	v10 =	vsel vm2, s16, v10;
	v0 =	vsel vm5, s1, v0;
	s16 =	sshra.s32 s12, $0x1F;
	s1 =	sld [smem:$0x7A2];
	s11 =	sshrl.u32 s5, $0x1F  }
0xa33: {  	v10 =	vsel vm4, s25, v10;
	s25 =	sshra.s32 s10, $0x12;
	s10 =	sshra.s32 s21, $0x12;
	v0 =	vsel vm6, s15, v0;
	v24 =	vsel vm4, s11, v24;
	s11 =	sld [smem:$0x7A4]  }
0xa34: {  	v10 =	vsel vm6, s14, v10;
	s14 =	sshra.s32 s7, $0x12;
	s15 =	sshra.s32 s21, $0x1F;
	v0 =	vsel vm7, s16, v0;
	s16 =	sld [smem:$0x7A5]  }
0xa35: {  	s21 =	sshra.s32 s8, $0x12;
	s7 =	smov.u32 s13;
	s8 =	sshra.s32 s9, $0x12  }
0xa36: {  	v46 =	vmov s25;
	v10 =	vsel vm8, s23, v10;
	s23 =	sshrl.u32 s13, $0x1F;
	s17 =	sshrl.u32 s1, $0x1F;
	v0 =	vsel vm8, s10, v0;
	s3 =	sshrl.u32 s11, $0x1F  }
0xa37: {  	[tilespmem:$0x1FE40] =	vst v11;
	s13 =	sld [smem:$0x7A6];
	v0 =	vsel vm9, s15, v0;
	v11 =	vsel vm6, s17, v24;
	s17 =	sshrl.u32 s16, $0x1F;
	s25 =	sshra.s32 s11, $0x12;
	v10 =	vsel vm10, s3, v10  }
0xa38: {  	s12 =	sshra.s32 s16, $0x12;
	s9 =	sshra.s32 s11, $0x1F;
	v0 =	vsel vm10, s25, v0;
	v10 =	vsel vm11, s17, v10;
	s17 =	sld [smem:$0x7A7]  }
0xa39: {  	s15 =	sshra.s32 s5, $0x12;
	v24 =	vsel vm2, s14, v46;
	s25 =	sshra.s32 s7, $0x12;
	s7 =	sld [smem:$0x7A9];
	v0 =	vsel vm12, s9, v0;
	v10 =	vsel vm13, s23, v10  }
0xa3a: {  	s14 =	sshra.s32 s13, $0x1F;
	s16 =	sshra.s32 s16, $0x1F;
	v0 =	vsel vm11, s12, v0;
	s12 =	sld [smem:$0x7AA];
	[tilespmem:$0x1FF30] =	vst v10;
	v10 =	vsel vm4, s21, v24  }
0xa3b: {  	v48 =	vmov s14;
	v0 =	vsel vm14, s16, v0;
	s16 =	sld [smem:$0x7AC];
	v10 =	vsel vm6, s6, v10;
	s21 =	sshra.s32 s17, $0x12;
	s5 =	sshrl.u32 s17, $0x1F  }
0xa3c: {  	s23 =	sshra.s32 s1, $0x12;
	s1 =	sshra.s32 s17, $0x1F;
	[tilespmem:$0x1FED0] =	vst v10;
	v10 =	vmov s8;
	v24 =	vsel vm0, s21, v48;
	s8 =	sld [smem:$0x7A8];
	v50 =	vmov s5  }
0xa3d: {  	s11 =	sshra.s32 s4, $0x12;
	s10 =	sshrl.u32 s7, $0x1F;
	s5 =	sld [smem:$0x7AB];
	v49 =	vsel vm1, s1, v24;
	v24 =	vnsel vm0, $0x0, v50  }
0xa3e: {  	s9 =	sshra.s32 s7, $0x12;
	v0 =	vsel vm13, s25, v0;
	v10 =	vsel vm2, s11, v10;
	v24 =	vsel vm2, s10, v24;
	s10 =	sld [smem:$0x7AE]  }
0xa3f: {  	[tilespmem:$0x1FF40] =	vst v0;
	s14 =	sshrl.u32 s12, $0x1F;
	s11 =	sshra.s32 s7, $0x1F;
	s7 =	sld [smem:$0x7AF];
	v10 =	vsel vm4, s15, v10;
	v0 =	vsel vm2, s9, v49  }
0xa40: {  	s17 =	sshra.s32 s16, $0x12;
	s1 =	sld [smem:$0x7AD];
	v10 =	vsel vm6, s23, v10;
	s6 =	sshrl.u32 s8, $0x1F;
	v0 =	vsel vm3, s11, v0  }
0xa41: {  	s2 =	sshra.s32 s12, $0x12;
	s23 =	sshra.s32 s16, $0x1F;
	[tilespmem:$0x1FEE0] =	vst v10;
	v10 =	vmov s6;
	v0 =	vsel vm4, s17, v0;
	s6 =	sshrl.u32 s10, $0x1F  }
0xa42: {  	s15 =	sshrl.u32 s5, $0x1F;
	s11 =	sshra.s32 s7, $0x12;
	v10 =	vsel vm2, s14, v10;
	v0 =	vsel vm5, s23, v0;
	v51 =	vmov s6;
	s6 =	sld [smem:$0x7B0]  }
0xa43: {  	s25 =	sshrl.u32 s1, $0x1F;
	s12 =	sshra.s32 s7, $0x1F;
	v10 =	vsel vm4, s15, v10;
	v0 =	vsel vm6, s11, v0;
	s15 =	sld [smem:$0x7B1]  }
0xa44: {  	s21 =	sshrl.u32 s16, $0x1F;
	v10 =	vsel vm6, s25, v10;
	v0 =	vsel vm7, s12, v0;
	s12 =	sld [smem:$0x7B3]  }
0xa45: {  	s9 =	sshrl.u32 s7, $0x1F;
	s11 =	sld [smem:$0x7B5];
	[tilespmem:$0x1FEF0] =	vst v10;
	v10 =	vsel vm4, s21, v24  }
0xa46: {  	s7 =	sld [smem:$0x7B2];
	v10 =	vsel vm6, s9, v10;
	s16 =	sshrl.u32 s15, $0x1F  }
0xa47: {  	s14 =	sshrl.u32 s6, $0x1F;
	v10 =	vsel vm8, s16, v10;
	s21 =	sshrl.u32 s12, $0x1F  }
0xa48: {  	[smem:$0x7FB] =	sst s0;
	s1 =	sshra.s32 s1, $0x12;
	v24 =	vsel vm2, s14, v51;
	s14 =	sshrl.u32 s11, $0x1F;
	v10 =	vsel vm10, s21, v10  }
0xa49: {  	s17 =	sshrl.u32 s7, $0x1F;
	s23 =	sshra.s32 s15, $0x12;
	s16 =	sshrl.u32 s13, $0x1F;
	v10 =	vsel vm11, s14, v10  }
0xa4a: {  	s25 =	sshra.s32 s15, $0x1F;
	s9 =	sld [smem:$0x7B4];
	s15 =	sshra.s32 s8, $0x12;
	v0 =	vsel vm8, s23, v0;
	v10 =	vsel vm13, s16, v10  }
0xa4b: {  	s23 =	sshra.s32 s10, $0x12;
	v24 =	vsel vm4, s17, v24;
	v0 =	vsel vm9, s25, v0;
	s17 =	sshra.s32 s12, $0x12;
	s21 =	sshra.s32 s5, $0x12;
	[tilespmem:$0x1FF50] =	vst v10;
	v10 =	vmov s15  }
0xa4c: {  	s25 =	sshra.s32 s12, $0x1F;
	s5 =	sshra.s32 s6, $0x12;
	v0 =	vsel vm10, s17, v0;
	s14 =	sld [smem:$0x7B7];
	v10 =	vsel vm2, s2, v10  }
0xa4d: {  	s6 =	sshra.s32 s11, $0x12;
	s4 =	sshrl.u32 s9, $0x1F;
	v0 =	vsel vm12, s25, v0;
	v10 =	vsel vm4, s21, v10;
	s21 =	sld [smem:$0x7B9]  }
0xa4e: {  	[tilespmem:$0x1FEC0] =	vst v11;
	s8 =	sshra.s32 s7, $0x12;
	s10 =	sshra.s32 s11, $0x1F;
	v52 =	vmov s23;
	s12 =	sld [smem:$0x7B6];
	v11 =	vsel vm6, s4, v24;
	v0 =	vsel vm11, s6, v0  }
0xa4f: {  	s11 =	sshra.s32 s13, $0x12;
	v24 =	vsel vm2, s5, v52;
	s16 =	sld [smem:$0x7B8];
	v0 =	vsel vm14, s10, v0;
	s15 =	sshra.s32 s14, $0x1F;
	v10 =	vsel vm6, s1, v10  }
0xa50: {  	s9 =	sshra.s32 s9, $0x12;
	v0 =	vsel vm13, s11, v0;
	v53 =	vmov s15;
	s15 =	sld [smem:$0x7BD];
	[tilespmem:$0x1FF10] =	vst v10;
	v10 =	vsel vm4, s8, v24;
	s25 =	sshra.s32 s21, $0x12  }
0xa51: {  	[tilespmem:$0x1FF60] =	vst v0;
	v57 =	vsel vm6, s9, v10;
	s7 =	sshra.s32 s21, $0x1F;
	s9 =	sld [smem:$0x7BB];
	v0 =	vsel vm0, s25, v53  }
0xa52: {  	s13 =	sshrl.u32 s12, $0x1F;
	s0 =	sshra.s32 s12, $0x12;
	v0 =	vsel vm1, s7, v0;
	s7 =	sld [smem:$0x7BA]  }
0xa53: {  	s6 =	sld [smem:$0x7BC];
	s17 =	sshrl.u32 s16, $0x1F;
	s23 =	sshrl.u32 s21, $0x1F  }
0xa54: {  	s3 =	sshra.s32 s16, $0x12;
	s1 =	sld [smem:$0x7C0];
	v10 =	vmov s17;
	s16 =	sshrl.u32 s15, $0x1F;
	v55 =	vmov s23  }
0xa55: {  	s21 =	sld [smem:$0x7BF];
	v10 =	vsel vm2, s13, v10;
	v24 =	vnsel vm0, $0x0, v55;
	s10 =	sshrl.u32 s9, $0x1F;
	s8 =	sshrl.u32 s7, $0x1F  }
0xa56: {  	s13 =	sshrl.u32 s6, $0x1F;
	s11 =	sshra.s32 s9, $0x12;
	v24 =	vsel vm2, s10, v24;
	s10 =	sld [smem:$0x7BE];
	v10 =	vsel vm4, s8, v10  }
0xa57: {  	s25 =	sshra.s32 s15, $0x12;
	s12 =	sshra.s32 s9, $0x1F;
	v0 =	vsel vm2, s11, v0;
	v10 =	vsel vm6, s13, v10;
	s13 =	sld [smem:$0x7C1]  }
0xa58: {  	s5 =	sshra.s32 s1, $0x12;
	s11 =	sshrl.u32 s1, $0x1F;
	s1 =	sld [smem:$0x7D0];
	v0 =	vsel vm3, s12, v0  }
0xa59: {  	s23 =	sshrl.u32 s21, $0x1F;
	s9 =	sshra.s32 s15, $0x1F;
	v0 =	vsel vm4, s25, v0;
	s8 =	sld [smem:$0x7C4];
	[tilespmem:$0x1FF20] =	vst v10;
	v10 =	vsel vm4, s16, v24  }
0xa5a: {  	s17 =	sshrl.u32 s10, $0x1F;
	v0 =	vsel vm5, s9, v0;
	s9 =	sld [smem:$0x7C2];
	v10 =	vsel vm6, s23, v10;
	s12 =	sshrl.u32 s13, $0x1F  }
0xa5b: {  	v56 =	vmov s17;
	s17 =	sshra.s32 s21, $0x12;
	v10 =	vsel vm8, s12, v10;
	s12 =	sld [smem:$0x7C3]  }
0xa5c: {  	s21 =	sshra.s32 s21, $0x1F;
	v24 =	vsel vm2, s11, v56;
	v0 =	vsel vm6, s17, v0;
	s23 =	sshrl.u32 s8, $0x1F;
	s11 =	sld [smem:$0x7C5]  }
0xa5d: {  	s15 =	sshrl.u32 s9, $0x1F;
	v0 =	vsel vm7, s21, v0;
	s17 =	sshra.s32 s13, $0x12;
	s21 =	sshra.s32 s6, $0x12  }
0xa5e: {  	s6 =	sshra.s32 s9, $0x12;
	v24 =	vsel vm4, s15, v24;
	s15 =	sshra.s32 s7, $0x12;
	s16 =	sshrl.u32 s12, $0x1F  }
0xa5f: {  	v0 =	vsel vm8, s17, v0;
	s17 =	sld [smem:$0x7C8];
	s25 =	sshrl.u32 s11, $0x1F;
	v61 =	vsel vm6, s23, v24;
	s23 =	sshra.s32 s10, $0x12;
	v10 =	vsel vm10, s16, v10  }
0xa60: {  	v58 =	vmov s23;
	s23 =	sld [smem:$0x7C9];
	s16 =	sshrl.u32 s14, $0x1F;
	v10 =	vsel vm11, s25, v10;
	s25 =	sshra.s32 s13, $0x1F  }
0xa61: {  	s7 =	sshra.s32 s12, $0x12;
	s9 =	sshra.s32 s12, $0x1F;
	s12 =	sld [smem:$0x7C6];
	v10 =	vsel vm13, s16, v10;
	v0 =	vsel vm9, s25, v0  }
0xa62: {  	[tilespmem:$0x1FF70] =	vst v10;
	v10 =	vmov s3;
	v0 =	vsel vm10, s7, v0;
	s7 =	sld [smem:$0x7CD]  }
0xa63: {  	s8 =	sshra.s32 s8, $0x12;
	s10 =	sshra.s32 s11, $0x12;
	v10 =	vsel vm2, s0, v10;
	v0 =	vsel vm12, s9, v0;
	s9 =	sld [smem:$0x7CA]  }
0xa64: {  	s11 =	sshra.s32 s11, $0x1F;
	s13 =	sshra.s32 s14, $0x12;
	v10 =	vsel vm4, s15, v10;
	v0 =	vsel vm11, s10, v0;
	s15 =	sld [smem:$0x7C7]  }
0xa65: {  	v24 =	vsel vm2, s5, v58;
	s14 =	sshra.s32 s12, $0x1F;
	s25 =	sshra.s32 s23, $0x12;
	s10 =	sld [smem:$0x7CC];
	v0 =	vsel vm14, s11, v0  }
0xa66: {  	s0 =	sshra.s32 s17, $0x12;
	v21 =	vsel vm6, s21, v10;
	v10 =	vsel vm4, s6, v24;
	s21 =	sshrl.u32 s17, $0x1F;
	v0 =	vsel vm13, s13, v0;
	s13 =	sld [smem:$0x7CB]  }
0xa67: {  	s6 =	sshrl.u32 s23, $0x1F;
	v60 =	vsel vm6, s8, v10;
	v10 =	vmov s14;
	s8 =	sshra.s32 s23, $0x1F;
	s11 =	sshrl.u32 s9, $0x1F  }
0xa68: {  	v59 =	vmov s21;
	s4 =	sshra.s32 s9, $0x12;
	s21 =	sshrl.u32 s7, $0x1F;
	s23 =	sld [smem:$0x7CE];
	v10 =	vsel vm0, s25, v10  }
0xa69: {  	s9 =	sld [smem:$0x7CF];
	s16 =	sshrl.u32 s15, $0x1F;
	v10 =	vsel vm1, s8, v10;
	s14 =	sshra.s32 s13, $0x12  }
0xa6a: {  	s2 =	sshra.s32 s15, $0x12;
	v28 =	vsel vm2, s16, v59;
	s16 =	sshra.s32 s13, $0x1F;
	v10 =	vsel vm2, s14, v10;
	s14 =	sld [smem:$0x7D1]  }
0xa6b: {  	v30 =	vmov s6;
	[tilespmem:$0x1FF80] =	vst v0;
	s17 =	sshrl.u32 s10, $0x1F;
	v0 =	vsel vm4, s11, v28;
	s15 =	sshrl.u32 s13, $0x1F;
	s25 =	sshra.s32 s23, $0x12;
	v31 =	vsel vm3, s16, v10  }
0xa6c: {  	s5 =	sshrl.u32 s23, $0x1F;
	s8 =	sshra.s32 s23, $0x1F;
	s23 =	sld [smem:$0x7D3];
	v58 =	vsel vm6, s17, v0;
	v10 =	vnsel vm0, $0x0, v30;
	v0 =	vsel vm4, s25, v31  }
0xa6d: {  	s3 =	sshra.s32 s10, $0x12;
	s10 =	sld [smem:$0x7D4];
	v10 =	vsel vm2, s15, v10;
	v0 =	vsel vm5, s8, v0;
	s16 =	sshra.s32 s14, $0x12  }
0xa6e: {  	v33 =	vmov s21;
	s11 =	sshrl.u32 s9, $0x1F;
	v10 =	vsel vm4, s5, v10;
	s15 =	sshrl.u32 s14, $0x1F;
	v0 =	vsel vm6, s16, v0;
	s16 =	sld [smem:$0x7D5]  }
0xa6f: {  	s13 =	sshrl.u32 s1, $0x1F;
	v24 =	vsel vm2, s11, v33;
	s25 =	sshrl.u32 s23, $0x1F;
	s8 =	sld [smem:$0x7D2];
	v10 =	vsel vm6, s15, v10  }
0xa70: {  	v24 =	vsel vm4, s13, v24;
	s13 =	sshrl.u32 s10, $0x1F;
	s17 =	sshra.s32 s14, $0x1F;
	v10 =	vsel vm8, s25, v10  }
0xa71: {  	s14 =	sshra.s32 s23, $0x12;
	v0 =	vsel vm7, s17, v0;
	v10 =	vsel vm10, s13, v10;
	s17 =	sshrl.u32 s16, $0x1F  }
0xa72: {  	v34 =	vmov s0;
	s15 =	sshra.s32 s23, $0x1F;
	s23 =	sshrl.u32 s12, $0x1F;
	s21 =	sshrl.u32 s8, $0x1F;
	v10 =	vsel vm11, s17, v10  }
0xa73: {  	s0 =	sshra.s32 s9, $0x12;
	s9 =	sld [smem:$0x7DA];
	v55 =	vsel vm6, s21, v24;
	v24 =	vsel vm2, s2, v34;
	v10 =	vsel vm13, s23, v10  }
0xa74: {  	s25 =	sshra.s32 s10, $0x12;
	v0 =	vsel vm8, s14, v0;
	s13 =	sld [smem:$0x7D6];
	s21 =	sshra.s32 s7, $0x12;
	[tilespmem:$0x1FF90] =	vst v10;
	v10 =	vsel vm4, s4, v24  }
0xa75: {  	s5 =	sshra.s32 s8, $0x12;
	s8 =	sshra.s32 s10, $0x1F;
	v0 =	vsel vm9, s15, v0;
	v53 =	vsel vm6, s3, v10;
	v10 =	vmov s21;
	s21 =	sld [smem:$0x7D8]  }
0xa76: {  	s7 =	sshra.s32 s1, $0x12;
	s10 =	sshra.s32 s16, $0x12;
	s11 =	sshra.s32 s16, $0x1F;
	v0 =	vsel vm10, s25, v0  }
0xa77: {  	s15 =	sshra.s32 s12, $0x12;
	s16 =	sld [smem:$0x7D7];
	v0 =	vsel vm12, s8, v0;
	s14 =	sshra.s32 s13, $0x1F;
	v10 =	vsel vm2, s0, v10  }
0xa78: {  	s12 =	sshra.s32 s9, $0x1F;
	v0 =	vsel vm11, s10, v0;
	v35 =	vmov s14;
	v10 =	vsel vm4, s7, v10;
	s7 =	sld [smem:$0x7D9];
	s23 =	sshra.s32 s21, $0x12  }
0xa79: {  	v0 =	vsel vm14, s11, v0;
	s25 =	sshrl.u32 s21, $0x1F;
	s1 =	sshra.s32 s21, $0x1F;
	s21 =	sld [smem:$0x7DD];
	v24 =	vsel vm0, s23, v35  }
0xa7a: {  	s17 =	sshrl.u32 s16, $0x1F;
	s10 =	sshra.s32 s9, $0x12;
	s14 =	sld [smem:$0x7DB];
	v0 =	vsel vm13, s15, v0;
	v36 =	vsel vm1, s1, v24  }
0xa7b: {  	s11 =	sshrl.u32 s9, $0x1F;
	s9 =	sld [smem:$0x7DF];
	s0 =	sshra.s32 s16, $0x12;
	[tilespmem:$0x1FFA0] =	vst v0;
	v0 =	vsel vm2, s10, v36  }
0xa7c: {  	s16 =	sld [smem:$0x7DC];
	v51 =	vsel vm6, s5, v10;
	v37 =	vmov s25;
	s8 =	sshrl.u32 s7, $0x1F;
	s23 =	sshra.s32 s21, $0x12;
	v0 =	vsel vm3, s12, v0  }
0xa7d: {  	s15 =	sshrl.u32 s14, $0x1F;
	v24 =	vnsel vm0, $0x0, v37;
	v10 =	vmov s8;
	s25 =	sshrl.u32 s21, $0x1F;
	s1 =	sshra.s32 s21, $0x1F;
	v0 =	vsel vm4, s23, v0  }
0xa7e: {  	v24 =	vsel vm2, s11, v24;
	s10 =	sshrl.u32 s9, $0x1F;
	s11 =	sshra.s32 s9, $0x12;
	v10 =	vsel vm2, s17, v10;
	v0 =	vsel vm5, s1, v0;
	s1 =	sld [smem:$0x7DE]  }
0xa7f: {  	s17 =	sshrl.u32 s16, $0x1F;
	s12 =	sshra.s32 s9, $0x1F;
	s9 =	sld [smem:$0x7E0];
	v10 =	vsel vm4, s15, v10  }
0xa80: {  	s15 =	sld [smem:$0x7E1];
	v59 =	vsel vm6, s17, v10;
	v10 =	vsel vm4, s25, v24  }
0xa81: {  	v10 =	vsel vm6, s10, v10;
	v0 =	vsel vm6, s11, v0;
	s10 =	sld [smem:$0x7E2];
	s8 =	sshrl.u32 s1, $0x1F  }
0xa82: {  	s3 =	sshra.s32 s14, $0x12;
	s14 =	sshrl.u32 s9, $0x1F;
	v0 =	vsel vm7, s12, v0;
	s12 =	sld [smem:$0x7E3];
	v38 =	vmov s8  }
0xa83: {  	s2 =	sshra.s32 s16, $0x12;
	s4 =	sshra.s32 s7, $0x12;
	v24 =	vsel vm2, s14, v38;
	s14 =	sld [smem:$0x7E5]  }
0xa84: {  	s16 =	sshrl.u32 s15, $0x1F;
	s23 =	sshra.s32 s15, $0x12;
	s25 =	sshra.s32 s15, $0x1F  }
0xa85: {  	v10 =	vsel vm8, s16, v10;
	v0 =	vsel vm8, s23, v0;
	s23 =	sshra.s32 s1, $0x12;
	s8 =	sld [smem:$0x7E4];
	s21 =	sshrl.u32 s12, $0x1F  }
0xa86: {  	s17 =	sshrl.u32 s10, $0x1F;
	s1 =	sshra.s32 s12, $0x1F;
	v10 =	vsel vm10, s21, v10;
	s15 =	sshrl.u32 s14, $0x1F  }
0xa87: {  	v0 =	vsel vm9, s25, v0;
	v24 =	vsel vm4, s17, v24;
	s17 =	sshrl.u32 s13, $0x1F;
	s21 =	sshra.s32 s12, $0x12;
	s12 =	sld [smem:$0x7E6];
	v10 =	vsel vm11, s15, v10  }
0xa88: {  	s11 =	sshrl.u32 s8, $0x1F;
	v0 =	vsel vm10, s21, v0;
	s21 =	sld [smem:$0x7E9];
	v56 =	vsel vm13, s17, v10;
	v10 =	vmov s4  }
0xa89: {  	s16 =	sshra.s32 s9, $0x12;
	s25 =	sshra.s32 s10, $0x12;
	v39 =	vmov s23;
	v52 =	vsel vm6, s11, v24;
	s15 =	sld [smem:$0x7E7];
	v10 =	vsel vm2, s0, v10  }
0xa8a: {  	v0 =	vsel vm12, s1, v0;
	s9 =	sshra.s32 s14, $0x12;
	s10 =	sshra.s32 s14, $0x1F;
	v24 =	vsel vm2, s16, v39;
	s14 =	sld [smem:$0x7E8];
	v10 =	vsel vm4, s3, v10  }
0xa8b: {  	s8 =	sshra.s32 s8, $0x12;
	v0 =	vsel vm11, s9, v0;
	v44 =	vsel vm6, s2, v10;
	v10 =	vsel vm4, s25, v24;
	s25 =	sld [smem:$0x7EA]  }
0xa8c: {  	s11 =	sshra.s32 s13, $0x12;
	s1 =	sld [smem:$0x7F2];
	v0 =	vsel vm14, s10, v0;
	s16 =	sshrl.u32 s15, $0x1F  }
0xa8d: {  	s13 =	sshrl.u32 s12, $0x1F;
	s23 =	sshrl.u32 s21, $0x1F;
	v50 =	vsel vm13, s11, v0;
	s11 =	sld [smem:$0x7EB];
	v43 =	vsel vm6, s8, v10;
	v10 =	vmov s16  }
0xa8e: {  	s17 =	sshra.s32 s14, $0x1F;
	v10 =	vsel vm2, s13, v10;
	s13 =	sld [smem:$0x7EC];
	s7 =	sshrl.u32 s25, $0x1F  }
0xa8f: {  	s9 =	sshra.s32 s25, $0x12;
	s10 =	sshra.s32 s25, $0x1F;
	s25 =	sld [smem:$0x7EE]  }
0xa90: {  	s0 =	sshra.s32 s12, $0x12;
	s6 =	sshra.s32 s15, $0x12;
	v40 =	vmov s17;
	s2 =	sshra.s32 s21, $0x12;
	v42 =	vmov s7  }
0xa91: {  	s21 =	sld [smem:$0x7ED];
	s12 =	sshrl.u32 s11, $0x1F;
	v0 =	vsel vm0, s9, v40;
	v24 =	vnsel vm0, $0x0, v42;
	s15 =	sshrl.u32 s13, $0x1F  }
0xa92: {  	s4 =	sshra.s32 s11, $0x12;
	s11 =	sld [smem:$0x7F4];
	v10 =	vsel vm4, s23, v10;
	v0 =	vsel vm1, s10, v0;
	v24 =	vsel vm2, s15, v24;
	s10 =	sshrl.u32 s25, $0x1F  }
0xa93: {  	v48 =	vsel vm6, s12, v10;
	v10 =	vsel vm4, s10, v24;
	s10 =	sld [smem:$0x7EF]  }
0xa94: {  	s9 =	sld [smem:$0x7F0]  }
0xa95: {  	s8 =	sld [smem:$0x7F8];
	s23 =	sshrl.u32 s21, $0x1F;
	s16 =	sshra.s32 s13, $0x12  }
0xa96: {  	s3 =	sshra.s32 s21, $0x12;
	s17 =	sshra.s32 s13, $0x1F;
	v0 =	vsel vm2, s16, v0;
	s12 =	sshrl.u32 s10, $0x1F  }
0xa97: {  	s15 =	sshra.s32 s25, $0x12;
	v0 =	vsel vm3, s17, v0;
	s13 =	sshrl.u32 s9, $0x1F;
	v46 =	vmov s12;
	s12 =	sld [smem:$0x7F1]  }
0xa98: {  	s21 =	sshrl.u32 s1, $0x1F;
	s16 =	sshra.s32 s25, $0x1F;
	v10 =	vsel vm6, s13, v10;
	v0 =	vsel vm4, s15, v0;
	s13 =	sld [smem:$0x7F3]  }
0xa99: {  	s7 =	sshra.s32 s1, $0x12;
	s25 =	sshra.s32 s9, $0x12;
	s15 =	rddreg [dreg:$0x1b];
	v0 =	vsel vm5, s16, v0  }
0xa9a: {  	s9 =	sshra.s32 s9, $0x1F;
	s16 =	sshrl.u32 s15, $0x1F;
	v0 =	vsel vm6, s25, v0;
	v24 =	vsel vm2, s23, v46;
	s17 =	sshrl.u32 s12, $0x1F  }
0xa9b: {  	v49 =	vsel vm7, s9, v0;
	s23 =	sshrl.u32 s13, $0x1F;
	v24 =	vsel vm4, s21, v24;
	s21 =	sshra.s32 s10, $0x12;
	s25 =	sshra.s32 s12, $0x12;
	v10 =	vsel vm8, s17, v10  }
0xa9c: {  	v42 =	vsel vm6, s16, v24;
	s10 =	sshra.s32 s12, $0x1F;
	s12 =	sshra.s32 s13, $0x12;
	s17 =	sshrl.u32 s11, $0x1F;
	v24 =	vsel vm8, s25, v49;
	v10 =	vsel vm10, s23, v10  }
0xa9d: {  	v0 =	vmov s21;
	s21 =	sshra.s32 s14, $0x12;
	s23 =	sshrl.u32 s14, $0x1F;
	v24 =	vsel vm9, s10, v24;
	s14 =	rddreg [dreg:$0x1d];
	v10 =	vsel vm11, s17, v10  }
0xa9e: {  	s9 =	sshra.s32 s15, $0x12;
	s15 =	sshra.s32 s13, $0x1F;
	v24 =	vsel vm10, s12, v24;
	s12 =	sld [smem:$0x7F9];
	v46 =	vsel vm13, s23, v10;
	v10 =	vmov s6  }
0xa9f: {  	s16 =	sshra.s32 s11, $0x12;
	s17 =	sshra.s32 s11, $0x1F;
	s23 =	sld [smem:$0x7F5];
	v10 =	vsel vm2, s0, v10  }
0xaa0: {  	v25 =	vsel vm2, s3, v0;
	s11 =	sshrl.u32 s8, $0x1F;
	v24 =	vsel vm12, s15, v24;
	s6 =	sld [smem:$0x7F7];
	s15 =	sshrl.u32 s14, $0x1F;
	v10 =	vsel vm4, s2, v10  }
0xaa1: {  	[tilespmem:$0x1FF00] =	vst v11;
	v11 =	vld [tilespmem:$0x1F0];
	s13 =	sshrl.u32 s12, $0x1F;
	s0 =	sshra.s32 s12, $0x12;
	v40 =	vsel vm6, s4, v10;
	v10 =	vsel vm4, s7, v25;
	s4 =	sld [smem:$0x7F6]  }
0xaa2: {  	s25 =	sshrl.u32 s23, $0x1F;
	s3 =	sshra.s32 s23, $0x12;
	v39 =	vsel vm6, s9, v10;
	v10 =	vsel vm11, s16, v24;
	s16 =	rddreg [dreg:$0x1c]  }
0xaa3: {  	s7 =	sshrl.u32 s6, $0x1F;
	v10 =	vsel vm14, s17, v10;
	s9 =	sshrl.u32 s16, $0x1F;
	s17 =	rddreg [dreg:$0x1e]  }
0xaa4: {  	s2 =	sshra.s32 s16, $0x12;
	s16 =	rddreg [dreg:$0x19];
	s5 =	sshrl.u32 s4, $0x1F  }
0xaa5: {  	s10 =	sshra.s32 s4, $0x12;
	s4 =	sshra.s32 s8, $0x12;
	v38 =	vsel vm13, s21, v10;
	s21 =	rddreg [dreg:$0x1a];
	v28 =	vmov s5  }
0xaa6: {  	(v2sf) =	vpush v11, $0xD;
	v30 =	vmov s15;
	s8 =	sshra.s32 s14, $0x12;
	s14 =	sshra.s32 s22, $0x1F;
	s23 =	sshrl.u32 s21, $0x1F;
	v10 =	vsel vm2, s25, v28  }
0xaa7: {  	s12 =	sshrl.u32 s17, $0x1F;
	s5 =	sshra.s32 s17, $0x12;
	v33 =	vmov s14;
	s25 =	sshra.s32 s21, $0x12;
	v31 =	vmov s23;
	v10 =	vsel vm4, s7, v10  }
0xaa8: {  	s15 =	sshra.s32 s21, $0x1F;
	s17 =	sshrl.u32 s16, $0x1F;
	s14 =	rddreg [dreg:$0x15];
	v25 =	vsel vm0, s25, v33;
	v24 =	vnsel vm0, $0x0, v31;
	v37 =	vsel vm6, s11, v10  }
0xaa9: {  	s21 =	sshra.s32 s16, $0x12;
	s23 =	sshrl.u32 s26, $0x1F;
	s25 =	rddreg [dreg:$0x16];
	v10 =	vsel vm2, s13, v30;
	v24 =	vsel vm2, s17, v24;
	v25 =	vsel vm1, s15, v25  }
0xaaa: {  	s7 =	sshra.s32 s26, $0x1F;
	s11 =	sshra.s32 s16, $0x1F;
	s1 =	sshrl.u32 s25, $0x1F;
	v10 =	vsel vm4, s9, v10;
	v24 =	vsel vm4, s23, v24;
	v25 =	vsel vm2, s21, v25  }
0xaab: {  	s16 =	sshra.s32 s26, $0x12;
	s21 =	sshrl.u32 s14, $0x1F;
	s23 =	rddreg [dreg:$0x13];
	v36 =	vsel vm6, s12, v10;
	v10 =	vsel vm6, s1, v24;
	v34 =	vsel vm3, s11, v25  }
0xaac: {  	s17 =	sshra.s32 s25, $0x12;
	s9 =	sshra.s32 s25, $0x1F;
	s25 =	sshrl.u32 s23, $0x1F;
	v10 =	vsel vm8, s21, v10;
	v24 =	vsel vm4, s16, v34  }
0xaad: {  	s26 =	sshrl.u32 s18, $0x1F;
	v10 =	vsel vm10, s25, v10;
	v24 =	vsel vm5, s7, v24  }
0xaae: {  	s6 =	sshra.s32 s6, $0x12;
	v35 =	vmov s10;
	s15 =	sshra.s32 s14, $0x12;
	s11 =	sshrl.u32 s22, $0x1F;
	v10 =	vsel vm11, s26, v10;
	v24 =	vsel vm6, s17, v24  }
0xaaf: {  	s12 =	sshra.s32 s14, $0x1F;
	v25 =	vsel vm2, s3, v35;
	s1 =	sshra.s32 s22, $0x12;
	s22 =	rddreg [dreg:$0xd];
	v35 =	vsel vm13, s11, v10;
	v10 =	vsel vm7, s9, v24  }
0xab0: {  	s13 =	sshra.s32 s23, $0x12;
	s10 =	sshra.s32 s23, $0x1F;
	s23 =	rddreg [dreg:$0xc];
	v10 =	vsel vm8, s15, v10  }
0xab1: {  	v49 =	vmov s8;
	s8 =	sshrl.u32 s24, $0x1F;
	v25 =	vsel vm4, s6, v25;
	s21 =	rddreg [dreg:$0xe];
	s25 =	sshrl.u32 s20, $0x1F;
	v10 =	vsel vm9, s12, v10  }
0xab2: {  	s16 =	sshra.s32 s18, $0x12;
	s18 =	sshra.s32 s18, $0x1F;
	v0 =	vmov s25;
	v24 =	vsel vm2, s0, v49;
	s0 =	rddreg [dreg:$0xb];
	v10 =	vsel vm10, s13, v10  }
0xab3: {  	v34 =	vsel vm6, s4, v25;
	s7 =	sshra.s32 s22, $0x12;
	s17 =	rddreg [dreg:$0x11];
	v25 =	vnsel vm0, $0x0, v0;
	s12 =	sshrl.u32 s0, $0x1F;
	v10 =	vsel vm12, s10, v10  }
0xab4: {  	s4 =	sshra.s32 s23, $0x12;
	s26 =	rddreg [dreg:$0xa];
	v24 =	vsel vm4, s2, v24;
	s2 =	sshrl.u32 s31, $0x1F;
	v25 =	vsel vm2, s12, v25;
	v10 =	vsel vm11, s16, v10  }
0xab5: {  	s14 =	sshrl.u32 s17, $0x1F;
	s3 =	sshra.s32 s17, $0x12;
	s12 =	sshrl.u32 s30, $0x1F;
	v28 =	vsel vm4, s2, v25;
	v10 =	vsel vm14, s18, v10  }
0xab6: {  	s17 =	sshrl.u32 s21, $0x1F;
	s11 =	sshra.s32 s21, $0x12;
	v31 =	vsel vm6, s5, v24;
	v24 =	vsel vm6, s12, v28;
	v33 =	vsel vm13, s1, v10;
	s1 =	sshrl.u32 s29, $0x1F  }
0xab7: {  	s21 =	sshrl.u32 s22, $0x1F;
	s22 =	sshrl.u32 s28, $0x1F;
	v10 =	vmov s17;
	v24 =	vsel vm8, s1, v24;
	s1 =	rddreg [dreg:$0x8]  }
0xab8: {  	v30 =	vmov s8;
	s15 =	sshrl.u32 s23, $0x1F;
	s23 =	spop (v2sf);
	v10 =	vsel vm2, s14, v10;
	s2 =	sshrl.u32 s1, $0x1F  }
0xab9: {  	s5 =	sshra.s32 s23, $0x1F;
	s13 =	sshrl.u32 s26, $0x1F;
	v25 =	vsel vm2, s22, v30;
	v10 =	vsel vm4, s21, v10;
	v24 =	vsel vm10, s2, v24;
	s2 =	sld [smem:$0x7FA]  }
0xaba: {  	v49 =	vcombine.low v47, v41;
	v47 =	vld [tilespmem:$0x1FD50];
	v28 =	vsel vm6, s15, v10;
	v10 =	vsel vm4, s13, v25;
	s13 =	smul.u32 $0x431BDE83, s5;
	s5 =	sld [smem:$0x7FB]  }
0xabb: {  	_ = 	snop  }
0xabc: {  	s21 =	sshrl.u32 s2, $0x1F  }
0xabd: {  	s22 =	sshrl.u32 s5, $0x1F;
	v24 =	vsel vm11, s21, v24  }
0xabe: {  	v45 =	vperm.xlane v45, v32;
	v30 =	vsel vm13, s22, v24;
	v24 =	vcombine.low v2, v1  }
0xabf: {  	v0 =	vperm.xlane v49, v63;
	v47 =	vcombine.low v47, v62  }
0xac0: {  	v2 =	vperm.xlane v3, v32;
	v24 =	vperm.xlane v24, v63  }
0xac1: {  	v41 =	vld [tilespmem:$0x1FD60];
	v62 =	vperm.xlane v54, v32  }
0xac2: {  	v54 =	vld [tilespmem:$0x1FD70];
	v24 =	vsel vm15, v2, v24;
	v2 =	vsel vm15, v45, v0;
	v45 =	vperm.xlane v47, v63  }
0xac3: {  	v47 =	vld [tilespmem:$0x1FD90]  }
0xac4: {  	v45 =	vsel vm15, v62, v45;
	v62 =	vld [tilespmem:$0x1FD80]  }
0xac5: {  	(v2sf) =	vpush v11, $0xC;
	_ =	sdelay $0x2  }
0xac6: {  	v41 =	vcombine.low v54, v41;
	v54 =	vld [tilespmem:$0x1FDA0]  }
0xac7: {  	v47 =	vcombine.low v47, v62;
	v62 =	vld [tilespmem:$0x1FDB0];
	_ =	sdelay $0x3  }
0xac8: {  	(v2sf) =	vpush v11, $0xE  }
0xac9: {  	(v2sf) =	vpush v11, $0xF;
	v62 =	vcombine.low v62, v54;
	v54 =	vld [tilespmem:$0x1FDC0]  }
0xaca: {  	(v2sf) =	vpush v11, $0x9;
	s10 =	rddreg [dreg:$0x9]  }
0xacb: {  	(v2sf) =	vpush v11, $0x8;
	s18 =	sshrl.u32 s10, $0x1F  }
0xacc: {  	(v2sf) =	vpush v11, $0xA;
	v25 =	vsel vm6, s18, v10;
	s18 =	sshra.s32 s5, $0x1F  }
0xacd: {  	(v2sf) =	vpush v11, $0xB;
	s9 =	smulhi.u32 $0x431BDE83, s23;
	s23 =	sshra.s32 s20, $0x12;
	v10 =	vmov s11;
	v26 =	vmov s18  }
0xace: {  	s20 =	sshra.s32 s20, $0x1F;
	v41 =	vperm.xlane v41, v63;
	v26 =	vsel vm0, s23, v26;
	v0 =	vld [tilespmem:$0x1FDD0];
	v54 =	vperm.xlane v54, v32  }
0xacf: {  	(v2sf) =	vpush v11, $0x0;
	s6 =	sshra.s32 s24, $0x12;
	s24 =	spop (v2sf);
	v10 =	vsel vm2, s3, v10;
	s21 =	sshra.s32 s0, $0x12;
	v26 =	vsel vm1, s20, v26  }
0xad0: {  	s11 =	smulhi.u32 $0x431BDE83, s24;
	s24 =	sshra.s32 s24, $0x1F;
	s22 =	sshra.s32 s0, $0x1F;
	v26 =	vsel vm2, s21, v26;
	v41 =	vsel vm15, v54, v41;
	v54 =	vperm.xlane v62, v63;
	v62 =	vld [tilespmem:$0x1FDE0]  }
0xad1: {  	s28 =	sshra.s32 s28, $0x12;
	s15 =	smul.u32 $0x431BDE83, s24;
	s24 =	sshra.s32 s31, $0x12;
	v10 =	vsel vm4, s7, v10;
	v1 =	vmov s6;
	v26 =	vsel vm3, s22, v26  }
0xad2: {  	v49 =	vsel vm6, s4, v10;
	v10 =	vsel vm4, s24, v26;
	v26 =	vsel vm2, s28, v1  }
0xad3: {  	v24 =	vadd.s32 v24, v2;
	v1 =	vperm.xlane v0, v32;
	v47 =	vperm.xlane v47, v63  }
0xad4: {  	(v2sf) =	vpush v11, $0x1;
	v24 =	vmul.u32 $0xF4240, v24  }
0xad5: {  	(v2sf) =	vpush v11, $0x2;
	v1 =	vsel vm15, v1, v47;
	v47 =	vld [tilespmem:$0x1FE00];
	v62 =	vperm.xlane v62, v32  }
0xad6: {  	(v2sf) =	vpush v11, $0x3;
	v27 =	vsub.s32 v27, v24;
	v24 =	vadd.s32 v45, v41;
	v45 =	vld [tilespmem:$0x1FDF0]  }
0xad7: {  	v41 =	vsel vm15, v62, v54;
	v54 =	vld [tilespmem:$0x1FE10]  }
0xad8: {  	v62 =	vld [tilespmem:$0x1FE20]  }
0xad9: {  	s25 =	spop (v2sf);
	s26 =	sshra.s32 s26, $0x12  }
0xada: {  	[smem:$0x7FC] =	sst s26;
	s26 =	spop (v2sf)  }
0xadb: {  	s16 =	spop (v2sf)  }
0xadc: {  	s12 =	spop (v2sf);
	v1 =	vadd.s32 v1, v41;
	v41 =	vld [tilespmem:$0x1FE30]  }
0xadd: {  	s17 =	sshra.s32 s10, $0x12;
	s8 =	spop (v2sf);
	v45 =	vcombine.low v47, v45;
	v47 =	vcombine.low v62, v54;
	v54 =	vld [tilespmem:$0x1FE40]  }
0xade: {  	[smem:$0x7FD] =	sst s17;
	s14 =	smulhi.u32 $0x431BDE83, s25  }
0xadf: {  	s10 =	spop (v2sf);
	s3 =	smulhi.u32 $0x431BDE83, s26  }
0xae0: {  	s7 =	sshra.s32 s30, $0x12;
	s18 =	spop (v2sf);
	s23 =	sshra.s32 s25, $0x1F  }
0xae1: {  	s0 =	sshra.s32 s30, $0x1F;
	s30 =	sshra.s32 s12, $0x1F;
	s17 =	smul.u32 $0x431BDE83, s23;
	v62 =	vld [tilespmem:$0x1FE50]  }
0xae2: {  	(v2sf) =	vpush v11, $0x4;
	s25 =	sshra.s32 s31, $0x1F;
	s31 =	sshra.s32 s26, $0x1F;
	s20 =	smul.u32 $0x431BDE83, s30;
	v41 =	vcombine.low v54, v41;
	v54 =	vld [tilespmem:$0x1FE60]  }
0xae3: {  	(v2sf) =	vpush v11, $0x5;
	s26 =	sshra.s32 s16, $0x1F;
	s21 =	smulhi.u32 $0x431BDE83, s16;
	s24 =	spop (v2sf)  }
0xae4: {  	(v2sf) =	vpush v11, $0x6;
	s23 =	sshra.s32 s29, $0x12;
	s22 =	smul.u32 $0x431BDE83, s31;
	v10 =	vsel vm5, s25, v10;
	s6 =	spop (v2sf)  }
0xae5: {  	s31 =	sshra.s32 s29, $0x1F;
	s29 =	smulhi.u32 $0x431BDE83, s8;
	v10 =	vsel vm6, s7, v10;
	s16 =	spop (v2sf);
	(v2sf) =	vpush v11, $0x7  }
0xae6: {  	s28 =	sshra.s32 s1, $0x1F;
	s25 =	smul.u32 $0x431BDE83, s26;
	v10 =	vsel vm7, s0, v10  }
0xae7: {  	v3 =	vld [tilespmem:$0x1FE90];
	s26 =	smulhi.u32 $0x431BDE83, s12;
	s7 =	sshra.s32 s1, $0x12;
	s1 =	sshra.s32 s8, $0x1F;
	v10 =	vsel vm8, s23, v10;
	v24 =	vmul.u32 $0xF4240, v24;
	v54 =	vcombine.low v54, v62  }
0xae8: {  	s12 =	sshra.s32 s2, $0x1F;
	s23 =	sshra.s32 s2, $0x12;
	s2 =	smul.u32 $0x431BDE83, s1;
	v10 =	vsel vm9, s31, v10;
	v62 =	vld [tilespmem:$0x1FE70]  }
0xae9: {  	v10 =	vsel vm10, s7, v10;
	s7 =	sadd.s32 s15, s11;
	s11 =	sadd.s32 s20, s26;
	s20 =	smulhi.u32 $0x431BDE83, s6;
	v12 =	vsub.s32 v12, v24;
	v24 =	vperm.xlane v54, v63;
	v54 =	vld [tilespmem:$0x1FEA0]  }
0xaea: {  	s26 =	sshra.s32 s6, $0x1F;
	s6 =	sadd.s32 s2, s29;
	s29 =	sld [smem:$0x7FC]  }
0xaeb: {  	v52 =	vcombine.low v52, v59;
	v59 =	vcombine.low v42, v48;
	v0 =	vld [tilespmem:$0x1FE80];
	v10 =	vsel vm12, s28, v10;
	s28 =	sld [smem:$0x7FD]  }
0xaec: {  	v3 =	vperm.xlane v3, v32;
	v45 =	vperm.xlane v45, v63  }
0xaed: {  	v42 =	vld [tilespmem:$0x1FFB0];
	v26 =	vsel vm4, s29, v26;
	v2 =	vperm.xlane v41, v63;
	v62 =	vperm.xlane v62, v32  }
0xaee: {  	s4 =	sadd.s32 s17, s14;
	s17 =	sadd.s32 s22, s3;
	s22 =	smulhi.u32 $0x431BDE83, s24;
	v41 =	vsel vm6, s28, v26;
	v26 =	vperm.xlane v54, v32;
	v54 =	vld [tilespmem:$0x1FEB0]  }
0xaef: {  	s8 =	sadd.s32 s13, s9;
	s9 =	smulhi.u32 $0x431BDE83, s10;
	s10 =	sshra.s32 s10, $0x1F;
	v62 =	vsel vm15, v62, v45;
	v45 =	vsel vm15, v3, v2;
	v3 =	vld [tilespmem:$0x1FEC0]  }
0xaf0: {  	s24 =	sshra.s32 s24, $0x1F;
	s10 =	smul.u32 $0x431BDE83, s10;
	v0 =	vperm.xlane v0, v32;
	v47 =	vperm.xlane v47, v63  }
0xaf1: {  	s0 =	sadd.s32 s25, s21;
	s21 =	smul.u32 $0x431BDE83, s24;
	s30 =	spop (v2sf)  }
0xaf2: {  	s24 =	smul.u32 $0x431BDE83, s26;
	s26 =	spop (v2sf);
	v0 =	vsel vm15, v0, v47  }
0xaf3: {  	v60 =	vcombine.low v60, v21;
	v51 =	vcombine.low v51, v53;
	s10 =	sadd.s32 s10, s9;
	s25 =	spop (v2sf);
	v0 =	vadd.s32 v62, v0;
	v62 =	vld [tilespmem:$0x1FEF0]  }
0xaf4: {  	v55 =	vcombine.low v55, v58;
	s9 =	smulhi.u32 $0x431BDE83, s30;
	s29 =	sshra.s32 s30, $0x1F;
	s30 =	spop (v2sf);
	(v2sf) =	vpush v42, $0x0;
	v2 =	vcombine.low v3, v54;
	v54 =	vld [tilespmem:$0x1FF00]  }
0xaf5: {  	v51 =	vperm.xlane v51, v63;
	s1 =	sshra.s32 s5, $0x12;
	s5 =	smulhi.u32 $0x431BDE83, s18;
	s18 =	sshra.s32 s18, $0x1F;
	v10 =	vsel vm11, s23, v10;
	(v2sf) =	vpush v42, $0x1  }
0xaf6: {  	v43 =	vcombine.low v43, v44;
	s3 =	sshrl.u32 s4, $0x1F;
	s18 =	smul.u32 $0x431BDE83, s18;
	(v2sf) =	vpush v42, $0x2;
	v3 =	vsel vm14, s12, v10;
	v10 =	vld [tilespmem:$0x1FEE0]  }
0xaf7: {  	s13 =	sshrl.u32 s8, $0x1F;
	s21 =	sadd.s32 s21, s22;
	s2 =	smulhi.u32 $0x431BDE83, s16;
	v1 =	vmul.u32 $0xF4240, v1;
	v47 =	vsel vm15, v26, v24;
	v26 =	vsel vm13, s1, v3;
	v3 =	vld [tilespmem:$0x1FED0]  }
0xaf8: {  	v37 =	vcombine.low v36, v37;
	v25 =	vcombine.low v25, v28;
	s15 =	sshrl.u32 s17, $0x1F;
	s5 =	sadd.s32 s18, s5;
	s18 =	smul.u32 $0x431BDE83, s29;
	(v2sf) =	vpush v42, $0x3  }
0xaf9: {  	s16 =	sshra.s32 s16, $0x1F;
	s31 =	smulhi.u32 $0x431BDE83, s30;
	s23 =	sshra.s32 s30, $0x1F;
	v14 =	vsub.s32 v14, v1;
	v0 =	vmul.u32 $0xF4240, v0;
	v24 =	vcombine.low v54, v62;
	v54 =	vld [tilespmem:$0x1FF10]  }
0xafa: {  	s14 =	sshrl.u32 s7, $0x1F;
	s29 =	sshrl.u32 s5, $0x1F;
	s23 =	smul.u32 $0x431BDE83, s23;
	v48 =	vcombine.low v41, v49;
	v49 =	vperm.xlane v25, v63;
	v1 =	vadd.s32 v45, v47  }
0xafb: {  	s16 =	smul.u32 $0x431BDE83, s16;
	s20 =	sadd.s32 s24, s20;
	s24 =	sshrl.u32 s0, $0x1F;
	v1 =	vmul.u32 $0xF4240, v1;
	v0 =	vsub.s32 v13, v0;
	v62 =	vmov s29  }
0xafc: {  	s30 =	sshrl.u32 s21, $0x1F;
	s28 =	sshra.s32 s26, $0x1F;
	s1 =	sadd.s32 s23, s31;
	v3 =	vcombine.low v10, v3;
	v10 =	vmov s14;
	v45 =	vnsel vm0, $0x0, v62;
	v62 =	vld [tilespmem:$0x1FF20]  }
0xafd: {  	s12 =	sadd.s32 s16, s2;
	s2 =	smulhi.u32 $0x431BDE83, s26;
	v1 =	vsub.s32 v15, v1;
	s31 =	sshra.s32 s1, $0x1F;
	v2 =	vperm.xlane v2, v63;
	v10 =	vsel vm2, s13, v10  }
0xafe: {  	s22 =	sshrl.u32 s20, $0x1F;
	s16 =	smul.u32 $0x431BDE83, s28;
	s23 =	sshra.s32 s5, $0x12;
	v45 =	vsel vm2, s30, v45;
	v47 =	vcombine.low v57, v54;
	v57 =	vmov s31  }
0xaff: {  	s26 =	smulhi.u32 $0x431BDE83, s25;
	s28 =	sshra.s32 s25, $0x1F;
	s5 =	sshra.s32 s5, $0x1F;
	v15 =	vperm.xlane v24, v63;
	v10 =	vsel vm4, s3, v10;
	v54 =	vsel vm0, s23, v57  }
0xb00: {  	s29 =	sshrl.u32 s12, $0x1F;
	s14 =	sadd.s32 s18, s9;
	s30 =	sshra.s32 s21, $0x12;
	v57 =	vsel vm6, s15, v10;
	v10 =	vsel vm4, s22, v45;
	v45 =	vsel vm1, s5, v54  }
0xb01: {  	s13 =	smul.u32 $0x431BDE83, s28;
	s21 =	sshra.s32 s21, $0x1F;
	v3 =	vperm.xlane v3, v63;
	s31 =	sshrl.u32 s11, $0x1F;
	v54 =	vcombine.low v61, v62;
	v45 =	vsel vm2, s30, v45  }
0xb02: {  	v53 =	vld [tilespmem:$0x1FF30];
	s9 =	sadd.s32 s16, s2;
	s15 =	sshrl.u32 s14, $0x1F;
	v10 =	vsel vm6, s29, v10;
	v61 =	vmov s31;
	v45 =	vsel vm3, s21, v45;
	s21 =	sshra.s32 s11, $0x12  }
0xb03: {  	v13 =	vld [tilespmem:$0x1FF40];
	s2 =	sadd.s32 s13, s26;
	s22 =	sshrl.u32 s9, $0x1F;
	s5 =	sshra.s32 s7, $0x12;
	v47 =	vperm.xlane v47, v63;
	v10 =	vsel vm8, s15, v10;
	v21 =	vmov s21  }
0xb04: {  	s25 =	sshrl.u32 s6, $0x1F;
	s26 =	sshrl.u32 s2, $0x1F;
	s23 =	sshra.s32 s20, $0x12;
	v61 =	vsel vm2, s24, v61;
	v62 =	vmov s5;
	v10 =	vsel vm10, s22, v10  }
0xb05: {  	s0 =	sshra.s32 s0, $0x12;
	s28 =	sshra.s32 s20, $0x1F;
	s29 =	sshrl.u32 s10, $0x1F;
	v61 =	vsel vm4, s25, v61;
	v45 =	vsel vm4, s23, v45;
	v10 =	vsel vm11, s26, v10  }
0xb06: {  	s30 =	sshrl.u32 s1, $0x1F;
	v61 =	vsel vm6, s29, v61;
	s23 =	sshra.s32 s8, $0x12;
	v45 =	vsel vm5, s28, v45;
	v58 =	vsel vm2, s0, v21;
	v21 =	vmovc v4;
	v4 =	vmovc v32  }
0xb07: {  	s31 =	sshra.s32 s12, $0x12;
	s25 =	sshra.s32 s4, $0x12;
	v10 =	vsel vm13, s30, v10;
	v62 =	vsel vm2, s23, v62;
	v32 =	vld [tilespmem:$0x1FF50];
	v53 =	vperm.xlane v53, v4  }
0xb08: {  	s20 =	sshra.s32 s12, $0x1F;
	s26 =	sshra.s32 s6, $0x12;
	v45 =	vsel vm6, s31, v45;
	v62 =	vsel vm4, s25, v62;
	v13 =	vperm.xlane v13, v4  }
0xb09: {  	s29 =	sshra.s32 s17, $0x12;
	v58 =	vsel vm4, s26, v58;
	v45 =	vsel vm7, s20, v45;
	v2 =	vsel vm15, v53, v2;
	v53 =	vld [tilespmem:$0x1FF60]  }
0xb0a: {  	s22 =	sshra.s32 s14, $0x12;
	v62 =	vsel vm6, s29, v62;
	v3 =	vsel vm15, v13, v3;
	v13 =	vperm.xlane v54, v63;
	v54 =	vld [tilespmem:$0x1FF70]  }
0xb0b: {  	s24 =	sshra.s32 s14, $0x1F;
	s30 =	sshra.s32 s10, $0x12;
	v45 =	vsel vm8, s22, v45;
	v2 =	vadd.s32 v2, v3;
	v3 =	vperm.xlane v60, v63;
	v60 =	vld [tilespmem:$0x1FF80]  }
0xb0c: {  	s28 =	sshra.s32 s9, $0x12;
	v58 =	vsel vm6, s30, v58;
	v45 =	vsel vm9, s24, v45;
	v24 =	vperm.xlane v32, v4  }
0xb0d: {  	v44 =	vperm.xlane v35, v4;
	v10 =	vperm.xlane v10, v4;
	v45 =	vsel vm10, s28, v45  }
0xb0e: {  	s31 =	sshra.s32 s9, $0x1F;
	v2 =	vmul.u32 $0xF4240, v2;
	v15 =	vsel vm15, v24, v15;
	v24 =	vperm.xlane v55, v63  }
0xb0f: {  	s4 =	sshra.s32 s2, $0x12;
	v45 =	vsel vm12, s31, v45;
	v55 =	vld [tilespmem:$0x1FF90];
	v53 =	vperm.xlane v53, v4;
	v54 =	vperm.xlane v54, v4  }
0xb10: {  	v45 =	vsel vm11, s4, v45;
	v2 =	vsub.s32 v16, v2;
	v60 =	vperm.xlane v60, v4  }
0xb11: {  	v47 =	vsel vm15, v53, v47;
	v13 =	vsel vm15, v54, v13;
	v54 =	vperm.xlane v43, v63  }
0xb12: {  	v43 =	vperm.xlane v38, v4;
	v3 =	vsel vm15, v60, v3;
	v60 =	vcombine.low v39, v40  }
0xb13: {  	v53 =	vld [tilespmem:$0x1FFA0];
	v15 =	vadd.s32 v15, v47;
	v39 =	vcombine.low v31, v34;
	v40 =	vperm.xlane v46, v4  }
0xb14: {  	v47 =	vperm.xlane v33, v4;
	v55 =	vperm.xlane v55, v4;
	v3 =	vadd.s32 v13, v3  }
0xb15: {  	v15 =	vmul.u32 $0xF4240, v15;
	v3 =	vmul.u32 $0xF4240, v3;
	v46 =	vperm.xlane v39, v63  }
0xb16: {  	v13 =	vsel vm15, v55, v24;
	v24 =	vperm.xlane v52, v63;
	v55 =	vperm.xlane v50, v4  }
0xb17: {  	v15 =	vsub.s32 v17, v15;
	v17 =	vperm.xlane v60, v63;
	v50 =	vperm.xlane v30, v4  }
0xb18: {  	v32 =	vperm.xlane v53, v4;
	v53 =	vperm.xlane v56, v4;
	v3 =	vsub.s32 v18, v3  }
0xb19: {  	[tilespmem:$0x130] =	vst v12;
	v18 =	vperm.xlane v59, v63;
	v12 =	vsel vm15, v47, v46;
	v16 =	vsel vm15, v55, v54  }
0xb1a: {  	v17 =	vsel vm15, v43, v17;
	v52 =	vsel vm15, v50, v49;
	v54 =	vperm.xlane v48, v63  }
0xb1b: {  	v55 =	vperm.xlane v26, v4;
	v51 =	vsel vm15, v32, v51;
	v56 =	vsel vm15, v53, v24  }
0xb1c: {  	[tilespmem:$0x120] =	vst v27;
	v18 =	vsel vm15, v40, v18;
	v53 =	vcombine.low v58, v62;
	v13 =	vadd.s32 v13, v51  }
0xb1d: {  	[tilespmem:$0x140] =	vst v14;
	s5 =	sshra.s32 s2, $0x1F;
	v16 =	vadd.s32 v56, v16;
	v14 =	vadd.s32 v18, v17;
	v51 =	vcombine.low v61, v57  }
0xb1e: {  	[tilespmem:$0x160] =	vst v1;
	s20 =	sshra.s32 s1, $0x12;
	v56 =	vsel vm14, s5, v45;
	v1 =	vsel vm15, v55, v54;
	v13 =	vmul.u32 $0xF4240, v13  }
0xb1f: {  	[tilespmem:$0x180] =	vst v15;
	v16 =	vmul.u32 $0xF4240, v16;
	v58 =	vsel vm13, s20, v56;
	v15 =	vperm.xlane v53, v63  }
0xb20: {  	[tilespmem:$0x150] =	vst v0;
	v0 =	vadd.s32 v52, v1;
	v57 =	vperm.xlane v51, v63;
	v17 =	vperm.xlane v58, v4  }
0xb21: {  	[tilespmem:$0x170] =	vst v2;
	v60 =	vmul.u32 $0xF4240, v14;
	v13 =	vsub.s32 v19, v13;
	v19 =	vperm.xlane v37, v63  }
0xb22: {  	[tilespmem:$0x190] =	vst v3;
	v0 =	vmul.u32 $0xF4240, v0;
	v59 =	vsel vm15, v10, v57;
	v3 =	vsel vm15, v17, v15  }
0xb23: {  	v16 =	vsub.s32 v20, v16;
	[tilespmem:$0x1A0] =	vst v13;
	v19 =	vsel vm15, v44, v19;
	v1 =	vadd.s32 v59, v3  }
0xb24: {  	v2 =	vsub.s32 v29, v60;
	[tilespmem:$0x1B0] =	vst v16;
	v12 =	vadd.s32 v19, v12;
	v1 =	vmul.u32 $0xF4240, v1  }
0xb25: {  	[tilespmem:$0x1C0] =	vst v2;
	v0 =	vsub.s32 v23, v0;
	v10 =	vmul.u32 $0xF4240, v12  }
0xb26: {  	s7 =	simm.s32 $0x7A1400;
	s21 =	spop (v2sf);
	[tilespmem:$0x1E0] =	vst v0;
	v62 =	vsub.s32 v11, v1  }
0xb27: {  	s8 =	simm.s32 $0x400;
	s6 =	rddreg [dreg:$0x1];
	s0 =	sand.u32 $0xFFFFF80, s21;
	v61 =	vsub.s32 v22, v10;
	[tilespmem:$0x1F0] =	vst v62  }
0xb28: {  	s9 =	simm.s32 $0x280;
	s0 =	sadd.s32 s6, s0;
	s22 =	spop (v2sf);
	[tilespmem:$0x1D0] =	vst v61  }
0xb29: {  	[tilespmem:s9], [sflag:$0x1] =	stream.strided.gather [hbm4b:s0+s8], $0x2000, s7, s8, $0x38;
	[tilespmem:$0x18280] =	vst v63  }
0xb2a: {  	s0 =	sand.u32 $0xFFFFF80, s22  }
0xb2b: {  	s10 =	simm.s32 $0x2280;
	s23 =	spop (v2sf);
	s0 =	sadd.s32 s6, s0  }
0xb2c: {  	[tilespmem:s10], [sflag:$0x1] =	stream.strided.gather [hbm4b:s0+s8], $0x2000, s7, s8, $0x38;
	[tilespmem:$0x18280] =	vst v63  }
0xb2d: {  	s0 =	sand.u32 $0xFFFFF80, s23  }
0xb2e: {  	s11 =	simm.s32 $0x4280;
	s24 =	spop (v2sf);
	s0 =	sadd.s32 s6, s0  }
0xb2f: {  	[tilespmem:s11], [sflag:$0x1] =	stream.strided.gather [hbm4b:s0+s8], $0x2000, s7, s8, $0x38;
	[tilespmem:$0x18280] =	vst v63  }
0xb30: {  	s0 =	sand.u32 $0xFFFFF80, s24  }
0xb31: {  	s12 =	simm.s32 $0x6280;
	s0 =	sadd.s32 s6, s0  }
0xb32: {  	[tilespmem:s12], [sflag:$0x1] =	stream.strided.gather [hbm4b:s0+s8], $0x2000, s7, s8, $0x38;
	[tilespmem:$0x18280] =	vst v63  }
0xb33: {  	v63 =	vld [tilespmem:$0x4];
	_ =	sdelay $0x4  }
0xb34: {  	(v2sf) =	vpush v63, $0x0  }
0xb35: {  	(v2sf) =	vpush v63, $0x1  }
0xb36: {  	(v2sf) =	vpush v63, $0x2;
	_ =	sdelay $0x3  }
0xb37: {  	(v2sf) =	vpush v63, $0x3;
	_ =	sdelay $0x8  }
0xb38: {  	s18 =	simm.s32 $0x2;
	s25 =	spop (v2sf)  }
0xb39: {  	s13 =	simm.s32 $0x8280;
	s0 =	sand.u32 $0xFFFFF80, s25;
	s26 =	spop (v2sf)  }
0xb3a: {  	s0 =	sadd.s32 s6, s0;
	s28 =	sand.u32 $0xFFFFF80, s26;
	s29 =	spop (v2sf)  }
0xb3b: {  	[tilespmem:s13], [sflag:$0x2] =	stream.strided.gather [hbm4b:s0+s8], $0x2000, s7, s8, $0x38;
	[tilespmem:$0x18280] =	vst v63  }
0xb3c: {  	s14 =	simm.s32 $0xA280;
	s0 =	sadd.s32 s6, s28;
	s30 =	sand.u32 $0xFFFFF80, s29  }
0xb3d: {  	[tilespmem:s14], [sflag:$0x2] =	stream.strided.gather [hbm4b:s0+s8], $0x2000, s7, s8, $0x38;
	[tilespmem:$0x18280] =	vst v63  }
0xb3e: {  	s15 =	simm.s32 $0xC280;
	s31 =	spop (v2sf);
	s0 =	sadd.s32 s6, s30  }
0xb3f: {  	[tilespmem:s15], [sflag:$0x2] =	stream.strided.gather [hbm4b:s0+s8], $0x2000, s7, s8, $0x38;
	[tilespmem:$0x18280] =	vst v63  }
0xb40: {  	s16 =	simm.s32 $0xE280;
	s2 =	simm.s32 $0x8;
	s0 =	sand.u32 $0xFFFFF80, s31  }
0xb41: {  	s17 =	simm.s32 $0x1;
	s1 =	simm.s32 $0x7;
	v13 =	vld [tilespmem:$0x1FFF0];
	s0 =	sadd.s32 s6, s0  }
0xb42: {  	v4 =	vmov v21;
	v12 =	vld [tilespmem:$0x1FFE0];
	[tilespmem:s16], [sflag:$0x2] =	stream.strided.gather [hbm4b:s0+s8], $0x2000, s7, s8, $0x38  }
.LBB2_2:
0xb43: {  	_ =	swait.ge [sflag:s17], $0x2000  }
0xb44: {  	[sflag:s17] =	ssyncset.done $0x0  }
0xb45: {  	[sflag:s17] =	ssyncadd.s32 $0xFFFFE000  }
0xb46: {  	_ =	swait.ge [sflag:s17], $0x2000  }
0xb47: {  	[sflag:s17] =	ssyncset.done $0x0  }
0xb48: {  	[sflag:s17] =	ssyncadd.s32 $0xFFFFE000  }
0xb49: {  	_ =	swait.ge [sflag:s17], $0x2000  }
0xb4a: {  	[sflag:s17] =	ssyncset.done $0x0  }
0xb4b: {  	[sflag:s17] =	ssyncadd.s32 $0xFFFFE000  }
0xb4c: {  	_ =	swait.ge [sflag:s17], $0x2000  }
0xb4d: {  	[sflag:s17] =	ssyncset.done $0x0  }
0xb4e: {  	[sflag:s17] =	ssyncadd.s32 $0xFFFFE000  }
0xb4f: {  	v0 =	vld [tilespmem:s2+$0xFFFFFFF8];
	_ =	sdelay $0x4  }
0xb50: {  	(v2sf) =	vpush v0, $0x0;
	_ =	sdelay $0xe  }
0xb51: {  	s0 =	spop (v2sf)  }
0xb52: {  	s0 =	sand.u32 $0x7F, s0  }
0xb53: {  	s3 =	sadd.s32 $0xFFFFFFF9, s1;
	v1 =	vor.u32 s0, v12  }
0xb54: {  	v2 =	vmov s3  }
0xb55: {  	v3 =	vshll.u32 v2, $0x3  }
0xb56: {  	v2 =	vand.u32 $0x78, v2;
	v3 =	vand.u32 $0xC00, v3  }
0xb57: {  	v2 =	vor.u32 v2, v3  }
0xb58: {  	v3 =	vor.u32 v13, v2;
	v1 =	vld.idx.msk [tilespmem:v1+s9+$0x0], $0xffff  }
0xb59: {  	v10 =	vor.u32 s0, v4  }
0xb5a: {  	(v2sf) =	vpush v0, $0x1;
	_ =	sdelay $0x2  }
0xb5b: {  	[tilespmem:v3+s19+$0x0] =	vst.idx.msk $0xffff, v1  }
0xb5c: {  	v3 =	vor.u32 v5, v2;
	v1 =	vld.idx.msk [tilespmem:v10+s9+$0x0], $0xffff  }
0xb5d: {  	v10 =	vor.u32 s0, v6;
	_ =	sdelay $0x3  }
0xb5e: {  	[tilespmem:v3+s19+$0x0] =	vst.idx.msk $0xffff, v1  }
0xb5f: {  	v3 =	vor.u32 v7, v2;
	v1 =	vld.idx.msk [tilespmem:v10+s9+$0x0], $0xffff  }
0xb60: {  	v10 =	vor.u32 s0, v8;
	_ =	sdelay $0x3  }
0xb61: {  	s4 =	spop (v2sf);
	[tilespmem:v3+s19+$0x0] =	vst.idx.msk $0xffff, v1  }
0xb62: {  	v2 =	vor.u32 v9, v2;
	s0 =	sand.u32 $0x7F, s4;
	v1 =	vld.idx.msk [tilespmem:v10+s9+$0x0], $0xffff  }
0xb63: {  	s5 =	sadd.s32 $0xFFFFFFFA, s1;
	v3 =	vor.u32 s0, v12  }
0xb64: {  	v10 =	vmov s5  }
0xb65: {  	v11 =	vshll.u32 v10, $0x3  }
0xb66: {  	v10 =	vand.u32 $0x79, v10;
	v11 =	vand.u32 $0xC00, v11  }
0xb67: {  	v41 =	vor.u32 v10, v11;
	[tilespmem:v2+s19+$0x0] =	vst.idx.msk $0xffff, v1  }
0xb68: {  	v2 =	vld.idx.msk [tilespmem:v3+s10+$0x0], $0xffff;
	v3 =	vor.u32 v13, v41  }
0xb69: {  	v10 =	vor.u32 s0, v4  }
0xb6a: {  	(v2sf) =	vpush v0, $0x2;
	_ =	sdelay $0x2  }
0xb6b: {  	[tilespmem:v3+s19+$0x0] =	vst.idx.msk $0xffff, v2  }
0xb6c: {  	v3 =	vor.u32 v5, v41;
	v2 =	vld.idx.msk [tilespmem:v10+s10+$0x0], $0xffff  }
0xb6d: {  	v10 =	vor.u32 s0, v6;
	_ =	sdelay $0x3  }
0xb6e: {  	[tilespmem:v3+s19+$0x0] =	vst.idx.msk $0xffff, v2  }
0xb6f: {  	v3 =	vor.u32 v7, v41;
	v2 =	vld.idx.msk [tilespmem:v10+s10+$0x0], $0xffff  }
0xb70: {  	v10 =	vor.u32 s0, v8;
	_ =	sdelay $0x3  }
0xb71: {  	s20 =	spop (v2sf);
	[tilespmem:v3+s19+$0x0] =	vst.idx.msk $0xffff, v2  }
0xb72: {  	v1 =	vor.u32 v9, v41;
	s0 =	sand.u32 $0x7F, s20;
	v2 =	vld.idx.msk [tilespmem:v10+s10+$0x0], $0xffff  }
0xb73: {  	s21 =	sadd.s32 $0xFFFFFFFB, s1;
	v3 =	vor.u32 s0, v12  }
0xb74: {  	v10 =	vmov s21  }
0xb75: {  	v11 =	vshll.u32 v10, $0x3  }
0xb76: {  	v10 =	vand.u32 $0x7A, v10;
	v11 =	vand.u32 $0xC00, v11  }
0xb77: {  	v42 =	vor.u32 v10, v11;
	[tilespmem:v1+s19+$0x0] =	vst.idx.msk $0xffff, v2  }
0xb78: {  	v2 =	vld.idx.msk [tilespmem:v3+s11+$0x0], $0xffff;
	v3 =	vor.u32 v13, v42  }
0xb79: {  	v10 =	vor.u32 s0, v4  }
0xb7a: {  	(v2sf) =	vpush v0, $0x3;
	_ =	sdelay $0x2  }
0xb7b: {  	[tilespmem:v3+s19+$0x0] =	vst.idx.msk $0xffff, v2  }
0xb7c: {  	v44 =	vor.u32 v5, v42;
	v43 =	vld.idx.msk [tilespmem:v10+s11+$0x0], $0xffff  }
0xb7d: {  	v3 =	vor.u32 s0, v6;
	_ =	sdelay $0x3  }
0xb7e: {  	[tilespmem:v44+s19+$0x0] =	vst.idx.msk $0xffff, v43  }
0xb7f: {  	v45 =	vor.u32 v7, v42;
	v0 =	vld.idx.msk [tilespmem:v3+s11+$0x0], $0xffff  }
0xb80: {  	v3 =	vor.u32 s0, v8;
	_ =	sdelay $0x3  }
0xb81: {  	s22 =	spop (v2sf);
	[tilespmem:v45+s19+$0x0] =	vst.idx.msk $0xffff, v0  }
0xb82: {  	v1 =	vor.u32 v9, v42;
	s0 =	sand.u32 $0x7F, s22;
	v0 =	vld.idx.msk [tilespmem:v3+s11+$0x0], $0xffff  }
0xb83: {  	s23 =	sadd.s32 $0xFFFFFFFC, s1;
	v46 =	vor.u32 s0, v12  }
0xb84: {  	v3 =	vmov s23  }
0xb85: {  	v10 =	vshll.u32 v3, $0x3  }
0xb86: {  	v3 =	vand.u32 $0x7B, v3;
	v10 =	vand.u32 $0xC00, v10  }
0xb87: {  	v47 =	vor.u32 v3, v10;
	[tilespmem:v1+s19+$0x0] =	vst.idx.msk $0xffff, v0  }
0xb88: {  	v48 =	vor.u32 v13, v47;
	v1 =	vld.idx.msk [tilespmem:v46+s12+$0x0], $0xffff  }
0xb89: {  	v3 =	vor.u32 s0, v4;
	_ =	sdelay $0x3  }
0xb8a: {  	[tilespmem:v48+s19+$0x0] =	vst.idx.msk $0xffff, v1  }
0xb8b: {  	v49 =	vor.u32 v5, v47;
	v1 =	vld.idx.msk [tilespmem:v3+s12+$0x0], $0xffff  }
0xb8c: {  	v3 =	vor.u32 s0, v6;
	_ =	sdelay $0x3  }
0xb8d: {  	[tilespmem:v49+s19+$0x0] =	vst.idx.msk $0xffff, v1  }
0xb8e: {  	v50 =	vor.u32 v7, v47;
	v1 =	vld.idx.msk [tilespmem:v3+s12+$0x0], $0xffff  }
0xb8f: {  	v3 =	vor.u32 s0, v8;
	_ =	sdelay $0x3  }
0xb90: {  	[tilespmem:v50+s19+$0x0] =	vst.idx.msk $0xffff, v1  }
0xb91: {  	v0 =	vor.u32 v9, v47;
	v1 =	vld.idx.msk [tilespmem:v3+s12+$0x0], $0xffff;
	_ =	sdelay $0x4  }
0xb92: {  	p0 =	seq.s32 s1, $0x1FF;
	[tilespmem:v0+s19+$0x0] =	vst.idx.msk $0xffff, v1  }
0xb93: {  	v0 =	vld @!p0 [tilespmem:s2+$0x0];
	_ =	sdelay $0x4  }
0xb94: {  	(v2sf) =	vpush @!p0 v0, $0x0;
	_ =	sdelay $0x3  }
0xb95: {  	(v2sf) =	vpush @!p0 v0, $0x1;
	_ =	sdelay $0x3  }
0xb96: {  	(v2sf) =	vpush @!p0 v0, $0x2;
	_ =	sdelay $0x3  }
0xb97: {  	(v2sf) =	vpush @!p0 v0, $0x3;
	_ =	sdelay $0x2  }
0xb98: {  	s0 =	spop @!p0 (v2sf)  }
0xb99: {  	s3 =	simm.s32 @!p0 $0x400;
	s0 =	sand.u32 @!p0 $0xFFFFF80, s0  }
0xb9a: {  	s4 =	simm.s32 @!p0 $0x7A1400;
	s5 =	simm.s32 @!p0 $0x280;
	s0 =	sadd.s32 @!p0 s6, s0  }
0xb9b: {  	[tilespmem:s5], [sflag:$0x1] =	stream.strided.gather @!p0 [hbm4b:s0+s3], $0x2000, s4, s3, $0x38;
	[tilespmem:$0x18280] =	vst v63  }
0xb9c: {  	s0 =	spop @!p0 (v2sf)  }
0xb9d: {  	s0 =	sand.u32 @!p0 $0xFFFFF80, s0  }
0xb9e: {  	s5 =	simm.s32 @!p0 $0x2280;
	s0 =	sadd.s32 @!p0 s6, s0  }
0xb9f: {  	[tilespmem:s5], [sflag:$0x1] =	stream.strided.gather @!p0 [hbm4b:s0+s3], $0x2000, s4, s3, $0x38;
	[tilespmem:$0x18280] =	vst v63  }
0xba0: {  	s0 =	spop @!p0 (v2sf)  }
0xba1: {  	s0 =	sand.u32 @!p0 $0xFFFFF80, s0  }
0xba2: {  	s5 =	simm.s32 @!p0 $0x4280;
	s0 =	sadd.s32 @!p0 s6, s0  }
0xba3: {  	[tilespmem:s5], [sflag:$0x1] =	stream.strided.gather @!p0 [hbm4b:s0+s3], $0x2000, s4, s3, $0x38;
	[tilespmem:$0x18280] =	vst v63  }
0xba4: {  	s0 =	spop @!p0 (v2sf)  }
0xba5: {  	s0 =	sand.u32 @!p0 $0xFFFFF80, s0  }
0xba6: {  	s5 =	simm.s32 @!p0 $0x6280;
	s0 =	sadd.s32 @!p0 s6, s0  }
0xba7: {  	[tilespmem:s5], [sflag:$0x1] =	stream.strided.gather @!p0 [hbm4b:s0+s3], $0x2000, s4, s3, $0x38;
	[tilespmem:$0x18280] =	vst v63  }
0xba8: {  	_ =	swait.ge [sflag:s18], $0x2000  }
0xba9: {  	[sflag:s18] =	ssyncset.done $0x0  }
0xbaa: {  	[sflag:s18] =	ssyncadd.s32 $0xFFFFE000  }
0xbab: {  	_ =	swait.ge [sflag:s18], $0x2000  }
0xbac: {  	[sflag:s18] =	ssyncset.done $0x0  }
0xbad: {  	[sflag:s18] =	ssyncadd.s32 $0xFFFFE000  }
0xbae: {  	_ =	swait.ge [sflag:s18], $0x2000  }
0xbaf: {  	[sflag:s18] =	ssyncset.done $0x0  }
0xbb0: {  	[sflag:s18] =	ssyncadd.s32 $0xFFFFE000  }
0xbb1: {  	_ =	swait.ge [sflag:s18], $0x2000  }
0xbb2: {  	[sflag:s18] =	ssyncset.done $0x0  }
0xbb3: {  	[sflag:s18] =	ssyncadd.s32 $0xFFFFE000  }
0xbb4: {  	v51 =	vld [tilespmem:s2+$0xFFFFFFFC];
	_ =	sdelay $0x4  }
0xbb5: {  	(v2sf) =	vpush v51, $0x0;
	_ =	sdelay $0xe  }
0xbb6: {  	s24 =	spop (v2sf)  }
0xbb7: {  	s0 =	sand.u32 $0x7F, s24  }
0xbb8: {  	s25 =	sadd.s32 $0xFFFFFFFD, s1;
	v52 =	vor.u32 s0, v12  }
0xbb9: {  	v53 =	vmov s25  }
0xbba: {  	v3 =	vshll.u32 v53, $0x3  }
0xbbb: {  	v2 =	vand.u32 $0x7C, v53;
	v3 =	vand.u32 $0xC00, v3  }
0xbbc: {  	v2 =	vor.u32 v2, v3  }
0xbbd: {  	v3 =	vor.u32 v13, v2;
	v1 =	vld.idx.msk [tilespmem:v52+s13+$0x0], $0xffff  }
0xbbe: {  	v10 =	vor.u32 s0, v4  }
0xbbf: {  	(v2sf) =	vpush v51, $0x1;
	_ =	sdelay $0x2  }
0xbc0: {  	[tilespmem:v3+s19+$0x0] =	vst.idx.msk $0xffff, v1  }
0xbc1: {  	v3 =	vor.u32 v5, v2;
	v1 =	vld.idx.msk [tilespmem:v10+s13+$0x0], $0xffff  }
0xbc2: {  	v10 =	vor.u32 s0, v6;
	_ =	sdelay $0x3  }
0xbc3: {  	[tilespmem:v3+s19+$0x0] =	vst.idx.msk $0xffff, v1  }
0xbc4: {  	v3 =	vor.u32 v7, v2;
	v1 =	vld.idx.msk [tilespmem:v10+s13+$0x0], $0xffff  }
0xbc5: {  	v10 =	vor.u32 s0, v8;
	_ =	sdelay $0x3  }
0xbc6: {  	s26 =	spop (v2sf);
	[tilespmem:v3+s19+$0x0] =	vst.idx.msk $0xffff, v1  }
0xbc7: {  	v2 =	vor.u32 v9, v2;
	s0 =	sand.u32 $0x7F, s26;
	v1 =	vld.idx.msk [tilespmem:v10+s13+$0x0], $0xffff  }
0xbc8: {  	s28 =	sadd.s32 $0xFFFFFFFE, s1;
	v3 =	vor.u32 s0, v12  }
0xbc9: {  	v10 =	vmov s28  }
0xbca: {  	v11 =	vshll.u32 v10, $0x3  }
0xbcb: {  	v10 =	vand.u32 $0x7D, v10;
	v11 =	vand.u32 $0xC00, v11  }
0xbcc: {  	v54 =	vor.u32 v10, v11;
	[tilespmem:v2+s19+$0x0] =	vst.idx.msk $0xffff, v1  }
0xbcd: {  	v2 =	vld.idx.msk [tilespmem:v3+s14+$0x0], $0xffff;
	v3 =	vor.u32 v13, v54  }
0xbce: {  	v10 =	vor.u32 s0, v4  }
0xbcf: {  	(v2sf) =	vpush v51, $0x2;
	_ =	sdelay $0x2  }
0xbd0: {  	[tilespmem:v3+s19+$0x0] =	vst.idx.msk $0xffff, v2  }
0xbd1: {  	v3 =	vor.u32 v5, v54;
	v2 =	vld.idx.msk [tilespmem:v10+s14+$0x0], $0xffff  }
0xbd2: {  	v10 =	vor.u32 s0, v6;
	_ =	sdelay $0x3  }
0xbd3: {  	[tilespmem:v3+s19+$0x0] =	vst.idx.msk $0xffff, v2  }
0xbd4: {  	v3 =	vor.u32 v7, v54;
	v2 =	vld.idx.msk [tilespmem:v10+s14+$0x0], $0xffff  }
0xbd5: {  	v10 =	vor.u32 s0, v8;
	_ =	sdelay $0x3  }
0xbd6: {  	s29 =	spop (v2sf);
	[tilespmem:v3+s19+$0x0] =	vst.idx.msk $0xffff, v2  }
0xbd7: {  	v1 =	vor.u32 v9, v54;
	s0 =	sand.u32 $0x7F, s29;
	v2 =	vld.idx.msk [tilespmem:v10+s14+$0x0], $0xffff  }
0xbd8: {  	s30 =	sadd.s32 $0xFFFFFFFF, s1;
	v3 =	vor.u32 s0, v12  }
0xbd9: {  	v10 =	vmov s30  }
0xbda: {  	v11 =	vshll.u32 v10, $0x3  }
0xbdb: {  	v10 =	vand.u32 $0x7E, v10;
	v11 =	vand.u32 $0xC00, v11  }
0xbdc: {  	v55 =	vor.u32 v10, v11;
	[tilespmem:v1+s19+$0x0] =	vst.idx.msk $0xffff, v2  }
0xbdd: {  	v2 =	vld.idx.msk [tilespmem:v3+s15+$0x0], $0xffff;
	v3 =	vor.u32 v13, v55  }
0xbde: {  	v10 =	vor.u32 s0, v4  }
0xbdf: {  	(v2sf) =	vpush v51, $0x3;
	_ =	sdelay $0x2  }
0xbe0: {  	[tilespmem:v3+s19+$0x0] =	vst.idx.msk $0xffff, v2  }
0xbe1: {  	v57 =	vor.u32 v5, v55;
	v56 =	vld.idx.msk [tilespmem:v10+s15+$0x0], $0xffff  }
0xbe2: {  	v3 =	vor.u32 s0, v6;
	_ =	sdelay $0x3  }
0xbe3: {  	[tilespmem:v57+s19+$0x0] =	vst.idx.msk $0xffff, v56  }
0xbe4: {  	v58 =	vor.u32 v7, v55;
	v0 =	vld.idx.msk [tilespmem:v3+s15+$0x0], $0xffff  }
0xbe5: {  	v3 =	vor.u32 s0, v8;
	_ =	sdelay $0x3  }
0xbe6: {  	s31 =	spop (v2sf);
	[tilespmem:v58+s19+$0x0] =	vst.idx.msk $0xffff, v0  }
0xbe7: {  	v1 =	vor.u32 v9, v55;
	s0 =	sand.u32 $0x7F, s31;
	v0 =	vld.idx.msk [tilespmem:v3+s15+$0x0], $0xffff  }
0xbe8: {  	v59 =	vor.u32 s0, v12  }
0xbe9: {  	v3 =	vmov s1  }
0xbea: {  	v10 =	vshll.u32 v3, $0x3  }
0xbeb: {  	v3 =	vand.u32 $0x7F, v3;
	v10 =	vand.u32 $0xC00, v10  }
0xbec: {  	v60 =	vor.u32 v3, v10;
	[tilespmem:v1+s19+$0x0] =	vst.idx.msk $0xffff, v0  }
0xbed: {  	v61 =	vor.u32 v13, v60;
	v1 =	vld.idx.msk [tilespmem:v59+s16+$0x0], $0xffff  }
0xbee: {  	v3 =	vor.u32 s0, v4;
	_ =	sdelay $0x3  }
0xbef: {  	[tilespmem:v61+s19+$0x0] =	vst.idx.msk $0xffff, v1  }
0xbf0: {  	v62 =	vor.u32 v5, v60;
	v1 =	vld.idx.msk [tilespmem:v3+s16+$0x0], $0xffff  }
0xbf1: {  	v3 =	vor.u32 s0, v6;
	_ =	sdelay $0x3  }
0xbf2: {  	[tilespmem:v62+s19+$0x0] =	vst.idx.msk $0xffff, v1  }
0xbf3: {  	v63 =	vor.u32 v7, v60;
	v1 =	vld.idx.msk [tilespmem:v3+s16+$0x0], $0xffff  }
0xbf4: {  	v3 =	vor.u32 s0, v8;
	_ =	sdelay $0x3  }
0xbf5: {  	[tilespmem:v63+s19+$0x0] =	vst.idx.msk $0xffff, v1  }
0xbf6: {  	v0 =	vor.u32 v9, v60;
	v1 =	vld.idx.msk [tilespmem:v3+s16+$0x0], $0xffff  }
.Ltmp2:
0xbf7: {  	_ = 	snop;
	(pc) =	sbr.rel @p0 .LBB2_4-.Ltmp2, $2  }
0xbf8: {  	_ =	sdelay $0x2  }
0xbf9: {  	[tilespmem:v0+s19+$0x0] =	vst.idx.msk $0xffff, v1  }
0xbfa: {  	v0 =	vld [tilespmem:s2+$0x4];
	_ =	sdelay $0x4  }
0xbfb: {  	(v2sf) =	vpush v0, $0x0;
	_ =	sdelay $0x1  }
0xbfc: {  	(v2sf) =	vpush v0, $0x1;
	_ =	sdelay $0x2  }
0xbfd: {  	(v2sf) =	vpush v0, $0x2;
	_ =	sdelay $0x2  }
0xbfe: {  	(v2sf) =	vpush v0, $0x3;
	_ =	sdelay $0x6  }
0xbff: {  	s0 =	spop (v2sf)  }
0xc00: {  	s0 =	sand.u32 $0xFFFFF80, s0  }
0xc01: {  	s29 =	spop (v2sf);
	s0 =	sadd.s32 s6, s0  }
0xc02: {  	[tilespmem:s13], [sflag:$0x2] =	stream.strided.gather [hbm4b:s0+s8], $0x2000, s7, s8, $0x38;
	[tilespmem:$0x18280] =	vst v63  }
0xc03: {  	s0 =	sand.u32 $0xFFFFF80, s29  }
0xc04: {  	s30 =	spop (v2sf);
	s0 =	sadd.s32 s6, s0  }
0xc05: {  	[tilespmem:s14], [sflag:$0x2] =	stream.strided.gather [hbm4b:s0+s8], $0x2000, s7, s8, $0x38;
	[tilespmem:$0x18280] =	vst v63  }
0xc06: {  	s0 =	sand.u32 $0xFFFFF80, s30  }
.Ltmp3:
0xc07: {  	s31 =	spop (v2sf);
	s0 =	sadd.s32 s6, s0;
	(pc) =	sbr.rel .LBB2_2-.Ltmp3, $4  }
0xc08: {  	[tilespmem:s15], [sflag:$0x2] =	stream.strided.gather [hbm4b:s0+s8], $0x2000, s7, s8, $0x38;
	[tilespmem:$0x18280] =	vst v63  }
0xc09: {  	s0 =	sand.u32 $0xFFFFF80, s31  }
0xc0a: {  	s1 =	sadd.s32 $0x8, s1;
	s2 =	sadd.s32 $0x8, s2;
	s0 =	sadd.s32 s6, s0  }
0xc0b: {  	[tilespmem:s16], [sflag:$0x2] =	stream.strided.gather [hbm4b:s0+s8], $0x2000, s7, s8, $0x38;
	[tilespmem:$0x18280] =	vst v63  }
.LBB2_5:
0xc0c: {  	_ =	sfence.sel $0x180000  }
0xc0d: {  	[bflag:$0x0] =	sbarrier.arrive $0xFFFF  }
0xc0e: {  	_ =	strace $0x90000047  }
0xc0f: {  	s0 =	stileid.u32;
	[bflag:$0x2] =	sbarrier.arrive $0xFFFF  }
0xc10: {  	p0 =	sne.s32 s0, $0x0;
	s0 =	rddreg [dreg:$0x3]  }
0xc11: {  	s0 =	sadd.s32 @!p0 $0x100000, s0  }
0xc12: {  	[sflag:s0] =	ssyncadd.tile.s32 @!p0 $0x1;
	_ =	shalt  }
.Lfunc_end2:
_tile_overlayer_lowered:
.L_overlay_start_2:
0xc13: {  	(tag) =	ssettag $0x2  }
0xc14: {  	s0 =	rddreg [dreg:$0x0];
	s2 =	stileid.u32  }
0xc15: {  	s1 =	rddreg [dreg:$0x1];
	p0 =	sne.s32 s2, $0x0  }
0xc16: {  	s3 =	rddreg [dreg:$0x2];
	[bflag:$0x3] =	sbarrier.arrive $0xFFFF;
	s2 =	simm.s32 @!p0 $0x1C03  }
0xc17: {  	[timem:s3], [sflag:s2] =	dma.local @!p0 [hbm:s0], s1  }
0xc18: {  	s0 =	simm.s32 @!p0 $0x3  }
0xc19: {  	_ =	swait.ge @!p0 [sflag:s0], s1  }
0xc1a: {  	s1 =	ssub.s32 @!p0 $0x0, s1;
	[sflag:s0] =	ssyncset.done @!p0 $0x0  }
0xc1b: {  	[sflag:s0] =	ssyncadd.s32 @!p0 s1  }
0xc1c: {  	[bflag:$0x3] =	sbarrier.arrive $0xFFFF  }
0xc1d: {  	_ =	shalt  }

</sc_bundles>
